<compile_context>
chip_gen: v7x
topology: tpu7x:2x2x1
jax: 0.10.2.dev20260603
libtpu: 0.0.44.dev20260713+nightly
codegen_flags: <defaults>
</compile_context>

<pallas_src>
import functools

import jax
import jax.numpy as jnp
from jax import lax
from jax.experimental import pallas as pl
from jax.experimental.pallas import tpu as pltpu
from jax.experimental.pallas import tpu_sc as plsc

N = 10000
E = 320000
D = 128
DE = 16
C = 128

NC = 2
NS = 16
NW = NC * NS
EB = 40
EB2 = 200
E_PER_TILE = E // NW
NBLK = E_PER_TILE // EB
NBLK2 = E_PER_TILE // EB2
ROWS_PER_SUB = 625
QTB = 160
A2W = 32
INV_SQRT_C = 1.0 / (C ** 0.5)

_R = 400
_GRID = N // _R



def _pre_body(x_r, wq_r, bq_r, wk_r, bk_r, wv_r, bv_r, wet_r, wsk_r, bsk_r,
              qt_r, kv_r, sk_r):
    xb = x_r[...]
    q = jnp.dot(xb, wq_r[...], preferred_element_type=jnp.float32) + bq_r[...]
    qt_r[:, :D] = q.astype(jnp.bfloat16)
    qt_r[:, D:D + DE] = jnp.dot(
        q, wet_r[...], preferred_element_type=jnp.float32).astype(jnp.bfloat16)
    qt_r[:, D + DE:] = jnp.zeros((_R, QTB - D - DE), jnp.bfloat16)
    kv_r[:, :D] = (jnp.dot(xb, wk_r[...], preferred_element_type=jnp.float32)
                   + bk_r[...]).astype(jnp.bfloat16)
    kv_r[:, D:] = (jnp.dot(xb, wv_r[...], preferred_element_type=jnp.float32)
                   + bv_r[...]).astype(jnp.bfloat16)
    sk_r[...] = jnp.dot(xb, wsk_r[...], preferred_element_type=jnp.float32) + bsk_r[...]


def _tc_pre(x, Wq, bq, Wk, bk, Wv, bv, WeT, Wskip, bskip):
    full = lambda shape: pl.BlockSpec(shape, lambda i: (0,) * len(shape))
    return pl.pallas_call(
        _pre_body,
        grid=(_GRID,),
        in_specs=[
            pl.BlockSpec((_R, D), lambda i: (i, 0)),
            full((D, C)), full((1, C)),
            full((D, C)), full((1, C)),
            full((D, C)), full((1, C)),
            full((D, DE)),
            full((D, C)), full((1, C)),
        ],
        out_specs=[
            pl.BlockSpec((_R, QTB), lambda i: (i, 0)),
            pl.BlockSpec((_R, 2 * D), lambda i: (i, 0)),
            pl.BlockSpec((_R, C), lambda i: (i, 0)),
        ],
        out_shape=[
            jax.ShapeDtypeStruct((N, QTB), jnp.bfloat16),
            jax.ShapeDtypeStruct((N, 2 * D), jnp.bfloat16),
            jax.ShapeDtypeStruct((N, C), jnp.float32),
        ],
    )(x, Wq, bq, Wk, bk, Wv, bv, WeT, Wskip, bskip)



def _sc1_body(qt_hbm, kv_hbm, ea_hbm, src_hbm, dst_hbm, acc_hbm, s_hbm,
              src_i, dst_i, qt0, qt1, kv0, kv1, ea0, ea1, st0, st1, sv0, sv1,
              acc_sh, sem_g0, sem_g1, sem_s0, sem_s1, sem_c0, sem_c1, sem_i):
    c = lax.axis_index("c")
    s = lax.axis_index("s")
    qt_b = (qt0, qt1)
    kv_b = (kv0, kv1)
    ea_b = (ea0, ea1)
    st_b = (st0, st1)
    sv_b = (sv0, sv1)
    sem_g = (sem_g0, sem_g1)
    sem_s = (sem_s0, sem_s1)
    sem_c = (sem_c0, sem_c1)

    zeros16 = jnp.zeros((16,), jnp.float32)
    lane = lax.iota(jnp.int32, 16)
    perms = [lane ^ m for m in (8, 4, 2, 1)]

    def hsum_splat(vec):
        for p in perms:
            vec = vec + jnp.take_along_axis(vec, p, axis=0,
                                            mode="promise_in_bounds")
        return vec

    def zero_row(r, _):
        for jj in range(D // 16):
            st0[r, pl.ds(16 * jj, 16)] = zeros16
        return 0

    lax.fori_loop(0, EB, zero_row, 0)
    row0 = s * ROWS_PER_SUB
    for blk in range(ROWS_PER_SUB // EB):
        pltpu.sync_copy(st0, acc_sh.at[pl.ds(row0 + blk * EB, EB)])
    pltpu.sync_copy(st0.at[pl.ds(0, ROWS_PER_SUB % EB)],
                    acc_sh.at[pl.ds(row0 + (ROWS_PER_SUB // EB) * EB,
                                    ROWS_PER_SUB % EB)])
    plsc.subcore_barrier()

    ebase = (c * NS + s) * E_PER_TILE

    def fire_idx(b):
        slot = lax.rem(b, 8)
        base = ebase + b * EB
        pltpu.async_copy(src_hbm.at[pl.ds(base, EB)], src_i.at[slot], sem_i)
        pltpu.async_copy(dst_hbm.at[pl.ds(base, EB)], dst_i.at[slot], sem_i)

    def drain_idx():
        pltpu.make_async_copy(src_hbm.at[pl.ds(0, EB)], src_i.at[0], sem_i).wait()
        pltpu.make_async_copy(dst_hbm.at[pl.ds(0, EB)], dst_i.at[0], sem_i).wait()

    def fire_gathers(b, p):
        slot = lax.rem(b, 8)
        base = ebase + b * EB
        pltpu.async_copy(qt_hbm.at[dst_i.at[slot]], qt_b[p], sem_g[p])
        pltpu.async_copy(kv_hbm.at[src_i.at[slot]], kv_b[p], sem_g[p])
        pltpu.async_copy(ea_hbm.at[pl.ds(base, EB)], ea_b[p], sem_g[p])

    def wait_gathers(b, p):
        slot = lax.rem(b, 8)
        base = ebase + b * EB
        pltpu.make_async_copy(qt_hbm.at[dst_i.at[slot]], qt_b[p], sem_g[p]).wait()
        pltpu.make_async_copy(kv_hbm.at[src_i.at[slot]], kv_b[p], sem_g[p]).wait()
        pltpu.make_async_copy(ea_hbm.at[pl.ds(base, EB)], ea_b[p], sem_g[p]).wait()

    def fire_scatter(b, p):
        slot = lax.rem(b, 8)
        base = ebase + b * EB
        pltpu.async_copy(st_b[p], acc_sh.at[dst_i.at[slot]], sem_c[p], add=True)
        pltpu.async_copy(sv_b[p].at[pl.ds(0, EB)], s_hbm.at[pl.ds(base, EB)],
                         sem_s[p])

    def drain_scatter(b_old, p):
        slot = lax.rem(b_old, 8)
        base = ebase + b_old * EB
        pltpu.make_async_copy(st_b[p], acc_sh.at[dst_i.at[slot]],
                              sem_c[p]).wait()
        pltpu.make_async_copy(sv_b[p].at[pl.ds(0, EB)],
                              s_hbm.at[pl.ds(base, EB)], sem_s[p]).wait()

    lane0 = lane == 0
    perm_even = jnp.where(lane < 8, lane * 2, 0)
    perm_odd = jnp.where(lane < 8, lane * 2 + 1, 0)
    col_even = 2 * lane
    col_odd = 2 * lane + 1

    def unpk(x):
        return plsc.unpack(x, format=plsc.PackFormat.INTERLEAVED,
                           preferred_element_type=jnp.float32)

    def compute(p):
        qt_v, kv_v, ea_v, st_v, sv_v = qt_b[p], kv_b[p], ea_b[p], st_b[p], sv_b[p]

        def body_e(e, _):
            acc = None
            for j in range(4):
                qa, qb = unpk(qt_v[e, pl.ds(32 * j, 32)])
                ka, kb = unpk(kv_v[e, pl.ds(32 * j, 32)])
                term = qa * ka + qb * kb
                acc = term if acc is None else acc + term
            te, to = unpk(qt_v[e, pl.ds(D, 32)])
            eav = ea_v[e, :]
            eae = jnp.take_along_axis(eav, perm_even, axis=0,
                                      mode="promise_in_bounds")
            eao = jnp.take_along_axis(eav, perm_odd, axis=0,
                                      mode="promise_in_bounds")
            acc = acc + te * eae + to * eao
            s_spl = jnp.exp(hsum_splat(acc) * INV_SQRT_C)
            erow = lax.broadcast(e, (16,))
            for j in range(4):
                va, vb = unpk(kv_v[e, pl.ds(D + 32 * j, 32)])
                plsc.store_scatter(st_v, [erow, 32 * j + col_even], s_spl * va)
                plsc.store_scatter(st_v, [erow, 32 * j + col_odd], s_spl * vb)
            plsc.store_scatter(sv_v, [erow], s_spl, mask=lane0)
            return 0

        lax.fori_loop(0, EB, body_e, 0)

    fire_idx(jnp.int32(0))
    fire_idx(jnp.int32(1))
    fire_idx(jnp.int32(2))
    fire_idx(jnp.int32(3))
    drain_idx()
    drain_idx()
    fire_gathers(jnp.int32(0), 0)
    fire_gathers(jnp.int32(1), 1)

    def loop_body(i, _):
        for p in (0, 1):
            b = 2 * i + p
            wait_gathers(b, p)

            @pl.when(b >= 2)
            def _():
                drain_scatter(jnp.maximum(b - 2, 0), p)

            compute(p)
            fire_scatter(b, p)

            @pl.when(b + 2 < NBLK)
            def _():
                drain_idx()
                fire_gathers(b + 2, p)

            @pl.when(b + 4 < NBLK)
            def _():
                fire_idx(b + 4)
        return 0

    lax.fori_loop(0, NBLK // 2, loop_body, 0)
    drain_scatter(jnp.int32(NBLK - 2), 0)
    drain_scatter(jnp.int32(NBLK - 1), 1)
    plsc.subcore_barrier()

    for blk in range(ROWS_PER_SUB // EB):
        rows = pl.ds(row0 + blk * EB, EB)
        pltpu.sync_copy(acc_sh.at[rows], st0)
        pltpu.sync_copy(st0, acc_hbm.at[c, rows])
    rem = ROWS_PER_SUB % EB
    rows = pl.ds(row0 + (ROWS_PER_SUB // EB) * EB, rem)
    pltpu.sync_copy(acc_sh.at[rows], st0.at[pl.ds(0, rem)])
    pltpu.sync_copy(st0.at[pl.ds(0, rem)], acc_hbm.at[c, rows])


@functools.cache
def _sc1():
    return pl.kernel(
        _sc1_body,
        out_type=(jax.ShapeDtypeStruct((NC, N, D), jnp.float32),
                  jax.ShapeDtypeStruct((E,), jnp.float32)),
        mesh=plsc.VectorSubcoreMesh(core_axis_name="c", subcore_axis_name="s",
                                    num_cores=NC, num_subcores=NS),
        compiler_params=pltpu.CompilerParams(use_tc_tiling_on_sc=False, needs_layout_passes=False),
        scratch_types=[
            pltpu.VMEM((8, EB), jnp.int32),
            pltpu.VMEM((8, EB), jnp.int32),
            pltpu.VMEM((EB, QTB), jnp.bfloat16),
            pltpu.VMEM((EB, QTB), jnp.bfloat16),
            pltpu.VMEM((EB, 2 * D), jnp.bfloat16),
            pltpu.VMEM((EB, 2 * D), jnp.bfloat16),
            pltpu.VMEM((EB, DE), jnp.float32),
            pltpu.VMEM((EB, DE), jnp.float32),
            pltpu.VMEM((EB, D), jnp.float32),
            pltpu.VMEM((EB, D), jnp.float32),
            pltpu.VMEM((48,), jnp.float32),
            pltpu.VMEM((48,), jnp.float32),
            pltpu.VMEM_SHARED((N, D), jnp.float32),
            pltpu.SemaphoreType.DMA,
            pltpu.SemaphoreType.DMA,
            pltpu.SemaphoreType.DMA,
            pltpu.SemaphoreType.DMA,
            pltpu.SemaphoreType.DMA,
            pltpu.SemaphoreType.DMA,
            pltpu.SemaphoreType.DMA,
        ],
    )



def _sc2_body(s_hbm, ea_hbm, dst_hbm, acc_hbm,
              dst_i, s0, s1, ea0, ea1, st0, st1,
              acc_sh, sem_g0, sem_g1, sem_s0, sem_s1):
    c = lax.axis_index("c")
    s = lax.axis_index("s")
    s_b = (s0, s1)
    ea_b = (ea0, ea1)
    st_b = (st0, st1)
    sem_g = (sem_g0, sem_g1)
    sem_s = (sem_s0, sem_s1)

    zeros16 = jnp.zeros((16,), jnp.float32)
    lane = lax.iota(jnp.int32, 16)
    lane0 = lane == 0

    def zero_row(r, _):
        st0[r, pl.ds(0, 16)] = zeros16
        st0[r, pl.ds(16, 16)] = zeros16
        return 0

    lax.fori_loop(0, EB2, zero_row, 0)
    row0 = s * ROWS_PER_SUB
    for blk in range(ROWS_PER_SUB // EB2):
        pltpu.sync_copy(st0, acc_sh.at[pl.ds(row0 + blk * EB2, EB2)])
    pltpu.sync_copy(st0.at[pl.ds(0, ROWS_PER_SUB % EB2)],
                    acc_sh.at[pl.ds(row0 + (ROWS_PER_SUB // EB2) * EB2,
                                    ROWS_PER_SUB % EB2)])
    plsc.subcore_barrier()

    ebase = (c * NS + s) * E_PER_TILE

    def fire_in(b, p):
        slot = lax.rem(b, 4)
        base = ebase + b * EB2
        pltpu.async_copy(s_hbm.at[pl.ds(base, EB2)], s_b[p], sem_g[p])
        pltpu.async_copy(ea_hbm.at[pl.ds(base, EB2)], ea_b[p], sem_g[p])
        pltpu.async_copy(dst_hbm.at[pl.ds(base, EB2)], dst_i.at[slot], sem_g[p])

    def wait_in(b, p):
        slot = lax.rem(b, 4)
        base = ebase + b * EB2
        pltpu.make_async_copy(s_hbm.at[pl.ds(base, EB2)], s_b[p], sem_g[p]).wait()
        pltpu.make_async_copy(ea_hbm.at[pl.ds(base, EB2)], ea_b[p], sem_g[p]).wait()
        pltpu.make_async_copy(dst_hbm.at[pl.ds(base, EB2)], dst_i.at[slot],
                              sem_g[p]).wait()

    def fire_scatter(b, p):
        slot = lax.rem(b, 4)
        pltpu.async_copy(st_b[p], acc_sh.at[dst_i.at[slot]], sem_s[p], add=True)

    def drain_scatter(b_old, p):
        slot = lax.rem(b_old, 4)
        pltpu.make_async_copy(st_b[p], acc_sh.at[dst_i.at[slot]],
                              sem_s[p]).wait()

    def compute(p):
        s_v, ea_v, st_v = s_b[p], ea_b[p], st_b[p]

        def body_e(e, _):
            idx = lax.broadcast(e, (16,))
            s_spl = plsc.load_gather(s_v, [idx])
            st_v[e, pl.ds(0, 16)] = jnp.where(lane0, s_spl, 0.0)
            st_v[e, pl.ds(16, 16)] = s_spl * ea_v[e, :]
            return 0

        lax.fori_loop(0, EB2, body_e, 0)

    fire_in(jnp.int32(0), 0)
    fire_in(jnp.int32(1), 1)

    def loop_body(i, _):
        for p in (0, 1):
            b = 2 * i + p
            wait_in(b, p)

            @pl.when(b >= 2)
            def _():
                drain_scatter(jnp.maximum(b - 2, 0), p)

            compute(p)
            fire_scatter(b, p)

            @pl.when(b + 2 < NBLK2)
            def _():
                fire_in(b + 2, p)
        return 0

    lax.fori_loop(0, NBLK2 // 2, loop_body, 0)
    drain_scatter(jnp.int32(NBLK2 - 2), 0)
    drain_scatter(jnp.int32(NBLK2 - 1), 1)
    plsc.subcore_barrier()

    for blk in range(ROWS_PER_SUB // EB2):
        rows = pl.ds(row0 + blk * EB2, EB2)
        pltpu.sync_copy(acc_sh.at[rows], st0)
        pltpu.sync_copy(st0, acc_hbm.at[c, rows])
    rem = ROWS_PER_SUB % EB2
    rows = pl.ds(row0 + (ROWS_PER_SUB // EB2) * EB2, rem)
    pltpu.sync_copy(acc_sh.at[rows], st0.at[pl.ds(0, rem)])
    pltpu.sync_copy(st0.at[pl.ds(0, rem)], acc_hbm.at[c, rows])


@functools.cache
def _sc2():
    return pl.kernel(
        _sc2_body,
        out_type=jax.ShapeDtypeStruct((NC, N, A2W), jnp.float32),
        mesh=plsc.VectorSubcoreMesh(core_axis_name="c", subcore_axis_name="s",
                                    num_cores=NC, num_subcores=NS),
        compiler_params=pltpu.CompilerParams(use_tc_tiling_on_sc=False, needs_layout_passes=False),
        scratch_types=[
            pltpu.VMEM((4, EB2), jnp.int32),
            pltpu.VMEM((EB2,), jnp.float32),
            pltpu.VMEM((EB2,), jnp.float32),
            pltpu.VMEM((EB2, DE), jnp.float32),
            pltpu.VMEM((EB2, DE), jnp.float32),
            pltpu.VMEM((EB2, A2W), jnp.float32),
            pltpu.VMEM((EB2, A2W), jnp.float32),
            pltpu.VMEM_SHARED((N, A2W), jnp.float32),
            pltpu.SemaphoreType.DMA,
            pltpu.SemaphoreType.DMA,
            pltpu.SemaphoreType.DMA,
            pltpu.SemaphoreType.DMA,
        ],
    )



def _post_body(m0_r, m1_r, d0_r, d1_r, sk_r, we_r, out_r):
    msg = m0_r[...] + m1_r[...]
    d = d0_r[...] + d1_r[...]
    denom = d[:, 0:1] + 1e-16
    sea = d[:, DE:2 * DE]
    msg = (msg + jnp.dot(sea, we_r[...], preferred_element_type=jnp.float32)) / denom
    out_r[...] = jnp.maximum(msg + sk_r[...], 0.0)


def _tc_post(m0, m1, d0, d1, sk, We):
    return pl.pallas_call(
        _post_body,
        grid=(_GRID,),
        in_specs=[
            pl.BlockSpec((_R, D), lambda i: (i, 0)),
            pl.BlockSpec((_R, D), lambda i: (i, 0)),
            pl.BlockSpec((_R, A2W), lambda i: (i, 0)),
            pl.BlockSpec((_R, A2W), lambda i: (i, 0)),
            pl.BlockSpec((_R, C), lambda i: (i, 0)),
            pl.BlockSpec((DE, C), lambda i: (0, 0)),
        ],
        out_specs=pl.BlockSpec((_R, C), lambda i: (i, 0)),
        out_shape=jax.ShapeDtypeStruct((N, C), jnp.float32),
    )(m0, m1, d0, d1, sk, We)



@jax.jit
def kernel(x, edge_index, edge_attr, Wq, bq, Wk, bk, Wv, bv, We, Wskip, bskip):
    src = edge_index[0]
    dst = edge_index[1]
    qt, kv, sk = _tc_pre(
        x, Wq, bq.reshape(1, C), Wk, bk.reshape(1, C), Wv, bv.reshape(1, C),
        We.T, Wskip, bskip.reshape(1, C))
    msg, s_e = _sc1()(qt, kv, edge_attr, src, dst)
    dsea = _sc2()(s_e, edge_attr, dst)
    return _tc_post(msg[0], msg[1], dsea[0], dsea[1], sk, We)

# --- scband reference (transcript-rebuilt; emitter-appended) ---
"""Pipeline reference for scband-transformer-gcnlayer-1374389534964 (READ-ONLY COPY).

The authoritative reference and input builder live on the scoring server;
editing this copy changes nothing except your own understanding.
"""

import jax, jax.numpy as jnp
import numpy as np

N = 10000
E = 320000
D = 128
DE = 16
H = 1
C = 128


def setup_inputs(seed: int = 0) -> dict:
    key = jax.random.key(seed)
    ks = jax.random.split(key, 12)
    x = jax.random.normal(ks[0], (N, D), dtype=jnp.float32)
    edge_index = jax.random.randint(ks[1], (2, E), 0, N, dtype=jnp.int32)
    edge_attr = jax.random.normal(ks[2], (E, DE), dtype=jnp.float32)
    s = 1.0 / np.sqrt(D)
    se = 1.0 / np.sqrt(DE)
    Wq = jax.random.normal(ks[3], (D, H * C), dtype=jnp.float32) * s
    bq = jnp.zeros((H * C,), dtype=jnp.float32)
    Wk = jax.random.normal(ks[4], (D, H * C), dtype=jnp.float32) * s
    bk = jnp.zeros((H * C,), dtype=jnp.float32)
    Wv = jax.random.normal(ks[5], (D, H * C), dtype=jnp.float32) * s
    bv = jnp.zeros((H * C,), dtype=jnp.float32)
    We = jax.random.normal(ks[6], (DE, H * C), dtype=jnp.float32) * se
    Wskip = jax.random.normal(ks[7], (D, H * C), dtype=jnp.float32) * s
    bskip = jnp.zeros((H * C,), dtype=jnp.float32)
    return {"x": x, "edge_index": edge_index, "edge_attr": edge_attr,
            "Wq": Wq, "bq": bq, "Wk": Wk, "bk": bk, "Wv": Wv, "bv": bv,
            "We": We, "Wskip": Wskip, "bskip": bskip}


def reference(x, edge_index, edge_attr, Wq, bq, Wk, bk, Wv, bv, We, Wskip, bskip):
    # TransformerConv (PyG) with heads=1, concat=True, root skip, followed by ReLU
    src = edge_index[0]
    dst = edge_index[1]
    q = x @ Wq + bq                       # [N, H*C]
    k = x @ Wk + bk                       # [N, H*C]
    v = x @ Wv + bv                       # [N, H*C]
    e = edge_attr @ We                    # [E, H*C] (lin_edge, no bias)
    q_i = jnp.take(q, dst, axis=0).reshape(E, H, C)
    k_j = (jnp.take(k, src, axis=0) + e).reshape(E, H, C)
    v_j = (jnp.take(v, src, axis=0) + e).reshape(E, H, C)
    alpha = jnp.sum(q_i * k_j, axis=-1) / jnp.sqrt(jnp.float32(C))   # [E, H]
    # softmax over incoming edges per destination node
    amax = jax.ops.segment_max(alpha, dst, num_segments=N)           # [N, H]
    amax = jnp.where(jnp.isfinite(amax), amax, 0.0)
    alpha = jnp.exp(alpha - jnp.take(amax, dst, axis=0))
    denom = jax.ops.segment_sum(alpha, dst, num_segments=N)          # [N, H]
    alpha = alpha / (jnp.take(denom, dst, axis=0) + 1e-16)
    msg = (v_j * alpha[:, :, None]).reshape(E, H * C)
    out = jax.ops.segment_sum(msg, dst, num_segments=N)              # [N, H*C]
    out = out + x @ Wskip + bskip                                    # root skip
    return jax.nn.relu(out)

if __name__ == "__main__":
    import jax
    _d = setup_inputs()
    print(jax.jit(kernel)(*tuple(_d.values())))

</pallas_src>

<mosaic_0001>
#map = affine_map<(d0, d1) -> (0, 0)>
#map1 = affine_map<(d0, d1) -> (0)>
#map2 = affine_map<(d0, d1) -> (0, 0, 0)>
module attributes {stable_mosaic.version = 14 : i64} {
  func.func @_sc1_body(%arg0: i32, %arg1: i32, %arg2: memref<10000x160xbf16, #tpu.memory_space<hbm>>, %arg3: memref<10000x256xbf16, #tpu.memory_space<hbm>>, %arg4: memref<320000x16xf32, #tpu.memory_space<hbm>>, %arg5: memref<320000xi32, #tpu.memory_space<hbm>>, %arg6: memref<320000xi32, #tpu.memory_space<hbm>>, %arg7: memref<2x10000x128xf32, #tpu.memory_space<hbm>>, %arg8: memref<320000xf32, #tpu.memory_space<hbm>>, %arg9: memref<8x40xi32, #tpu.memory_space<vmem>>, %arg10: memref<8x40xi32, #tpu.memory_space<vmem>>, %arg11: memref<40x160xbf16, #tpu.memory_space<vmem>>, %arg12: memref<40x160xbf16, #tpu.memory_space<vmem>>, %arg13: memref<40x256xbf16, #tpu.memory_space<vmem>>, %arg14: memref<40x256xbf16, #tpu.memory_space<vmem>>, %arg15: memref<40x16xf32, #tpu.memory_space<vmem>>, %arg16: memref<40x16xf32, #tpu.memory_space<vmem>>, %arg17: memref<40x128xf32, #tpu.memory_space<vmem>>, %arg18: memref<40x128xf32, #tpu.memory_space<vmem>>, %arg19: memref<48xf32, #tpu.memory_space<vmem>>, %arg20: memref<48xf32, #tpu.memory_space<vmem>>, %arg21: memref<10000x128xf32, #tpu.memory_space<vmem_shared>>, %arg22: memref<!tpu.dma_semaphore, #tpu.memory_space<semaphore_mem>>, %arg23: memref<!tpu.dma_semaphore, #tpu.memory_space<semaphore_mem>>, %arg24: memref<!tpu.dma_semaphore, #tpu.memory_space<semaphore_mem>>, %arg25: memref<!tpu.dma_semaphore, #tpu.memory_space<semaphore_mem>>, %arg26: memref<!tpu.dma_semaphore, #tpu.memory_space<semaphore_mem>>, %arg27: memref<!tpu.dma_semaphore, #tpu.memory_space<semaphore_mem>>, %arg28: memref<!tpu.dma_semaphore, #tpu.memory_space<semaphore_mem>>) attributes {dimension_semantics = [#tpu.dimension_semantics<core_parallel>, #tpu.dimension_semantics<subcore_parallel>], iteration_bounds = array<i64: 2, 16>, scalar_prefetch = 0 : i64, scratch_operands = 20 : i64, tpu.core_type = #tpu.core_type<sc_vector_subcore>, window_params = [{transform_indices = #map}, {transform_indices = #map}, {transform_indices = #map}, {transform_indices = #map1}, {transform_indices = #map1}, {transform_indices = #map2}, {transform_indices = #map1}]} {
    %broadcast_in_dim3A = arith.constant 0.000000e+00 : f32
    %broadcast_in_dim3A_0 = vector.broadcast %broadcast_in_dim3A : f32 to vector<16xf32>
    %iota3A = tpu.iota {dimensions = array<i32: 0>} : vector<16xi32>
    %xor3A = arith.constant 8 : i32
    %xor3A_1 = vector.broadcast %xor3A : i32 to vector<16xi32>
    %xor3A_2 = arith.xori %iota3A, %xor3A_1 : vector<16xi32>
    %xor3A_3 = arith.constant 4 : i32
    %xor3A_4 = vector.broadcast %xor3A_3 : i32 to vector<16xi32>
    %xor3A_5 = arith.xori %iota3A, %xor3A_4 : vector<16xi32>
    %xor3A_6 = arith.constant 2 : i32
    %xor3A_7 = vector.broadcast %xor3A_6 : i32 to vector<16xi32>
    %xor3A_8 = arith.xori %iota3A, %xor3A_7 : vector<16xi32>
    %xor3A_9 = arith.constant 1 : i32
    %xor3A_10 = vector.broadcast %xor3A_9 : i32 to vector<16xi32>
    %xor3A_11 = arith.xori %iota3A, %xor3A_10 : vector<16xi32>
    %scan3A = arith.constant 0 : i32
    %scan3A_12 = arith.constant 0 : i32
    %scan3A_13 = arith.constant 40 : i32
    %scan3A_14 = arith.addi %scan3A_12, %scan3A_13 : i32
    %scan3A_15 = arith.constant 1 : i32
    %scan3A_16 = scf.for %scan3A_341 = %scan3A_12 to %scan3A_14 step %scan3A_15 iter_args(%scan3A_342 = %scan3A) -> (i32)  : i32 {
      %swap3A = arith.index_cast %scan3A_341 : i32 to index
      %swap3A_343 = arith.constant 0 : index
      %swap3A_344 = tpu.vector_load %arg17[%swap3A, %swap3A_343] {strides = array<i32>} : memref<40x128xf32, #tpu.memory_space<vmem>>, vector<16xf32>,
      tpu.vector_store %arg17[%swap3A, %swap3A_343], %broadcast_in_dim3A_0 {strides = array<i32>} : memref<40x128xf32, #tpu.memory_space<vmem>>, vector<16xf32>,
      %swap3A_345 = arith.index_cast %scan3A_341 : i32 to index
      %swap3A_346 = arith.constant 16 : index
      %swap3A_347 = tpu.vector_load %arg17[%swap3A_345, %swap3A_346] {strides = array<i32>} : memref<40x128xf32, #tpu.memory_space<vmem>>, vector<16xf32>,
      tpu.vector_store %arg17[%swap3A_345, %swap3A_346], %broadcast_in_dim3A_0 {strides = array<i32>} : memref<40x128xf32, #tpu.memory_space<vmem>>, vector<16xf32>,
      %swap3A_348 = arith.index_cast %scan3A_341 : i32 to index
      %swap3A_349 = arith.constant 32 : index
      %swap3A_350 = tpu.vector_load %arg17[%swap3A_348, %swap3A_349] {strides = array<i32>} : memref<40x128xf32, #tpu.memory_space<vmem>>, vector<16xf32>,
      tpu.vector_store %arg17[%swap3A_348, %swap3A_349], %broadcast_in_dim3A_0 {strides = array<i32>} : memref<40x128xf32, #tpu.memory_space<vmem>>, vector<16xf32>,
      %swap3A_351 = arith.index_cast %scan3A_341 : i32 to index
      %swap3A_352 = arith.constant 48 : index
      %swap3A_353 = tpu.vector_load %arg17[%swap3A_351, %swap3A_352] {strides = array<i32>} : memref<40x128xf32, #tpu.memory_space<vmem>>, vector<16xf32>,
      tpu.vector_store %arg17[%swap3A_351, %swap3A_352], %broadcast_in_dim3A_0 {strides = array<i32>} : memref<40x128xf32, #tpu.memory_space<vmem>>, vector<16xf32>,
      %swap3A_354 = arith.index_cast %scan3A_341 : i32 to index
      %swap3A_355 = arith.constant 64 : index
      %swap3A_356 = tpu.vector_load %arg17[%swap3A_354, %swap3A_355] {strides = array<i32>} : memref<40x128xf32, #tpu.memory_space<vmem>>, vector<16xf32>,
      tpu.vector_store %arg17[%swap3A_354, %swap3A_355], %broadcast_in_dim3A_0 {strides = array<i32>} : memref<40x128xf32, #tpu.memory_space<vmem>>, vector<16xf32>,
      %swap3A_357 = arith.index_cast %scan3A_341 : i32 to index
      %swap3A_358 = arith.constant 80 : index
      %swap3A_359 = tpu.vector_load %arg17[%swap3A_357, %swap3A_358] {strides = array<i32>} : memref<40x128xf32, #tpu.memory_space<vmem>>, vector<16xf32>,
      tpu.vector_store %arg17[%swap3A_357, %swap3A_358], %broadcast_in_dim3A_0 {strides = array<i32>} : memref<40x128xf32, #tpu.memory_space<vmem>>, vector<16xf32>,
      %swap3A_360 = arith.index_cast %scan3A_341 : i32 to index
      %swap3A_361 = arith.constant 96 : index
      %swap3A_362 = tpu.vector_load %arg17[%swap3A_360, %swap3A_361] {strides = array<i32>} : memref<40x128xf32, #tpu.memory_space<vmem>>, vector<16xf32>,
      tpu.vector_store %arg17[%swap3A_360, %swap3A_361], %broadcast_in_dim3A_0 {strides = array<i32>} : memref<40x128xf32, #tpu.memory_space<vmem>>, vector<16xf32>,
      %swap3A_363 = arith.index_cast %scan3A_341 : i32 to index
      %swap3A_364 = arith.constant 112 : index
      %swap3A_365 = tpu.vector_load %arg17[%swap3A_363, %swap3A_364] {strides = array<i32>} : memref<40x128xf32, #tpu.memory_space<vmem>>, vector<16xf32>,
      tpu.vector_store %arg17[%swap3A_363, %swap3A_364], %broadcast_in_dim3A_0 {strides = array<i32>} : memref<40x128xf32, #tpu.memory_space<vmem>>, vector<16xf32>,
      %scan3A_366 = arith.constant 0 : i32
      scf.yield %scan3A_366 : i32
    }
    %scan3A_17 = arith.constant 40 : i32
    %mul3A = arith.constant 625 : i32
    %mul3A_18 = arith.muli %arg1, %mul3A : i32
    %add3A = arith.constant 0 : i32
    %add3A_19 = arith.addi %mul3A_18, %add3A : i32
    "tpu.region"() ({
      %run_scoped3A = tpu.sem_alloc : memref<!tpu.dma_semaphore, #tpu.memory_space<semaphore_mem>>
      %dma_start3A_341 = arith.constant 0 : i32
      %dma_start3A_342 = tpu.memref_slice %arg21[%add3A_19, %dma_start3A_341] : memref<10000x128xf32, #tpu.memory_space<vmem_shared>> -> memref<40x128xf32, #tpu.memory_space<vmem_shared>>
      %dma_start3A_343 = arith.constant 0 : i32
      %dma_start3A_344 = tpu.memref_slice %arg21[%add3A_19, %dma_start3A_343] : memref<10000x128xf32, #tpu.memory_space<vmem_shared>> -> memref<40x128xf32, #tpu.memory_space<vmem_shared>>
      tpu.enqueue_dma source(%arg17 : memref<40x128xf32, #tpu.memory_space<vmem>>) target(%dma_start3A_344 : memref<40x128xf32, #tpu.memory_space<vmem_shared>>) target_semaphore(%run_scoped3A : memref<!tpu.dma_semaphore, #tpu.memory_space<semaphore_mem>>)
      %dma_wait3A_345 = arith.constant 0 : i32
      %dma_wait3A_346 = tpu.memref_slice %arg21[%add3A_19, %dma_wait3A_345] : memref<10000x128xf32, #tpu.memory_space<vmem_shared>> -> memref<40x128xf32, #tpu.memory_space<vmem_shared>>
      %dma_wait3A_347 = arith.constant 0 : i32
      %dma_wait3A_348 = tpu.memref_slice %arg21[%add3A_19, %dma_wait3A_347] : memref<10000x128xf32, #tpu.memory_space<vmem_shared>> -> memref<40x128xf32, #tpu.memory_space<vmem_shared>>
      tpu.wait_dma2 semaphore(%run_scoped3A : memref<!tpu.dma_semaphore, #tpu.memory_space<semaphore_mem>>) src(%arg17 : memref<40x128xf32, #tpu.memory_space<vmem>>) dst(%dma_wait3A_348 : memref<40x128xf32, #tpu.memory_space<vmem_shared>>)
      tpu.yield
    }) : () -> ()
    %add3A_20 = arith.constant 40 : i32
    %add3A_21 = arith.addi %mul3A_18, %add3A_20 : i32
    "tpu.region"() ({
      %run_scoped3A = tpu.sem_alloc : memref<!tpu.dma_semaphore, #tpu.memory_space<semaphore_mem>>
      %dma_start3A_341 = arith.constant 0 : i32
      %dma_start3A_342 = tpu.memref_slice %arg21[%add3A_21, %dma_start3A_341] : memref<10000x128xf32, #tpu.memory_space<vmem_shared>> -> memref<40x128xf32, #tpu.memory_space<vmem_shared>>
      %dma_start3A_343 = arith.constant 0 : i32
      %dma_start3A_344 = tpu.memref_slice %arg21[%add3A_21, %dma_start3A_343] : memref<10000x128xf32, #tpu.memory_space<vmem_shared>> -> memref<40x128xf32, #tpu.memory_space<vmem_shared>>
      tpu.enqueue_dma source(%arg17 : memref<40x128xf32, #tpu.memory_space<vmem>>) target(%dma_start3A_344 : memref<40x128xf32, #tpu.memory_space<vmem_shared>>) target_semaphore(%run_scoped3A : memref<!tpu.dma_semaphore, #tpu.memory_space<semaphore_mem>>)
      %dma_wait3A_345 = arith.constant 0 : i32
      %dma_wait3A_346 = tpu.memref_slice %arg21[%add3A_21, %dma_wait3A_345] : memref<10000x128xf32, #tpu.memory_space<vmem_shared>> -> memref<40x128xf32, #tpu.memory_space<vmem_shared>>
      %dma_wait3A_347 = arith.constant 0 : i32
      %dma_wait3A_348 = tpu.memref_slice %arg21[%add3A_21, %dma_wait3A_347] : memref<10000x128xf32, #tpu.memory_space<vmem_shared>> -> memref<40x128xf32, #tpu.memory_space<vmem_shared>>
      tpu.wait_dma2 semaphore(%run_scoped3A : memref<!tpu.dma_semaphore, #tpu.memory_space<semaphore_mem>>) src(%arg17 : memref<40x128xf32, #tpu.memory_space<vmem>>) dst(%dma_wait3A_348 : memref<40x128xf32, #tpu.memory_space<vmem_shared>>)
      tpu.yield
    }) : () -> ()
    %add3A_22 = arith.constant 80 : i32
    %add3A_23 = arith.addi %mul3A_18, %add3A_22 : i32
    "tpu.region"() ({
      %run_scoped3A = tpu.sem_alloc : memref<!tpu.dma_semaphore, #tpu.memory_space<semaphore_mem>>
      %dma_start3A_341 = arith.constant 0 : i32
      %dma_start3A_342 = tpu.memref_slice %arg21[%add3A_23, %dma_start3A_341] : memref<10000x128xf32, #tpu.memory_space<vmem_shared>> -> memref<40x128xf32, #tpu.memory_space<vmem_shared>>
      %dma_start3A_343 = arith.constant 0 : i32
      %dma_start3A_344 = tpu.memref_slice %arg21[%add3A_23, %dma_start3A_343] : memref<10000x128xf32, #tpu.memory_space<vmem_shared>> -> memref<40x128xf32, #tpu.memory_space<vmem_shared>>
      tpu.enqueue_dma source(%arg17 : memref<40x128xf32, #tpu.memory_space<vmem>>) target(%dma_start3A_344 : memref<40x128xf32, #tpu.memory_space<vmem_shared>>) target_semaphore(%run_scoped3A : memref<!tpu.dma_semaphore, #tpu.memory_space<semaphore_mem>>)
      %dma_wait3A_345 = arith.constant 0 : i32
      %dma_wait3A_346 = tpu.memref_slice %arg21[%add3A_23, %dma_wait3A_345] : memref<10000x128xf32, #tpu.memory_space<vmem_shared>> -> memref<40x128xf32, #tpu.memory_space<vmem_shared>>
      %dma_wait3A_347 = arith.constant 0 : i32
      %dma_wait3A_348 = tpu.memref_slice %arg21[%add3A_23, %dma_wait3A_347] : memref<10000x128xf32, #tpu.memory_space<vmem_shared>> -> memref<40x128xf32, #tpu.memory_space<vmem_shared>>
      tpu.wait_dma2 semaphore(%run_scoped3A : memref<!tpu.dma_semaphore, #tpu.memory_space<semaphore_mem>>) src(%arg17 : memref<40x128xf32, #tpu.memory_space<vmem>>) dst(%dma_wait3A_348 : memref<40x128xf32, #tpu.memory_space<vmem_shared>>)
      tpu.yield
    }) : () -> ()
    %add3A_24 = arith.constant 120 : i32
    %add3A_25 = arith.addi %mul3A_18, %add3A_24 : i32
    "tpu.region"() ({
      %run_scoped3A = tpu.sem_alloc : memref<!tpu.dma_semaphore, #tpu.memory_space<semaphore_mem>>
      %dma_start3A_341 = arith.constant 0 : i32
      %dma_start3A_342 = tpu.memref_slice %arg21[%add3A_25, %dma_start3A_341] : memref<10000x128xf32, #tpu.memory_space<vmem_shared>> -> memref<40x128xf32, #tpu.memory_space<vmem_shared>>
      %dma_start3A_343 = arith.constant 0 : i32
      %dma_start3A_344 = tpu.memref_slice %arg21[%add3A_25, %dma_start3A_343] : memref<10000x128xf32, #tpu.memory_space<vmem_shared>> -> memref<40x128xf32, #tpu.memory_space<vmem_shared>>
      tpu.enqueue_dma source(%arg17 : memref<40x128xf32, #tpu.memory_space<vmem>>) target(%dma_start3A_344 : memref<40x128xf32, #tpu.memory_space<vmem_shared>>) target_semaphore(%run_scoped3A : memref<!tpu.dma_semaphore, #tpu.memory_space<semaphore_mem>>)
      %dma_wait3A_345 = arith.constant 0 : i32
      %dma_wait3A_346 = tpu.memref_slice %arg21[%add3A_25, %dma_wait3A_345] : memref<10000x128xf32, #tpu.memory_space<vmem_shared>> -> memref<40x128xf32, #tpu.memory_space<vmem_shared>>
      %dma_wait3A_347 = arith.constant 0 : i32
      %dma_wait3A_348 = tpu.memref_slice %arg21[%add3A_25, %dma_wait3A_347] : memref<10000x128xf32, #tpu.memory_space<vmem_shared>> -> memref<40x128xf32, #tpu.memory_space<vmem_shared>>
      tpu.wait_dma2 semaphore(%run_scoped3A : memref<!tpu.dma_semaphore, #tpu.memory_space<semaphore_mem>>) src(%arg17 : memref<40x128xf32, #tpu.memory_space<vmem>>) dst(%dma_wait3A_348 : memref<40x128xf32, #tpu.memory_space<vmem_shared>>)
      tpu.yield
    }) : () -> ()
    %add3A_26 = arith.constant 160 : i32
    %add3A_27 = arith.addi %mul3A_18, %add3A_26 : i32
    "tpu.region"() ({
      %run_scoped3A = tpu.sem_alloc : memref<!tpu.dma_semaphore, #tpu.memory_space<semaphore_mem>>
      %dma_start3A_341 = arith.constant 0 : i32
      %dma_start3A_342 = tpu.memref_slice %arg21[%add3A_27, %dma_start3A_341] : memref<10000x128xf32, #tpu.memory_space<vmem_shared>> -> memref<40x128xf32, #tpu.memory_space<vmem_shared>>
      %dma_start3A_343 = arith.constant 0 : i32
      %dma_start3A_344 = tpu.memref_slice %arg21[%add3A_27, %dma_start3A_343] : memref<10000x128xf32, #tpu.memory_space<vmem_shared>> -> memref<40x128xf32, #tpu.memory_space<vmem_shared>>
      tpu.enqueue_dma source(%arg17 : memref<40x128xf32, #tpu.memory_space<vmem>>) target(%dma_start3A_344 : memref<40x128xf32, #tpu.memory_space<vmem_shared>>) target_semaphore(%run_scoped3A : memref<!tpu.dma_semaphore, #tpu.memory_space<semaphore_mem>>)
      %dma_wait3A_345 = arith.constant 0 : i32
      %dma_wait3A_346 = tpu.memref_slice %arg21[%add3A_27, %dma_wait3A_345] : memref<10000x128xf32, #tpu.memory_space<vmem_shared>> -> memref<40x128xf32, #tpu.memory_space<vmem_shared>>
      %dma_wait3A_347 = arith.constant 0 : i32
      %dma_wait3A_348 = tpu.memref_slice %arg21[%add3A_27, %dma_wait3A_347] : memref<10000x128xf32, #tpu.memory_space<vmem_shared>> -> memref<40x128xf32, #tpu.memory_space<vmem_shared>>
      tpu.wait_dma2 semaphore(%run_scoped3A : memref<!tpu.dma_semaphore, #tpu.memory_space<semaphore_mem>>) src(%arg17 : memref<40x128xf32, #tpu.memory_space<vmem>>) dst(%dma_wait3A_348 : memref<40x128xf32, #tpu.memory_space<vmem_shared>>)
      tpu.yield
    }) : () -> ()
    %add3A_28 = arith.constant 200 : i32
    %add3A_29 = arith.addi %mul3A_18, %add3A_28 : i32
    "tpu.region"() ({
      %run_scoped3A = tpu.sem_alloc : memref<!tpu.dma_semaphore, #tpu.memory_space<semaphore_mem>>
      %dma_start3A_341 = arith.constant 0 : i32
      %dma_start3A_342 = tpu.memref_slice %arg21[%add3A_29, %dma_start3A_341] : memref<10000x128xf32, #tpu.memory_space<vmem_shared>> -> memref<40x128xf32, #tpu.memory_space<vmem_shared>>
      %dma_start3A_343 = arith.constant 0 : i32
      %dma_start3A_344 = tpu.memref_slice %arg21[%add3A_29, %dma_start3A_343] : memref<10000x128xf32, #tpu.memory_space<vmem_shared>> -> memref<40x128xf32, #tpu.memory_space<vmem_shared>>
      tpu.enqueue_dma source(%arg17 : memref<40x128xf32, #tpu.memory_space<vmem>>) target(%dma_start3A_344 : memref<40x128xf32, #tpu.memory_space<vmem_shared>>) target_semaphore(%run_scoped3A : memref<!tpu.dma_semaphore, #tpu.memory_space<semaphore_mem>>)
      %dma_wait3A_345 = arith.constant 0 : i32
      %dma_wait3A_346 = tpu.memref_slice %arg21[%add3A_29, %dma_wait3A_345] : memref<10000x128xf32, #tpu.memory_space<vmem_shared>> -> memref<40x128xf32, #tpu.memory_space<vmem_shared>>
      %dma_wait3A_347 = arith.constant 0 : i32
      %dma_wait3A_348 = tpu.memref_slice %arg21[%add3A_29, %dma_wait3A_347] : memref<10000x128xf32, #tpu.memory_space<vmem_shared>> -> memref<40x128xf32, #tpu.memory_space<vmem_shared>>
      tpu.wait_dma2 semaphore(%run_scoped3A : memref<!tpu.dma_semaphore, #tpu.memory_space<semaphore_mem>>) src(%arg17 : memref<40x128xf32, #tpu.memory_space<vmem>>) dst(%dma_wait3A_348 : memref<40x128xf32, #tpu.memory_space<vmem_shared>>)
      tpu.yield
    }) : () -> ()
    %add3A_30 = arith.constant 240 : i32
    %add3A_31 = arith.addi %mul3A_18, %add3A_30 : i32
    "tpu.region"() ({
      %run_scoped3A = tpu.sem_alloc : memref<!tpu.dma_semaphore, #tpu.memory_space<semaphore_mem>>
      %dma_start3A_341 = arith.constant 0 : i32
      %dma_start3A_342 = tpu.memref_slice %arg21[%add3A_31, %dma_start3A_341] : memref<10000x128xf32, #tpu.memory_space<vmem_shared>> -> memref<40x128xf32, #tpu.memory_space<vmem_shared>>
      %dma_start3A_343 = arith.constant 0 : i32
      %dma_start3A_344 = tpu.memref_slice %arg21[%add3A_31, %dma_start3A_343] : memref<10000x128xf32, #tpu.memory_space<vmem_shared>> -> memref<40x128xf32, #tpu.memory_space<vmem_shared>>
      tpu.enqueue_dma source(%arg17 : memref<40x128xf32, #tpu.memory_space<vmem>>) target(%dma_start3A_344 : memref<40x128xf32, #tpu.memory_space<vmem_shared>>) target_semaphore(%run_scoped3A : memref<!tpu.dma_semaphore, #tpu.memory_space<semaphore_mem>>)
      %dma_wait3A_345 = arith.constant 0 : i32
      %dma_wait3A_346 = tpu.memref_slice %arg21[%add3A_31, %dma_wait3A_345] : memref<10000x128xf32, #tpu.memory_space<vmem_shared>> -> memref<40x128xf32, #tpu.memory_space<vmem_shared>>
      %dma_wait3A_347 = arith.constant 0 : i32
      %dma_wait3A_348 = tpu.memref_slice %arg21[%add3A_31, %dma_wait3A_347] : memref<10000x128xf32, #tpu.memory_space<vmem_shared>> -> memref<40x128xf32, #tpu.memory_space<vmem_shared>>
      tpu.wait_dma2 semaphore(%run_scoped3A : memref<!tpu.dma_semaphore, #tpu.memory_space<semaphore_mem>>) src(%arg17 : memref<40x128xf32, #tpu.memory_space<vmem>>) dst(%dma_wait3A_348 : memref<40x128xf32, #tpu.memory_space<vmem_shared>>)
      tpu.yield
    }) : () -> ()
    %add3A_32 = arith.constant 280 : i32
    %add3A_33 = arith.addi %mul3A_18, %add3A_32 : i32
    "tpu.region"() ({
      %run_scoped3A = tpu.sem_alloc : memref<!tpu.dma_semaphore, #tpu.memory_space<semaphore_mem>>
      %dma_start3A_341 = arith.constant 0 : i32
      %dma_start3A_342 = tpu.memref_slice %arg21[%add3A_33, %dma_start3A_341] : memref<10000x128xf32, #tpu.memory_space<vmem_shared>> -> memref<40x128xf32, #tpu.memory_space<vmem_shared>>
      %dma_start3A_343 = arith.constant 0 : i32
      %dma_start3A_344 = tpu.memref_slice %arg21[%add3A_33, %dma_start3A_343] : memref<10000x128xf32, #tpu.memory_space<vmem_shared>> -> memref<40x128xf32, #tpu.memory_space<vmem_shared>>
      tpu.enqueue_dma source(%arg17 : memref<40x128xf32, #tpu.memory_space<vmem>>) target(%dma_start3A_344 : memref<40x128xf32, #tpu.memory_space<vmem_shared>>) target_semaphore(%run_scoped3A : memref<!tpu.dma_semaphore, #tpu.memory_space<semaphore_mem>>)
      %dma_wait3A_345 = arith.constant 0 : i32
      %dma_wait3A_346 = tpu.memref_slice %arg21[%add3A_33, %dma_wait3A_345] : memref<10000x128xf32, #tpu.memory_space<vmem_shared>> -> memref<40x128xf32, #tpu.memory_space<vmem_shared>>
      %dma_wait3A_347 = arith.constant 0 : i32
      %dma_wait3A_348 = tpu.memref_slice %arg21[%add3A_33, %dma_wait3A_347] : memref<10000x128xf32, #tpu.memory_space<vmem_shared>> -> memref<40x128xf32, #tpu.memory_space<vmem_shared>>
      tpu.wait_dma2 semaphore(%run_scoped3A : memref<!tpu.dma_semaphore, #tpu.memory_space<semaphore_mem>>) src(%arg17 : memref<40x128xf32, #tpu.memory_space<vmem>>) dst(%dma_wait3A_348 : memref<40x128xf32, #tpu.memory_space<vmem_shared>>)
      tpu.yield
    }) : () -> ()
    %add3A_34 = arith.constant 320 : i32
    %add3A_35 = arith.addi %mul3A_18, %add3A_34 : i32
    "tpu.region"() ({
      %run_scoped3A = tpu.sem_alloc : memref<!tpu.dma_semaphore, #tpu.memory_space<semaphore_mem>>
      %dma_start3A_341 = arith.constant 0 : i32
      %dma_start3A_342 = tpu.memref_slice %arg21[%add3A_35, %dma_start3A_341] : memref<10000x128xf32, #tpu.memory_space<vmem_shared>> -> memref<40x128xf32, #tpu.memory_space<vmem_shared>>
      %dma_start3A_343 = arith.constant 0 : i32
      %dma_start3A_344 = tpu.memref_slice %arg21[%add3A_35, %dma_start3A_343] : memref<10000x128xf32, #tpu.memory_space<vmem_shared>> -> memref<40x128xf32, #tpu.memory_space<vmem_shared>>
      tpu.enqueue_dma source(%arg17 : memref<40x128xf32, #tpu.memory_space<vmem>>) target(%dma_start3A_344 : memref<40x128xf32, #tpu.memory_space<vmem_shared>>) target_semaphore(%run_scoped3A : memref<!tpu.dma_semaphore, #tpu.memory_space<semaphore_mem>>)
      %dma_wait3A_345 = arith.constant 0 : i32
      %dma_wait3A_346 = tpu.memref_slice %arg21[%add3A_35, %dma_wait3A_345] : memref<10000x128xf32, #tpu.memory_space<vmem_shared>> -> memref<40x128xf32, #tpu.memory_space<vmem_shared>>
      %dma_wait3A_347 = arith.constant 0 : i32
      %dma_wait3A_348 = tpu.memref_slice %arg21[%add3A_35, %dma_wait3A_347] : memref<10000x128xf32, #tpu.memory_space<vmem_shared>> -> memref<40x128xf32, #tpu.memory_space<vmem_shared>>
      tpu.wait_dma2 semaphore(%run_scoped3A : memref<!tpu.dma_semaphore, #tpu.memory_space<semaphore_mem>>) src(%arg17 : memref<40x128xf32, #tpu.memory_space<vmem>>) dst(%dma_wait3A_348 : memref<40x128xf32, #tpu.memory_space<vmem_shared>>)
      tpu.yield
    }) : () -> ()
    %add3A_36 = arith.constant 360 : i32
    %add3A_37 = arith.addi %mul3A_18, %add3A_36 : i32
    "tpu.region"() ({
      %run_scoped3A = tpu.sem_alloc : memref<!tpu.dma_semaphore, #tpu.memory_space<semaphore_mem>>
      %dma_start3A_341 = arith.constant 0 : i32
      %dma_start3A_342 = tpu.memref_slice %arg21[%add3A_37, %dma_start3A_341] : memref<10000x128xf32, #tpu.memory_space<vmem_shared>> -> memref<40x128xf32, #tpu.memory_space<vmem_shared>>
      %dma_start3A_343 = arith.constant 0 : i32
      %dma_start3A_344 = tpu.memref_slice %arg21[%add3A_37, %dma_start3A_343] : memref<10000x128xf32, #tpu.memory_space<vmem_shared>> -> memref<40x128xf32, #tpu.memory_space<vmem_shared>>
      tpu.enqueue_dma source(%arg17 : memref<40x128xf32, #tpu.memory_space<vmem>>) target(%dma_start3A_344 : memref<40x128xf32, #tpu.memory_space<vmem_shared>>) target_semaphore(%run_scoped3A : memref<!tpu.dma_semaphore, #tpu.memory_space<semaphore_mem>>)
      %dma_wait3A_345 = arith.constant 0 : i32
      %dma_wait3A_346 = tpu.memref_slice %arg21[%add3A_37, %dma_wait3A_345] : memref<10000x128xf32, #tpu.memory_space<vmem_shared>> -> memref<40x128xf32, #tpu.memory_space<vmem_shared>>
      %dma_wait3A_347 = arith.constant 0 : i32
      %dma_wait3A_348 = tpu.memref_slice %arg21[%add3A_37, %dma_wait3A_347] : memref<10000x128xf32, #tpu.memory_space<vmem_shared>> -> memref<40x128xf32, #tpu.memory_space<vmem_shared>>
      tpu.wait_dma2 semaphore(%run_scoped3A : memref<!tpu.dma_semaphore, #tpu.memory_space<semaphore_mem>>) src(%arg17 : memref<40x128xf32, #tpu.memory_space<vmem>>) dst(%dma_wait3A_348 : memref<40x128xf32, #tpu.memory_space<vmem_shared>>)
      tpu.yield
    }) : () -> ()
    %add3A_38 = arith.constant 400 : i32
    %add3A_39 = arith.addi %mul3A_18, %add3A_38 : i32
    "tpu.region"() ({
      %run_scoped3A = tpu.sem_alloc : memref<!tpu.dma_semaphore, #tpu.memory_space<semaphore_mem>>
      %dma_start3A_341 = arith.constant 0 : i32
      %dma_start3A_342 = tpu.memref_slice %arg21[%add3A_39, %dma_start3A_341] : memref<10000x128xf32, #tpu.memory_space<vmem_shared>> -> memref<40x128xf32, #tpu.memory_space<vmem_shared>>
      %dma_start3A_343 = arith.constant 0 : i32
      %dma_start3A_344 = tpu.memref_slice %arg21[%add3A_39, %dma_start3A_343] : memref<10000x128xf32, #tpu.memory_space<vmem_shared>> -> memref<40x128xf32, #tpu.memory_space<vmem_shared>>
      tpu.enqueue_dma source(%arg17 : memref<40x128xf32, #tpu.memory_space<vmem>>) target(%dma_start3A_344 : memref<40x128xf32, #tpu.memory_space<vmem_shared>>) target_semaphore(%run_scoped3A : memref<!tpu.dma_semaphore, #tpu.memory_space<semaphore_mem>>)
      %dma_wait3A_345 = arith.constant 0 : i32
      %dma_wait3A_346 = tpu.memref_slice %arg21[%add3A_39, %dma_wait3A_345] : memref<10000x128xf32, #tpu.memory_space<vmem_shared>> -> memref<40x128xf32, #tpu.memory_space<vmem_shared>>
      %dma_wait3A_347 = arith.constant 0 : i32
      %dma_wait3A_348 = tpu.memref_slice %arg21[%add3A_39, %dma_wait3A_347] : memref<10000x128xf32, #tpu.memory_space<vmem_shared>> -> memref<40x128xf32, #tpu.memory_space<vmem_shared>>
      tpu.wait_dma2 semaphore(%run_scoped3A : memref<!tpu.dma_semaphore, #tpu.memory_space<semaphore_mem>>) src(%arg17 : memref<40x128xf32, #tpu.memory_space<vmem>>) dst(%dma_wait3A_348 : memref<40x128xf32, #tpu.memory_space<vmem_shared>>)
      tpu.yield
    }) : () -> ()
    %add3A_40 = arith.constant 440 : i32
    %add3A_41 = arith.addi %mul3A_18, %add3A_40 : i32
    "tpu.region"() ({
      %run_scoped3A = tpu.sem_alloc : memref<!tpu.dma_semaphore, #tpu.memory_space<semaphore_mem>>
      %dma_start3A_341 = arith.constant 0 : i32
      %dma_start3A_342 = tpu.memref_slice %arg21[%add3A_41, %dma_start3A_341] : memref<10000x128xf32, #tpu.memory_space<vmem_shared>> -> memref<40x128xf32, #tpu.memory_space<vmem_shared>>
      %dma_start3A_343 = arith.constant 0 : i32
      %dma_start3A_344 = tpu.memref_slice %arg21[%add3A_41, %dma_start3A_343] : memref<10000x128xf32, #tpu.memory_space<vmem_shared>> -> memref<40x128xf32, #tpu.memory_space<vmem_shared>>
      tpu.enqueue_dma source(%arg17 : memref<40x128xf32, #tpu.memory_space<vmem>>) target(%dma_start3A_344 : memref<40x128xf32, #tpu.memory_space<vmem_shared>>) target_semaphore(%run_scoped3A : memref<!tpu.dma_semaphore, #tpu.memory_space<semaphore_mem>>)
      %dma_wait3A_345 = arith.constant 0 : i32
      %dma_wait3A_346 = tpu.memref_slice %arg21[%add3A_41, %dma_wait3A_345] : memref<10000x128xf32, #tpu.memory_space<vmem_shared>> -> memref<40x128xf32, #tpu.memory_space<vmem_shared>>
      %dma_wait3A_347 = arith.constant 0 : i32
      %dma_wait3A_348 = tpu.memref_slice %arg21[%add3A_41, %dma_wait3A_347] : memref<10000x128xf32, #tpu.memory_space<vmem_shared>> -> memref<40x128xf32, #tpu.memory_space<vmem_shared>>
      tpu.wait_dma2 semaphore(%run_scoped3A : memref<!tpu.dma_semaphore, #tpu.memory_space<semaphore_mem>>) src(%arg17 : memref<40x128xf32, #tpu.memory_space<vmem>>) dst(%dma_wait3A_348 : memref<40x128xf32, #tpu.memory_space<vmem_shared>>)
      tpu.yield
    }) : () -> ()
    %add3A_42 = arith.constant 480 : i32
    %add3A_43 = arith.addi %mul3A_18, %add3A_42 : i32
    "tpu.region"() ({
      %run_scoped3A = tpu.sem_alloc : memref<!tpu.dma_semaphore, #tpu.memory_space<semaphore_mem>>
      %dma_start3A_341 = arith.constant 0 : i32
      %dma_start3A_342 = tpu.memref_slice %arg21[%add3A_43, %dma_start3A_341] : memref<10000x128xf32, #tpu.memory_space<vmem_shared>> -> memref<40x128xf32, #tpu.memory_space<vmem_shared>>
      %dma_start3A_343 = arith.constant 0 : i32
      %dma_start3A_344 = tpu.memref_slice %arg21[%add3A_43, %dma_start3A_343] : memref<10000x128xf32, #tpu.memory_space<vmem_shared>> -> memref<40x128xf32, #tpu.memory_space<vmem_shared>>
      tpu.enqueue_dma source(%arg17 : memref<40x128xf32, #tpu.memory_space<vmem>>) target(%dma_start3A_344 : memref<40x128xf32, #tpu.memory_space<vmem_shared>>) target_semaphore(%run_scoped3A : memref<!tpu.dma_semaphore, #tpu.memory_space<semaphore_mem>>)
      %dma_wait3A_345 = arith.constant 0 : i32
      %dma_wait3A_346 = tpu.memref_slice %arg21[%add3A_43, %dma_wait3A_345] : memref<10000x128xf32, #tpu.memory_space<vmem_shared>> -> memref<40x128xf32, #tpu.memory_space<vmem_shared>>
      %dma_wait3A_347 = arith.constant 0 : i32
      %dma_wait3A_348 = tpu.memref_slice %arg21[%add3A_43, %dma_wait3A_347] : memref<10000x128xf32, #tpu.memory_space<vmem_shared>> -> memref<40x128xf32, #tpu.memory_space<vmem_shared>>
      tpu.wait_dma2 semaphore(%run_scoped3A : memref<!tpu.dma_semaphore, #tpu.memory_space<semaphore_mem>>) src(%arg17 : memref<40x128xf32, #tpu.memory_space<vmem>>) dst(%dma_wait3A_348 : memref<40x128xf32, #tpu.memory_space<vmem_shared>>)
      tpu.yield
    }) : () -> ()
    %add3A_44 = arith.constant 520 : i32
    %add3A_45 = arith.addi %mul3A_18, %add3A_44 : i32
    "tpu.region"() ({
      %run_scoped3A = tpu.sem_alloc : memref<!tpu.dma_semaphore, #tpu.memory_space<semaphore_mem>>
      %dma_start3A_341 = arith.constant 0 : i32
      %dma_start3A_342 = tpu.memref_slice %arg21[%add3A_45, %dma_start3A_341] : memref<10000x128xf32, #tpu.memory_space<vmem_shared>> -> memref<40x128xf32, #tpu.memory_space<vmem_shared>>
      %dma_start3A_343 = arith.constant 0 : i32
      %dma_start3A_344 = tpu.memref_slice %arg21[%add3A_45, %dma_start3A_343] : memref<10000x128xf32, #tpu.memory_space<vmem_shared>> -> memref<40x128xf32, #tpu.memory_space<vmem_shared>>
      tpu.enqueue_dma source(%arg17 : memref<40x128xf32, #tpu.memory_space<vmem>>) target(%dma_start3A_344 : memref<40x128xf32, #tpu.memory_space<vmem_shared>>) target_semaphore(%run_scoped3A : memref<!tpu.dma_semaphore, #tpu.memory_space<semaphore_mem>>)
      %dma_wait3A_345 = arith.constant 0 : i32
      %dma_wait3A_346 = tpu.memref_slice %arg21[%add3A_45, %dma_wait3A_345] : memref<10000x128xf32, #tpu.memory_space<vmem_shared>> -> memref<40x128xf32, #tpu.memory_space<vmem_shared>>
      %dma_wait3A_347 = arith.constant 0 : i32
      %dma_wait3A_348 = tpu.memref_slice %arg21[%add3A_45, %dma_wait3A_347] : memref<10000x128xf32, #tpu.memory_space<vmem_shared>> -> memref<40x128xf32, #tpu.memory_space<vmem_shared>>
      tpu.wait_dma2 semaphore(%run_scoped3A : memref<!tpu.dma_semaphore, #tpu.memory_space<semaphore_mem>>) src(%arg17 : memref<40x128xf32, #tpu.memory_space<vmem>>) dst(%dma_wait3A_348 : memref<40x128xf32, #tpu.memory_space<vmem_shared>>)
      tpu.yield
    }) : () -> ()
    %add3A_46 = arith.constant 560 : i32
    %add3A_47 = arith.addi %mul3A_18, %add3A_46 : i32
    "tpu.region"() ({
      %run_scoped3A = tpu.sem_alloc : memref<!tpu.dma_semaphore, #tpu.memory_space<semaphore_mem>>
      %dma_start3A_341 = arith.constant 0 : i32
      %dma_start3A_342 = tpu.memref_slice %arg21[%add3A_47, %dma_start3A_341] : memref<10000x128xf32, #tpu.memory_space<vmem_shared>> -> memref<40x128xf32, #tpu.memory_space<vmem_shared>>
      %dma_start3A_343 = arith.constant 0 : i32
      %dma_start3A_344 = tpu.memref_slice %arg21[%add3A_47, %dma_start3A_343] : memref<10000x128xf32, #tpu.memory_space<vmem_shared>> -> memref<40x128xf32, #tpu.memory_space<vmem_shared>>
      tpu.enqueue_dma source(%arg17 : memref<40x128xf32, #tpu.memory_space<vmem>>) target(%dma_start3A_344 : memref<40x128xf32, #tpu.memory_space<vmem_shared>>) target_semaphore(%run_scoped3A : memref<!tpu.dma_semaphore, #tpu.memory_space<semaphore_mem>>)
      %dma_wait3A_345 = arith.constant 0 : i32
      %dma_wait3A_346 = tpu.memref_slice %arg21[%add3A_47, %dma_wait3A_345] : memref<10000x128xf32, #tpu.memory_space<vmem_shared>> -> memref<40x128xf32, #tpu.memory_space<vmem_shared>>
      %dma_wait3A_347 = arith.constant 0 : i32
      %dma_wait3A_348 = tpu.memref_slice %arg21[%add3A_47, %dma_wait3A_347] : memref<10000x128xf32, #tpu.memory_space<vmem_shared>> -> memref<40x128xf32, #tpu.memory_space<vmem_shared>>
      tpu.wait_dma2 semaphore(%run_scoped3A : memref<!tpu.dma_semaphore, #tpu.memory_space<semaphore_mem>>) src(%arg17 : memref<40x128xf32, #tpu.memory_space<vmem>>) dst(%dma_wait3A_348 : memref<40x128xf32, #tpu.memory_space<vmem_shared>>)
      tpu.yield
    }) : () -> ()
    %add3A_48 = arith.constant 600 : i32
    %add3A_49 = arith.addi %mul3A_18, %add3A_48 : i32
    "tpu.region"() ({
      %run_scoped3A = tpu.sem_alloc : memref<!tpu.dma_semaphore, #tpu.memory_space<semaphore_mem>>
      %dma_start3A_341 = arith.constant 0 : i32
      %dma_start3A_342 = arith.constant 0 : i32
      %dma_start3A_343 = tpu.memref_slice %arg17[%dma_start3A_341, %dma_start3A_342] : memref<40x128xf32, #tpu.memory_space<vmem>> -> memref<25x128xf32, #tpu.memory_space<vmem>>
      %dma_start3A_344 = arith.constant 0 : i32
      %dma_start3A_345 = tpu.memref_slice %arg21[%add3A_49, %dma_start3A_344] : memref<10000x128xf32, #tpu.memory_space<vmem_shared>> -> memref<25x128xf32, #tpu.memory_space<vmem_shared>>
      %dma_start3A_346 = arith.constant 0 : i32
      %dma_start3A_347 = tpu.memref_slice %arg21[%add3A_49, %dma_start3A_346] : memref<10000x128xf32, #tpu.memory_space<vmem_shared>> -> memref<25x128xf32, #tpu.memory_space<vmem_shared>>
      %dma_start3A_348 = arith.constant 0 : i32
      %dma_start3A_349 = arith.constant 0 : i32
      %dma_start3A_350 = tpu.memref_slice %arg17[%dma_start3A_348, %dma_start3A_349] : memref<40x128xf32, #tpu.memory_space<vmem>> -> memref<25x128xf32, #tpu.memory_space<vmem>>
      tpu.enqueue_dma source(%dma_start3A_350 : memref<25x128xf32, #tpu.memory_space<vmem>>) target(%dma_start3A_347 : memref<25x128xf32, #tpu.memory_space<vmem_shared>>) target_semaphore(%run_scoped3A : memref<!tpu.dma_semaphore, #tpu.memory_space<semaphore_mem>>)
      %dma_wait3A_351 = arith.constant 0 : i32
      %dma_wait3A_352 = arith.constant 0 : i32
      %dma_wait3A_353 = tpu.memref_slice %arg17[%dma_wait3A_351, %dma_wait3A_352] : memref<40x128xf32, #tpu.memory_space<vmem>> -> memref<25x128xf32, #tpu.memory_space<vmem>>
      %dma_wait3A_354 = arith.constant 0 : i32
      %dma_wait3A_355 = tpu.memref_slice %arg21[%add3A_49, %dma_wait3A_354] : memref<10000x128xf32, #tpu.memory_space<vmem_shared>> -> memref<25x128xf32, #tpu.memory_space<vmem_shared>>
      %dma_wait3A_356 = arith.constant 0 : i32
      %dma_wait3A_357 = tpu.memref_slice %arg21[%add3A_49, %dma_wait3A_356] : memref<10000x128xf32, #tpu.memory_space<vmem_shared>> -> memref<25x128xf32, #tpu.memory_space<vmem_shared>>
      %dma_wait3A_358 = arith.constant 0 : i32
      %dma_wait3A_359 = arith.constant 0 : i32
      %dma_wait3A_360 = tpu.memref_slice %arg17[%dma_wait3A_358, %dma_wait3A_359] : memref<40x128xf32, #tpu.memory_space<vmem>> -> memref<25x128xf32, #tpu.memory_space<vmem>>
      tpu.wait_dma2 semaphore(%run_scoped3A : memref<!tpu.dma_semaphore, #tpu.memory_space<semaphore_mem>>) src(%dma_wait3A_360 : memref<25x128xf32, #tpu.memory_space<vmem>>) dst(%dma_wait3A_357 : memref<25x128xf32, #tpu.memory_space<vmem_shared>>)
      tpu.yield
    }) : () -> ()
    %barrier3A = arith.constant 0 : index
    tpu.barrier barrier_id(%barrier3A)
    %mul3A_50 = arith.constant 16 : i32
    %mul3A_51 = arith.muli %arg0, %mul3A_50 : i32
    %add3A_52 = arith.addi %mul3A_51, %arg1 : i32
    %mul3A_53 = arith.constant 10000 : i32
    %mul3A_54 = arith.muli %add3A_52, %mul3A_53 : i32
    %eq3A = arith.constant 0 : i32
    %eq3A_55 = vector.broadcast %eq3A : i32 to vector<16xi32>
    %eq3A_56 = arith.cmpi eq, %iota3A, %eq3A_55 : vector<16xi32>
    %lt3A = arith.constant 8 : i32
    %lt3A_57 = vector.broadcast %lt3A : i32 to vector<16xi32>
    %lt3A_58 = arith.cmpi slt, %iota3A, %lt3A_57 : vector<16xi32>
    %mul3A_59 = arith.constant 2 : i32
    %mul3A_60 = vector.broadcast %mul3A_59 : i32 to vector<16xi32>
    %mul3A_61 = arith.muli %iota3A, %mul3A_60 : vector<16xi32>
    %jit3A = arith.constant 0 : i32
    %broadcast_in_dim3A_62 = vector.broadcast %jit3A : i32 to vector<16xi32>
    %select_n3A = arith.select %lt3A_58, %mul3A_61, %broadcast_in_dim3A_62 : vector<16xi1>, vector<16xi32>
    %lt3A_63 = arith.constant 8 : i32
    %lt3A_64 = vector.broadcast %lt3A_63 : i32 to vector<16xi32>
    %lt3A_65 = arith.cmpi slt, %iota3A, %lt3A_64 : vector<16xi32>
    %mul3A_66 = arith.constant 2 : i32
    %mul3A_67 = vector.broadcast %mul3A_66 : i32 to vector<16xi32>
    %mul3A_68 = arith.muli %iota3A, %mul3A_67 : vector<16xi32>
    %add3A_69 = arith.constant 1 : i32
    %add3A_70 = vector.broadcast %add3A_69 : i32 to vector<16xi32>
    %add3A_71 = arith.addi %mul3A_68, %add3A_70 : vector<16xi32>
    %jit3A_72 = arith.constant 0 : i32
    %broadcast_in_dim3A_73 = vector.broadcast %jit3A_72 : i32 to vector<16xi32>
    %select_n3A_74 = arith.select %lt3A_65, %add3A_71, %broadcast_in_dim3A_73 : vector<16xi1>, vector<16xi32>
    %mul3A_75 = arith.constant 2 : i32
    %mul3A_76 = vector.broadcast %mul3A_75 : i32 to vector<16xi32>
    %mul3A_77 = arith.muli %mul3A_76, %iota3A : vector<16xi32>
    %mul3A_78 = arith.constant 2 : i32
    %mul3A_79 = vector.broadcast %mul3A_78 : i32 to vector<16xi32>
    %mul3A_80 = arith.muli %mul3A_79, %iota3A : vector<16xi32>
    %add3A_81 = arith.constant 1 : i32
    %add3A_82 = vector.broadcast %add3A_81 : i32 to vector<16xi32>
    %add3A_83 = arith.addi %mul3A_80, %add3A_82 : vector<16xi32>
    %rem3A = arith.constant 0 : i32
    %rem3A_84 = arith.constant 8 : i32
    %rem3A_85 = arith.remsi %rem3A, %rem3A_84 : i32
    %mul3A_86 = arith.constant 0 : i32
    %mul3A_87 = arith.constant 40 : i32
    %mul3A_88 = arith.muli %mul3A_86, %mul3A_87 : i32
    %add3A_89 = arith.addi %mul3A_54, %mul3A_88 : i32
    %dma_start3A = arith.constant 0 : i32
    %dma_start3A_90 = tpu.memref_slice %arg9[%rem3A_85, %dma_start3A] : memref<8x40xi32, #tpu.memory_space<vmem>> -> memref<1x40xi32, #tpu.memory_space<vmem>>
    %dma_start3A_91 = tpu.memref_squeeze %dma_start3A_90 : memref<1x40xi32, #tpu.memory_space<vmem>> -> memref<40xi32, #tpu.memory_space<vmem>>
    %dma_start3A_92 = tpu.memref_slice %arg5[%add3A_89] : memref<320000xi32, #tpu.memory_space<hbm>> -> memref<40xi32, #tpu.memory_space<hbm>>
    %dma_start3A_93 = arith.constant 0 : i32
    %dma_start3A_94 = tpu.memref_slice %arg9[%rem3A_85, %dma_start3A_93] : memref<8x40xi32, #tpu.memory_space<vmem>> -> memref<1x40xi32, #tpu.memory_space<vmem>>
    %dma_start3A_95 = tpu.memref_squeeze %dma_start3A_94 : memref<1x40xi32, #tpu.memory_space<vmem>> -> memref<40xi32, #tpu.memory_space<vmem>>
    %dma_start3A_96 = tpu.memref_slice %arg5[%add3A_89] : memref<320000xi32, #tpu.memory_space<hbm>> -> memref<40xi32, #tpu.memory_space<hbm>>
    tpu.enqueue_dma source(%dma_start3A_96 : memref<40xi32, #tpu.memory_space<hbm>>) target(%dma_start3A_95 : memref<40xi32, #tpu.memory_space<vmem>>) target_semaphore(%arg28 : memref<!tpu.dma_semaphore, #tpu.memory_space<semaphore_mem>>)
    %dma_start3A_97 = arith.constant 0 : i32
    %dma_start3A_98 = tpu.memref_slice %arg10[%rem3A_85, %dma_start3A_97] : memref<8x40xi32, #tpu.memory_space<vmem>> -> memref<1x40xi32, #tpu.memory_space<vmem>>
    %dma_start3A_99 = tpu.memref_squeeze %dma_start3A_98 : memref<1x40xi32, #tpu.memory_space<vmem>> -> memref<40xi32, #tpu.memory_space<vmem>>
    %dma_start3A_100 = tpu.memref_slice %arg6[%add3A_89] : memref<320000xi32, #tpu.memory_space<hbm>> -> memref<40xi32, #tpu.memory_space<hbm>>
    %dma_start3A_101 = arith.constant 0 : i32
    %dma_start3A_102 = tpu.memref_slice %arg10[%rem3A_85, %dma_start3A_101] : memref<8x40xi32, #tpu.memory_space<vmem>> -> memref<1x40xi32, #tpu.memory_space<vmem>>
    %dma_start3A_103 = tpu.memref_squeeze %dma_start3A_102 : memref<1x40xi32, #tpu.memory_space<vmem>> -> memref<40xi32, #tpu.memory_space<vmem>>
    %dma_start3A_104 = tpu.memref_slice %arg6[%add3A_89] : memref<320000xi32, #tpu.memory_space<hbm>> -> memref<40xi32, #tpu.memory_space<hbm>>
    tpu.enqueue_dma source(%dma_start3A_104 : memref<40xi32, #tpu.memory_space<hbm>>) target(%dma_start3A_103 : memref<40xi32, #tpu.memory_space<vmem>>) target_semaphore(%arg28 : memref<!tpu.dma_semaphore, #tpu.memory_space<semaphore_mem>>)
    %rem3A_105 = arith.constant 1 : i32
    %rem3A_106 = arith.constant 8 : i32
    %rem3A_107 = arith.remsi %rem3A_105, %rem3A_106 : i32
    %mul3A_108 = arith.constant 1 : i32
    %mul3A_109 = arith.constant 40 : i32
    %mul3A_110 = arith.muli %mul3A_108, %mul3A_109 : i32
    %add3A_111 = arith.addi %mul3A_54, %mul3A_110 : i32
    %dma_start3A_112 = arith.constant 0 : i32
    %dma_start3A_113 = tpu.memref_slice %arg9[%rem3A_107, %dma_start3A_112] : memref<8x40xi32, #tpu.memory_space<vmem>> -> memref<1x40xi32, #tpu.memory_space<vmem>>
    %dma_start3A_114 = tpu.memref_squeeze %dma_start3A_113 : memref<1x40xi32, #tpu.memory_space<vmem>> -> memref<40xi32, #tpu.memory_space<vmem>>
    %dma_start3A_115 = tpu.memref_slice %arg5[%add3A_111] : memref<320000xi32, #tpu.memory_space<hbm>> -> memref<40xi32, #tpu.memory_space<hbm>>
    %dma_start3A_116 = arith.constant 0 : i32
    %dma_start3A_117 = tpu.memref_slice %arg9[%rem3A_107, %dma_start3A_116] : memref<8x40xi32, #tpu.memory_space<vmem>> -> memref<1x40xi32, #tpu.memory_space<vmem>>
    %dma_start3A_118 = tpu.memref_squeeze %dma_start3A_117 : memref<1x40xi32, #tpu.memory_space<vmem>> -> memref<40xi32, #tpu.memory_space<vmem>>
    %dma_start3A_119 = tpu.memref_slice %arg5[%add3A_111] : memref<320000xi32, #tpu.memory_space<hbm>> -> memref<40xi32, #tpu.memory_space<hbm>>
    tpu.enqueue_dma source(%dma_start3A_119 : memref<40xi32, #tpu.memory_space<hbm>>) target(%dma_start3A_118 : memref<40xi32, #tpu.memory_space<vmem>>) target_semaphore(%arg28 : memref<!tpu.dma_semaphore, #tpu.memory_space<semaphore_mem>>)
    %dma_start3A_120 = arith.constant 0 : i32
    %dma_start3A_121 = tpu.memref_slice %arg10[%rem3A_107, %dma_start3A_120] : memref<8x40xi32, #tpu.memory_space<vmem>> -> memref<1x40xi32, #tpu.memory_space<vmem>>
    %dma_start3A_122 = tpu.memref_squeeze %dma_start3A_121 : memref<1x40xi32, #tpu.memory_space<vmem>> -> memref<40xi32, #tpu.memory_space<vmem>>
    %dma_start3A_123 = tpu.memref_slice %arg6[%add3A_111] : memref<320000xi32, #tpu.memory_space<hbm>> -> memref<40xi32, #tpu.memory_space<hbm>>
    %dma_start3A_124 = arith.constant 0 : i32
    %dma_start3A_125 = tpu.memref_slice %arg10[%rem3A_107, %dma_start3A_124] : memref<8x40xi32, #tpu.memory_space<vmem>> -> memref<1x40xi32, #tpu.memory_space<vmem>>
    %dma_start3A_126 = tpu.memref_squeeze %dma_start3A_125 : memref<1x40xi32, #tpu.memory_space<vmem>> -> memref<40xi32, #tpu.memory_space<vmem>>
    %dma_start3A_127 = tpu.memref_slice %arg6[%add3A_111] : memref<320000xi32, #tpu.memory_space<hbm>> -> memref<40xi32, #tpu.memory_space<hbm>>
    tpu.enqueue_dma source(%dma_start3A_127 : memref<40xi32, #tpu.memory_space<hbm>>) target(%dma_start3A_126 : memref<40xi32, #tpu.memory_space<vmem>>) target_semaphore(%arg28 : memref<!tpu.dma_semaphore, #tpu.memory_space<semaphore_mem>>)
    %rem3A_128 = arith.constant 2 : i32
    %rem3A_129 = arith.constant 8 : i32
    %rem3A_130 = arith.remsi %rem3A_128, %rem3A_129 : i32
    %mul3A_131 = arith.constant 2 : i32
    %mul3A_132 = arith.constant 40 : i32
    %mul3A_133 = arith.muli %mul3A_131, %mul3A_132 : i32
    %add3A_134 = arith.addi %mul3A_54, %mul3A_133 : i32
    %dma_start3A_135 = arith.constant 0 : i32
    %dma_start3A_136 = tpu.memref_slice %arg9[%rem3A_130, %dma_start3A_135] : memref<8x40xi32, #tpu.memory_space<vmem>> -> memref<1x40xi32, #tpu.memory_space<vmem>>
    %dma_start3A_137 = tpu.memref_squeeze %dma_start3A_136 : memref<1x40xi32, #tpu.memory_space<vmem>> -> memref<40xi32, #tpu.memory_space<vmem>>
    %dma_start3A_138 = tpu.memref_slice %arg5[%add3A_134] : memref<320000xi32, #tpu.memory_space<hbm>> -> memref<40xi32, #tpu.memory_space<hbm>>
    %dma_start3A_139 = arith.constant 0 : i32
    %dma_start3A_140 = tpu.memref_slice %arg9[%rem3A_130, %dma_start3A_139] : memref<8x40xi32, #tpu.memory_space<vmem>> -> memref<1x40xi32, #tpu.memory_space<vmem>>
    %dma_start3A_141 = tpu.memref_squeeze %dma_start3A_140 : memref<1x40xi32, #tpu.memory_space<vmem>> -> memref<40xi32, #tpu.memory_space<vmem>>
    %dma_start3A_142 = tpu.memref_slice %arg5[%add3A_134] : memref<320000xi32, #tpu.memory_space<hbm>> -> memref<40xi32, #tpu.memory_space<hbm>>
    tpu.enqueue_dma source(%dma_start3A_142 : memref<40xi32, #tpu.memory_space<hbm>>) target(%dma_start3A_141 : memref<40xi32, #tpu.memory_space<vmem>>) target_semaphore(%arg28 : memref<!tpu.dma_semaphore, #tpu.memory_space<semaphore_mem>>)
    %dma_start3A_143 = arith.constant 0 : i32
    %dma_start3A_144 = tpu.memref_slice %arg10[%rem3A_130, %dma_start3A_143] : memref<8x40xi32, #tpu.memory_space<vmem>> -> memref<1x40xi32, #tpu.memory_space<vmem>>
    %dma_start3A_145 = tpu.memref_squeeze %dma_start3A_144 : memref<1x40xi32, #tpu.memory_space<vmem>> -> memref<40xi32, #tpu.memory_space<vmem>>
    %dma_start3A_146 = tpu.memref_slice %arg6[%add3A_134] : memref<320000xi32, #tpu.memory_space<hbm>> -> memref<40xi32, #tpu.memory_space<hbm>>
    %dma_start3A_147 = arith.constant 0 : i32
    %dma_start3A_148 = tpu.memref_slice %arg10[%rem3A_130, %dma_start3A_147] : memref<8x40xi32, #tpu.memory_space<vmem>> -> memref<1x40xi32, #tpu.memory_space<vmem>>
    %dma_start3A_149 = tpu.memref_squeeze %dma_start3A_148 : memref<1x40xi32, #tpu.memory_space<vmem>> -> memref<40xi32, #tpu.memory_space<vmem>>
    %dma_start3A_150 = tpu.memref_slice %arg6[%add3A_134] : memref<320000xi32, #tpu.memory_space<hbm>> -> memref<40xi32, #tpu.memory_space<hbm>>
    tpu.enqueue_dma source(%dma_start3A_150 : memref<40xi32, #tpu.memory_space<hbm>>) target(%dma_start3A_149 : memref<40xi32, #tpu.memory_space<vmem>>) target_semaphore(%arg28 : memref<!tpu.dma_semaphore, #tpu.memory_space<semaphore_mem>>)
    %rem3A_151 = arith.constant 3 : i32
    %rem3A_152 = arith.constant 8 : i32
    %rem3A_153 = arith.remsi %rem3A_151, %rem3A_152 : i32
    %mul3A_154 = arith.constant 3 : i32
    %mul3A_155 = arith.constant 40 : i32
    %mul3A_156 = arith.muli %mul3A_154, %mul3A_155 : i32
    %add3A_157 = arith.addi %mul3A_54, %mul3A_156 : i32
    %dma_start3A_158 = arith.constant 0 : i32
    %dma_start3A_159 = tpu.memref_slice %arg9[%rem3A_153, %dma_start3A_158] : memref<8x40xi32, #tpu.memory_space<vmem>> -> memref<1x40xi32, #tpu.memory_space<vmem>>
    %dma_start3A_160 = tpu.memref_squeeze %dma_start3A_159 : memref<1x40xi32, #tpu.memory_space<vmem>> -> memref<40xi32, #tpu.memory_space<vmem>>
    %dma_start3A_161 = tpu.memref_slice %arg5[%add3A_157] : memref<320000xi32, #tpu.memory_space<hbm>> -> memref<40xi32, #tpu.memory_space<hbm>>
    %dma_start3A_162 = arith.constant 0 : i32
    %dma_start3A_163 = tpu.memref_slice %arg9[%rem3A_153, %dma_start3A_162] : memref<8x40xi32, #tpu.memory_space<vmem>> -> memref<1x40xi32, #tpu.memory_space<vmem>>
    %dma_start3A_164 = tpu.memref_squeeze %dma_start3A_163 : memref<1x40xi32, #tpu.memory_space<vmem>> -> memref<40xi32, #tpu.memory_space<vmem>>
    %dma_start3A_165 = tpu.memref_slice %arg5[%add3A_157] : memref<320000xi32, #tpu.memory_space<hbm>> -> memref<40xi32, #tpu.memory_space<hbm>>
    tpu.enqueue_dma source(%dma_start3A_165 : memref<40xi32, #tpu.memory_space<hbm>>) target(%dma_start3A_164 : memref<40xi32, #tpu.memory_space<vmem>>) target_semaphore(%arg28 : memref<!tpu.dma_semaphore, #tpu.memory_space<semaphore_mem>>)
    %dma_start3A_166 = arith.constant 0 : i32
    %dma_start3A_167 = tpu.memref_slice %arg10[%rem3A_153, %dma_start3A_166] : memref<8x40xi32, #tpu.memory_space<vmem>> -> memref<1x40xi32, #tpu.memory_space<vmem>>
    %dma_start3A_168 = tpu.memref_squeeze %dma_start3A_167 : memref<1x40xi32, #tpu.memory_space<vmem>> -> memref<40xi32, #tpu.memory_space<vmem>>
    %dma_start3A_169 = tpu.memref_slice %arg6[%add3A_157] : memref<320000xi32, #tpu.memory_space<hbm>> -> memref<40xi32, #tpu.memory_space<hbm>>
    %dma_start3A_170 = arith.constant 0 : i32
    %dma_start3A_171 = tpu.memref_slice %arg10[%rem3A_153, %dma_start3A_170] : memref<8x40xi32, #tpu.memory_space<vmem>> -> memref<1x40xi32, #tpu.memory_space<vmem>>
    %dma_start3A_172 = tpu.memref_squeeze %dma_start3A_171 : memref<1x40xi32, #tpu.memory_space<vmem>> -> memref<40xi32, #tpu.memory_space<vmem>>
    %dma_start3A_173 = tpu.memref_slice %arg6[%add3A_157] : memref<320000xi32, #tpu.memory_space<hbm>> -> memref<40xi32, #tpu.memory_space<hbm>>
    tpu.enqueue_dma source(%dma_start3A_173 : memref<40xi32, #tpu.memory_space<hbm>>) target(%dma_start3A_172 : memref<40xi32, #tpu.memory_space<vmem>>) target_semaphore(%arg28 : memref<!tpu.dma_semaphore, #tpu.memory_space<semaphore_mem>>)
    %dma_wait3A = arith.constant 0 : i32
    %dma_wait3A_174 = arith.constant 0 : i32
    %dma_wait3A_175 = tpu.memref_slice %arg9[%dma_wait3A, %dma_wait3A_174] : memref<8x40xi32, #tpu.memory_space<vmem>> -> memref<1x40xi32, #tpu.memory_space<vmem>>
    %dma_wait3A_176 = tpu.memref_squeeze %dma_wait3A_175 : memref<1x40xi32, #tpu.memory_space<vmem>> -> memref<40xi32, #tpu.memory_space<vmem>>
    %dma_wait3A_177 = arith.constant 0 : i32
    %dma_wait3A_178 = tpu.memref_slice %arg5[%dma_wait3A_177] : memref<320000xi32, #tpu.memory_space<hbm>> -> memref<40xi32, #tpu.memory_space<hbm>>
    %dma_wait3A_179 = arith.constant 0 : i32
    %dma_wait3A_180 = tpu.memref_slice %arg9[%dma_wait3A, %dma_wait3A_179] : memref<8x40xi32, #tpu.memory_space<vmem>> -> memref<1x40xi32, #tpu.memory_space<vmem>>
    %dma_wait3A_181 = tpu.memref_squeeze %dma_wait3A_180 : memref<1x40xi32, #tpu.memory_space<vmem>> -> memref<40xi32, #tpu.memory_space<vmem>>
    %dma_wait3A_182 = arith.constant 0 : i32
    %dma_wait3A_183 = tpu.memref_slice %arg5[%dma_wait3A_182] : memref<320000xi32, #tpu.memory_space<hbm>> -> memref<40xi32, #tpu.memory_space<hbm>>
    tpu.wait_dma2 semaphore(%arg28 : memref<!tpu.dma_semaphore, #tpu.memory_space<semaphore_mem>>) src(%dma_wait3A_183 : memref<40xi32, #tpu.memory_space<hbm>>) dst(%dma_wait3A_181 : memref<40xi32, #tpu.memory_space<vmem>>)
    %dma_wait3A_184 = arith.constant 0 : i32
    %dma_wait3A_185 = arith.constant 0 : i32
    %dma_wait3A_186 = tpu.memref_slice %arg10[%dma_wait3A_184, %dma_wait3A_185] : memref<8x40xi32, #tpu.memory_space<vmem>> -> memref<1x40xi32, #tpu.memory_space<vmem>>
    %dma_wait3A_187 = tpu.memref_squeeze %dma_wait3A_186 : memref<1x40xi32, #tpu.memory_space<vmem>> -> memref<40xi32, #tpu.memory_space<vmem>>
    %dma_wait3A_188 = arith.constant 0 : i32
    %dma_wait3A_189 = tpu.memref_slice %arg6[%dma_wait3A_188] : memref<320000xi32, #tpu.memory_space<hbm>> -> memref<40xi32, #tpu.memory_space<hbm>>
    %dma_wait3A_190 = arith.constant 0 : i32
    %dma_wait3A_191 = tpu.memref_slice %arg10[%dma_wait3A_184, %dma_wait3A_190] : memref<8x40xi32, #tpu.memory_space<vmem>> -> memref<1x40xi32, #tpu.memory_space<vmem>>
    %dma_wait3A_192 = tpu.memref_squeeze %dma_wait3A_191 : memref<1x40xi32, #tpu.memory_space<vmem>> -> memref<40xi32, #tpu.memory_space<vmem>>
    %dma_wait3A_193 = arith.constant 0 : i32
    %dma_wait3A_194 = tpu.memref_slice %arg6[%dma_wait3A_193] : memref<320000xi32, #tpu.memory_space<hbm>> -> memref<40xi32, #tpu.memory_space<hbm>>
    tpu.wait_dma2 semaphore(%arg28 : memref<!tpu.dma_semaphore, #tpu.memory_space<semaphore_mem>>) src(%dma_wait3A_194 : memref<40xi32, #tpu.memory_space<hbm>>) dst(%dma_wait3A_192 : memref<40xi32, #tpu.memory_space<vmem>>)
    %dma_wait3A_195 = arith.constant 0 : i32
    %dma_wait3A_196 = arith.constant 0 : i32
    %dma_wait3A_197 = tpu.memref_slice %arg9[%dma_wait3A_195, %dma_wait3A_196] : memref<8x40xi32, #tpu.memory_space<vmem>> -> memref<1x40xi32, #tpu.memory_space<vmem>>
    %dma_wait3A_198 = tpu.memref_squeeze %dma_wait3A_197 : memref<1x40xi32, #tpu.memory_space<vmem>> -> memref<40xi32, #tpu.memory_space<vmem>>
    %dma_wait3A_199 = arith.constant 0 : i32
    %dma_wait3A_200 = tpu.memref_slice %arg5[%dma_wait3A_199] : memref<320000xi32, #tpu.memory_space<hbm>> -> memref<40xi32, #tpu.memory_space<hbm>>
    %dma_wait3A_201 = arith.constant 0 : i32
    %dma_wait3A_202 = tpu.memref_slice %arg9[%dma_wait3A_195, %dma_wait3A_201] : memref<8x40xi32, #tpu.memory_space<vmem>> -> memref<1x40xi32, #tpu.memory_space<vmem>>
    %dma_wait3A_203 = tpu.memref_squeeze %dma_wait3A_202 : memref<1x40xi32, #tpu.memory_space<vmem>> -> memref<40xi32, #tpu.memory_space<vmem>>
    %dma_wait3A_204 = arith.constant 0 : i32
    %dma_wait3A_205 = tpu.memref_slice %arg5[%dma_wait3A_204] : memref<320000xi32, #tpu.memory_space<hbm>> -> memref<40xi32, #tpu.memory_space<hbm>>
    tpu.wait_dma2 semaphore(%arg28 : memref<!tpu.dma_semaphore, #tpu.memory_space<semaphore_mem>>) src(%dma_wait3A_205 : memref<40xi32, #tpu.memory_space<hbm>>) dst(%dma_wait3A_203 : memref<40xi32, #tpu.memory_space<vmem>>)
    %dma_wait3A_206 = arith.constant 0 : i32
    %dma_wait3A_207 = arith.constant 0 : i32
    %dma_wait3A_208 = tpu.memref_slice %arg10[%dma_wait3A_206, %dma_wait3A_207] : memref<8x40xi32, #tpu.memory_space<vmem>> -> memref<1x40xi32, #tpu.memory_space<vmem>>
    %dma_wait3A_209 = tpu.memref_squeeze %dma_wait3A_208 : memref<1x40xi32, #tpu.memory_space<vmem>> -> memref<40xi32, #tpu.memory_space<vmem>>
    %dma_wait3A_210 = arith.constant 0 : i32
    %dma_wait3A_211 = tpu.memref_slice %arg6[%dma_wait3A_210] : memref<320000xi32, #tpu.memory_space<hbm>> -> memref<40xi32, #tpu.memory_space<hbm>>
    %dma_wait3A_212 = arith.constant 0 : i32
    %dma_wait3A_213 = tpu.memref_slice %arg10[%dma_wait3A_206, %dma_wait3A_212] : memref<8x40xi32, #tpu.memory_space<vmem>> -> memref<1x40xi32, #tpu.memory_space<vmem>>
    %dma_wait3A_214 = tpu.memref_squeeze %dma_wait3A_213 : memref<1x40xi32, #tpu.memory_space<vmem>> -> memref<40xi32, #tpu.memory_space<vmem>>
    %dma_wait3A_215 = arith.constant 0 : i32
    %dma_wait3A_216 = tpu.memref_slice %arg6[%dma_wait3A_215] : memref<320000xi32, #tpu.memory_space<hbm>> -> memref<40xi32, #tpu.memory_space<hbm>>
    tpu.wait_dma2 semaphore(%arg28 : memref<!tpu.dma_semaphore, #tpu.memory_space<semaphore_mem>>) src(%dma_wait3A_216 : memref<40xi32, #tpu.memory_space<hbm>>) dst(%dma_wait3A_214 : memref<40xi32, #tpu.memory_space<vmem>>)
    %rem3A_217 = arith.constant 0 : i32
    %rem3A_218 = arith.constant 8 : i32
    %rem3A_219 = arith.remsi %rem3A_217, %rem3A_218 : i32
    %mul3A_220 = arith.constant 0 : i32
    %mul3A_221 = arith.constant 40 : i32
    %mul3A_222 = arith.muli %mul3A_220, %mul3A_221 : i32
    %add3A_223 = arith.addi %mul3A_54, %mul3A_222 : i32
    %dma_start3A_224 = arith.constant 0 : i32
    %dma_start3A_225 = tpu.memref_slice %arg10[%rem3A_219, %dma_start3A_224] : memref<8x40xi32, #tpu.memory_space<vmem>> -> memref<1x40xi32, #tpu.memory_space<vmem>>
    %dma_start3A_226 = tpu.memref_squeeze %dma_start3A_225 : memref<1x40xi32, #tpu.memory_space<vmem>> -> memref<40xi32, #tpu.memory_space<vmem>>
    %dma_start3A_227 = arith.constant 0 : i32
    %dma_start3A_228 = arith.constant 0 : i32
    %dma_start3A_229 = tpu.memref_slice %arg2[%dma_start3A_227, %dma_start3A_228] : memref<10000x160xbf16, #tpu.memory_space<hbm>> -> memref<10000x160xbf16, #tpu.memory_space<hbm>>
    tpu.enqueue_indirect_dma source(%dma_start3A_229 : memref<10000x160xbf16, #tpu.memory_space<hbm>>) target(%arg11 : memref<40x160xbf16, #tpu.memory_space<vmem>>) offsets(%dma_start3A_226 : memref<40xi32, #tpu.memory_space<vmem>>) semaphore(%arg22 : memref<!tpu.dma_semaphore, #tpu.memory_space<semaphore_mem>>)
    %dma_start3A_230 = arith.constant 0 : i32
    %dma_start3A_231 = tpu.memref_slice %arg9[%rem3A_219, %dma_start3A_230] : memref<8x40xi32, #tpu.memory_space<vmem>> -> memref<1x40xi32, #tpu.memory_space<vmem>>
    %dma_start3A_232 = tpu.memref_squeeze %dma_start3A_231 : memref<1x40xi32, #tpu.memory_space<vmem>> -> memref<40xi32, #tpu.memory_space<vmem>>
    %dma_start3A_233 = arith.constant 0 : i32
    %dma_start3A_234 = arith.constant 0 : i32
    %dma_start3A_235 = tpu.memref_slice %arg3[%dma_start3A_233, %dma_start3A_234] : memref<10000x256xbf16, #tpu.memory_space<hbm>> -> memref<10000x256xbf16, #tpu.memory_space<hbm>>
    tpu.enqueue_indirect_dma source(%dma_start3A_235 : memref<10000x256xbf16, #tpu.memory_space<hbm>>) target(%arg13 : memref<40x256xbf16, #tpu.memory_space<vmem>>) offsets(%dma_start3A_232 : memref<40xi32, #tpu.memory_space<vmem>>) semaphore(%arg22 : memref<!tpu.dma_semaphore, #tpu.memory_space<semaphore_mem>>)
    %dma_start3A_236 = arith.constant 0 : i32
    %dma_start3A_237 = tpu.memref_slice %arg4[%add3A_223, %dma_start3A_236] : memref<320000x16xf32, #tpu.memory_space<hbm>> -> memref<40x16xf32, #tpu.memory_space<hbm>>
    %dma_start3A_238 = arith.constant 0 : i32
    %dma_start3A_239 = tpu.memref_slice %arg4[%add3A_223, %dma_start3A_238] : memref<320000x16xf32, #tpu.memory_space<hbm>> -> memref<40x16xf32, #tpu.memory_space<hbm>>
    tpu.enqueue_dma source(%dma_start3A_239 : memref<40x16xf32, #tpu.memory_space<hbm>>) target(%arg15 : memref<40x16xf32, #tpu.memory_space<vmem>>) target_semaphore(%arg22 : memref<!tpu.dma_semaphore, #tpu.memory_space<semaphore_mem>>)
    %rem3A_240 = arith.constant 1 : i32
    %rem3A_241 = arith.constant 8 : i32
    %rem3A_242 = arith.remsi %rem3A_240, %rem3A_241 : i32
    %mul3A_243 = arith.constant 1 : i32
    %mul3A_244 = arith.constant 40 : i32
    %mul3A_245 = arith.muli %mul3A_243, %mul3A_244 : i32
    %add3A_246 = arith.addi %mul3A_54, %mul3A_245 : i32
    %dma_start3A_247 = arith.constant 0 : i32
    %dma_start3A_248 = tpu.memref_slice %arg10[%rem3A_242, %dma_start3A_247] : memref<8x40xi32, #tpu.memory_space<vmem>> -> memref<1x40xi32, #tpu.memory_space<vmem>>
    %dma_start3A_249 = tpu.memref_squeeze %dma_start3A_248 : memref<1x40xi32, #tpu.memory_space<vmem>> -> memref<40xi32, #tpu.memory_space<vmem>>
    %dma_start3A_250 = arith.constant 0 : i32
    %dma_start3A_251 = arith.constant 0 : i32
    %dma_start3A_252 = tpu.memref_slice %arg2[%dma_start3A_250, %dma_start3A_251] : memref<10000x160xbf16, #tpu.memory_space<hbm>> -> memref<10000x160xbf16, #tpu.memory_space<hbm>>
    tpu.enqueue_indirect_dma source(%dma_start3A_252 : memref<10000x160xbf16, #tpu.memory_space<hbm>>) target(%arg12 : memref<40x160xbf16, #tpu.memory_space<vmem>>) offsets(%dma_start3A_249 : memref<40xi32, #tpu.memory_space<vmem>>) semaphore(%arg23 : memref<!tpu.dma_semaphore, #tpu.memory_space<semaphore_mem>>)
    %dma_start3A_253 = arith.constant 0 : i32
    %dma_start3A_254 = tpu.memref_slice %arg9[%rem3A_242, %dma_start3A_253] : memref<8x40xi32, #tpu.memory_space<vmem>> -> memref<1x40xi32, #tpu.memory_space<vmem>>
    %dma_start3A_255 = tpu.memref_squeeze %dma_start3A_254 : memref<1x40xi32, #tpu.memory_space<vmem>> -> memref<40xi32, #tpu.memory_space<vmem>>
    %dma_start3A_256 = arith.constant 0 : i32
    %dma_start3A_257 = arith.constant 0 : i32
    %dma_start3A_258 = tpu.memref_slice %arg3[%dma_start3A_256, %dma_start3A_257] : memref<10000x256xbf16, #tpu.memory_space<hbm>> -> memref<10000x256xbf16, #tpu.memory_space<hbm>>
    tpu.enqueue_indirect_dma source(%dma_start3A_258 : memref<10000x256xbf16, #tpu.memory_space<hbm>>) target(%arg14 : memref<40x256xbf16, #tpu.memory_space<vmem>>) offsets(%dma_start3A_255 : memref<40xi32, #tpu.memory_space<vmem>>) semaphore(%arg23 : memref<!tpu.dma_semaphore, #tpu.memory_space<semaphore_mem>>)
    %dma_start3A_259 = arith.constant 0 : i32
    %dma_start3A_260 = tpu.memref_slice %arg4[%add3A_246, %dma_start3A_259] : memref<320000x16xf32, #tpu.memory_space<hbm>> -> memref<40x16xf32, #tpu.memory_space<hbm>>
    %dma_start3A_261 = arith.constant 0 : i32
    %dma_start3A_262 = tpu.memref_slice %arg4[%add3A_246, %dma_start3A_261] : memref<320000x16xf32, #tpu.memory_space<hbm>> -> memref<40x16xf32, #tpu.memory_space<hbm>>
    tpu.enqueue_dma source(%dma_start3A_262 : memref<40x16xf32, #tpu.memory_space<hbm>>) target(%arg16 : memref<40x16xf32, #tpu.memory_space<vmem>>) target_semaphore(%arg23 : memref<!tpu.dma_semaphore, #tpu.memory_space<semaphore_mem>>)
    %scan3A_263 = arith.constant 0 : i32
    %scan3A_264 = arith.constant 0 : i32
    %scan3A_265 = arith.constant 125 : i32
    %scan3A_266 = arith.addi %scan3A_264, %scan3A_265 : i32
    %scan3A_267 = arith.constant 1 : i32
    %scan3A_268 = scf.for %scan3A_341 = %scan3A_264 to %scan3A_266 step %scan3A_267 iter_args(%scan3A_342 = %scan3A_263) -> (i32)  : i32 {
      %mul3A_343 = arith.constant 2 : i32
      %mul3A_344 = arith.muli %mul3A_343, %scan3A_341 : i32
      %add3A_345 = arith.constant 0 : i32
      %add3A_346 = arith.addi %mul3A_344, %add3A_345 : i32
      %rem3A_347 = arith.constant 8 : i32
      %rem3A_348 = arith.remsi %add3A_346, %rem3A_347 : i32
      %mul3A_349 = arith.constant 40 : i32
      %mul3A_350 = arith.muli %add3A_346, %mul3A_349 : i32
      %add3A_351 = arith.addi %mul3A_54, %mul3A_350 : i32
      %dma_wait3A_352 = arith.constant 0 : i32
      %dma_wait3A_353 = tpu.memref_slice %arg10[%rem3A_348, %dma_wait3A_352] : memref<8x40xi32, #tpu.memory_space<vmem>> -> memref<1x40xi32, #tpu.memory_space<vmem>>
      %dma_wait3A_354 = tpu.memref_squeeze %dma_wait3A_353 : memref<1x40xi32, #tpu.memory_space<vmem>> -> memref<40xi32, #tpu.memory_space<vmem>>
      %dma_wait3A_355 = arith.constant 0 : i32
      %dma_wait3A_356 = arith.constant 0 : i32
      %dma_wait3A_357 = tpu.memref_slice %arg2[%dma_wait3A_355, %dma_wait3A_356] : memref<10000x160xbf16, #tpu.memory_space<hbm>> -> memref<10000x160xbf16, #tpu.memory_space<hbm>>
      tpu.wait_indirect_dma semaphore(%arg22 : memref<!tpu.dma_semaphore, #tpu.memory_space<semaphore_mem>>) src(%dma_wait3A_357 : memref<10000x160xbf16, #tpu.memory_space<hbm>>) dst(%arg11 : memref<40x160xbf16, #tpu.memory_space<vmem>>)
      %dma_wait3A_358 = arith.constant 0 : i32
      %dma_wait3A_359 = tpu.memref_slice %arg9[%rem3A_348, %dma_wait3A_358] : memref<8x40xi32, #tpu.memory_space<vmem>> -> memref<1x40xi32, #tpu.memory_space<vmem>>
      %dma_wait3A_360 = tpu.memref_squeeze %dma_wait3A_359 : memref<1x40xi32, #tpu.memory_space<vmem>> -> memref<40xi32, #tpu.memory_space<vmem>>
      %dma_wait3A_361 = arith.constant 0 : i32
      %dma_wait3A_362 = arith.constant 0 : i32
      %dma_wait3A_363 = tpu.memref_slice %arg3[%dma_wait3A_361, %dma_wait3A_362] : memref<10000x256xbf16, #tpu.memory_space<hbm>> -> memref<10000x256xbf16, #tpu.memory_space<hbm>>
      tpu.wait_indirect_dma semaphore(%arg22 : memref<!tpu.dma_semaphore, #tpu.memory_space<semaphore_mem>>) src(%dma_wait3A_363 : memref<10000x256xbf16, #tpu.memory_space<hbm>>) dst(%arg13 : memref<40x256xbf16, #tpu.memory_space<vmem>>)
      %dma_wait3A_364 = arith.constant 0 : i32
      %dma_wait3A_365 = tpu.memref_slice %arg4[%add3A_351, %dma_wait3A_364] : memref<320000x16xf32, #tpu.memory_space<hbm>> -> memref<40x16xf32, #tpu.memory_space<hbm>>
      %dma_wait3A_366 = arith.constant 0 : i32
      %dma_wait3A_367 = tpu.memref_slice %arg4[%add3A_351, %dma_wait3A_366] : memref<320000x16xf32, #tpu.memory_space<hbm>> -> memref<40x16xf32, #tpu.memory_space<hbm>>
      tpu.wait_dma2 semaphore(%arg22 : memref<!tpu.dma_semaphore, #tpu.memory_space<semaphore_mem>>) src(%dma_wait3A_367 : memref<40x16xf32, #tpu.memory_space<hbm>>) dst(%arg15 : memref<40x16xf32, #tpu.memory_space<vmem>>)
      %ge3A = arith.constant 2 : i32
      %ge3A_368 = arith.cmpi sge, %add3A_346, %ge3A : i32
      %convert_element_type3A = arith.extui %ge3A_368 : i1 to i32
      %cond3A = arith.constant 0 : i32
      %cond3A_369 = arith.cmpi ne, %convert_element_type3A, %cond3A : i32
      scf.if %cond3A_369 {
        %sub3A = arith.constant 2 : i32
        %sub3A_477 = arith.subi %add3A_346, %sub3A : i32
        %max3A = arith.constant 0 : i32
        %max3A_478 = arith.maxsi %sub3A_477, %max3A : i32
        %rem3A_479 = arith.constant 8 : i32
        %rem3A_480 = arith.remsi %max3A_478, %rem3A_479 : i32
        %mul3A_481 = arith.constant 40 : i32
        %mul3A_482 = arith.muli %max3A_478, %mul3A_481 : i32
        %add3A_483 = arith.addi %mul3A_54, %mul3A_482 : i32
        %dma_wait3A_484 = arith.constant 0 : i32
        %dma_wait3A_485 = tpu.memref_slice %arg10[%rem3A_480, %dma_wait3A_484] : memref<8x40xi32, #tpu.memory_space<vmem>> -> memref<1x40xi32, #tpu.memory_space<vmem>>
        %dma_wait3A_486 = tpu.memref_squeeze %dma_wait3A_485 : memref<1x40xi32, #tpu.memory_space<vmem>> -> memref<40xi32, #tpu.memory_space<vmem>>
        %dma_wait3A_487 = arith.constant 0 : i32
        %dma_wait3A_488 = arith.constant 0 : i32
        %dma_wait3A_489 = tpu.memref_slice %arg21[%dma_wait3A_487, %dma_wait3A_488] : memref<10000x128xf32, #tpu.memory_space<vmem_shared>> -> memref<10000x128xf32, #tpu.memory_space<vmem_shared>>
        tpu.wait_indirect_dma semaphore(%arg26 : memref<!tpu.dma_semaphore, #tpu.memory_space<semaphore_mem>>) src(%arg17 : memref<40x128xf32, #tpu.memory_space<vmem>>) dst(%dma_wait3A_489 : memref<10000x128xf32, #tpu.memory_space<vmem_shared>>)
        %dma_wait3A_490 = arith.constant 0 : i32
        %dma_wait3A_491 = tpu.memref_slice %arg19[%dma_wait3A_490] : memref<48xf32, #tpu.memory_space<vmem>> -> memref<40xf32, #tpu.memory_space<vmem>>
        %dma_wait3A_492 = tpu.memref_slice %arg8[%add3A_483] : memref<320000xf32, #tpu.memory_space<hbm>> -> memref<40xf32, #tpu.memory_space<hbm>>
        %dma_wait3A_493 = tpu.memref_slice %arg8[%add3A_483] : memref<320000xf32, #tpu.memory_space<hbm>> -> memref<40xf32, #tpu.memory_space<hbm>>
        %dma_wait3A_494 = arith.constant 0 : i32
        %dma_wait3A_495 = tpu.memref_slice %arg19[%dma_wait3A_494] : memref<48xf32, #tpu.memory_space<vmem>> -> memref<40xf32, #tpu.memory_space<vmem>>
        tpu.wait_dma2 semaphore(%arg24 : memref<!tpu.dma_semaphore, #tpu.memory_space<semaphore_mem>>) src(%dma_wait3A_495 : memref<40xf32, #tpu.memory_space<vmem>>) dst(%dma_wait3A_493 : memref<40xf32, #tpu.memory_space<hbm>>)
      } else {
      }
      %scan3A_370 = arith.constant 0 : i32
      %scan3A_371 = arith.constant 0 : i32
      %scan3A_372 = arith.constant 40 : i32
      %scan3A_373 = arith.addi %scan3A_371, %scan3A_372 : i32
      %scan3A_374 = arith.constant 1 : i32
      %scan3A_375 = scf.for %scan3A_477 = %scan3A_371 to %scan3A_373 step %scan3A_374 iter_args(%scan3A_478 = %scan3A_370) -> (i32)  : i32 {
        %get3A = arith.index_cast %scan3A_477 : i32 to index
        %get3A_479 = arith.constant 0 : index
        %get3A_480 = tpu.vector_load %arg11[%get3A, %get3A_479] {strides = array<i32>} : memref<40x160xbf16, #tpu.memory_space<vmem>>, vector<32xbf16>,
        %unpack3A = tpu.unpack_subelements %get3A_480, 0 {pack_format = #tpu.pack_format<interleaved>} : vector<32xbf16> -> vector<16xf32>
        %unpack3A_481 = tpu.unpack_subelements %get3A_480, 1 {pack_format = #tpu.pack_format<interleaved>} : vector<32xbf16> -> vector<16xf32>
        %get3A_482 = arith.index_cast %scan3A_477 : i32 to index
        %get3A_483 = arith.constant 0 : index
        %get3A_484 = tpu.vector_load %arg13[%get3A_482, %get3A_483] {strides = array<i32>} : memref<40x256xbf16, #tpu.memory_space<vmem>>, vector<32xbf16>,
        %unpack3A_485 = tpu.unpack_subelements %get3A_484, 0 {pack_format = #tpu.pack_format<interleaved>} : vector<32xbf16> -> vector<16xf32>
        %unpack3A_486 = tpu.unpack_subelements %get3A_484, 1 {pack_format = #tpu.pack_format<interleaved>} : vector<32xbf16> -> vector<16xf32>
        %mul3A_487 = arith.mulf %unpack3A, %unpack3A_485 : vector<16xf32>
        %mul3A_488 = arith.mulf %unpack3A_481, %unpack3A_486 : vector<16xf32>
        %add3A_489 = arith.addf %mul3A_487, %mul3A_488 : vector<16xf32>
        %get3A_490 = arith.index_cast %scan3A_477 : i32 to index
        %get3A_491 = arith.constant 32 : index
        %get3A_492 = tpu.vector_load %arg11[%get3A_490, %get3A_491] {strides = array<i32>} : memref<40x160xbf16, #tpu.memory_space<vmem>>, vector<32xbf16>,
        %unpack3A_493 = tpu.unpack_subelements %get3A_492, 0 {pack_format = #tpu.pack_format<interleaved>} : vector<32xbf16> -> vector<16xf32>
        %unpack3A_494 = tpu.unpack_subelements %get3A_492, 1 {pack_format = #tpu.pack_format<interleaved>} : vector<32xbf16> -> vector<16xf32>
        %get3A_495 = arith.index_cast %scan3A_477 : i32 to index
        %get3A_496 = arith.constant 32 : index
        %get3A_497 = tpu.vector_load %arg13[%get3A_495, %get3A_496] {strides = array<i32>} : memref<40x256xbf16, #tpu.memory_space<vmem>>, vector<32xbf16>,
        %unpack3A_498 = tpu.unpack_subelements %get3A_497, 0 {pack_format = #tpu.pack_format<interleaved>} : vector<32xbf16> -> vector<16xf32>
        %unpack3A_499 = tpu.unpack_subelements %get3A_497, 1 {pack_format = #tpu.pack_format<interleaved>} : vector<32xbf16> -> vector<16xf32>
        %mul3A_500 = arith.mulf %unpack3A_493, %unpack3A_498 : vector<16xf32>
        %mul3A_501 = arith.mulf %unpack3A_494, %unpack3A_499 : vector<16xf32>
        %add3A_502 = arith.addf %mul3A_500, %mul3A_501 : vector<16xf32>
        %add3A_503 = arith.addf %add3A_489, %add3A_502 : vector<16xf32>
        %get3A_504 = arith.index_cast %scan3A_477 : i32 to index
        %get3A_505 = arith.constant 64 : index
        %get3A_506 = tpu.vector_load %arg11[%get3A_504, %get3A_505] {strides = array<i32>} : memref<40x160xbf16, #tpu.memory_space<vmem>>, vector<32xbf16>,
        %unpack3A_507 = tpu.unpack_subelements %get3A_506, 0 {pack_format = #tpu.pack_format<interleaved>} : vector<32xbf16> -> vector<16xf32>
        %unpack3A_508 = tpu.unpack_subelements %get3A_506, 1 {pack_format = #tpu.pack_format<interleaved>} : vector<32xbf16> -> vector<16xf32>
        %get3A_509 = arith.index_cast %scan3A_477 : i32 to index
        %get3A_510 = arith.constant 64 : index
        %get3A_511 = tpu.vector_load %arg13[%get3A_509, %get3A_510] {strides = array<i32>} : memref<40x256xbf16, #tpu.memory_space<vmem>>, vector<32xbf16>,
        %unpack3A_512 = tpu.unpack_subelements %get3A_511, 0 {pack_format = #tpu.pack_format<interleaved>} : vector<32xbf16> -> vector<16xf32>
        %unpack3A_513 = tpu.unpack_subelements %get3A_511, 1 {pack_format = #tpu.pack_format<interleaved>} : vector<32xbf16> -> vector<16xf32>
        %mul3A_514 = arith.mulf %unpack3A_507, %unpack3A_512 : vector<16xf32>
        %mul3A_515 = arith.mulf %unpack3A_508, %unpack3A_513 : vector<16xf32>
        %add3A_516 = arith.addf %mul3A_514, %mul3A_515 : vector<16xf32>
        %add3A_517 = arith.addf %add3A_503, %add3A_516 : vector<16xf32>
        %get3A_518 = arith.index_cast %scan3A_477 : i32 to index
        %get3A_519 = arith.constant 96 : index
        %get3A_520 = tpu.vector_load %arg11[%get3A_518, %get3A_519] {strides = array<i32>} : memref<40x160xbf16, #tpu.memory_space<vmem>>, vector<32xbf16>,
        %unpack3A_521 = tpu.unpack_subelements %get3A_520, 0 {pack_format = #tpu.pack_format<interleaved>} : vector<32xbf16> -> vector<16xf32>
        %unpack3A_522 = tpu.unpack_subelements %get3A_520, 1 {pack_format = #tpu.pack_format<interleaved>} : vector<32xbf16> -> vector<16xf32>
        %get3A_523 = arith.index_cast %scan3A_477 : i32 to index
        %get3A_524 = arith.constant 96 : index
        %get3A_525 = tpu.vector_load %arg13[%get3A_523, %get3A_524] {strides = array<i32>} : memref<40x256xbf16, #tpu.memory_space<vmem>>, vector<32xbf16>,
        %unpack3A_526 = tpu.unpack_subelements %get3A_525, 0 {pack_format = #tpu.pack_format<interleaved>} : vector<32xbf16> -> vector<16xf32>
        %unpack3A_527 = tpu.unpack_subelements %get3A_525, 1 {pack_format = #tpu.pack_format<interleaved>} : vector<32xbf16> -> vector<16xf32>
        %mul3A_528 = arith.mulf %unpack3A_521, %unpack3A_526 : vector<16xf32>
        %mul3A_529 = arith.mulf %unpack3A_522, %unpack3A_527 : vector<16xf32>
        %add3A_530 = arith.addf %mul3A_528, %mul3A_529 : vector<16xf32>
        %add3A_531 = arith.addf %add3A_517, %add3A_530 : vector<16xf32>
        %get3A_532 = arith.index_cast %scan3A_477 : i32 to index
        %get3A_533 = arith.constant 128 : index
        %get3A_534 = tpu.vector_load %arg11[%get3A_532, %get3A_533] {strides = array<i32>} : memref<40x160xbf16, #tpu.memory_space<vmem>>, vector<32xbf16>,
        %unpack3A_535 = tpu.unpack_subelements %get3A_534, 0 {pack_format = #tpu.pack_format<interleaved>} : vector<32xbf16> -> vector<16xf32>
        %unpack3A_536 = tpu.unpack_subelements %get3A_534, 1 {pack_format = #tpu.pack_format<interleaved>} : vector<32xbf16> -> vector<16xf32>
        %get3A_537 = arith.index_cast %scan3A_477 : i32 to index
        %get3A_538 = arith.constant 0 : index
        %get3A_539 = tpu.vector_load %arg15[%get3A_537, %get3A_538] {strides = array<i32>} : memref<40x16xf32, #tpu.memory_space<vmem>>, vector<16xf32>,
        %reshape3A = vector.shape_cast %select_n3A : vector<16xi32> to vector<16x1xi32>
        %gather3A = vector.shape_cast %reshape3A : vector<16x1xi32> to vector<16xi32>
        %gather3A_540 = tpu.dynamic_gather %get3A_539[%gather3A] in [0] : vector<16xf32>, vector<16xi32> -> vector<16xf32>
        %reshape3A_541 = vector.shape_cast %select_n3A_74 : vector<16xi32> to vector<16x1xi32>
        %gather3A_542 = vector.shape_cast %reshape3A_541 : vector<16x1xi32> to vector<16xi32>
        %gather3A_543 = tpu.dynamic_gather %get3A_539[%gather3A_542] in [0] : vector<16xf32>, vector<16xi32> -> vector<16xf32>
        %mul3A_544 = arith.mulf %unpack3A_535, %gather3A_540 : vector<16xf32>
        %add3A_545 = arith.addf %add3A_531, %mul3A_544 : vector<16xf32>
        %mul3A_546 = arith.mulf %unpack3A_536, %gather3A_543 : vector<16xf32>
        %add3A_547 = arith.addf %add3A_545, %mul3A_546 : vector<16xf32>
        %reshape3A_548 = vector.shape_cast %xor3A_2 : vector<16xi32> to vector<16x1xi32>
        %gather3A_549 = vector.shape_cast %reshape3A_548 : vector<16x1xi32> to vector<16xi32>
        %gather3A_550 = tpu.dynamic_gather %add3A_547[%gather3A_549] in [0] : vector<16xf32>, vector<16xi32> -> vector<16xf32>
        %add3A_551 = arith.addf %add3A_547, %gather3A_550 : vector<16xf32>
        %reshape3A_552 = vector.shape_cast %xor3A_5 : vector<16xi32> to vector<16x1xi32>
        %gather3A_553 = vector.shape_cast %reshape3A_552 : vector<16x1xi32> to vector<16xi32>
        %gather3A_554 = tpu.dynamic_gather %add3A_551[%gather3A_553] in [0] : vector<16xf32>, vector<16xi32> -> vector<16xf32>
        %add3A_555 = arith.addf %add3A_551, %gather3A_554 : vector<16xf32>
        %reshape3A_556 = vector.shape_cast %xor3A_8 : vector<16xi32> to vector<16x1xi32>
        %gather3A_557 = vector.shape_cast %reshape3A_556 : vector<16x1xi32> to vector<16xi32>
        %gather3A_558 = tpu.dynamic_gather %add3A_555[%gather3A_557] in [0] : vector<16xf32>, vector<16xi32> -> vector<16xf32>
        %add3A_559 = arith.addf %add3A_555, %gather3A_558 : vector<16xf32>
        %reshape3A_560 = vector.shape_cast %xor3A_11 : vector<16xi32> to vector<16x1xi32>
        %gather3A_561 = vector.shape_cast %reshape3A_560 : vector<16x1xi32> to vector<16xi32>
        %gather3A_562 = tpu.dynamic_gather %add3A_559[%gather3A_561] in [0] : vector<16xf32>, vector<16xi32> -> vector<16xf32>
        %add3A_563 = arith.addf %add3A_559, %gather3A_562 : vector<16xf32>
        %mul3A_564 = arith.constant 0.0883883461 : f32
        %mul3A_565 = vector.broadcast %mul3A_564 : f32 to vector<16xf32>
        %mul3A_566 = arith.mulf %add3A_563, %mul3A_565 : vector<16xf32>
        %exp3A = math.exp %mul3A_566 : vector<16xf32>
        %broadcast_in_dim3A_567 = vector.broadcast %scan3A_477 : i32 to vector<16xi32>
        %get3A_568 = arith.index_cast %scan3A_477 : i32 to index
        %get3A_569 = arith.constant 128 : index
        %get3A_570 = tpu.vector_load %arg13[%get3A_568, %get3A_569] {strides = array<i32>} : memref<40x256xbf16, #tpu.memory_space<vmem>>, vector<32xbf16>,
        %unpack3A_571 = tpu.unpack_subelements %get3A_570, 0 {pack_format = #tpu.pack_format<interleaved>} : vector<32xbf16> -> vector<16xf32>
        %unpack3A_572 = tpu.unpack_subelements %get3A_570, 1 {pack_format = #tpu.pack_format<interleaved>} : vector<32xbf16> -> vector<16xf32>
        %add3A_573 = arith.constant 0 : i32
        %add3A_574 = vector.broadcast %add3A_573 : i32 to vector<16xi32>
        %add3A_575 = arith.addi %add3A_574, %mul3A_77 : vector<16xi32>
        %mul3A_576 = arith.mulf %exp3A, %unpack3A_571 : vector<16xf32>
        tpu.vector_store_idx %arg17[%broadcast_in_dim3A_567, %add3A_575], %mul3A_576 : memref<40x128xf32, #tpu.memory_space<vmem>>[vector<16xi32>, vector<16xi32>], vector<16xf32>,
        %add3A_577 = arith.constant 0 : i32
        %add3A_578 = vector.broadcast %add3A_577 : i32 to vector<16xi32>
        %add3A_579 = arith.addi %add3A_578, %add3A_83 : vector<16xi32>
        %mul3A_580 = arith.mulf %exp3A, %unpack3A_572 : vector<16xf32>
        tpu.vector_store_idx %arg17[%broadcast_in_dim3A_567, %add3A_579], %mul3A_580 : memref<40x128xf32, #tpu.memory_space<vmem>>[vector<16xi32>, vector<16xi32>], vector<16xf32>,
        %get3A_581 = arith.index_cast %scan3A_477 : i32 to index
        %get3A_582 = arith.constant 160 : index
        %get3A_583 = tpu.vector_load %arg13[%get3A_581, %get3A_582] {strides = array<i32>} : memref<40x256xbf16, #tpu.memory_space<vmem>>, vector<32xbf16>,
        %unpack3A_584 = tpu.unpack_subelements %get3A_583, 0 {pack_format = #tpu.pack_format<interleaved>} : vector<32xbf16> -> vector<16xf32>
        %unpack3A_585 = tpu.unpack_subelements %get3A_583, 1 {pack_format = #tpu.pack_format<interleaved>} : vector<32xbf16> -> vector<16xf32>
        %add3A_586 = arith.constant 32 : i32
        %add3A_587 = vector.broadcast %add3A_586 : i32 to vector<16xi32>
        %add3A_588 = arith.addi %add3A_587, %mul3A_77 : vector<16xi32>
        %mul3A_589 = arith.mulf %exp3A, %unpack3A_584 : vector<16xf32>
        tpu.vector_store_idx %arg17[%broadcast_in_dim3A_567, %add3A_588], %mul3A_589 : memref<40x128xf32, #tpu.memory_space<vmem>>[vector<16xi32>, vector<16xi32>], vector<16xf32>,
        %add3A_590 = arith.constant 32 : i32
        %add3A_591 = vector.broadcast %add3A_590 : i32 to vector<16xi32>
        %add3A_592 = arith.addi %add3A_591, %add3A_83 : vector<16xi32>
        %mul3A_593 = arith.mulf %exp3A, %unpack3A_585 : vector<16xf32>
        tpu.vector_store_idx %arg17[%broadcast_in_dim3A_567, %add3A_592], %mul3A_593 : memref<40x128xf32, #tpu.memory_space<vmem>>[vector<16xi32>, vector<16xi32>], vector<16xf32>,
        %get3A_594 = arith.index_cast %scan3A_477 : i32 to index
        %get3A_595 = arith.constant 192 : index
        %get3A_596 = tpu.vector_load %arg13[%get3A_594, %get3A_595] {strides = array<i32>} : memref<40x256xbf16, #tpu.memory_space<vmem>>, vector<32xbf16>,
        %unpack3A_597 = tpu.unpack_subelements %get3A_596, 0 {pack_format = #tpu.pack_format<interleaved>} : vector<32xbf16> -> vector<16xf32>
        %unpack3A_598 = tpu.unpack_subelements %get3A_596, 1 {pack_format = #tpu.pack_format<interleaved>} : vector<32xbf16> -> vector<16xf32>
        %add3A_599 = arith.constant 64 : i32
        %add3A_600 = vector.broadcast %add3A_599 : i32 to vector<16xi32>
        %add3A_601 = arith.addi %add3A_600, %mul3A_77 : vector<16xi32>
        %mul3A_602 = arith.mulf %exp3A, %unpack3A_597 : vector<16xf32>
        tpu.vector_store_idx %arg17[%broadcast_in_dim3A_567, %add3A_601], %mul3A_602 : memref<40x128xf32, #tpu.memory_space<vmem>>[vector<16xi32>, vector<16xi32>], vector<16xf32>,
        %add3A_603 = arith.constant 64 : i32
        %add3A_604 = vector.broadcast %add3A_603 : i32 to vector<16xi32>
        %add3A_605 = arith.addi %add3A_604, %add3A_83 : vector<16xi32>
        %mul3A_606 = arith.mulf %exp3A, %unpack3A_598 : vector<16xf32>
        tpu.vector_store_idx %arg17[%broadcast_in_dim3A_567, %add3A_605], %mul3A_606 : memref<40x128xf32, #tpu.memory_space<vmem>>[vector<16xi32>, vector<16xi32>], vector<16xf32>,
        %get3A_607 = arith.index_cast %scan3A_477 : i32 to index
        %get3A_608 = arith.constant 224 : index
        %get3A_609 = tpu.vector_load %arg13[%get3A_607, %get3A_608] {strides = array<i32>} : memref<40x256xbf16, #tpu.memory_space<vmem>>, vector<32xbf16>,
        %unpack3A_610 = tpu.unpack_subelements %get3A_609, 0 {pack_format = #tpu.pack_format<interleaved>} : vector<32xbf16> -> vector<16xf32>
        %unpack3A_611 = tpu.unpack_subelements %get3A_609, 1 {pack_format = #tpu.pack_format<interleaved>} : vector<32xbf16> -> vector<16xf32>
        %add3A_612 = arith.constant 96 : i32
        %add3A_613 = vector.broadcast %add3A_612 : i32 to vector<16xi32>
        %add3A_614 = arith.addi %add3A_613, %mul3A_77 : vector<16xi32>
        %mul3A_615 = arith.mulf %exp3A, %unpack3A_610 : vector<16xf32>
        tpu.vector_store_idx %arg17[%broadcast_in_dim3A_567, %add3A_614], %mul3A_615 : memref<40x128xf32, #tpu.memory_space<vmem>>[vector<16xi32>, vector<16xi32>], vector<16xf32>,
        %add3A_616 = arith.constant 96 : i32
        %add3A_617 = vector.broadcast %add3A_616 : i32 to vector<16xi32>
        %add3A_618 = arith.addi %add3A_617, %add3A_83 : vector<16xi32>
        %mul3A_619 = arith.mulf %exp3A, %unpack3A_611 : vector<16xf32>
        tpu.vector_store_idx %arg17[%broadcast_in_dim3A_567, %add3A_618], %mul3A_619 : memref<40x128xf32, #tpu.memory_space<vmem>>[vector<16xi32>, vector<16xi32>], vector<16xf32>,
        tpu.vector_store_idx %arg19[%broadcast_in_dim3A_567], %exp3A masked %eq3A_56 : memref<48xf32, #tpu.memory_space<vmem>>[vector<16xi32>], vector<16xf32>, vector<16xi1>
        %scan3A_620 = arith.constant 0 : i32
        scf.yield %scan3A_620 : i32
      }
      %scan3A_376 = arith.constant 40 : i32
      %rem3A_377 = arith.constant 8 : i32
      %rem3A_378 = arith.remsi %add3A_346, %rem3A_377 : i32
      %mul3A_379 = arith.constant 40 : i32
      %mul3A_380 = arith.muli %add3A_346, %mul3A_379 : i32
      %add3A_381 = arith.addi %mul3A_54, %mul3A_380 : i32
      %dma_start3A_382 = arith.constant 0 : i32
      %dma_start3A_383 = tpu.memref_slice %arg10[%rem3A_378, %dma_start3A_382] : memref<8x40xi32, #tpu.memory_space<vmem>> -> memref<1x40xi32, #tpu.memory_space<vmem>>
      %dma_start3A_384 = tpu.memref_squeeze %dma_start3A_383 : memref<1x40xi32, #tpu.memory_space<vmem>> -> memref<40xi32, #tpu.memory_space<vmem>>
      %dma_start3A_385 = arith.constant 0 : i32
      %dma_start3A_386 = arith.constant 0 : i32
      %dma_start3A_387 = tpu.memref_slice %arg21[%dma_start3A_385, %dma_start3A_386] : memref<10000x128xf32, #tpu.memory_space<vmem_shared>> -> memref<10000x128xf32, #tpu.memory_space<vmem_shared>>
      tpu.enqueue_indirect_dma source(%arg17 : memref<40x128xf32, #tpu.memory_space<vmem>>) target(%dma_start3A_387 : memref<10000x128xf32, #tpu.memory_space<vmem_shared>>) offsets(%dma_start3A_384 : memref<40xi32, #tpu.memory_space<vmem>>) semaphore(%arg26 : memref<!tpu.dma_semaphore, #tpu.memory_space<semaphore_mem>>) {add = true}
      %dma_start3A_388 = arith.constant 0 : i32
      %dma_start3A_389 = tpu.memref_slice %arg19[%dma_start3A_388] : memref<48xf32, #tpu.memory_space<vmem>> -> memref<40xf32, #tpu.memory_space<vmem>>
      %dma_start3A_390 = tpu.memref_slice %arg8[%add3A_381] : memref<320000xf32, #tpu.memory_space<hbm>> -> memref<40xf32, #tpu.memory_space<hbm>>
      %dma_start3A_391 = tpu.memref_slice %arg8[%add3A_381] : memref<320000xf32, #tpu.memory_space<hbm>> -> memref<40xf32, #tpu.memory_space<hbm>>
      %dma_start3A_392 = arith.constant 0 : i32
      %dma_start3A_393 = tpu.memref_slice %arg19[%dma_start3A_392] : memref<48xf32, #tpu.memory_space<vmem>> -> memref<40xf32, #tpu.memory_space<vmem>>
      tpu.enqueue_dma source(%dma_start3A_393 : memref<40xf32, #tpu.memory_space<vmem>>) target(%dma_start3A_391 : memref<40xf32, #tpu.memory_space<hbm>>) target_semaphore(%arg24 : memref<!tpu.dma_semaphore, #tpu.memory_space<semaphore_mem>>)
      %add3A_394 = arith.constant 2 : i32
      %add3A_395 = arith.addi %add3A_346, %add3A_394 : i32
      %lt3A_396 = arith.constant 250 : i32
      %lt3A_397 = arith.cmpi slt, %add3A_395, %lt3A_396 : i32
      %convert_element_type3A_398 = arith.extui %lt3A_397 : i1 to i32
      %cond3A_399 = arith.constant 0 : i32
      %cond3A_400 = arith.cmpi ne, %convert_element_type3A_398, %cond3A_399 : i32
      scf.if %cond3A_400 {
        %dma_wait3A_477 = arith.constant 0 : i32
        %dma_wait3A_478 = arith.constant 0 : i32
        %dma_wait3A_479 = tpu.memref_slice %arg9[%dma_wait3A_477, %dma_wait3A_478] : memref<8x40xi32, #tpu.memory_space<vmem>> -> memref<1x40xi32, #tpu.memory_space<vmem>>
        %dma_wait3A_480 = tpu.memref_squeeze %dma_wait3A_479 : memref<1x40xi32, #tpu.memory_space<vmem>> -> memref<40xi32, #tpu.memory_space<vmem>>
        %dma_wait3A_481 = arith.constant 0 : i32
        %dma_wait3A_482 = tpu.memref_slice %arg5[%dma_wait3A_481] : memref<320000xi32, #tpu.memory_space<hbm>> -> memref<40xi32, #tpu.memory_space<hbm>>
        %dma_wait3A_483 = arith.constant 0 : i32
        %dma_wait3A_484 = tpu.memref_slice %arg9[%dma_wait3A_477, %dma_wait3A_483] : memref<8x40xi32, #tpu.memory_space<vmem>> -> memref<1x40xi32, #tpu.memory_space<vmem>>
        %dma_wait3A_485 = tpu.memref_squeeze %dma_wait3A_484 : memref<1x40xi32, #tpu.memory_space<vmem>> -> memref<40xi32, #tpu.memory_space<vmem>>
        %dma_wait3A_486 = arith.constant 0 : i32
        %dma_wait3A_487 = tpu.memref_slice %arg5[%dma_wait3A_486] : memref<320000xi32, #tpu.memory_space<hbm>> -> memref<40xi32, #tpu.memory_space<hbm>>
        tpu.wait_dma2 semaphore(%arg28 : memref<!tpu.dma_semaphore, #tpu.memory_space<semaphore_mem>>) src(%dma_wait3A_487 : memref<40xi32, #tpu.memory_space<hbm>>) dst(%dma_wait3A_485 : memref<40xi32, #tpu.memory_space<vmem>>)
        %dma_wait3A_488 = arith.constant 0 : i32
        %dma_wait3A_489 = arith.constant 0 : i32
        %dma_wait3A_490 = tpu.memref_slice %arg10[%dma_wait3A_488, %dma_wait3A_489] : memref<8x40xi32, #tpu.memory_space<vmem>> -> memref<1x40xi32, #tpu.memory_space<vmem>>
        %dma_wait3A_491 = tpu.memref_squeeze %dma_wait3A_490 : memref<1x40xi32, #tpu.memory_space<vmem>> -> memref<40xi32, #tpu.memory_space<vmem>>
        %dma_wait3A_492 = arith.constant 0 : i32
        %dma_wait3A_493 = tpu.memref_slice %arg6[%dma_wait3A_492] : memref<320000xi32, #tpu.memory_space<hbm>> -> memref<40xi32, #tpu.memory_space<hbm>>
        %dma_wait3A_494 = arith.constant 0 : i32
        %dma_wait3A_495 = tpu.memref_slice %arg10[%dma_wait3A_488, %dma_wait3A_494] : memref<8x40xi32, #tpu.memory_space<vmem>> -> memref<1x40xi32, #tpu.memory_space<vmem>>
        %dma_wait3A_496 = tpu.memref_squeeze %dma_wait3A_495 : memref<1x40xi32, #tpu.memory_space<vmem>> -> memref<40xi32, #tpu.memory_space<vmem>>
        %dma_wait3A_497 = arith.constant 0 : i32
        %dma_wait3A_498 = tpu.memref_slice %arg6[%dma_wait3A_497] : memref<320000xi32, #tpu.memory_space<hbm>> -> memref<40xi32, #tpu.memory_space<hbm>>
        tpu.wait_dma2 semaphore(%arg28 : memref<!tpu.dma_semaphore, #tpu.memory_space<semaphore_mem>>) src(%dma_wait3A_498 : memref<40xi32, #tpu.memory_space<hbm>>) dst(%dma_wait3A_496 : memref<40xi32, #tpu.memory_space<vmem>>)
        %add3A_499 = arith.constant 2 : i32
        %add3A_500 = arith.addi %add3A_346, %add3A_499 : i32
        %rem3A_501 = arith.constant 8 : i32
        %rem3A_502 = arith.remsi %add3A_500, %rem3A_501 : i32
        %mul3A_503 = arith.constant 40 : i32
        %mul3A_504 = arith.muli %add3A_500, %mul3A_503 : i32
        %add3A_505 = arith.addi %mul3A_54, %mul3A_504 : i32
        %dma_start3A_506 = arith.constant 0 : i32
        %dma_start3A_507 = tpu.memref_slice %arg10[%rem3A_502, %dma_start3A_506] : memref<8x40xi32, #tpu.memory_space<vmem>> -> memref<1x40xi32, #tpu.memory_space<vmem>>
        %dma_start3A_508 = tpu.memref_squeeze %dma_start3A_507 : memref<1x40xi32, #tpu.memory_space<vmem>> -> memref<40xi32, #tpu.memory_space<vmem>>
        %dma_start3A_509 = arith.constant 0 : i32
        %dma_start3A_510 = arith.constant 0 : i32
        %dma_start3A_511 = tpu.memref_slice %arg2[%dma_start3A_509, %dma_start3A_510] : memref<10000x160xbf16, #tpu.memory_space<hbm>> -> memref<10000x160xbf16, #tpu.memory_space<hbm>>
        tpu.enqueue_indirect_dma source(%dma_start3A_511 : memref<10000x160xbf16, #tpu.memory_space<hbm>>) target(%arg11 : memref<40x160xbf16, #tpu.memory_space<vmem>>) offsets(%dma_start3A_508 : memref<40xi32, #tpu.memory_space<vmem>>) semaphore(%arg22 : memref<!tpu.dma_semaphore, #tpu.memory_space<semaphore_mem>>)
        %dma_start3A_512 = arith.constant 0 : i32
        %dma_start3A_513 = tpu.memref_slice %arg9[%rem3A_502, %dma_start3A_512] : memref<8x40xi32, #tpu.memory_space<vmem>> -> memref<1x40xi32, #tpu.memory_space<vmem>>
        %dma_start3A_514 = tpu.memref_squeeze %dma_start3A_513 : memref<1x40xi32, #tpu.memory_space<vmem>> -> memref<40xi32, #tpu.memory_space<vmem>>
        %dma_start3A_515 = arith.constant 0 : i32
        %dma_start3A_516 = arith.constant 0 : i32
        %dma_start3A_517 = tpu.memref_slice %arg3[%dma_start3A_515, %dma_start3A_516] : memref<10000x256xbf16, #tpu.memory_space<hbm>> -> memref<10000x256xbf16, #tpu.memory_space<hbm>>
        tpu.enqueue_indirect_dma source(%dma_start3A_517 : memref<10000x256xbf16, #tpu.memory_space<hbm>>) target(%arg13 : memref<40x256xbf16, #tpu.memory_space<vmem>>) offsets(%dma_start3A_514 : memref<40xi32, #tpu.memory_space<vmem>>) semaphore(%arg22 : memref<!tpu.dma_semaphore, #tpu.memory_space<semaphore_mem>>)
        %dma_start3A_518 = arith.constant 0 : i32
        %dma_start3A_519 = tpu.memref_slice %arg4[%add3A_505, %dma_start3A_518] : memref<320000x16xf32, #tpu.memory_space<hbm>> -> memref<40x16xf32, #tpu.memory_space<hbm>>
        %dma_start3A_520 = arith.constant 0 : i32
        %dma_start3A_521 = tpu.memref_slice %arg4[%add3A_505, %dma_start3A_520] : memref<320000x16xf32, #tpu.memory_space<hbm>> -> memref<40x16xf32, #tpu.memory_space<hbm>>
        tpu.enqueue_dma source(%dma_start3A_521 : memref<40x16xf32, #tpu.memory_space<hbm>>) target(%arg15 : memref<40x16xf32, #tpu.memory_space<vmem>>) target_semaphore(%arg22 : memref<!tpu.dma_semaphore, #tpu.memory_space<semaphore_mem>>)
      } else {
      }
      %add3A_401 = arith.constant 4 : i32
      %add3A_402 = arith.addi %add3A_346, %add3A_401 : i32
      %lt3A_403 = arith.constant 250 : i32
      %lt3A_404 = arith.cmpi slt, %add3A_402, %lt3A_403 : i32
      %convert_element_type3A_405 = arith.extui %lt3A_404 : i1 to i32
      %cond3A_406 = arith.constant 0 : i32
      %cond3A_407 = arith.cmpi ne, %convert_element_type3A_405, %cond3A_406 : i32
      scf.if %cond3A_407 {
        %add3A_477 = arith.constant 4 : i32
        %add3A_478 = arith.addi %add3A_346, %add3A_477 : i32
        %rem3A_479 = arith.constant 8 : i32
        %rem3A_480 = arith.remsi %add3A_478, %rem3A_479 : i32
        %mul3A_481 = arith.constant 40 : i32
        %mul3A_482 = arith.muli %add3A_478, %mul3A_481 : i32
        %add3A_483 = arith.addi %mul3A_54, %mul3A_482 : i32
        %dma_start3A_484 = arith.constant 0 : i32
        %dma_start3A_485 = tpu.memref_slice %arg9[%rem3A_480, %dma_start3A_484] : memref<8x40xi32, #tpu.memory_space<vmem>> -> memref<1x40xi32, #tpu.memory_space<vmem>>
        %dma_start3A_486 = tpu.memref_squeeze %dma_start3A_485 : memref<1x40xi32, #tpu.memory_space<vmem>> -> memref<40xi32, #tpu.memory_space<vmem>>
        %dma_start3A_487 = tpu.memref_slice %arg5[%add3A_483] : memref<320000xi32, #tpu.memory_space<hbm>> -> memref<40xi32, #tpu.memory_space<hbm>>
        %dma_start3A_488 = arith.constant 0 : i32
        %dma_start3A_489 = tpu.memref_slice %arg9[%rem3A_480, %dma_start3A_488] : memref<8x40xi32, #tpu.memory_space<vmem>> -> memref<1x40xi32, #tpu.memory_space<vmem>>
        %dma_start3A_490 = tpu.memref_squeeze %dma_start3A_489 : memref<1x40xi32, #tpu.memory_space<vmem>> -> memref<40xi32, #tpu.memory_space<vmem>>
        %dma_start3A_491 = tpu.memref_slice %arg5[%add3A_483] : memref<320000xi32, #tpu.memory_space<hbm>> -> memref<40xi32, #tpu.memory_space<hbm>>
        tpu.enqueue_dma source(%dma_start3A_491 : memref<40xi32, #tpu.memory_space<hbm>>) target(%dma_start3A_490 : memref<40xi32, #tpu.memory_space<vmem>>) target_semaphore(%arg28 : memref<!tpu.dma_semaphore, #tpu.memory_space<semaphore_mem>>)
        %dma_start3A_492 = arith.constant 0 : i32
        %dma_start3A_493 = tpu.memref_slice %arg10[%rem3A_480, %dma_start3A_492] : memref<8x40xi32, #tpu.memory_space<vmem>> -> memref<1x40xi32, #tpu.memory_space<vmem>>
        %dma_start3A_494 = tpu.memref_squeeze %dma_start3A_493 : memref<1x40xi32, #tpu.memory_space<vmem>> -> memref<40xi32, #tpu.memory_space<vmem>>
        %dma_start3A_495 = tpu.memref_slice %arg6[%add3A_483] : memref<320000xi32, #tpu.memory_space<hbm>> -> memref<40xi32, #tpu.memory_space<hbm>>
        %dma_start3A_496 = arith.constant 0 : i32
        %dma_start3A_497 = tpu.memref_slice %arg10[%rem3A_480, %dma_start3A_496] : memref<8x40xi32, #tpu.memory_space<vmem>> -> memref<1x40xi32, #tpu.memory_space<vmem>>
        %dma_start3A_498 = tpu.memref_squeeze %dma_start3A_497 : memref<1x40xi32, #tpu.memory_space<vmem>> -> memref<40xi32, #tpu.memory_space<vmem>>
        %dma_start3A_499 = tpu.memref_slice %arg6[%add3A_483] : memref<320000xi32, #tpu.memory_space<hbm>> -> memref<40xi32, #tpu.memory_space<hbm>>
        tpu.enqueue_dma source(%dma_start3A_499 : memref<40xi32, #tpu.memory_space<hbm>>) target(%dma_start3A_498 : memref<40xi32, #tpu.memory_space<vmem>>) target_semaphore(%arg28 : memref<!tpu.dma_semaphore, #tpu.memory_space<semaphore_mem>>)
      } else {
      }
      %mul3A_408 = arith.constant 2 : i32
      %mul3A_409 = arith.muli %mul3A_408, %scan3A_341 : i32
      %add3A_410 = arith.constant 1 : i32
      %add3A_411 = arith.addi %mul3A_409, %add3A_410 : i32
      %rem3A_412 = arith.constant 8 : i32
      %rem3A_413 = arith.remsi %add3A_411, %rem3A_412 : i32
      %mul3A_414 = arith.constant 40 : i32
      %mul3A_415 = arith.muli %add3A_411, %mul3A_414 : i32
      %add3A_416 = arith.addi %mul3A_54, %mul3A_415 : i32
      %dma_wait3A_417 = arith.constant 0 : i32
      %dma_wait3A_418 = tpu.memref_slice %arg10[%rem3A_413, %dma_wait3A_417] : memref<8x40xi32, #tpu.memory_space<vmem>> -> memref<1x40xi32, #tpu.memory_space<vmem>>
      %dma_wait3A_419 = tpu.memref_squeeze %dma_wait3A_418 : memref<1x40xi32, #tpu.memory_space<vmem>> -> memref<40xi32, #tpu.memory_space<vmem>>
      %dma_wait3A_420 = arith.constant 0 : i32
      %dma_wait3A_421 = arith.constant 0 : i32
      %dma_wait3A_422 = tpu.memref_slice %arg2[%dma_wait3A_420, %dma_wait3A_421] : memref<10000x160xbf16, #tpu.memory_space<hbm>> -> memref<10000x160xbf16, #tpu.memory_space<hbm>>
      tpu.wait_indirect_dma semaphore(%arg23 : memref<!tpu.dma_semaphore, #tpu.memory_space<semaphore_mem>>) src(%dma_wait3A_422 : memref<10000x160xbf16, #tpu.memory_space<hbm>>) dst(%arg12 : memref<40x160xbf16, #tpu.memory_space<vmem>>)
      %dma_wait3A_423 = arith.constant 0 : i32
      %dma_wait3A_424 = tpu.memref_slice %arg9[%rem3A_413, %dma_wait3A_423] : memref<8x40xi32, #tpu.memory_space<vmem>> -> memref<1x40xi32, #tpu.memory_space<vmem>>
      %dma_wait3A_425 = tpu.memref_squeeze %dma_wait3A_424 : memref<1x40xi32, #tpu.memory_space<vmem>> -> memref<40xi32, #tpu.memory_space<vmem>>
      %dma_wait3A_426 = arith.constant 0 : i32
      %dma_wait3A_427 = arith.constant 0 : i32
      %dma_wait3A_428 = tpu.memref_slice %arg3[%dma_wait3A_426, %dma_wait3A_427] : memref<10000x256xbf16, #tpu.memory_space<hbm>> -> memref<10000x256xbf16, #tpu.memory_space<hbm>>
      tpu.wait_indirect_dma semaphore(%arg23 : memref<!tpu.dma_semaphore, #tpu.memory_space<semaphore_mem>>) src(%dma_wait3A_428 : memref<10000x256xbf16, #tpu.memory_space<hbm>>) dst(%arg14 : memref<40x256xbf16, #tpu.memory_space<vmem>>)
      %dma_wait3A_429 = arith.constant 0 : i32
      %dma_wait3A_430 = tpu.memref_slice %arg4[%add3A_416, %dma_wait3A_429] : memref<320000x16xf32, #tpu.memory_space<hbm>> -> memref<40x16xf32, #tpu.memory_space<hbm>>
      %dma_wait3A_431 = arith.constant 0 : i32
      %dma_wait3A_432 = tpu.memref_slice %arg4[%add3A_416, %dma_wait3A_431] : memref<320000x16xf32, #tpu.memory_space<hbm>> -> memref<40x16xf32, #tpu.memory_space<hbm>>
      tpu.wait_dma2 semaphore(%arg23 : memref<!tpu.dma_semaphore, #tpu.memory_space<semaphore_mem>>) src(%dma_wait3A_432 : memref<40x16xf32, #tpu.memory_space<hbm>>) dst(%arg16 : memref<40x16xf32, #tpu.memory_space<vmem>>)
      %ge3A_433 = arith.constant 2 : i32
      %ge3A_434 = arith.cmpi sge, %add3A_411, %ge3A_433 : i32
      %convert_element_type3A_435 = arith.extui %ge3A_434 : i1 to i32
      %cond3A_436 = arith.constant 0 : i32
      %cond3A_437 = arith.cmpi ne, %convert_element_type3A_435, %cond3A_436 : i32
      scf.if %cond3A_437 {
        %sub3A = arith.constant 2 : i32
        %sub3A_477 = arith.subi %add3A_411, %sub3A : i32
        %max3A = arith.constant 0 : i32
        %max3A_478 = arith.maxsi %sub3A_477, %max3A : i32
        %rem3A_479 = arith.constant 8 : i32
        %rem3A_480 = arith.remsi %max3A_478, %rem3A_479 : i32
        %mul3A_481 = arith.constant 40 : i32
        %mul3A_482 = arith.muli %max3A_478, %mul3A_481 : i32
        %add3A_483 = arith.addi %mul3A_54, %mul3A_482 : i32
        %dma_wait3A_484 = arith.constant 0 : i32
        %dma_wait3A_485 = tpu.memref_slice %arg10[%rem3A_480, %dma_wait3A_484] : memref<8x40xi32, #tpu.memory_space<vmem>> -> memref<1x40xi32, #tpu.memory_space<vmem>>
        %dma_wait3A_486 = tpu.memref_squeeze %dma_wait3A_485 : memref<1x40xi32, #tpu.memory_space<vmem>> -> memref<40xi32, #tpu.memory_space<vmem>>
        %dma_wait3A_487 = arith.constant 0 : i32
        %dma_wait3A_488 = arith.constant 0 : i32
        %dma_wait3A_489 = tpu.memref_slice %arg21[%dma_wait3A_487, %dma_wait3A_488] : memref<10000x128xf32, #tpu.memory_space<vmem_shared>> -> memref<10000x128xf32, #tpu.memory_space<vmem_shared>>
        tpu.wait_indirect_dma semaphore(%arg27 : memref<!tpu.dma_semaphore, #tpu.memory_space<semaphore_mem>>) src(%arg18 : memref<40x128xf32, #tpu.memory_space<vmem>>) dst(%dma_wait3A_489 : memref<10000x128xf32, #tpu.memory_space<vmem_shared>>)
        %dma_wait3A_490 = arith.constant 0 : i32
        %dma_wait3A_491 = tpu.memref_slice %arg20[%dma_wait3A_490] : memref<48xf32, #tpu.memory_space<vmem>> -> memref<40xf32, #tpu.memory_space<vmem>>
        %dma_wait3A_492 = tpu.memref_slice %arg8[%add3A_483] : memref<320000xf32, #tpu.memory_space<hbm>> -> memref<40xf32, #tpu.memory_space<hbm>>
        %dma_wait3A_493 = tpu.memref_slice %arg8[%add3A_483] : memref<320000xf32, #tpu.memory_space<hbm>> -> memref<40xf32, #tpu.memory_space<hbm>>
        %dma_wait3A_494 = arith.constant 0 : i32
        %dma_wait3A_495 = tpu.memref_slice %arg20[%dma_wait3A_494] : memref<48xf32, #tpu.memory_space<vmem>> -> memref<40xf32, #tpu.memory_space<vmem>>
        tpu.wait_dma2 semaphore(%arg25 : memref<!tpu.dma_semaphore, #tpu.memory_space<semaphore_mem>>) src(%dma_wait3A_495 : memref<40xf32, #tpu.memory_space<vmem>>) dst(%dma_wait3A_493 : memref<40xf32, #tpu.memory_space<hbm>>)
      } else {
      }
      %scan3A_438 = arith.constant 0 : i32
      %scan3A_439 = arith.constant 0 : i32
      %scan3A_440 = arith.constant 40 : i32
      %scan3A_441 = arith.addi %scan3A_439, %scan3A_440 : i32
      %scan3A_442 = arith.constant 1 : i32
      %scan3A_443 = scf.for %scan3A_477 = %scan3A_439 to %scan3A_441 step %scan3A_442 iter_args(%scan3A_478 = %scan3A_438) -> (i32)  : i32 {
        %get3A = arith.index_cast %scan3A_477 : i32 to index
        %get3A_479 = arith.constant 0 : index
        %get3A_480 = tpu.vector_load %arg12[%get3A, %get3A_479] {strides = array<i32>} : memref<40x160xbf16, #tpu.memory_space<vmem>>, vector<32xbf16>,
        %unpack3A = tpu.unpack_subelements %get3A_480, 0 {pack_format = #tpu.pack_format<interleaved>} : vector<32xbf16> -> vector<16xf32>
        %unpack3A_481 = tpu.unpack_subelements %get3A_480, 1 {pack_format = #tpu.pack_format<interleaved>} : vector<32xbf16> -> vector<16xf32>
        %get3A_482 = arith.index_cast %scan3A_477 : i32 to index
        %get3A_483 = arith.constant 0 : index
        %get3A_484 = tpu.vector_load %arg14[%get3A_482, %get3A_483] {strides = array<i32>} : memref<40x256xbf16, #tpu.memory_space<vmem>>, vector<32xbf16>,
        %unpack3A_485 = tpu.unpack_subelements %get3A_484, 0 {pack_format = #tpu.pack_format<interleaved>} : vector<32xbf16> -> vector<16xf32>
        %unpack3A_486 = tpu.unpack_subelements %get3A_484, 1 {pack_format = #tpu.pack_format<interleaved>} : vector<32xbf16> -> vector<16xf32>
        %mul3A_487 = arith.mulf %unpack3A, %unpack3A_485 : vector<16xf32>
        %mul3A_488 = arith.mulf %unpack3A_481, %unpack3A_486 : vector<16xf32>
        %add3A_489 = arith.addf %mul3A_487, %mul3A_488 : vector<16xf32>
        %get3A_490 = arith.index_cast %scan3A_477 : i32 to index
        %get3A_491 = arith.constant 32 : index
        %get3A_492 = tpu.vector_load %arg12[%get3A_490, %get3A_491] {strides = array<i32>} : memref<40x160xbf16, #tpu.memory_space<vmem>>, vector<32xbf16>,
        %unpack3A_493 = tpu.unpack_subelements %get3A_492, 0 {pack_format = #tpu.pack_format<interleaved>} : vector<32xbf16> -> vector<16xf32>
        %unpack3A_494 = tpu.unpack_subelements %get3A_492, 1 {pack_format = #tpu.pack_format<interleaved>} : vector<32xbf16> -> vector<16xf32>
        %get3A_495 = arith.index_cast %scan3A_477 : i32 to index
        %get3A_496 = arith.constant 32 : index
        %get3A_497 = tpu.vector_load %arg14[%get3A_495, %get3A_496] {strides = array<i32>} : memref<40x256xbf16, #tpu.memory_space<vmem>>, vector<32xbf16>,
        %unpack3A_498 = tpu.unpack_subelements %get3A_497, 0 {pack_format = #tpu.pack_format<interleaved>} : vector<32xbf16> -> vector<16xf32>
        %unpack3A_499 = tpu.unpack_subelements %get3A_497, 1 {pack_format = #tpu.pack_format<interleaved>} : vector<32xbf16> -> vector<16xf32>
        %mul3A_500 = arith.mulf %unpack3A_493, %unpack3A_498 : vector<16xf32>
        %mul3A_501 = arith.mulf %unpack3A_494, %unpack3A_499 : vector<16xf32>
        %add3A_502 = arith.addf %mul3A_500, %mul3A_501 : vector<16xf32>
        %add3A_503 = arith.addf %add3A_489, %add3A_502 : vector<16xf32>
        %get3A_504 = arith.index_cast %scan3A_477 : i32 to index
        %get3A_505 = arith.constant 64 : index
        %get3A_506 = tpu.vector_load %arg12[%get3A_504, %get3A_505] {strides = array<i32>} : memref<40x160xbf16, #tpu.memory_space<vmem>>, vector<32xbf16>,
        %unpack3A_507 = tpu.unpack_subelements %get3A_506, 0 {pack_format = #tpu.pack_format<interleaved>} : vector<32xbf16> -> vector<16xf32>
        %unpack3A_508 = tpu.unpack_subelements %get3A_506, 1 {pack_format = #tpu.pack_format<interleaved>} : vector<32xbf16> -> vector<16xf32>
        %get3A_509 = arith.index_cast %scan3A_477 : i32 to index
        %get3A_510 = arith.constant 64 : index
        %get3A_511 = tpu.vector_load %arg14[%get3A_509, %get3A_510] {strides = array<i32>} : memref<40x256xbf16, #tpu.memory_space<vmem>>, vector<32xbf16>,
        %unpack3A_512 = tpu.unpack_subelements %get3A_511, 0 {pack_format = #tpu.pack_format<interleaved>} : vector<32xbf16> -> vector<16xf32>
        %unpack3A_513 = tpu.unpack_subelements %get3A_511, 1 {pack_format = #tpu.pack_format<interleaved>} : vector<32xbf16> -> vector<16xf32>
        %mul3A_514 = arith.mulf %unpack3A_507, %unpack3A_512 : vector<16xf32>
        %mul3A_515 = arith.mulf %unpack3A_508, %unpack3A_513 : vector<16xf32>
        %add3A_516 = arith.addf %mul3A_514, %mul3A_515 : vector<16xf32>
        %add3A_517 = arith.addf %add3A_503, %add3A_516 : vector<16xf32>
        %get3A_518 = arith.index_cast %scan3A_477 : i32 to index
        %get3A_519 = arith.constant 96 : index
        %get3A_520 = tpu.vector_load %arg12[%get3A_518, %get3A_519] {strides = array<i32>} : memref<40x160xbf16, #tpu.memory_space<vmem>>, vector<32xbf16>,
        %unpack3A_521 = tpu.unpack_subelements %get3A_520, 0 {pack_format = #tpu.pack_format<interleaved>} : vector<32xbf16> -> vector<16xf32>
        %unpack3A_522 = tpu.unpack_subelements %get3A_520, 1 {pack_format = #tpu.pack_format<interleaved>} : vector<32xbf16> -> vector<16xf32>
        %get3A_523 = arith.index_cast %scan3A_477 : i32 to index
        %get3A_524 = arith.constant 96 : index
        %get3A_525 = tpu.vector_load %arg14[%get3A_523, %get3A_524] {strides = array<i32>} : memref<40x256xbf16, #tpu.memory_space<vmem>>, vector<32xbf16>,
        %unpack3A_526 = tpu.unpack_subelements %get3A_525, 0 {pack_format = #tpu.pack_format<interleaved>} : vector<32xbf16> -> vector<16xf32>
        %unpack3A_527 = tpu.unpack_subelements %get3A_525, 1 {pack_format = #tpu.pack_format<interleaved>} : vector<32xbf16> -> vector<16xf32>
        %mul3A_528 = arith.mulf %unpack3A_521, %unpack3A_526 : vector<16xf32>
        %mul3A_529 = arith.mulf %unpack3A_522, %unpack3A_527 : vector<16xf32>
        %add3A_530 = arith.addf %mul3A_528, %mul3A_529 : vector<16xf32>
        %add3A_531 = arith.addf %add3A_517, %add3A_530 : vector<16xf32>
        %get3A_532 = arith.index_cast %scan3A_477 : i32 to index
        %get3A_533 = arith.constant 128 : index
        %get3A_534 = tpu.vector_load %arg12[%get3A_532, %get3A_533] {strides = array<i32>} : memref<40x160xbf16, #tpu.memory_space<vmem>>, vector<32xbf16>,
        %unpack3A_535 = tpu.unpack_subelements %get3A_534, 0 {pack_format = #tpu.pack_format<interleaved>} : vector<32xbf16> -> vector<16xf32>
        %unpack3A_536 = tpu.unpack_subelements %get3A_534, 1 {pack_format = #tpu.pack_format<interleaved>} : vector<32xbf16> -> vector<16xf32>
        %get3A_537 = arith.index_cast %scan3A_477 : i32 to index
        %get3A_538 = arith.constant 0 : index
        %get3A_539 = tpu.vector_load %arg16[%get3A_537, %get3A_538] {strides = array<i32>} : memref<40x16xf32, #tpu.memory_space<vmem>>, vector<16xf32>,
        %reshape3A = vector.shape_cast %select_n3A : vector<16xi32> to vector<16x1xi32>
        %gather3A = vector.shape_cast %reshape3A : vector<16x1xi32> to vector<16xi32>
        %gather3A_540 = tpu.dynamic_gather %get3A_539[%gather3A] in [0] : vector<16xf32>, vector<16xi32> -> vector<16xf32>
        %reshape3A_541 = vector.shape_cast %select_n3A_74 : vector<16xi32> to vector<16x1xi32>
        %gather3A_542 = vector.shape_cast %reshape3A_541 : vector<16x1xi32> to vector<16xi32>
        %gather3A_543 = tpu.dynamic_gather %get3A_539[%gather3A_542] in [0] : vector<16xf32>, vector<16xi32> -> vector<16xf32>
        %mul3A_544 = arith.mulf %unpack3A_535, %gather3A_540 : vector<16xf32>
        %add3A_545 = arith.addf %add3A_531, %mul3A_544 : vector<16xf32>
        %mul3A_546 = arith.mulf %unpack3A_536, %gather3A_543 : vector<16xf32>
        %add3A_547 = arith.addf %add3A_545, %mul3A_546 : vector<16xf32>
        %reshape3A_548 = vector.shape_cast %xor3A_2 : vector<16xi32> to vector<16x1xi32>
        %gather3A_549 = vector.shape_cast %reshape3A_548 : vector<16x1xi32> to vector<16xi32>
        %gather3A_550 = tpu.dynamic_gather %add3A_547[%gather3A_549] in [0] : vector<16xf32>, vector<16xi32> -> vector<16xf32>
        %add3A_551 = arith.addf %add3A_547, %gather3A_550 : vector<16xf32>
        %reshape3A_552 = vector.shape_cast %xor3A_5 : vector<16xi32> to vector<16x1xi32>
        %gather3A_553 = vector.shape_cast %reshape3A_552 : vector<16x1xi32> to vector<16xi32>
        %gather3A_554 = tpu.dynamic_gather %add3A_551[%gather3A_553] in [0] : vector<16xf32>, vector<16xi32> -> vector<16xf32>
        %add3A_555 = arith.addf %add3A_551, %gather3A_554 : vector<16xf32>
        %reshape3A_556 = vector.shape_cast %xor3A_8 : vector<16xi32> to vector<16x1xi32>
        %gather3A_557 = vector.shape_cast %reshape3A_556 : vector<16x1xi32> to vector<16xi32>
        %gather3A_558 = tpu.dynamic_gather %add3A_555[%gather3A_557] in [0] : vector<16xf32>, vector<16xi32> -> vector<16xf32>
        %add3A_559 = arith.addf %add3A_555, %gather3A_558 : vector<16xf32>
        %reshape3A_560 = vector.shape_cast %xor3A_11 : vector<16xi32> to vector<16x1xi32>
        %gather3A_561 = vector.shape_cast %reshape3A_560 : vector<16x1xi32> to vector<16xi32>
        %gather3A_562 = tpu.dynamic_gather %add3A_559[%gather3A_561] in [0] : vector<16xf32>, vector<16xi32> -> vector<16xf32>
        %add3A_563 = arith.addf %add3A_559, %gather3A_562 : vector<16xf32>
        %mul3A_564 = arith.constant 0.0883883461 : f32
        %mul3A_565 = vector.broadcast %mul3A_564 : f32 to vector<16xf32>
        %mul3A_566 = arith.mulf %add3A_563, %mul3A_565 : vector<16xf32>
        %exp3A = math.exp %mul3A_566 : vector<16xf32>
        %broadcast_in_dim3A_567 = vector.broadcast %scan3A_477 : i32 to vector<16xi32>
        %get3A_568 = arith.index_cast %scan3A_477 : i32 to index
        %get3A_569 = arith.constant 128 : index
        %get3A_570 = tpu.vector_load %arg14[%get3A_568, %get3A_569] {strides = array<i32>} : memref<40x256xbf16, #tpu.memory_space<vmem>>, vector<32xbf16>,
        %unpack3A_571 = tpu.unpack_subelements %get3A_570, 0 {pack_format = #tpu.pack_format<interleaved>} : vector<32xbf16> -> vector<16xf32>
        %unpack3A_572 = tpu.unpack_subelements %get3A_570, 1 {pack_format = #tpu.pack_format<interleaved>} : vector<32xbf16> -> vector<16xf32>
        %add3A_573 = arith.constant 0 : i32
        %add3A_574 = vector.broadcast %add3A_573 : i32 to vector<16xi32>
        %add3A_575 = arith.addi %add3A_574, %mul3A_77 : vector<16xi32>
        %mul3A_576 = arith.mulf %exp3A, %unpack3A_571 : vector<16xf32>
        tpu.vector_store_idx %arg18[%broadcast_in_dim3A_567, %add3A_575], %mul3A_576 : memref<40x128xf32, #tpu.memory_space<vmem>>[vector<16xi32>, vector<16xi32>], vector<16xf32>,
        %add3A_577 = arith.constant 0 : i32
        %add3A_578 = vector.broadcast %add3A_577 : i32 to vector<16xi32>
        %add3A_579 = arith.addi %add3A_578, %add3A_83 : vector<16xi32>
        %mul3A_580 = arith.mulf %exp3A, %unpack3A_572 : vector<16xf32>
        tpu.vector_store_idx %arg18[%broadcast_in_dim3A_567, %add3A_579], %mul3A_580 : memref<40x128xf32, #tpu.memory_space<vmem>>[vector<16xi32>, vector<16xi32>], vector<16xf32>,
        %get3A_581 = arith.index_cast %scan3A_477 : i32 to index
        %get3A_582 = arith.constant 160 : index
        %get3A_583 = tpu.vector_load %arg14[%get3A_581, %get3A_582] {strides = array<i32>} : memref<40x256xbf16, #tpu.memory_space<vmem>>, vector<32xbf16>,
        %unpack3A_584 = tpu.unpack_subelements %get3A_583, 0 {pack_format = #tpu.pack_format<interleaved>} : vector<32xbf16> -> vector<16xf32>
        %unpack3A_585 = tpu.unpack_subelements %get3A_583, 1 {pack_format = #tpu.pack_format<interleaved>} : vector<32xbf16> -> vector<16xf32>
        %add3A_586 = arith.constant 32 : i32
        %add3A_587 = vector.broadcast %add3A_586 : i32 to vector<16xi32>
        %add3A_588 = arith.addi %add3A_587, %mul3A_77 : vector<16xi32>
        %mul3A_589 = arith.mulf %exp3A, %unpack3A_584 : vector<16xf32>
        tpu.vector_store_idx %arg18[%broadcast_in_dim3A_567, %add3A_588], %mul3A_589 : memref<40x128xf32, #tpu.memory_space<vmem>>[vector<16xi32>, vector<16xi32>], vector<16xf32>,
        %add3A_590 = arith.constant 32 : i32
        %add3A_591 = vector.broadcast %add3A_590 : i32 to vector<16xi32>
        %add3A_592 = arith.addi %add3A_591, %add3A_83 : vector<16xi32>
        %mul3A_593 = arith.mulf %exp3A, %unpack3A_585 : vector<16xf32>
        tpu.vector_store_idx %arg18[%broadcast_in_dim3A_567, %add3A_592], %mul3A_593 : memref<40x128xf32, #tpu.memory_space<vmem>>[vector<16xi32>, vector<16xi32>], vector<16xf32>,
        %get3A_594 = arith.index_cast %scan3A_477 : i32 to index
        %get3A_595 = arith.constant 192 : index
        %get3A_596 = tpu.vector_load %arg14[%get3A_594, %get3A_595] {strides = array<i32>} : memref<40x256xbf16, #tpu.memory_space<vmem>>, vector<32xbf16>,
        %unpack3A_597 = tpu.unpack_subelements %get3A_596, 0 {pack_format = #tpu.pack_format<interleaved>} : vector<32xbf16> -> vector<16xf32>
        %unpack3A_598 = tpu.unpack_subelements %get3A_596, 1 {pack_format = #tpu.pack_format<interleaved>} : vector<32xbf16> -> vector<16xf32>
        %add3A_599 = arith.constant 64 : i32
        %add3A_600 = vector.broadcast %add3A_599 : i32 to vector<16xi32>
        %add3A_601 = arith.addi %add3A_600, %mul3A_77 : vector<16xi32>
        %mul3A_602 = arith.mulf %exp3A, %unpack3A_597 : vector<16xf32>
        tpu.vector_store_idx %arg18[%broadcast_in_dim3A_567, %add3A_601], %mul3A_602 : memref<40x128xf32, #tpu.memory_space<vmem>>[vector<16xi32>, vector<16xi32>], vector<16xf32>,
        %add3A_603 = arith.constant 64 : i32
        %add3A_604 = vector.broadcast %add3A_603 : i32 to vector<16xi32>
        %add3A_605 = arith.addi %add3A_604, %add3A_83 : vector<16xi32>
        %mul3A_606 = arith.mulf %exp3A, %unpack3A_598 : vector<16xf32>
        tpu.vector_store_idx %arg18[%broadcast_in_dim3A_567, %add3A_605], %mul3A_606 : memref<40x128xf32, #tpu.memory_space<vmem>>[vector<16xi32>, vector<16xi32>], vector<16xf32>,
        %get3A_607 = arith.index_cast %scan3A_477 : i32 to index
        %get3A_608 = arith.constant 224 : index
        %get3A_609 = tpu.vector_load %arg14[%get3A_607, %get3A_608] {strides = array<i32>} : memref<40x256xbf16, #tpu.memory_space<vmem>>, vector<32xbf16>,
        %unpack3A_610 = tpu.unpack_subelements %get3A_609, 0 {pack_format = #tpu.pack_format<interleaved>} : vector<32xbf16> -> vector<16xf32>
        %unpack3A_611 = tpu.unpack_subelements %get3A_609, 1 {pack_format = #tpu.pack_format<interleaved>} : vector<32xbf16> -> vector<16xf32>
        %add3A_612 = arith.constant 96 : i32
        %add3A_613 = vector.broadcast %add3A_612 : i32 to vector<16xi32>
        %add3A_614 = arith.addi %add3A_613, %mul3A_77 : vector<16xi32>
        %mul3A_615 = arith.mulf %exp3A, %unpack3A_610 : vector<16xf32>
        tpu.vector_store_idx %arg18[%broadcast_in_dim3A_567, %add3A_614], %mul3A_615 : memref<40x128xf32, #tpu.memory_space<vmem>>[vector<16xi32>, vector<16xi32>], vector<16xf32>,
        %add3A_616 = arith.constant 96 : i32
        %add3A_617 = vector.broadcast %add3A_616 : i32 to vector<16xi32>
        %add3A_618 = arith.addi %add3A_617, %add3A_83 : vector<16xi32>
        %mul3A_619 = arith.mulf %exp3A, %unpack3A_611 : vector<16xf32>
        tpu.vector_store_idx %arg18[%broadcast_in_dim3A_567, %add3A_618], %mul3A_619 : memref<40x128xf32, #tpu.memory_space<vmem>>[vector<16xi32>, vector<16xi32>], vector<16xf32>,
        tpu.vector_store_idx %arg20[%broadcast_in_dim3A_567], %exp3A masked %eq3A_56 : memref<48xf32, #tpu.memory_space<vmem>>[vector<16xi32>], vector<16xf32>, vector<16xi1>
        %scan3A_620 = arith.constant 0 : i32
        scf.yield %scan3A_620 : i32
      }
      %scan3A_444 = arith.constant 40 : i32
      %rem3A_445 = arith.constant 8 : i32
      %rem3A_446 = arith.remsi %add3A_411, %rem3A_445 : i32
      %mul3A_447 = arith.constant 40 : i32
      %mul3A_448 = arith.muli %add3A_411, %mul3A_447 : i32
      %add3A_449 = arith.addi %mul3A_54, %mul3A_448 : i32
      %dma_start3A_450 = arith.constant 0 : i32
      %dma_start3A_451 = tpu.memref_slice %arg10[%rem3A_446, %dma_start3A_450] : memref<8x40xi32, #tpu.memory_space<vmem>> -> memref<1x40xi32, #tpu.memory_space<vmem>>
      %dma_start3A_452 = tpu.memref_squeeze %dma_start3A_451 : memref<1x40xi32, #tpu.memory_space<vmem>> -> memref<40xi32, #tpu.memory_space<vmem>>
      %dma_start3A_453 = arith.constant 0 : i32
      %dma_start3A_454 = arith.constant 0 : i32
      %dma_start3A_455 = tpu.memref_slice %arg21[%dma_start3A_453, %dma_start3A_454] : memref<10000x128xf32, #tpu.memory_space<vmem_shared>> -> memref<10000x128xf32, #tpu.memory_space<vmem_shared>>
      tpu.enqueue_indirect_dma source(%arg18 : memref<40x128xf32, #tpu.memory_space<vmem>>) target(%dma_start3A_455 : memref<10000x128xf32, #tpu.memory_space<vmem_shared>>) offsets(%dma_start3A_452 : memref<40xi32, #tpu.memory_space<vmem>>) semaphore(%arg27 : memref<!tpu.dma_semaphore, #tpu.memory_space<semaphore_mem>>) {add = true}
      %dma_start3A_456 = arith.constant 0 : i32
      %dma_start3A_457 = tpu.memref_slice %arg20[%dma_start3A_456] : memref<48xf32, #tpu.memory_space<vmem>> -> memref<40xf32, #tpu.memory_space<vmem>>
      %dma_start3A_458 = tpu.memref_slice %arg8[%add3A_449] : memref<320000xf32, #tpu.memory_space<hbm>> -> memref<40xf32, #tpu.memory_space<hbm>>
      %dma_start3A_459 = tpu.memref_slice %arg8[%add3A_449] : memref<320000xf32, #tpu.memory_space<hbm>> -> memref<40xf32, #tpu.memory_space<hbm>>
      %dma_start3A_460 = arith.constant 0 : i32
      %dma_start3A_461 = tpu.memref_slice %arg20[%dma_start3A_460] : memref<48xf32, #tpu.memory_space<vmem>> -> memref<40xf32, #tpu.memory_space<vmem>>
      tpu.enqueue_dma source(%dma_start3A_461 : memref<40xf32, #tpu.memory_space<vmem>>) target(%dma_start3A_459 : memref<40xf32, #tpu.memory_space<hbm>>) target_semaphore(%arg25 : memref<!tpu.dma_semaphore, #tpu.memory_space<semaphore_mem>>)
      %add3A_462 = arith.constant 2 : i32
      %add3A_463 = arith.addi %add3A_411, %add3A_462 : i32
      %lt3A_464 = arith.constant 250 : i32
      %lt3A_465 = arith.cmpi slt, %add3A_463, %lt3A_464 : i32
      %convert_element_type3A_466 = arith.extui %lt3A_465 : i1 to i32
      %cond3A_467 = arith.constant 0 : i32
      %cond3A_468 = arith.cmpi ne, %convert_element_type3A_466, %cond3A_467 : i32
      scf.if %cond3A_468 {
        %dma_wait3A_477 = arith.constant 0 : i32
        %dma_wait3A_478 = arith.constant 0 : i32
        %dma_wait3A_479 = tpu.memref_slice %arg9[%dma_wait3A_477, %dma_wait3A_478] : memref<8x40xi32, #tpu.memory_space<vmem>> -> memref<1x40xi32, #tpu.memory_space<vmem>>
        %dma_wait3A_480 = tpu.memref_squeeze %dma_wait3A_479 : memref<1x40xi32, #tpu.memory_space<vmem>> -> memref<40xi32, #tpu.memory_space<vmem>>
        %dma_wait3A_481 = arith.constant 0 : i32
        %dma_wait3A_482 = tpu.memref_slice %arg5[%dma_wait3A_481] : memref<320000xi32, #tpu.memory_space<hbm>> -> memref<40xi32, #tpu.memory_space<hbm>>
        %dma_wait3A_483 = arith.constant 0 : i32
        %dma_wait3A_484 = tpu.memref_slice %arg9[%dma_wait3A_477, %dma_wait3A_483] : memref<8x40xi32, #tpu.memory_space<vmem>> -> memref<1x40xi32, #tpu.memory_space<vmem>>
        %dma_wait3A_485 = tpu.memref_squeeze %dma_wait3A_484 : memref<1x40xi32, #tpu.memory_space<vmem>> -> memref<40xi32, #tpu.memory_space<vmem>>
        %dma_wait3A_486 = arith.constant 0 : i32
        %dma_wait3A_487 = tpu.memref_slice %arg5[%dma_wait3A_486] : memref<320000xi32, #tpu.memory_space<hbm>> -> memref<40xi32, #tpu.memory_space<hbm>>
        tpu.wait_dma2 semaphore(%arg28 : memref<!tpu.dma_semaphore, #tpu.memory_space<semaphore_mem>>) src(%dma_wait3A_487 : memref<40xi32, #tpu.memory_space<hbm>>) dst(%dma_wait3A_485 : memref<40xi32, #tpu.memory_space<vmem>>)
        %dma_wait3A_488 = arith.constant 0 : i32
        %dma_wait3A_489 = arith.constant 0 : i32
        %dma_wait3A_490 = tpu.memref_slice %arg10[%dma_wait3A_488, %dma_wait3A_489] : memref<8x40xi32, #tpu.memory_space<vmem>> -> memref<1x40xi32, #tpu.memory_space<vmem>>
        %dma_wait3A_491 = tpu.memref_squeeze %dma_wait3A_490 : memref<1x40xi32, #tpu.memory_space<vmem>> -> memref<40xi32, #tpu.memory_space<vmem>>
        %dma_wait3A_492 = arith.constant 0 : i32
        %dma_wait3A_493 = tpu.memref_slice %arg6[%dma_wait3A_492] : memref<320000xi32, #tpu.memory_space<hbm>> -> memref<40xi32, #tpu.memory_space<hbm>>
        %dma_wait3A_494 = arith.constant 0 : i32
        %dma_wait3A_495 = tpu.memref_slice %arg10[%dma_wait3A_488, %dma_wait3A_494] : memref<8x40xi32, #tpu.memory_space<vmem>> -> memref<1x40xi32, #tpu.memory_space<vmem>>
        %dma_wait3A_496 = tpu.memref_squeeze %dma_wait3A_495 : memref<1x40xi32, #tpu.memory_space<vmem>> -> memref<40xi32, #tpu.memory_space<vmem>>
        %dma_wait3A_497 = arith.constant 0 : i32
        %dma_wait3A_498 = tpu.memref_slice %arg6[%dma_wait3A_497] : memref<320000xi32, #tpu.memory_space<hbm>> -> memref<40xi32, #tpu.memory_space<hbm>>
        tpu.wait_dma2 semaphore(%arg28 : memref<!tpu.dma_semaphore, #tpu.memory_space<semaphore_mem>>) src(%dma_wait3A_498 : memref<40xi32, #tpu.memory_space<hbm>>) dst(%dma_wait3A_496 : memref<40xi32, #tpu.memory_space<vmem>>)
        %add3A_499 = arith.constant 2 : i32
        %add3A_500 = arith.addi %add3A_411, %add3A_499 : i32
        %rem3A_501 = arith.constant 8 : i32
        %rem3A_502 = arith.remsi %add3A_500, %rem3A_501 : i32
        %mul3A_503 = arith.constant 40 : i32
        %mul3A_504 = arith.muli %add3A_500, %mul3A_503 : i32
        %add3A_505 = arith.addi %mul3A_54, %mul3A_504 : i32
        %dma_start3A_506 = arith.constant 0 : i32
        %dma_start3A_507 = tpu.memref_slice %arg10[%rem3A_502, %dma_start3A_506] : memref<8x40xi32, #tpu.memory_space<vmem>> -> memref<1x40xi32, #tpu.memory_space<vmem>>
        %dma_start3A_508 = tpu.memref_squeeze %dma_start3A_507 : memref<1x40xi32, #tpu.memory_space<vmem>> -> memref<40xi32, #tpu.memory_space<vmem>>
        %dma_start3A_509 = arith.constant 0 : i32
        %dma_start3A_510 = arith.constant 0 : i32
        %dma_start3A_511 = tpu.memref_slice %arg2[%dma_start3A_509, %dma_start3A_510] : memref<10000x160xbf16, #tpu.memory_space<hbm>> -> memref<10000x160xbf16, #tpu.memory_space<hbm>>
        tpu.enqueue_indirect_dma source(%dma_start3A_511 : memref<10000x160xbf16, #tpu.memory_space<hbm>>) target(%arg12 : memref<40x160xbf16, #tpu.memory_space<vmem>>) offsets(%dma_start3A_508 : memref<40xi32, #tpu.memory_space<vmem>>) semaphore(%arg23 : memref<!tpu.dma_semaphore, #tpu.memory_space<semaphore_mem>>)
        %dma_start3A_512 = arith.constant 0 : i32
        %dma_start3A_513 = tpu.memref_slice %arg9[%rem3A_502, %dma_start3A_512] : memref<8x40xi32, #tpu.memory_space<vmem>> -> memref<1x40xi32, #tpu.memory_space<vmem>>
        %dma_start3A_514 = tpu.memref_squeeze %dma_start3A_513 : memref<1x40xi32, #tpu.memory_space<vmem>> -> memref<40xi32, #tpu.memory_space<vmem>>
        %dma_start3A_515 = arith.constant 0 : i32
        %dma_start3A_516 = arith.constant 0 : i32
        %dma_start3A_517 = tpu.memref_slice %arg3[%dma_start3A_515, %dma_start3A_516] : memref<10000x256xbf16, #tpu.memory_space<hbm>> -> memref<10000x256xbf16, #tpu.memory_space<hbm>>
        tpu.enqueue_indirect_dma source(%dma_start3A_517 : memref<10000x256xbf16, #tpu.memory_space<hbm>>) target(%arg14 : memref<40x256xbf16, #tpu.memory_space<vmem>>) offsets(%dma_start3A_514 : memref<40xi32, #tpu.memory_space<vmem>>) semaphore(%arg23 : memref<!tpu.dma_semaphore, #tpu.memory_space<semaphore_mem>>)
        %dma_start3A_518 = arith.constant 0 : i32
        %dma_start3A_519 = tpu.memref_slice %arg4[%add3A_505, %dma_start3A_518] : memref<320000x16xf32, #tpu.memory_space<hbm>> -> memref<40x16xf32, #tpu.memory_space<hbm>>
        %dma_start3A_520 = arith.constant 0 : i32
        %dma_start3A_521 = tpu.memref_slice %arg4[%add3A_505, %dma_start3A_520] : memref<320000x16xf32, #tpu.memory_space<hbm>> -> memref<40x16xf32, #tpu.memory_space<hbm>>
        tpu.enqueue_dma source(%dma_start3A_521 : memref<40x16xf32, #tpu.memory_space<hbm>>) target(%arg16 : memref<40x16xf32, #tpu.memory_space<vmem>>) target_semaphore(%arg23 : memref<!tpu.dma_semaphore, #tpu.memory_space<semaphore_mem>>)
      } else {
      }
      %add3A_469 = arith.constant 4 : i32
      %add3A_470 = arith.addi %add3A_411, %add3A_469 : i32
      %lt3A_471 = arith.constant 250 : i32
      %lt3A_472 = arith.cmpi slt, %add3A_470, %lt3A_471 : i32
      %convert_element_type3A_473 = arith.extui %lt3A_472 : i1 to i32
      %cond3A_474 = arith.constant 0 : i32
      %cond3A_475 = arith.cmpi ne, %convert_element_type3A_473, %cond3A_474 : i32
      scf.if %cond3A_475 {
        %add3A_477 = arith.constant 4 : i32
        %add3A_478 = arith.addi %add3A_411, %add3A_477 : i32
        %rem3A_479 = arith.constant 8 : i32
        %rem3A_480 = arith.remsi %add3A_478, %rem3A_479 : i32
        %mul3A_481 = arith.constant 40 : i32
        %mul3A_482 = arith.muli %add3A_478, %mul3A_481 : i32
        %add3A_483 = arith.addi %mul3A_54, %mul3A_482 : i32
        %dma_start3A_484 = arith.constant 0 : i32
        %dma_start3A_485 = tpu.memref_slice %arg9[%rem3A_480, %dma_start3A_484] : memref<8x40xi32, #tpu.memory_space<vmem>> -> memref<1x40xi32, #tpu.memory_space<vmem>>
        %dma_start3A_486 = tpu.memref_squeeze %dma_start3A_485 : memref<1x40xi32, #tpu.memory_space<vmem>> -> memref<40xi32, #tpu.memory_space<vmem>>
        %dma_start3A_487 = tpu.memref_slice %arg5[%add3A_483] : memref<320000xi32, #tpu.memory_space<hbm>> -> memref<40xi32, #tpu.memory_space<hbm>>
        %dma_start3A_488 = arith.constant 0 : i32
        %dma_start3A_489 = tpu.memref_slice %arg9[%rem3A_480, %dma_start3A_488] : memref<8x40xi32, #tpu.memory_space<vmem>> -> memref<1x40xi32, #tpu.memory_space<vmem>>
        %dma_start3A_490 = tpu.memref_squeeze %dma_start3A_489 : memref<1x40xi32, #tpu.memory_space<vmem>> -> memref<40xi32, #tpu.memory_space<vmem>>
        %dma_start3A_491 = tpu.memref_slice %arg5[%add3A_483] : memref<320000xi32, #tpu.memory_space<hbm>> -> memref<40xi32, #tpu.memory_space<hbm>>
        tpu.enqueue_dma source(%dma_start3A_491 : memref<40xi32, #tpu.memory_space<hbm>>) target(%dma_start3A_490 : memref<40xi32, #tpu.memory_space<vmem>>) target_semaphore(%arg28 : memref<!tpu.dma_semaphore, #tpu.memory_space<semaphore_mem>>)
        %dma_start3A_492 = arith.constant 0 : i32
        %dma_start3A_493 = tpu.memref_slice %arg10[%rem3A_480, %dma_start3A_492] : memref<8x40xi32, #tpu.memory_space<vmem>> -> memref<1x40xi32, #tpu.memory_space<vmem>>
        %dma_start3A_494 = tpu.memref_squeeze %dma_start3A_493 : memref<1x40xi32, #tpu.memory_space<vmem>> -> memref<40xi32, #tpu.memory_space<vmem>>
        %dma_start3A_495 = tpu.memref_slice %arg6[%add3A_483] : memref<320000xi32, #tpu.memory_space<hbm>> -> memref<40xi32, #tpu.memory_space<hbm>>
        %dma_start3A_496 = arith.constant 0 : i32
        %dma_start3A_497 = tpu.memref_slice %arg10[%rem3A_480, %dma_start3A_496] : memref<8x40xi32, #tpu.memory_space<vmem>> -> memref<1x40xi32, #tpu.memory_space<vmem>>
        %dma_start3A_498 = tpu.memref_squeeze %dma_start3A_497 : memref<1x40xi32, #tpu.memory_space<vmem>> -> memref<40xi32, #tpu.memory_space<vmem>>
        %dma_start3A_499 = tpu.memref_slice %arg6[%add3A_483] : memref<320000xi32, #tpu.memory_space<hbm>> -> memref<40xi32, #tpu.memory_space<hbm>>
        tpu.enqueue_dma source(%dma_start3A_499 : memref<40xi32, #tpu.memory_space<hbm>>) target(%dma_start3A_498 : memref<40xi32, #tpu.memory_space<vmem>>) target_semaphore(%arg28 : memref<!tpu.dma_semaphore, #tpu.memory_space<semaphore_mem>>)
      } else {
      }
      %scan3A_476 = arith.constant 0 : i32
      scf.yield %scan3A_476 : i32
    }
    %scan3A_269 = arith.constant 125 : i32
    %rem3A_270 = arith.constant 248 : i32
    %rem3A_271 = arith.constant 8 : i32
    %rem3A_272 = arith.remsi %rem3A_270, %rem3A_271 : i32
    %mul3A_273 = arith.constant 248 : i32
    %mul3A_274 = arith.constant 40 : i32
    %mul3A_275 = arith.muli %mul3A_273, %mul3A_274 : i32
    %add3A_276 = arith.addi %mul3A_54, %mul3A_275 : i32
    %dma_wait3A_277 = arith.constant 0 : i32
    %dma_wait3A_278 = tpu.memref_slice %arg10[%rem3A_272, %dma_wait3A_277] : memref<8x40xi32, #tpu.memory_space<vmem>> -> memref<1x40xi32, #tpu.memory_space<vmem>>
    %dma_wait3A_279 = tpu.memref_squeeze %dma_wait3A_278 : memref<1x40xi32, #tpu.memory_space<vmem>> -> memref<40xi32, #tpu.memory_space<vmem>>
    %dma_wait3A_280 = arith.constant 0 : i32
    %dma_wait3A_281 = arith.constant 0 : i32
    %dma_wait3A_282 = tpu.memref_slice %arg21[%dma_wait3A_280, %dma_wait3A_281] : memref<10000x128xf32, #tpu.memory_space<vmem_shared>> -> memref<10000x128xf32, #tpu.memory_space<vmem_shared>>
    tpu.wait_indirect_dma semaphore(%arg26 : memref<!tpu.dma_semaphore, #tpu.memory_space<semaphore_mem>>) src(%arg17 : memref<40x128xf32, #tpu.memory_space<vmem>>) dst(%dma_wait3A_282 : memref<10000x128xf32, #tpu.memory_space<vmem_shared>>)
    %dma_wait3A_283 = arith.constant 0 : i32
    %dma_wait3A_284 = tpu.memref_slice %arg19[%dma_wait3A_283] : memref<48xf32, #tpu.memory_space<vmem>> -> memref<40xf32, #tpu.memory_space<vmem>>
    %dma_wait3A_285 = tpu.memref_slice %arg8[%add3A_276] : memref<320000xf32, #tpu.memory_space<hbm>> -> memref<40xf32, #tpu.memory_space<hbm>>
    %dma_wait3A_286 = tpu.memref_slice %arg8[%add3A_276] : memref<320000xf32, #tpu.memory_space<hbm>> -> memref<40xf32, #tpu.memory_space<hbm>>
    %dma_wait3A_287 = arith.constant 0 : i32
    %dma_wait3A_288 = tpu.memref_slice %arg19[%dma_wait3A_287] : memref<48xf32, #tpu.memory_space<vmem>> -> memref<40xf32, #tpu.memory_space<vmem>>
    tpu.wait_dma2 semaphore(%arg24 : memref<!tpu.dma_semaphore, #tpu.memory_space<semaphore_mem>>) src(%dma_wait3A_288 : memref<40xf32, #tpu.memory_space<vmem>>) dst(%dma_wait3A_286 : memref<40xf32, #tpu.memory_space<hbm>>)
    %rem3A_289 = arith.constant 249 : i32
    %rem3A_290 = arith.constant 8 : i32
    %rem3A_291 = arith.remsi %rem3A_289, %rem3A_290 : i32
    %mul3A_292 = arith.constant 249 : i32
    %mul3A_293 = arith.constant 40 : i32
    %mul3A_294 = arith.muli %mul3A_292, %mul3A_293 : i32
    %add3A_295 = arith.addi %mul3A_54, %mul3A_294 : i32
    %dma_wait3A_296 = arith.constant 0 : i32
    %dma_wait3A_297 = tpu.memref_slice %arg10[%rem3A_291, %dma_wait3A_296] : memref<8x40xi32, #tpu.memory_space<vmem>> -> memref<1x40xi32, #tpu.memory_space<vmem>>
    %dma_wait3A_298 = tpu.memref_squeeze %dma_wait3A_297 : memref<1x40xi32, #tpu.memory_space<vmem>> -> memref<40xi32, #tpu.memory_space<vmem>>
    %dma_wait3A_299 = arith.constant 0 : i32
    %dma_wait3A_300 = arith.constant 0 : i32
    %dma_wait3A_301 = tpu.memref_slice %arg21[%dma_wait3A_299, %dma_wait3A_300] : memref<10000x128xf32, #tpu.memory_space<vmem_shared>> -> memref<10000x128xf32, #tpu.memory_space<vmem_shared>>
    tpu.wait_indirect_dma semaphore(%arg27 : memref<!tpu.dma_semaphore, #tpu.memory_space<semaphore_mem>>) src(%arg18 : memref<40x128xf32, #tpu.memory_space<vmem>>) dst(%dma_wait3A_301 : memref<10000x128xf32, #tpu.memory_space<vmem_shared>>)
    %dma_wait3A_302 = arith.constant 0 : i32
    %dma_wait3A_303 = tpu.memref_slice %arg20[%dma_wait3A_302] : memref<48xf32, #tpu.memory_space<vmem>> -> memref<40xf32, #tpu.memory_space<vmem>>
    %dma_wait3A_304 = tpu.memref_slice %arg8[%add3A_295] : memref<320000xf32, #tpu.memory_space<hbm>> -> memref<40xf32, #tpu.memory_space<hbm>>
    %dma_wait3A_305 = tpu.memref_slice %arg8[%add3A_295] : memref<320000xf32, #tpu.memory_space<hbm>> -> memref<40xf32, #tpu.memory_space<hbm>>
    %dma_wait3A_306 = arith.constant 0 : i32
    %dma_wait3A_307 = tpu.memref_slice %arg20[%dma_wait3A_306] : memref<48xf32, #tpu.memory_space<vmem>> -> memref<40xf32, #tpu.memory_space<vmem>>
    tpu.wait_dma2 semaphore(%arg25 : memref<!tpu.dma_semaphore, #tpu.memory_space<semaphore_mem>>) src(%dma_wait3A_307 : memref<40xf32, #tpu.memory_space<vmem>>) dst(%dma_wait3A_305 : memref<40xf32, #tpu.memory_space<hbm>>)
    %barrier3A_308 = arith.constant 0 : index
    tpu.barrier barrier_id(%barrier3A_308)
    %add3A_309 = arith.constant 0 : i32
    %add3A_310 = arith.addi %mul3A_18, %add3A_309 : i32
    "tpu.region"() ({
      %run_scoped3A = tpu.sem_alloc : memref<!tpu.dma_semaphore, #tpu.memory_space<semaphore_mem>>
      %dma_start3A_341 = arith.constant 0 : i32
      %dma_start3A_342 = tpu.memref_slice %arg21[%add3A_310, %dma_start3A_341] : memref<10000x128xf32, #tpu.memory_space<vmem_shared>> -> memref<40x128xf32, #tpu.memory_space<vmem_shared>>
      %dma_start3A_343 = arith.constant 0 : i32
      %dma_start3A_344 = tpu.memref_slice %arg21[%add3A_310, %dma_start3A_343] : memref<10000x128xf32, #tpu.memory_space<vmem_shared>> -> memref<40x128xf32, #tpu.memory_space<vmem_shared>>
      tpu.enqueue_dma source(%dma_start3A_344 : memref<40x128xf32, #tpu.memory_space<vmem_shared>>) target(%arg17 : memref<40x128xf32, #tpu.memory_space<vmem>>) target_semaphore(%run_scoped3A : memref<!tpu.dma_semaphore, #tpu.memory_space<semaphore_mem>>)
      %dma_wait3A_345 = arith.constant 0 : i32
      %dma_wait3A_346 = tpu.memref_slice %arg21[%add3A_310, %dma_wait3A_345] : memref<10000x128xf32, #tpu.memory_space<vmem_shared>> -> memref<40x128xf32, #tpu.memory_space<vmem_shared>>
      %dma_wait3A_347 = arith.constant 0 : i32
      %dma_wait3A_348 = tpu.memref_slice %arg21[%add3A_310, %dma_wait3A_347] : memref<10000x128xf32, #tpu.memory_space<vmem_shared>> -> memref<40x128xf32, #tpu.memory_space<vmem_shared>>
      tpu.wait_dma2 semaphore(%run_scoped3A : memref<!tpu.dma_semaphore, #tpu.memory_space<semaphore_mem>>) src(%dma_wait3A_348 : memref<40x128xf32, #tpu.memory_space<vmem_shared>>) dst(%arg17 : memref<40x128xf32, #tpu.memory_space<vmem>>)
      tpu.yield
    }) : () -> ()
    "tpu.region"() ({
      %run_scoped3A = tpu.sem_alloc : memref<!tpu.dma_semaphore, #tpu.memory_space<semaphore_mem>>
      %dma_start3A_341 = arith.constant 0 : i32
      %dma_start3A_342 = tpu.memref_slice %arg7[%arg0, %add3A_310, %dma_start3A_341] : memref<2x10000x128xf32, #tpu.memory_space<hbm>> -> memref<1x40x128xf32, #tpu.memory_space<hbm>>
      %dma_start3A_343 = tpu.memref_squeeze %dma_start3A_342 : memref<1x40x128xf32, #tpu.memory_space<hbm>> -> memref<40x128xf32, #tpu.memory_space<hbm>>
      %dma_start3A_344 = arith.constant 0 : i32
      %dma_start3A_345 = tpu.memref_slice %arg7[%arg0, %add3A_310, %dma_start3A_344] : memref<2x10000x128xf32, #tpu.memory_space<hbm>> -> memref<1x40x128xf32, #tpu.memory_space<hbm>>
      %dma_start3A_346 = tpu.memref_squeeze %dma_start3A_345 : memref<1x40x128xf32, #tpu.memory_space<hbm>> -> memref<40x128xf32, #tpu.memory_space<hbm>>
      tpu.enqueue_dma source(%arg17 : memref<40x128xf32, #tpu.memory_space<vmem>>) target(%dma_start3A_346 : memref<40x128xf32, #tpu.memory_space<hbm>>) target_semaphore(%run_scoped3A : memref<!tpu.dma_semaphore, #tpu.memory_space<semaphore_mem>>)
      %dma_wait3A_347 = arith.constant 0 : i32
      %dma_wait3A_348 = tpu.memref_slice %arg7[%arg0, %add3A_310, %dma_wait3A_347] : memref<2x10000x128xf32, #tpu.memory_space<hbm>> -> memref<1x40x128xf32, #tpu.memory_space<hbm>>
      %dma_wait3A_349 = tpu.memref_squeeze %dma_wait3A_348 : memref<1x40x128xf32, #tpu.memory_space<hbm>> -> memref<40x128xf32, #tpu.memory_space<hbm>>
      %dma_wait3A_350 = arith.constant 0 : i32
      %dma_wait3A_351 = tpu.memref_slice %arg7[%arg0, %add3A_310, %dma_wait3A_350] : memref<2x10000x128xf32, #tpu.memory_space<hbm>> -> memref<1x40x128xf32, #tpu.memory_space<hbm>>
      %dma_wait3A_352 = tpu.memref_squeeze %dma_wait3A_351 : memref<1x40x128xf32, #tpu.memory_space<hbm>> -> memref<40x128xf32, #tpu.memory_space<hbm>>
      tpu.wait_dma2 semaphore(%run_scoped3A : memref<!tpu.dma_semaphore, #tpu.memory_space<semaphore_mem>>) src(%arg17 : memref<40x128xf32, #tpu.memory_space<vmem>>) dst(%dma_wait3A_352 : memref<40x128xf32, #tpu.memory_space<hbm>>)
      tpu.yield
    }) : () -> ()
    %add3A_311 = arith.constant 40 : i32
    %add3A_312 = arith.addi %mul3A_18, %add3A_311 : i32
    "tpu.region"() ({
      %run_scoped3A = tpu.sem_alloc : memref<!tpu.dma_semaphore, #tpu.memory_space<semaphore_mem>>
      %dma_start3A_341 = arith.constant 0 : i32
      %dma_start3A_342 = tpu.memref_slice %arg21[%add3A_312, %dma_start3A_341] : memref<10000x128xf32, #tpu.memory_space<vmem_shared>> -> memref<40x128xf32, #tpu.memory_space<vmem_shared>>
      %dma_start3A_343 = arith.constant 0 : i32
      %dma_start3A_344 = tpu.memref_slice %arg21[%add3A_312, %dma_start3A_343] : memref<10000x128xf32, #tpu.memory_space<vmem_shared>> -> memref<40x128xf32, #tpu.memory_space<vmem_shared>>
      tpu.enqueue_dma source(%dma_start3A_344 : memref<40x128xf32, #tpu.memory_space<vmem_shared>>) target(%arg17 : memref<40x128xf32, #tpu.memory_space<vmem>>) target_semaphore(%run_scoped3A : memref<!tpu.dma_semaphore, #tpu.memory_space<semaphore_mem>>)
      %dma_wait3A_345 = arith.constant 0 : i32
      %dma_wait3A_346 = tpu.memref_slice %arg21[%add3A_312, %dma_wait3A_345] : memref<10000x128xf32, #tpu.memory_space<vmem_shared>> -> memref<40x128xf32, #tpu.memory_space<vmem_shared>>
      %dma_wait3A_347 = arith.constant 0 : i32
      %dma_wait3A_348 = tpu.memref_slice %arg21[%add3A_312, %dma_wait3A_347] : memref<10000x128xf32, #tpu.memory_space<vmem_shared>> -> memref<40x128xf32, #tpu.memory_space<vmem_shared>>
      tpu.wait_dma2 semaphore(%run_scoped3A : memref<!tpu.dma_semaphore, #tpu.memory_space<semaphore_mem>>) src(%dma_wait3A_348 : memref<40x128xf32, #tpu.memory_space<vmem_shared>>) dst(%arg17 : memref<40x128xf32, #tpu.memory_space<vmem>>)
      tpu.yield
    }) : () -> ()
    "tpu.region"() ({
      %run_scoped3A = tpu.sem_alloc : memref<!tpu.dma_semaphore, #tpu.memory_space<semaphore_mem>>
      %dma_start3A_341 = arith.constant 0 : i32
      %dma_start3A_342 = tpu.memref_slice %arg7[%arg0, %add3A_312, %dma_start3A_341] : memref<2x10000x128xf32, #tpu.memory_space<hbm>> -> memref<1x40x128xf32, #tpu.memory_space<hbm>>
      %dma_start3A_343 = tpu.memref_squeeze %dma_start3A_342 : memref<1x40x128xf32, #tpu.memory_space<hbm>> -> memref<40x128xf32, #tpu.memory_space<hbm>>
      %dma_start3A_344 = arith.constant 0 : i32
      %dma_start3A_345 = tpu.memref_slice %arg7[%arg0, %add3A_312, %dma_start3A_344] : memref<2x10000x128xf32, #tpu.memory_space<hbm>> -> memref<1x40x128xf32, #tpu.memory_space<hbm>>
      %dma_start3A_346 = tpu.memref_squeeze %dma_start3A_345 : memref<1x40x128xf32, #tpu.memory_space<hbm>> -> memref<40x128xf32, #tpu.memory_space<hbm>>
      tpu.enqueue_dma source(%arg17 : memref<40x128xf32, #tpu.memory_space<vmem>>) target(%dma_start3A_346 : memref<40x128xf32, #tpu.memory_space<hbm>>) target_semaphore(%run_scoped3A : memref<!tpu.dma_semaphore, #tpu.memory_space<semaphore_mem>>)
      %dma_wait3A_347 = arith.constant 0 : i32
      %dma_wait3A_348 = tpu.memref_slice %arg7[%arg0, %add3A_312, %dma_wait3A_347] : memref<2x10000x128xf32, #tpu.memory_space<hbm>> -> memref<1x40x128xf32, #tpu.memory_space<hbm>>
      %dma_wait3A_349 = tpu.memref_squeeze %dma_wait3A_348 : memref<1x40x128xf32, #tpu.memory_space<hbm>> -> memref<40x128xf32, #tpu.memory_space<hbm>>
      %dma_wait3A_350 = arith.constant 0 : i32
      %dma_wait3A_351 = tpu.memref_slice %arg7[%arg0, %add3A_312, %dma_wait3A_350] : memref<2x10000x128xf32, #tpu.memory_space<hbm>> -> memref<1x40x128xf32, #tpu.memory_space<hbm>>
      %dma_wait3A_352 = tpu.memref_squeeze %dma_wait3A_351 : memref<1x40x128xf32, #tpu.memory_space<hbm>> -> memref<40x128xf32, #tpu.memory_space<hbm>>
      tpu.wait_dma2 semaphore(%run_scoped3A : memref<!tpu.dma_semaphore, #tpu.memory_space<semaphore_mem>>) src(%arg17 : memref<40x128xf32, #tpu.memory_space<vmem>>) dst(%dma_wait3A_352 : memref<40x128xf32, #tpu.memory_space<hbm>>)
      tpu.yield
    }) : () -> ()
    %add3A_313 = arith.constant 80 : i32
    %add3A_314 = arith.addi %mul3A_18, %add3A_313 : i32
    "tpu.region"() ({
      %run_scoped3A = tpu.sem_alloc : memref<!tpu.dma_semaphore, #tpu.memory_space<semaphore_mem>>
      %dma_start3A_341 = arith.constant 0 : i32
      %dma_start3A_342 = tpu.memref_slice %arg21[%add3A_314, %dma_start3A_341] : memref<10000x128xf32, #tpu.memory_space<vmem_shared>> -> memref<40x128xf32, #tpu.memory_space<vmem_shared>>
      %dma_start3A_343 = arith.constant 0 : i32
      %dma_start3A_344 = tpu.memref_slice %arg21[%add3A_314, %dma_start3A_343] : memref<10000x128xf32, #tpu.memory_space<vmem_shared>> -> memref<40x128xf32, #tpu.memory_space<vmem_shared>>
      tpu.enqueue_dma source(%dma_start3A_344 : memref<40x128xf32, #tpu.memory_space<vmem_shared>>) target(%arg17 : memref<40x128xf32, #tpu.memory_space<vmem>>) target_semaphore(%run_scoped3A : memref<!tpu.dma_semaphore, #tpu.memory_space<semaphore_mem>>)
      %dma_wait3A_345 = arith.constant 0 : i32
      %dma_wait3A_346 = tpu.memref_slice %arg21[%add3A_314, %dma_wait3A_345] : memref<10000x128xf32, #tpu.memory_space<vmem_shared>> -> memref<40x128xf32, #tpu.memory_space<vmem_shared>>
      %dma_wait3A_347 = arith.constant 0 : i32
      %dma_wait3A_348 = tpu.memref_slice %arg21[%add3A_314, %dma_wait3A_347] : memref<10000x128xf32, #tpu.memory_space<vmem_shared>> -> memref<40x128xf32, #tpu.memory_space<vmem_shared>>
      tpu.wait_dma2 semaphore(%run_scoped3A : memref<!tpu.dma_semaphore, #tpu.memory_space<semaphore_mem>>) src(%dma_wait3A_348 : memref<40x128xf32, #tpu.memory_space<vmem_shared>>) dst(%arg17 : memref<40x128xf32, #tpu.memory_space<vmem>>)
      tpu.yield
    }) : () -> ()
    "tpu.region"() ({
      %run_scoped3A = tpu.sem_alloc : memref<!tpu.dma_semaphore, #tpu.memory_space<semaphore_mem>>
      %dma_start3A_341 = arith.constant 0 : i32
      %dma_start3A_342 = tpu.memref_slice %arg7[%arg0, %add3A_314, %dma_start3A_341] : memref<2x10000x128xf32, #tpu.memory_space<hbm>> -> memref<1x40x128xf32, #tpu.memory_space<hbm>>
      %dma_start3A_343 = tpu.memref_squeeze %dma_start3A_342 : memref<1x40x128xf32, #tpu.memory_space<hbm>> -> memref<40x128xf32, #tpu.memory_space<hbm>>
      %dma_start3A_344 = arith.constant 0 : i32
      %dma_start3A_345 = tpu.memref_slice %arg7[%arg0, %add3A_314, %dma_start3A_344] : memref<2x10000x128xf32, #tpu.memory_space<hbm>> -> memref<1x40x128xf32, #tpu.memory_space<hbm>>
      %dma_start3A_346 = tpu.memref_squeeze %dma_start3A_345 : memref<1x40x128xf32, #tpu.memory_space<hbm>> -> memref<40x128xf32, #tpu.memory_space<hbm>>
      tpu.enqueue_dma source(%arg17 : memref<40x128xf32, #tpu.memory_space<vmem>>) target(%dma_start3A_346 : memref<40x128xf32, #tpu.memory_space<hbm>>) target_semaphore(%run_scoped3A : memref<!tpu.dma_semaphore, #tpu.memory_space<semaphore_mem>>)
      %dma_wait3A_347 = arith.constant 0 : i32
      %dma_wait3A_348 = tpu.memref_slice %arg7[%arg0, %add3A_314, %dma_wait3A_347] : memref<2x10000x128xf32, #tpu.memory_space<hbm>> -> memref<1x40x128xf32, #tpu.memory_space<hbm>>
      %dma_wait3A_349 = tpu.memref_squeeze %dma_wait3A_348 : memref<1x40x128xf32, #tpu.memory_space<hbm>> -> memref<40x128xf32, #tpu.memory_space<hbm>>
      %dma_wait3A_350 = arith.constant 0 : i32
      %dma_wait3A_351 = tpu.memref_slice %arg7[%arg0, %add3A_314, %dma_wait3A_350] : memref<2x10000x128xf32, #tpu.memory_space<hbm>> -> memref<1x40x128xf32, #tpu.memory_space<hbm>>
      %dma_wait3A_352 = tpu.memref_squeeze %dma_wait3A_351 : memref<1x40x128xf32, #tpu.memory_space<hbm>> -> memref<40x128xf32, #tpu.memory_space<hbm>>
      tpu.wait_dma2 semaphore(%run_scoped3A : memref<!tpu.dma_semaphore, #tpu.memory_space<semaphore_mem>>) src(%arg17 : memref<40x128xf32, #tpu.memory_space<vmem>>) dst(%dma_wait3A_352 : memref<40x128xf32, #tpu.memory_space<hbm>>)
      tpu.yield
    }) : () -> ()
    %add3A_315 = arith.constant 120 : i32
    %add3A_316 = arith.addi %mul3A_18, %add3A_315 : i32
    "tpu.region"() ({
      %run_scoped3A = tpu.sem_alloc : memref<!tpu.dma_semaphore, #tpu.memory_space<semaphore_mem>>
      %dma_start3A_341 = arith.constant 0 : i32
      %dma_start3A_342 = tpu.memref_slice %arg21[%add3A_316, %dma_start3A_341] : memref<10000x128xf32, #tpu.memory_space<vmem_shared>> -> memref<40x128xf32, #tpu.memory_space<vmem_shared>>
      %dma_start3A_343 = arith.constant 0 : i32
      %dma_start3A_344 = tpu.memref_slice %arg21[%add3A_316, %dma_start3A_343] : memref<10000x128xf32, #tpu.memory_space<vmem_shared>> -> memref<40x128xf32, #tpu.memory_space<vmem_shared>>
      tpu.enqueue_dma source(%dma_start3A_344 : memref<40x128xf32, #tpu.memory_space<vmem_shared>>) target(%arg17 : memref<40x128xf32, #tpu.memory_space<vmem>>) target_semaphore(%run_scoped3A : memref<!tpu.dma_semaphore, #tpu.memory_space<semaphore_mem>>)
      %dma_wait3A_345 = arith.constant 0 : i32
      %dma_wait3A_346 = tpu.memref_slice %arg21[%add3A_316, %dma_wait3A_345] : memref<10000x128xf32, #tpu.memory_space<vmem_shared>> -> memref<40x128xf32, #tpu.memory_space<vmem_shared>>
      %dma_wait3A_347 = arith.constant 0 : i32
      %dma_wait3A_348 = tpu.memref_slice %arg21[%add3A_316, %dma_wait3A_347] : memref<10000x128xf32, #tpu.memory_space<vmem_shared>> -> memref<40x128xf32, #tpu.memory_space<vmem_shared>>
      tpu.wait_dma2 semaphore(%run_scoped3A : memref<!tpu.dma_semaphore, #tpu.memory_space<semaphore_mem>>) src(%dma_wait3A_348 : memref<40x128xf32, #tpu.memory_space<vmem_shared>>) dst(%arg17 : memref<40x128xf32, #tpu.memory_space<vmem>>)
      tpu.yield
    }) : () -> ()
    "tpu.region"() ({
      %run_scoped3A = tpu.sem_alloc : memref<!tpu.dma_semaphore, #tpu.memory_space<semaphore_mem>>
      %dma_start3A_341 = arith.constant 0 : i32
      %dma_start3A_342 = tpu.memref_slice %arg7[%arg0, %add3A_316, %dma_start3A_341] : memref<2x10000x128xf32, #tpu.memory_space<hbm>> -> memref<1x40x128xf32, #tpu.memory_space<hbm>>
      %dma_start3A_343 = tpu.memref_squeeze %dma_start3A_342 : memref<1x40x128xf32, #tpu.memory_space<hbm>> -> memref<40x128xf32, #tpu.memory_space<hbm>>
      %dma_start3A_344 = arith.constant 0 : i32
      %dma_start3A_345 = tpu.memref_slice %arg7[%arg0, %add3A_316, %dma_start3A_344] : memref<2x10000x128xf32, #tpu.memory_space<hbm>> -> memref<1x40x128xf32, #tpu.memory_space<hbm>>
      %dma_start3A_346 = tpu.memref_squeeze %dma_start3A_345 : memref<1x40x128xf32, #tpu.memory_space<hbm>> -> memref<40x128xf32, #tpu.memory_space<hbm>>
      tpu.enqueue_dma source(%arg17 : memref<40x128xf32, #tpu.memory_space<vmem>>) target(%dma_start3A_346 : memref<40x128xf32, #tpu.memory_space<hbm>>) target_semaphore(%run_scoped3A : memref<!tpu.dma_semaphore, #tpu.memory_space<semaphore_mem>>)
      %dma_wait3A_347 = arith.constant 0 : i32
      %dma_wait3A_348 = tpu.memref_slice %arg7[%arg0, %add3A_316, %dma_wait3A_347] : memref<2x10000x128xf32, #tpu.memory_space<hbm>> -> memref<1x40x128xf32, #tpu.memory_space<hbm>>
      %dma_wait3A_349 = tpu.memref_squeeze %dma_wait3A_348 : memref<1x40x128xf32, #tpu.memory_space<hbm>> -> memref<40x128xf32, #tpu.memory_space<hbm>>
      %dma_wait3A_350 = arith.constant 0 : i32
      %dma_wait3A_351 = tpu.memref_slice %arg7[%arg0, %add3A_316, %dma_wait3A_350] : memref<2x10000x128xf32, #tpu.memory_space<hbm>> -> memref<1x40x128xf32, #tpu.memory_space<hbm>>
      %dma_wait3A_352 = tpu.memref_squeeze %dma_wait3A_351 : memref<1x40x128xf32, #tpu.memory_space<hbm>> -> memref<40x128xf32, #tpu.memory_space<hbm>>
      tpu.wait_dma2 semaphore(%run_scoped3A : memref<!tpu.dma_semaphore, #tpu.memory_space<semaphore_mem>>) src(%arg17 : memref<40x128xf32, #tpu.memory_space<vmem>>) dst(%dma_wait3A_352 : memref<40x128xf32, #tpu.memory_space<hbm>>)
      tpu.yield
    }) : () -> ()
    %add3A_317 = arith.constant 160 : i32
    %add3A_318 = arith.addi %mul3A_18, %add3A_317 : i32
    "tpu.region"() ({
      %run_scoped3A = tpu.sem_alloc : memref<!tpu.dma_semaphore, #tpu.memory_space<semaphore_mem>>
      %dma_start3A_341 = arith.constant 0 : i32
      %dma_start3A_342 = tpu.memref_slice %arg21[%add3A_318, %dma_start3A_341] : memref<10000x128xf32, #tpu.memory_space<vmem_shared>> -> memref<40x128xf32, #tpu.memory_space<vmem_shared>>
      %dma_start3A_343 = arith.constant 0 : i32
      %dma_start3A_344 = tpu.memref_slice %arg21[%add3A_318, %dma_start3A_343] : memref<10000x128xf32, #tpu.memory_space<vmem_shared>> -> memref<40x128xf32, #tpu.memory_space<vmem_shared>>
      tpu.enqueue_dma source(%dma_start3A_344 : memref<40x128xf32, #tpu.memory_space<vmem_shared>>) target(%arg17 : memref<40x128xf32, #tpu.memory_space<vmem>>) target_semaphore(%run_scoped3A : memref<!tpu.dma_semaphore, #tpu.memory_space<semaphore_mem>>)
      %dma_wait3A_345 = arith.constant 0 : i32
      %dma_wait3A_346 = tpu.memref_slice %arg21[%add3A_318, %dma_wait3A_345] : memref<10000x128xf32, #tpu.memory_space<vmem_shared>> -> memref<40x128xf32, #tpu.memory_space<vmem_shared>>
      %dma_wait3A_347 = arith.constant 0 : i32
      %dma_wait3A_348 = tpu.memref_slice %arg21[%add3A_318, %dma_wait3A_347] : memref<10000x128xf32, #tpu.memory_space<vmem_shared>> -> memref<40x128xf32, #tpu.memory_space<vmem_shared>>
      tpu.wait_dma2 semaphore(%run_scoped3A : memref<!tpu.dma_semaphore, #tpu.memory_space<semaphore_mem>>) src(%dma_wait3A_348 : memref<40x128xf32, #tpu.memory_space<vmem_shared>>) dst(%arg17 : memref<40x128xf32, #tpu.memory_space<vmem>>)
      tpu.yield
    }) : () -> ()
    "tpu.region"() ({
      %run_scoped3A = tpu.sem_alloc : memref<!tpu.dma_semaphore, #tpu.memory_space<semaphore_mem>>
      %dma_start3A_341 = arith.constant 0 : i32
      %dma_start3A_342 = tpu.memref_slice %arg7[%arg0, %add3A_318, %dma_start3A_341] : memref<2x10000x128xf32, #tpu.memory_space<hbm>> -> memref<1x40x128xf32, #tpu.memory_space<hbm>>
      %dma_start3A_343 = tpu.memref_squeeze %dma_start3A_342 : memref<1x40x128xf32, #tpu.memory_space<hbm>> -> memref<40x128xf32, #tpu.memory_space<hbm>>
      %dma_start3A_344 = arith.constant 0 : i32
      %dma_start3A_345 = tpu.memref_slice %arg7[%arg0, %add3A_318, %dma_start3A_344] : memref<2x10000x128xf32, #tpu.memory_space<hbm>> -> memref<1x40x128xf32, #tpu.memory_space<hbm>>
      %dma_start3A_346 = tpu.memref_squeeze %dma_start3A_345 : memref<1x40x128xf32, #tpu.memory_space<hbm>> -> memref<40x128xf32, #tpu.memory_space<hbm>>
      tpu.enqueue_dma source(%arg17 : memref<40x128xf32, #tpu.memory_space<vmem>>) target(%dma_start3A_346 : memref<40x128xf32, #tpu.memory_space<hbm>>) target_semaphore(%run_scoped3A : memref<!tpu.dma_semaphore, #tpu.memory_space<semaphore_mem>>)
      %dma_wait3A_347 = arith.constant 0 : i32
      %dma_wait3A_348 = tpu.memref_slice %arg7[%arg0, %add3A_318, %dma_wait3A_347] : memref<2x10000x128xf32, #tpu.memory_space<hbm>> -> memref<1x40x128xf32, #tpu.memory_space<hbm>>
      %dma_wait3A_349 = tpu.memref_squeeze %dma_wait3A_348 : memref<1x40x128xf32, #tpu.memory_space<hbm>> -> memref<40x128xf32, #tpu.memory_space<hbm>>
      %dma_wait3A_350 = arith.constant 0 : i32
      %dma_wait3A_351 = tpu.memref_slice %arg7[%arg0, %add3A_318, %dma_wait3A_350] : memref<2x10000x128xf32, #tpu.memory_space<hbm>> -> memref<1x40x128xf32, #tpu.memory_space<hbm>>
      %dma_wait3A_352 = tpu.memref_squeeze %dma_wait3A_351 : memref<1x40x128xf32, #tpu.memory_space<hbm>> -> memref<40x128xf32, #tpu.memory_space<hbm>>
      tpu.wait_dma2 semaphore(%run_scoped3A : memref<!tpu.dma_semaphore, #tpu.memory_space<semaphore_mem>>) src(%arg17 : memref<40x128xf32, #tpu.memory_space<vmem>>) dst(%dma_wait3A_352 : memref<40x128xf32, #tpu.memory_space<hbm>>)
      tpu.yield
    }) : () -> ()
    %add3A_319 = arith.constant 200 : i32
    %add3A_320 = arith.addi %mul3A_18, %add3A_319 : i32
    "tpu.region"() ({
      %run_scoped3A = tpu.sem_alloc : memref<!tpu.dma_semaphore, #tpu.memory_space<semaphore_mem>>
      %dma_start3A_341 = arith.constant 0 : i32
      %dma_start3A_342 = tpu.memref_slice %arg21[%add3A_320, %dma_start3A_341] : memref<10000x128xf32, #tpu.memory_space<vmem_shared>> -> memref<40x128xf32, #tpu.memory_space<vmem_shared>>
      %dma_start3A_343 = arith.constant 0 : i32
      %dma_start3A_344 = tpu.memref_slice %arg21[%add3A_320, %dma_start3A_343] : memref<10000x128xf32, #tpu.memory_space<vmem_shared>> -> memref<40x128xf32, #tpu.memory_space<vmem_shared>>
      tpu.enqueue_dma source(%dma_start3A_344 : memref<40x128xf32, #tpu.memory_space<vmem_shared>>) target(%arg17 : memref<40x128xf32, #tpu.memory_space<vmem>>) target_semaphore(%run_scoped3A : memref<!tpu.dma_semaphore, #tpu.memory_space<semaphore_mem>>)
      %dma_wait3A_345 = arith.constant 0 : i32
      %dma_wait3A_346 = tpu.memref_slice %arg21[%add3A_320, %dma_wait3A_345] : memref<10000x128xf32, #tpu.memory_space<vmem_shared>> -> memref<40x128xf32, #tpu.memory_space<vmem_shared>>
      %dma_wait3A_347 = arith.constant 0 : i32
      %dma_wait3A_348 = tpu.memref_slice %arg21[%add3A_320, %dma_wait3A_347] : memref<10000x128xf32, #tpu.memory_space<vmem_shared>> -> memref<40x128xf32, #tpu.memory_space<vmem_shared>>
      tpu.wait_dma2 semaphore(%run_scoped3A : memref<!tpu.dma_semaphore, #tpu.memory_space<semaphore_mem>>) src(%dma_wait3A_348 : memref<40x128xf32, #tpu.memory_space<vmem_shared>>) dst(%arg17 : memref<40x128xf32, #tpu.memory_space<vmem>>)
      tpu.yield
    }) : () -> ()
    "tpu.region"() ({
      %run_scoped3A = tpu.sem_alloc : memref<!tpu.dma_semaphore, #tpu.memory_space<semaphore_mem>>
      %dma_start3A_341 = arith.constant 0 : i32
      %dma_start3A_342 = tpu.memref_slice %arg7[%arg0, %add3A_320, %dma_start3A_341] : memref<2x10000x128xf32, #tpu.memory_space<hbm>> -> memref<1x40x128xf32, #tpu.memory_space<hbm>>
      %dma_start3A_343 = tpu.memref_squeeze %dma_start3A_342 : memref<1x40x128xf32, #tpu.memory_space<hbm>> -> memref<40x128xf32, #tpu.memory_space<hbm>>
      %dma_start3A_344 = arith.constant 0 : i32
      %dma_start3A_345 = tpu.memref_slice %arg7[%arg0, %add3A_320, %dma_start3A_344] : memref<2x10000x128xf32, #tpu.memory_space<hbm>> -> memref<1x40x128xf32, #tpu.memory_space<hbm>>
      %dma_start3A_346 = tpu.memref_squeeze %dma_start3A_345 : memref<1x40x128xf32, #tpu.memory_space<hbm>> -> memref<40x128xf32, #tpu.memory_space<hbm>>
      tpu.enqueue_dma source(%arg17 : memref<40x128xf32, #tpu.memory_space<vmem>>) target(%dma_start3A_346 : memref<40x128xf32, #tpu.memory_space<hbm>>) target_semaphore(%run_scoped3A : memref<!tpu.dma_semaphore, #tpu.memory_space<semaphore_mem>>)
      %dma_wait3A_347 = arith.constant 0 : i32
      %dma_wait3A_348 = tpu.memref_slice %arg7[%arg0, %add3A_320, %dma_wait3A_347] : memref<2x10000x128xf32, #tpu.memory_space<hbm>> -> memref<1x40x128xf32, #tpu.memory_space<hbm>>
      %dma_wait3A_349 = tpu.memref_squeeze %dma_wait3A_348 : memref<1x40x128xf32, #tpu.memory_space<hbm>> -> memref<40x128xf32, #tpu.memory_space<hbm>>
      %dma_wait3A_350 = arith.constant 0 : i32
      %dma_wait3A_351 = tpu.memref_slice %arg7[%arg0, %add3A_320, %dma_wait3A_350] : memref<2x10000x128xf32, #tpu.memory_space<hbm>> -> memref<1x40x128xf32, #tpu.memory_space<hbm>>
      %dma_wait3A_352 = tpu.memref_squeeze %dma_wait3A_351 : memref<1x40x128xf32, #tpu.memory_space<hbm>> -> memref<40x128xf32, #tpu.memory_space<hbm>>
      tpu.wait_dma2 semaphore(%run_scoped3A : memref<!tpu.dma_semaphore, #tpu.memory_space<semaphore_mem>>) src(%arg17 : memref<40x128xf32, #tpu.memory_space<vmem>>) dst(%dma_wait3A_352 : memref<40x128xf32, #tpu.memory_space<hbm>>)
      tpu.yield
    }) : () -> ()
    %add3A_321 = arith.constant 240 : i32
    %add3A_322 = arith.addi %mul3A_18, %add3A_321 : i32
    "tpu.region"() ({
      %run_scoped3A = tpu.sem_alloc : memref<!tpu.dma_semaphore, #tpu.memory_space<semaphore_mem>>
      %dma_start3A_341 = arith.constant 0 : i32
      %dma_start3A_342 = tpu.memref_slice %arg21[%add3A_322, %dma_start3A_341] : memref<10000x128xf32, #tpu.memory_space<vmem_shared>> -> memref<40x128xf32, #tpu.memory_space<vmem_shared>>
      %dma_start3A_343 = arith.constant 0 : i32
      %dma_start3A_344 = tpu.memref_slice %arg21[%add3A_322, %dma_start3A_343] : memref<10000x128xf32, #tpu.memory_space<vmem_shared>> -> memref<40x128xf32, #tpu.memory_space<vmem_shared>>
      tpu.enqueue_dma source(%dma_start3A_344 : memref<40x128xf32, #tpu.memory_space<vmem_shared>>) target(%arg17 : memref<40x128xf32, #tpu.memory_space<vmem>>) target_semaphore(%run_scoped3A : memref<!tpu.dma_semaphore, #tpu.memory_space<semaphore_mem>>)
      %dma_wait3A_345 = arith.constant 0 : i32
      %dma_wait3A_346 = tpu.memref_slice %arg21[%add3A_322, %dma_wait3A_345] : memref<10000x128xf32, #tpu.memory_space<vmem_shared>> -> memref<40x128xf32, #tpu.memory_space<vmem_shared>>
      %dma_wait3A_347 = arith.constant 0 : i32
      %dma_wait3A_348 = tpu.memref_slice %arg21[%add3A_322, %dma_wait3A_347] : memref<10000x128xf32, #tpu.memory_space<vmem_shared>> -> memref<40x128xf32, #tpu.memory_space<vmem_shared>>
      tpu.wait_dma2 semaphore(%run_scoped3A : memref<!tpu.dma_semaphore, #tpu.memory_space<semaphore_mem>>) src(%dma_wait3A_348 : memref<40x128xf32, #tpu.memory_space<vmem_shared>>) dst(%arg17 : memref<40x128xf32, #tpu.memory_space<vmem>>)
      tpu.yield
    }) : () -> ()
    "tpu.region"() ({
      %run_scoped3A = tpu.sem_alloc : memref<!tpu.dma_semaphore, #tpu.memory_space<semaphore_mem>>
      %dma_start3A_341 = arith.constant 0 : i32
      %dma_start3A_342 = tpu.memref_slice %arg7[%arg0, %add3A_322, %dma_start3A_341] : memref<2x10000x128xf32, #tpu.memory_space<hbm>> -> memref<1x40x128xf32, #tpu.memory_space<hbm>>
      %dma_start3A_343 = tpu.memref_squeeze %dma_start3A_342 : memref<1x40x128xf32, #tpu.memory_space<hbm>> -> memref<40x128xf32, #tpu.memory_space<hbm>>
      %dma_start3A_344 = arith.constant 0 : i32
      %dma_start3A_345 = tpu.memref_slice %arg7[%arg0, %add3A_322, %dma_start3A_344] : memref<2x10000x128xf32, #tpu.memory_space<hbm>> -> memref<1x40x128xf32, #tpu.memory_space<hbm>>
      %dma_start3A_346 = tpu.memref_squeeze %dma_start3A_345 : memref<1x40x128xf32, #tpu.memory_space<hbm>> -> memref<40x128xf32, #tpu.memory_space<hbm>>
      tpu.enqueue_dma source(%arg17 : memref<40x128xf32, #tpu.memory_space<vmem>>) target(%dma_start3A_346 : memref<40x128xf32, #tpu.memory_space<hbm>>) target_semaphore(%run_scoped3A : memref<!tpu.dma_semaphore, #tpu.memory_space<semaphore_mem>>)
      %dma_wait3A_347 = arith.constant 0 : i32
      %dma_wait3A_348 = tpu.memref_slice %arg7[%arg0, %add3A_322, %dma_wait3A_347] : memref<2x10000x128xf32, #tpu.memory_space<hbm>> -> memref<1x40x128xf32, #tpu.memory_space<hbm>>
      %dma_wait3A_349 = tpu.memref_squeeze %dma_wait3A_348 : memref<1x40x128xf32, #tpu.memory_space<hbm>> -> memref<40x128xf32, #tpu.memory_space<hbm>>
      %dma_wait3A_350 = arith.constant 0 : i32
      %dma_wait3A_351 = tpu.memref_slice %arg7[%arg0, %add3A_322, %dma_wait3A_350] : memref<2x10000x128xf32, #tpu.memory_space<hbm>> -> memref<1x40x128xf32, #tpu.memory_space<hbm>>
      %dma_wait3A_352 = tpu.memref_squeeze %dma_wait3A_351 : memref<1x40x128xf32, #tpu.memory_space<hbm>> -> memref<40x128xf32, #tpu.memory_space<hbm>>
      tpu.wait_dma2 semaphore(%run_scoped3A : memref<!tpu.dma_semaphore, #tpu.memory_space<semaphore_mem>>) src(%arg17 : memref<40x128xf32, #tpu.memory_space<vmem>>) dst(%dma_wait3A_352 : memref<40x128xf32, #tpu.memory_space<hbm>>)
      tpu.yield
    }) : () -> ()
    %add3A_323 = arith.constant 280 : i32
    %add3A_324 = arith.addi %mul3A_18, %add3A_323 : i32
    "tpu.region"() ({
      %run_scoped3A = tpu.sem_alloc : memref<!tpu.dma_semaphore, #tpu.memory_space<semaphore_mem>>
      %dma_start3A_341 = arith.constant 0 : i32
      %dma_start3A_342 = tpu.memref_slice %arg21[%add3A_324, %dma_start3A_341] : memref<10000x128xf32, #tpu.memory_space<vmem_shared>> -> memref<40x128xf32, #tpu.memory_space<vmem_shared>>
      %dma_start3A_343 = arith.constant 0 : i32
      %dma_start3A_344 = tpu.memref_slice %arg21[%add3A_324, %dma_start3A_343] : memref<10000x128xf32, #tpu.memory_space<vmem_shared>> -> memref<40x128xf32, #tpu.memory_space<vmem_shared>>
      tpu.enqueue_dma source(%dma_start3A_344 : memref<40x128xf32, #tpu.memory_space<vmem_shared>>) target(%arg17 : memref<40x128xf32, #tpu.memory_space<vmem>>) target_semaphore(%run_scoped3A : memref<!tpu.dma_semaphore, #tpu.memory_space<semaphore_mem>>)
      %dma_wait3A_345 = arith.constant 0 : i32
      %dma_wait3A_346 = tpu.memref_slice %arg21[%add3A_324, %dma_wait3A_345] : memref<10000x128xf32, #tpu.memory_space<vmem_shared>> -> memref<40x128xf32, #tpu.memory_space<vmem_shared>>
      %dma_wait3A_347 = arith.constant 0 : i32
      %dma_wait3A_348 = tpu.memref_slice %arg21[%add3A_324, %dma_wait3A_347] : memref<10000x128xf32, #tpu.memory_space<vmem_shared>> -> memref<40x128xf32, #tpu.memory_space<vmem_shared>>
      tpu.wait_dma2 semaphore(%run_scoped3A : memref<!tpu.dma_semaphore, #tpu.memory_space<semaphore_mem>>) src(%dma_wait3A_348 : memref<40x128xf32, #tpu.memory_space<vmem_shared>>) dst(%arg17 : memref<40x128xf32, #tpu.memory_space<vmem>>)
      tpu.yield
    }) : () -> ()
    "tpu.region"() ({
      %run_scoped3A = tpu.sem_alloc : memref<!tpu.dma_semaphore, #tpu.memory_space<semaphore_mem>>
      %dma_start3A_341 = arith.constant 0 : i32
      %dma_start3A_342 = tpu.memref_slice %arg7[%arg0, %add3A_324, %dma_start3A_341] : memref<2x10000x128xf32, #tpu.memory_space<hbm>> -> memref<1x40x128xf32, #tpu.memory_space<hbm>>
      %dma_start3A_343 = tpu.memref_squeeze %dma_start3A_342 : memref<1x40x128xf32, #tpu.memory_space<hbm>> -> memref<40x128xf32, #tpu.memory_space<hbm>>
      %dma_start3A_344 = arith.constant 0 : i32
      %dma_start3A_345 = tpu.memref_slice %arg7[%arg0, %add3A_324, %dma_start3A_344] : memref<2x10000x128xf32, #tpu.memory_space<hbm>> -> memref<1x40x128xf32, #tpu.memory_space<hbm>>
      %dma_start3A_346 = tpu.memref_squeeze %dma_start3A_345 : memref<1x40x128xf32, #tpu.memory_space<hbm>> -> memref<40x128xf32, #tpu.memory_space<hbm>>
      tpu.enqueue_dma source(%arg17 : memref<40x128xf32, #tpu.memory_space<vmem>>) target(%dma_start3A_346 : memref<40x128xf32, #tpu.memory_space<hbm>>) target_semaphore(%run_scoped3A : memref<!tpu.dma_semaphore, #tpu.memory_space<semaphore_mem>>)
      %dma_wait3A_347 = arith.constant 0 : i32
      %dma_wait3A_348 = tpu.memref_slice %arg7[%arg0, %add3A_324, %dma_wait3A_347] : memref<2x10000x128xf32, #tpu.memory_space<hbm>> -> memref<1x40x128xf32, #tpu.memory_space<hbm>>
      %dma_wait3A_349 = tpu.memref_squeeze %dma_wait3A_348 : memref<1x40x128xf32, #tpu.memory_space<hbm>> -> memref<40x128xf32, #tpu.memory_space<hbm>>
      %dma_wait3A_350 = arith.constant 0 : i32
      %dma_wait3A_351 = tpu.memref_slice %arg7[%arg0, %add3A_324, %dma_wait3A_350] : memref<2x10000x128xf32, #tpu.memory_space<hbm>> -> memref<1x40x128xf32, #tpu.memory_space<hbm>>
      %dma_wait3A_352 = tpu.memref_squeeze %dma_wait3A_351 : memref<1x40x128xf32, #tpu.memory_space<hbm>> -> memref<40x128xf32, #tpu.memory_space<hbm>>
      tpu.wait_dma2 semaphore(%run_scoped3A : memref<!tpu.dma_semaphore, #tpu.memory_space<semaphore_mem>>) src(%arg17 : memref<40x128xf32, #tpu.memory_space<vmem>>) dst(%dma_wait3A_352 : memref<40x128xf32, #tpu.memory_space<hbm>>)
      tpu.yield
    }) : () -> ()
    %add3A_325 = arith.constant 320 : i32
    %add3A_326 = arith.addi %mul3A_18, %add3A_325 : i32
    "tpu.region"() ({
      %run_scoped3A = tpu.sem_alloc : memref<!tpu.dma_semaphore, #tpu.memory_space<semaphore_mem>>
      %dma_start3A_341 = arith.constant 0 : i32
      %dma_start3A_342 = tpu.memref_slice %arg21[%add3A_326, %dma_start3A_341] : memref<10000x128xf32, #tpu.memory_space<vmem_shared>> -> memref<40x128xf32, #tpu.memory_space<vmem_shared>>
      %dma_start3A_343 = arith.constant 0 : i32
      %dma_start3A_344 = tpu.memref_slice %arg21[%add3A_326, %dma_start3A_343] : memref<10000x128xf32, #tpu.memory_space<vmem_shared>> -> memref<40x128xf32, #tpu.memory_space<vmem_shared>>
      tpu.enqueue_dma source(%dma_start3A_344 : memref<40x128xf32, #tpu.memory_space<vmem_shared>>) target(%arg17 : memref<40x128xf32, #tpu.memory_space<vmem>>) target_semaphore(%run_scoped3A : memref<!tpu.dma_semaphore, #tpu.memory_space<semaphore_mem>>)
      %dma_wait3A_345 = arith.constant 0 : i32
      %dma_wait3A_346 = tpu.memref_slice %arg21[%add3A_326, %dma_wait3A_345] : memref<10000x128xf32, #tpu.memory_space<vmem_shared>> -> memref<40x128xf32, #tpu.memory_space<vmem_shared>>
      %dma_wait3A_347 = arith.constant 0 : i32
      %dma_wait3A_348 = tpu.memref_slice %arg21[%add3A_326, %dma_wait3A_347] : memref<10000x128xf32, #tpu.memory_space<vmem_shared>> -> memref<40x128xf32, #tpu.memory_space<vmem_shared>>
      tpu.wait_dma2 semaphore(%run_scoped3A : memref<!tpu.dma_semaphore, #tpu.memory_space<semaphore_mem>>) src(%dma_wait3A_348 : memref<40x128xf32, #tpu.memory_space<vmem_shared>>) dst(%arg17 : memref<40x128xf32, #tpu.memory_space<vmem>>)
      tpu.yield
    }) : () -> ()
    "tpu.region"() ({
      %run_scoped3A = tpu.sem_alloc : memref<!tpu.dma_semaphore, #tpu.memory_space<semaphore_mem>>
      %dma_start3A_341 = arith.constant 0 : i32
      %dma_start3A_342 = tpu.memref_slice %arg7[%arg0, %add3A_326, %dma_start3A_341] : memref<2x10000x128xf32, #tpu.memory_space<hbm>> -> memref<1x40x128xf32, #tpu.memory_space<hbm>>
      %dma_start3A_343 = tpu.memref_squeeze %dma_start3A_342 : memref<1x40x128xf32, #tpu.memory_space<hbm>> -> memref<40x128xf32, #tpu.memory_space<hbm>>
      %dma_start3A_344 = arith.constant 0 : i32
      %dma_start3A_345 = tpu.memref_slice %arg7[%arg0, %add3A_326, %dma_start3A_344] : memref<2x10000x128xf32, #tpu.memory_space<hbm>> -> memref<1x40x128xf32, #tpu.memory_space<hbm>>
      %dma_start3A_346 = tpu.memref_squeeze %dma_start3A_345 : memref<1x40x128xf32, #tpu.memory_space<hbm>> -> memref<40x128xf32, #tpu.memory_space<hbm>>
      tpu.enqueue_dma source(%arg17 : memref<40x128xf32, #tpu.memory_space<vmem>>) target(%dma_start3A_346 : memref<40x128xf32, #tpu.memory_space<hbm>>) target_semaphore(%run_scoped3A : memref<!tpu.dma_semaphore, #tpu.memory_space<semaphore_mem>>)
      %dma_wait3A_347 = arith.constant 0 : i32
      %dma_wait3A_348 = tpu.memref_slice %arg7[%arg0, %add3A_326, %dma_wait3A_347] : memref<2x10000x128xf32, #tpu.memory_space<hbm>> -> memref<1x40x128xf32, #tpu.memory_space<hbm>>
      %dma_wait3A_349 = tpu.memref_squeeze %dma_wait3A_348 : memref<1x40x128xf32, #tpu.memory_space<hbm>> -> memref<40x128xf32, #tpu.memory_space<hbm>>
      %dma_wait3A_350 = arith.constant 0 : i32
      %dma_wait3A_351 = tpu.memref_slice %arg7[%arg0, %add3A_326, %dma_wait3A_350] : memref<2x10000x128xf32, #tpu.memory_space<hbm>> -> memref<1x40x128xf32, #tpu.memory_space<hbm>>
      %dma_wait3A_352 = tpu.memref_squeeze %dma_wait3A_351 : memref<1x40x128xf32, #tpu.memory_space<hbm>> -> memref<40x128xf32, #tpu.memory_space<hbm>>
      tpu.wait_dma2 semaphore(%run_scoped3A : memref<!tpu.dma_semaphore, #tpu.memory_space<semaphore_mem>>) src(%arg17 : memref<40x128xf32, #tpu.memory_space<vmem>>) dst(%dma_wait3A_352 : memref<40x128xf32, #tpu.memory_space<hbm>>)
      tpu.yield
    }) : () -> ()
    %add3A_327 = arith.constant 360 : i32
    %add3A_328 = arith.addi %mul3A_18, %add3A_327 : i32
    "tpu.region"() ({
      %run_scoped3A = tpu.sem_alloc : memref<!tpu.dma_semaphore, #tpu.memory_space<semaphore_mem>>
      %dma_start3A_341 = arith.constant 0 : i32
      %dma_start3A_342 = tpu.memref_slice %arg21[%add3A_328, %dma_start3A_341] : memref<10000x128xf32, #tpu.memory_space<vmem_shared>> -> memref<40x128xf32, #tpu.memory_space<vmem_shared>>
      %dma_start3A_343 = arith.constant 0 : i32
      %dma_start3A_344 = tpu.memref_slice %arg21[%add3A_328, %dma_start3A_343] : memref<10000x128xf32, #tpu.memory_space<vmem_shared>> -> memref<40x128xf32, #tpu.memory_space<vmem_shared>>
      tpu.enqueue_dma source(%dma_start3A_344 : memref<40x128xf32, #tpu.memory_space<vmem_shared>>) target(%arg17 : memref<40x128xf32, #tpu.memory_space<vmem>>) target_semaphore(%run_scoped3A : memref<!tpu.dma_semaphore, #tpu.memory_space<semaphore_mem>>)
      %dma_wait3A_345 = arith.constant 0 : i32
      %dma_wait3A_346 = tpu.memref_slice %arg21[%add3A_328, %dma_wait3A_345] : memref<10000x128xf32, #tpu.memory_space<vmem_shared>> -> memref<40x128xf32, #tpu.memory_space<vmem_shared>>
      %dma_wait3A_347 = arith.constant 0 : i32
      %dma_wait3A_348 = tpu.memref_slice %arg21[%add3A_328, %dma_wait3A_347] : memref<10000x128xf32, #tpu.memory_space<vmem_shared>> -> memref<40x128xf32, #tpu.memory_space<vmem_shared>>
      tpu.wait_dma2 semaphore(%run_scoped3A : memref<!tpu.dma_semaphore, #tpu.memory_space<semaphore_mem>>) src(%dma_wait3A_348 : memref<40x128xf32, #tpu.memory_space<vmem_shared>>) dst(%arg17 : memref<40x128xf32, #tpu.memory_space<vmem>>)
      tpu.yield
    }) : () -> ()
    "tpu.region"() ({
      %run_scoped3A = tpu.sem_alloc : memref<!tpu.dma_semaphore, #tpu.memory_space<semaphore_mem>>
      %dma_start3A_341 = arith.constant 0 : i32
      %dma_start3A_342 = tpu.memref_slice %arg7[%arg0, %add3A_328, %dma_start3A_341] : memref<2x10000x128xf32, #tpu.memory_space<hbm>> -> memref<1x40x128xf32, #tpu.memory_space<hbm>>
      %dma_start3A_343 = tpu.memref_squeeze %dma_start3A_342 : memref<1x40x128xf32, #tpu.memory_space<hbm>> -> memref<40x128xf32, #tpu.memory_space<hbm>>
      %dma_start3A_344 = arith.constant 0 : i32
      %dma_start3A_345 = tpu.memref_slice %arg7[%arg0, %add3A_328, %dma_start3A_344] : memref<2x10000x128xf32, #tpu.memory_space<hbm>> -> memref<1x40x128xf32, #tpu.memory_space<hbm>>
      %dma_start3A_346 = tpu.memref_squeeze %dma_start3A_345 : memref<1x40x128xf32, #tpu.memory_space<hbm>> -> memref<40x128xf32, #tpu.memory_space<hbm>>
      tpu.enqueue_dma source(%arg17 : memref<40x128xf32, #tpu.memory_space<vmem>>) target(%dma_start3A_346 : memref<40x128xf32, #tpu.memory_space<hbm>>) target_semaphore(%run_scoped3A : memref<!tpu.dma_semaphore, #tpu.memory_space<semaphore_mem>>)
      %dma_wait3A_347 = arith.constant 0 : i32
      %dma_wait3A_348 = tpu.memref_slice %arg7[%arg0, %add3A_328, %dma_wait3A_347] : memref<2x10000x128xf32, #tpu.memory_space<hbm>> -> memref<1x40x128xf32, #tpu.memory_space<hbm>>
      %dma_wait3A_349 = tpu.memref_squeeze %dma_wait3A_348 : memref<1x40x128xf32, #tpu.memory_space<hbm>> -> memref<40x128xf32, #tpu.memory_space<hbm>>
      %dma_wait3A_350 = arith.constant 0 : i32
      %dma_wait3A_351 = tpu.memref_slice %arg7[%arg0, %add3A_328, %dma_wait3A_350] : memref<2x10000x128xf32, #tpu.memory_space<hbm>> -> memref<1x40x128xf32, #tpu.memory_space<hbm>>
      %dma_wait3A_352 = tpu.memref_squeeze %dma_wait3A_351 : memref<1x40x128xf32, #tpu.memory_space<hbm>> -> memref<40x128xf32, #tpu.memory_space<hbm>>
      tpu.wait_dma2 semaphore(%run_scoped3A : memref<!tpu.dma_semaphore, #tpu.memory_space<semaphore_mem>>) src(%arg17 : memref<40x128xf32, #tpu.memory_space<vmem>>) dst(%dma_wait3A_352 : memref<40x128xf32, #tpu.memory_space<hbm>>)
      tpu.yield
    }) : () -> ()
    %add3A_329 = arith.constant 400 : i32
    %add3A_330 = arith.addi %mul3A_18, %add3A_329 : i32
    "tpu.region"() ({
      %run_scoped3A = tpu.sem_alloc : memref<!tpu.dma_semaphore, #tpu.memory_space<semaphore_mem>>
      %dma_start3A_341 = arith.constant 0 : i32
      %dma_start3A_342 = tpu.memref_slice %arg21[%add3A_330, %dma_start3A_341] : memref<10000x128xf32, #tpu.memory_space<vmem_shared>> -> memref<40x128xf32, #tpu.memory_space<vmem_shared>>
      %dma_start3A_343 = arith.constant 0 : i32
      %dma_start3A_344 = tpu.memref_slice %arg21[%add3A_330, %dma_start3A_343] : memref<10000x128xf32, #tpu.memory_space<vmem_shared>> -> memref<40x128xf32, #tpu.memory_space<vmem_shared>>
      tpu.enqueue_dma source(%dma_start3A_344 : memref<40x128xf32, #tpu.memory_space<vmem_shared>>) target(%arg17 : memref<40x128xf32, #tpu.memory_space<vmem>>) target_semaphore(%run_scoped3A : memref<!tpu.dma_semaphore, #tpu.memory_space<semaphore_mem>>)
      %dma_wait3A_345 = arith.constant 0 : i32
      %dma_wait3A_346 = tpu.memref_slice %arg21[%add3A_330, %dma_wait3A_345] : memref<10000x128xf32, #tpu.memory_space<vmem_shared>> -> memref<40x128xf32, #tpu.memory_space<vmem_shared>>
      %dma_wait3A_347 = arith.constant 0 : i32
      %dma_wait3A_348 = tpu.memref_slice %arg21[%add3A_330, %dma_wait3A_347] : memref<10000x128xf32, #tpu.memory_space<vmem_shared>> -> memref<40x128xf32, #tpu.memory_space<vmem_shared>>
      tpu.wait_dma2 semaphore(%run_scoped3A : memref<!tpu.dma_semaphore, #tpu.memory_space<semaphore_mem>>) src(%dma_wait3A_348 : memref<40x128xf32, #tpu.memory_space<vmem_shared>>) dst(%arg17 : memref<40x128xf32, #tpu.memory_space<vmem>>)
      tpu.yield
    }) : () -> ()
    "tpu.region"() ({
      %run_scoped3A = tpu.sem_alloc : memref<!tpu.dma_semaphore, #tpu.memory_space<semaphore_mem>>
      %dma_start3A_341 = arith.constant 0 : i32
      %dma_start3A_342 = tpu.memref_slice %arg7[%arg0, %add3A_330, %dma_start3A_341] : memref<2x10000x128xf32, #tpu.memory_space<hbm>> -> memref<1x40x128xf32, #tpu.memory_space<hbm>>
      %dma_start3A_343 = tpu.memref_squeeze %dma_start3A_342 : memref<1x40x128xf32, #tpu.memory_space<hbm>> -> memref<40x128xf32, #tpu.memory_space<hbm>>
      %dma_start3A_344 = arith.constant 0 : i32
      %dma_start3A_345 = tpu.memref_slice %arg7[%arg0, %add3A_330, %dma_start3A_344] : memref<2x10000x128xf32, #tpu.memory_space<hbm>> -> memref<1x40x128xf32, #tpu.memory_space<hbm>>
      %dma_start3A_346 = tpu.memref_squeeze %dma_start3A_345 : memref<1x40x128xf32, #tpu.memory_space<hbm>> -> memref<40x128xf32, #tpu.memory_space<hbm>>
      tpu.enqueue_dma source(%arg17 : memref<40x128xf32, #tpu.memory_space<vmem>>) target(%dma_start3A_346 : memref<40x128xf32, #tpu.memory_space<hbm>>) target_semaphore(%run_scoped3A : memref<!tpu.dma_semaphore, #tpu.memory_space<semaphore_mem>>)
      %dma_wait3A_347 = arith.constant 0 : i32
      %dma_wait3A_348 = tpu.memref_slice %arg7[%arg0, %add3A_330, %dma_wait3A_347] : memref<2x10000x128xf32, #tpu.memory_space<hbm>> -> memref<1x40x128xf32, #tpu.memory_space<hbm>>
      %dma_wait3A_349 = tpu.memref_squeeze %dma_wait3A_348 : memref<1x40x128xf32, #tpu.memory_space<hbm>> -> memref<40x128xf32, #tpu.memory_space<hbm>>
      %dma_wait3A_350 = arith.constant 0 : i32
      %dma_wait3A_351 = tpu.memref_slice %arg7[%arg0, %add3A_330, %dma_wait3A_350] : memref<2x10000x128xf32, #tpu.memory_space<hbm>> -> memref<1x40x128xf32, #tpu.memory_space<hbm>>
      %dma_wait3A_352 = tpu.memref_squeeze %dma_wait3A_351 : memref<1x40x128xf32, #tpu.memory_space<hbm>> -> memref<40x128xf32, #tpu.memory_space<hbm>>
      tpu.wait_dma2 semaphore(%run_scoped3A : memref<!tpu.dma_semaphore, #tpu.memory_space<semaphore_mem>>) src(%arg17 : memref<40x128xf32, #tpu.memory_space<vmem>>) dst(%dma_wait3A_352 : memref<40x128xf32, #tpu.memory_space<hbm>>)
      tpu.yield
    }) : () -> ()
    %add3A_331 = arith.constant 440 : i32
    %add3A_332 = arith.addi %mul3A_18, %add3A_331 : i32
    "tpu.region"() ({
      %run_scoped3A = tpu.sem_alloc : memref<!tpu.dma_semaphore, #tpu.memory_space<semaphore_mem>>
      %dma_start3A_341 = arith.constant 0 : i32
      %dma_start3A_342 = tpu.memref_slice %arg21[%add3A_332, %dma_start3A_341] : memref<10000x128xf32, #tpu.memory_space<vmem_shared>> -> memref<40x128xf32, #tpu.memory_space<vmem_shared>>
      %dma_start3A_343 = arith.constant 0 : i32
      %dma_start3A_344 = tpu.memref_slice %arg21[%add3A_332, %dma_start3A_343] : memref<10000x128xf32, #tpu.memory_space<vmem_shared>> -> memref<40x128xf32, #tpu.memory_space<vmem_shared>>
      tpu.enqueue_dma source(%dma_start3A_344 : memref<40x128xf32, #tpu.memory_space<vmem_shared>>) target(%arg17 : memref<40x128xf32, #tpu.memory_space<vmem>>) target_semaphore(%run_scoped3A : memref<!tpu.dma_semaphore, #tpu.memory_space<semaphore_mem>>)
      %dma_wait3A_345 = arith.constant 0 : i32
      %dma_wait3A_346 = tpu.memref_slice %arg21[%add3A_332, %dma_wait3A_345] : memref<10000x128xf32, #tpu.memory_space<vmem_shared>> -> memref<40x128xf32, #tpu.memory_space<vmem_shared>>
      %dma_wait3A_347 = arith.constant 0 : i32
      %dma_wait3A_348 = tpu.memref_slice %arg21[%add3A_332, %dma_wait3A_347] : memref<10000x128xf32, #tpu.memory_space<vmem_shared>> -> memref<40x128xf32, #tpu.memory_space<vmem_shared>>
      tpu.wait_dma2 semaphore(%run_scoped3A : memref<!tpu.dma_semaphore, #tpu.memory_space<semaphore_mem>>) src(%dma_wait3A_348 : memref<40x128xf32, #tpu.memory_space<vmem_shared>>) dst(%arg17 : memref<40x128xf32, #tpu.memory_space<vmem>>)
      tpu.yield
    }) : () -> ()
    "tpu.region"() ({
      %run_scoped3A = tpu.sem_alloc : memref<!tpu.dma_semaphore, #tpu.memory_space<semaphore_mem>>
      %dma_start3A_341 = arith.constant 0 : i32
      %dma_start3A_342 = tpu.memref_slice %arg7[%arg0, %add3A_332, %dma_start3A_341] : memref<2x10000x128xf32, #tpu.memory_space<hbm>> -> memref<1x40x128xf32, #tpu.memory_space<hbm>>
      %dma_start3A_343 = tpu.memref_squeeze %dma_start3A_342 : memref<1x40x128xf32, #tpu.memory_space<hbm>> -> memref<40x128xf32, #tpu.memory_space<hbm>>
      %dma_start3A_344 = arith.constant 0 : i32
      %dma_start3A_345 = tpu.memref_slice %arg7[%arg0, %add3A_332, %dma_start3A_344] : memref<2x10000x128xf32, #tpu.memory_space<hbm>> -> memref<1x40x128xf32, #tpu.memory_space<hbm>>
      %dma_start3A_346 = tpu.memref_squeeze %dma_start3A_345 : memref<1x40x128xf32, #tpu.memory_space<hbm>> -> memref<40x128xf32, #tpu.memory_space<hbm>>
      tpu.enqueue_dma source(%arg17 : memref<40x128xf32, #tpu.memory_space<vmem>>) target(%dma_start3A_346 : memref<40x128xf32, #tpu.memory_space<hbm>>) target_semaphore(%run_scoped3A : memref<!tpu.dma_semaphore, #tpu.memory_space<semaphore_mem>>)
      %dma_wait3A_347 = arith.constant 0 : i32
      %dma_wait3A_348 = tpu.memref_slice %arg7[%arg0, %add3A_332, %dma_wait3A_347] : memref<2x10000x128xf32, #tpu.memory_space<hbm>> -> memref<1x40x128xf32, #tpu.memory_space<hbm>>
      %dma_wait3A_349 = tpu.memref_squeeze %dma_wait3A_348 : memref<1x40x128xf32, #tpu.memory_space<hbm>> -> memref<40x128xf32, #tpu.memory_space<hbm>>
      %dma_wait3A_350 = arith.constant 0 : i32
      %dma_wait3A_351 = tpu.memref_slice %arg7[%arg0, %add3A_332, %dma_wait3A_350] : memref<2x10000x128xf32, #tpu.memory_space<hbm>> -> memref<1x40x128xf32, #tpu.memory_space<hbm>>
      %dma_wait3A_352 = tpu.memref_squeeze %dma_wait3A_351 : memref<1x40x128xf32, #tpu.memory_space<hbm>> -> memref<40x128xf32, #tpu.memory_space<hbm>>
      tpu.wait_dma2 semaphore(%run_scoped3A : memref<!tpu.dma_semaphore, #tpu.memory_space<semaphore_mem>>) src(%arg17 : memref<40x128xf32, #tpu.memory_space<vmem>>) dst(%dma_wait3A_352 : memref<40x128xf32, #tpu.memory_space<hbm>>)
      tpu.yield
    }) : () -> ()
    %add3A_333 = arith.constant 480 : i32
    %add3A_334 = arith.addi %mul3A_18, %add3A_333 : i32
    "tpu.region"() ({
      %run_scoped3A = tpu.sem_alloc : memref<!tpu.dma_semaphore, #tpu.memory_space<semaphore_mem>>
      %dma_start3A_341 = arith.constant 0 : i32
      %dma_start3A_342 = tpu.memref_slice %arg21[%add3A_334, %dma_start3A_341] : memref<10000x128xf32, #tpu.memory_space<vmem_shared>> -> memref<40x128xf32, #tpu.memory_space<vmem_shared>>
      %dma_start3A_343 = arith.constant 0 : i32
      %dma_start3A_344 = tpu.memref_slice %arg21[%add3A_334, %dma_start3A_343] : memref<10000x128xf32, #tpu.memory_space<vmem_shared>> -> memref<40x128xf32, #tpu.memory_space<vmem_shared>>
      tpu.enqueue_dma source(%dma_start3A_344 : memref<40x128xf32, #tpu.memory_space<vmem_shared>>) target(%arg17 : memref<40x128xf32, #tpu.memory_space<vmem>>) target_semaphore(%run_scoped3A : memref<!tpu.dma_semaphore, #tpu.memory_space<semaphore_mem>>)
      %dma_wait3A_345 = arith.constant 0 : i32
      %dma_wait3A_346 = tpu.memref_slice %arg21[%add3A_334, %dma_wait3A_345] : memref<10000x128xf32, #tpu.memory_space<vmem_shared>> -> memref<40x128xf32, #tpu.memory_space<vmem_shared>>
      %dma_wait3A_347 = arith.constant 0 : i32
      %dma_wait3A_348 = tpu.memref_slice %arg21[%add3A_334, %dma_wait3A_347] : memref<10000x128xf32, #tpu.memory_space<vmem_shared>> -> memref<40x128xf32, #tpu.memory_space<vmem_shared>>
      tpu.wait_dma2 semaphore(%run_scoped3A : memref<!tpu.dma_semaphore, #tpu.memory_space<semaphore_mem>>) src(%dma_wait3A_348 : memref<40x128xf32, #tpu.memory_space<vmem_shared>>) dst(%arg17 : memref<40x128xf32, #tpu.memory_space<vmem>>)
      tpu.yield
    }) : () -> ()
    "tpu.region"() ({
      %run_scoped3A = tpu.sem_alloc : memref<!tpu.dma_semaphore, #tpu.memory_space<semaphore_mem>>
      %dma_start3A_341 = arith.constant 0 : i32
      %dma_start3A_342 = tpu.memref_slice %arg7[%arg0, %add3A_334, %dma_start3A_341] : memref<2x10000x128xf32, #tpu.memory_space<hbm>> -> memref<1x40x128xf32, #tpu.memory_space<hbm>>
      %dma_start3A_343 = tpu.memref_squeeze %dma_start3A_342 : memref<1x40x128xf32, #tpu.memory_space<hbm>> -> memref<40x128xf32, #tpu.memory_space<hbm>>
      %dma_start3A_344 = arith.constant 0 : i32
      %dma_start3A_345 = tpu.memref_slice %arg7[%arg0, %add3A_334, %dma_start3A_344] : memref<2x10000x128xf32, #tpu.memory_space<hbm>> -> memref<1x40x128xf32, #tpu.memory_space<hbm>>
      %dma_start3A_346 = tpu.memref_squeeze %dma_start3A_345 : memref<1x40x128xf32, #tpu.memory_space<hbm>> -> memref<40x128xf32, #tpu.memory_space<hbm>>
      tpu.enqueue_dma source(%arg17 : memref<40x128xf32, #tpu.memory_space<vmem>>) target(%dma_start3A_346 : memref<40x128xf32, #tpu.memory_space<hbm>>) target_semaphore(%run_scoped3A : memref<!tpu.dma_semaphore, #tpu.memory_space<semaphore_mem>>)
      %dma_wait3A_347 = arith.constant 0 : i32
      %dma_wait3A_348 = tpu.memref_slice %arg7[%arg0, %add3A_334, %dma_wait3A_347] : memref<2x10000x128xf32, #tpu.memory_space<hbm>> -> memref<1x40x128xf32, #tpu.memory_space<hbm>>
      %dma_wait3A_349 = tpu.memref_squeeze %dma_wait3A_348 : memref<1x40x128xf32, #tpu.memory_space<hbm>> -> memref<40x128xf32, #tpu.memory_space<hbm>>
      %dma_wait3A_350 = arith.constant 0 : i32
      %dma_wait3A_351 = tpu.memref_slice %arg7[%arg0, %add3A_334, %dma_wait3A_350] : memref<2x10000x128xf32, #tpu.memory_space<hbm>> -> memref<1x40x128xf32, #tpu.memory_space<hbm>>
      %dma_wait3A_352 = tpu.memref_squeeze %dma_wait3A_351 : memref<1x40x128xf32, #tpu.memory_space<hbm>> -> memref<40x128xf32, #tpu.memory_space<hbm>>
      tpu.wait_dma2 semaphore(%run_scoped3A : memref<!tpu.dma_semaphore, #tpu.memory_space<semaphore_mem>>) src(%arg17 : memref<40x128xf32, #tpu.memory_space<vmem>>) dst(%dma_wait3A_352 : memref<40x128xf32, #tpu.memory_space<hbm>>)
      tpu.yield
    }) : () -> ()
    %add3A_335 = arith.constant 520 : i32
    %add3A_336 = arith.addi %mul3A_18, %add3A_335 : i32
    "tpu.region"() ({
      %run_scoped3A = tpu.sem_alloc : memref<!tpu.dma_semaphore, #tpu.memory_space<semaphore_mem>>
      %dma_start3A_341 = arith.constant 0 : i32
      %dma_start3A_342 = tpu.memref_slice %arg21[%add3A_336, %dma_start3A_341] : memref<10000x128xf32, #tpu.memory_space<vmem_shared>> -> memref<40x128xf32, #tpu.memory_space<vmem_shared>>
      %dma_start3A_343 = arith.constant 0 : i32
      %dma_start3A_344 = tpu.memref_slice %arg21[%add3A_336, %dma_start3A_343] : memref<10000x128xf32, #tpu.memory_space<vmem_shared>> -> memref<40x128xf32, #tpu.memory_space<vmem_shared>>
      tpu.enqueue_dma source(%dma_start3A_344 : memref<40x128xf32, #tpu.memory_space<vmem_shared>>) target(%arg17 : memref<40x128xf32, #tpu.memory_space<vmem>>) target_semaphore(%run_scoped3A : memref<!tpu.dma_semaphore, #tpu.memory_space<semaphore_mem>>)
      %dma_wait3A_345 = arith.constant 0 : i32
      %dma_wait3A_346 = tpu.memref_slice %arg21[%add3A_336, %dma_wait3A_345] : memref<10000x128xf32, #tpu.memory_space<vmem_shared>> -> memref<40x128xf32, #tpu.memory_space<vmem_shared>>
      %dma_wait3A_347 = arith.constant 0 : i32
      %dma_wait3A_348 = tpu.memref_slice %arg21[%add3A_336, %dma_wait3A_347] : memref<10000x128xf32, #tpu.memory_space<vmem_shared>> -> memref<40x128xf32, #tpu.memory_space<vmem_shared>>
      tpu.wait_dma2 semaphore(%run_scoped3A : memref<!tpu.dma_semaphore, #tpu.memory_space<semaphore_mem>>) src(%dma_wait3A_348 : memref<40x128xf32, #tpu.memory_space<vmem_shared>>) dst(%arg17 : memref<40x128xf32, #tpu.memory_space<vmem>>)
      tpu.yield
    }) : () -> ()
    "tpu.region"() ({
      %run_scoped3A = tpu.sem_alloc : memref<!tpu.dma_semaphore, #tpu.memory_space<semaphore_mem>>
      %dma_start3A_341 = arith.constant 0 : i32
      %dma_start3A_342 = tpu.memref_slice %arg7[%arg0, %add3A_336, %dma_start3A_341] : memref<2x10000x128xf32, #tpu.memory_space<hbm>> -> memref<1x40x128xf32, #tpu.memory_space<hbm>>
      %dma_start3A_343 = tpu.memref_squeeze %dma_start3A_342 : memref<1x40x128xf32, #tpu.memory_space<hbm>> -> memref<40x128xf32, #tpu.memory_space<hbm>>
      %dma_start3A_344 = arith.constant 0 : i32
      %dma_start3A_345 = tpu.memref_slice %arg7[%arg0, %add3A_336, %dma_start3A_344] : memref<2x10000x128xf32, #tpu.memory_space<hbm>> -> memref<1x40x128xf32, #tpu.memory_space<hbm>>
      %dma_start3A_346 = tpu.memref_squeeze %dma_start3A_345 : memref<1x40x128xf32, #tpu.memory_space<hbm>> -> memref<40x128xf32, #tpu.memory_space<hbm>>
      tpu.enqueue_dma source(%arg17 : memref<40x128xf32, #tpu.memory_space<vmem>>) target(%dma_start3A_346 : memref<40x128xf32, #tpu.memory_space<hbm>>) target_semaphore(%run_scoped3A : memref<!tpu.dma_semaphore, #tpu.memory_space<semaphore_mem>>)
      %dma_wait3A_347 = arith.constant 0 : i32
      %dma_wait3A_348 = tpu.memref_slice %arg7[%arg0, %add3A_336, %dma_wait3A_347] : memref<2x10000x128xf32, #tpu.memory_space<hbm>> -> memref<1x40x128xf32, #tpu.memory_space<hbm>>
      %dma_wait3A_349 = tpu.memref_squeeze %dma_wait3A_348 : memref<1x40x128xf32, #tpu.memory_space<hbm>> -> memref<40x128xf32, #tpu.memory_space<hbm>>
      %dma_wait3A_350 = arith.constant 0 : i32
      %dma_wait3A_351 = tpu.memref_slice %arg7[%arg0, %add3A_336, %dma_wait3A_350] : memref<2x10000x128xf32, #tpu.memory_space<hbm>> -> memref<1x40x128xf32, #tpu.memory_space<hbm>>
      %dma_wait3A_352 = tpu.memref_squeeze %dma_wait3A_351 : memref<1x40x128xf32, #tpu.memory_space<hbm>> -> memref<40x128xf32, #tpu.memory_space<hbm>>
      tpu.wait_dma2 semaphore(%run_scoped3A : memref<!tpu.dma_semaphore, #tpu.memory_space<semaphore_mem>>) src(%arg17 : memref<40x128xf32, #tpu.memory_space<vmem>>) dst(%dma_wait3A_352 : memref<40x128xf32, #tpu.memory_space<hbm>>)
      tpu.yield
    }) : () -> ()
    %add3A_337 = arith.constant 560 : i32
    %add3A_338 = arith.addi %mul3A_18, %add3A_337 : i32
    "tpu.region"() ({
      %run_scoped3A = tpu.sem_alloc : memref<!tpu.dma_semaphore, #tpu.memory_space<semaphore_mem>>
      %dma_start3A_341 = arith.constant 0 : i32
      %dma_start3A_342 = tpu.memref_slice %arg21[%add3A_338, %dma_start3A_341] : memref<10000x128xf32, #tpu.memory_space<vmem_shared>> -> memref<40x128xf32, #tpu.memory_space<vmem_shared>>
      %dma_start3A_343 = arith.constant 0 : i32
      %dma_start3A_344 = tpu.memref_slice %arg21[%add3A_338, %dma_start3A_343] : memref<10000x128xf32, #tpu.memory_space<vmem_shared>> -> memref<40x128xf32, #tpu.memory_space<vmem_shared>>
      tpu.enqueue_dma source(%dma_start3A_344 : memref<40x128xf32, #tpu.memory_space<vmem_shared>>) target(%arg17 : memref<40x128xf32, #tpu.memory_space<vmem>>) target_semaphore(%run_scoped3A : memref<!tpu.dma_semaphore, #tpu.memory_space<semaphore_mem>>)
      %dma_wait3A_345 = arith.constant 0 : i32
      %dma_wait3A_346 = tpu.memref_slice %arg21[%add3A_338, %dma_wait3A_345] : memref<10000x128xf32, #tpu.memory_space<vmem_shared>> -> memref<40x128xf32, #tpu.memory_space<vmem_shared>>
      %dma_wait3A_347 = arith.constant 0 : i32
      %dma_wait3A_348 = tpu.memref_slice %arg21[%add3A_338, %dma_wait3A_347] : memref<10000x128xf32, #tpu.memory_space<vmem_shared>> -> memref<40x128xf32, #tpu.memory_space<vmem_shared>>
      tpu.wait_dma2 semaphore(%run_scoped3A : memref<!tpu.dma_semaphore, #tpu.memory_space<semaphore_mem>>) src(%dma_wait3A_348 : memref<40x128xf32, #tpu.memory_space<vmem_shared>>) dst(%arg17 : memref<40x128xf32, #tpu.memory_space<vmem>>)
      tpu.yield
    }) : () -> ()
    "tpu.region"() ({
      %run_scoped3A = tpu.sem_alloc : memref<!tpu.dma_semaphore, #tpu.memory_space<semaphore_mem>>
      %dma_start3A_341 = arith.constant 0 : i32
      %dma_start3A_342 = tpu.memref_slice %arg7[%arg0, %add3A_338, %dma_start3A_341] : memref<2x10000x128xf32, #tpu.memory_space<hbm>> -> memref<1x40x128xf32, #tpu.memory_space<hbm>>
      %dma_start3A_343 = tpu.memref_squeeze %dma_start3A_342 : memref<1x40x128xf32, #tpu.memory_space<hbm>> -> memref<40x128xf32, #tpu.memory_space<hbm>>
      %dma_start3A_344 = arith.constant 0 : i32
      %dma_start3A_345 = tpu.memref_slice %arg7[%arg0, %add3A_338, %dma_start3A_344] : memref<2x10000x128xf32, #tpu.memory_space<hbm>> -> memref<1x40x128xf32, #tpu.memory_space<hbm>>
      %dma_start3A_346 = tpu.memref_squeeze %dma_start3A_345 : memref<1x40x128xf32, #tpu.memory_space<hbm>> -> memref<40x128xf32, #tpu.memory_space<hbm>>
      tpu.enqueue_dma source(%arg17 : memref<40x128xf32, #tpu.memory_space<vmem>>) target(%dma_start3A_346 : memref<40x128xf32, #tpu.memory_space<hbm>>) target_semaphore(%run_scoped3A : memref<!tpu.dma_semaphore, #tpu.memory_space<semaphore_mem>>)
      %dma_wait3A_347 = arith.constant 0 : i32
      %dma_wait3A_348 = tpu.memref_slice %arg7[%arg0, %add3A_338, %dma_wait3A_347] : memref<2x10000x128xf32, #tpu.memory_space<hbm>> -> memref<1x40x128xf32, #tpu.memory_space<hbm>>
      %dma_wait3A_349 = tpu.memref_squeeze %dma_wait3A_348 : memref<1x40x128xf32, #tpu.memory_space<hbm>> -> memref<40x128xf32, #tpu.memory_space<hbm>>
      %dma_wait3A_350 = arith.constant 0 : i32
      %dma_wait3A_351 = tpu.memref_slice %arg7[%arg0, %add3A_338, %dma_wait3A_350] : memref<2x10000x128xf32, #tpu.memory_space<hbm>> -> memref<1x40x128xf32, #tpu.memory_space<hbm>>
      %dma_wait3A_352 = tpu.memref_squeeze %dma_wait3A_351 : memref<1x40x128xf32, #tpu.memory_space<hbm>> -> memref<40x128xf32, #tpu.memory_space<hbm>>
      tpu.wait_dma2 semaphore(%run_scoped3A : memref<!tpu.dma_semaphore, #tpu.memory_space<semaphore_mem>>) src(%arg17 : memref<40x128xf32, #tpu.memory_space<vmem>>) dst(%dma_wait3A_352 : memref<40x128xf32, #tpu.memory_space<hbm>>)
      tpu.yield
    }) : () -> ()
    %add3A_339 = arith.constant 600 : i32
    %add3A_340 = arith.addi %mul3A_18, %add3A_339 : i32
    "tpu.region"() ({
      %run_scoped3A = tpu.sem_alloc : memref<!tpu.dma_semaphore, #tpu.memory_space<semaphore_mem>>
      %dma_start3A_341 = arith.constant 0 : i32
      %dma_start3A_342 = arith.constant 0 : i32
      %dma_start3A_343 = tpu.memref_slice %arg17[%dma_start3A_341, %dma_start3A_342] : memref<40x128xf32, #tpu.memory_space<vmem>> -> memref<25x128xf32, #tpu.memory_space<vmem>>
      %dma_start3A_344 = arith.constant 0 : i32
      %dma_start3A_345 = tpu.memref_slice %arg21[%add3A_340, %dma_start3A_344] : memref<10000x128xf32, #tpu.memory_space<vmem_shared>> -> memref<25x128xf32, #tpu.memory_space<vmem_shared>>
      %dma_start3A_346 = arith.constant 0 : i32
      %dma_start3A_347 = arith.constant 0 : i32
      %dma_start3A_348 = tpu.memref_slice %arg17[%dma_start3A_346, %dma_start3A_347] : memref<40x128xf32, #tpu.memory_space<vmem>> -> memref<25x128xf32, #tpu.memory_space<vmem>>
      %dma_start3A_349 = arith.constant 0 : i32
      %dma_start3A_350 = tpu.memref_slice %arg21[%add3A_340, %dma_start3A_349] : memref<10000x128xf32, #tpu.memory_space<vmem_shared>> -> memref<25x128xf32, #tpu.memory_space<vmem_shared>>
      tpu.enqueue_dma source(%dma_start3A_350 : memref<25x128xf32, #tpu.memory_space<vmem_shared>>) target(%dma_start3A_348 : memref<25x128xf32, #tpu.memory_space<vmem>>) target_semaphore(%run_scoped3A : memref<!tpu.dma_semaphore, #tpu.memory_space<semaphore_mem>>)
      %dma_wait3A_351 = arith.constant 0 : i32
      %dma_wait3A_352 = arith.constant 0 : i32
      %dma_wait3A_353 = tpu.memref_slice %arg17[%dma_wait3A_351, %dma_wait3A_352] : memref<40x128xf32, #tpu.memory_space<vmem>> -> memref<25x128xf32, #tpu.memory_space<vmem>>
      %dma_wait3A_354 = arith.constant 0 : i32
      %dma_wait3A_355 = tpu.memref_slice %arg21[%add3A_340, %dma_wait3A_354] : memref<10000x128xf32, #tpu.memory_space<vmem_shared>> -> memref<25x128xf32, #tpu.memory_space<vmem_shared>>
      %dma_wait3A_356 = arith.constant 0 : i32
      %dma_wait3A_357 = arith.constant 0 : i32
      %dma_wait3A_358 = tpu.memref_slice %arg17[%dma_wait3A_356, %dma_wait3A_357] : memref<40x128xf32, #tpu.memory_space<vmem>> -> memref<25x128xf32, #tpu.memory_space<vmem>>
      %dma_wait3A_359 = arith.constant 0 : i32
      %dma_wait3A_360 = tpu.memref_slice %arg21[%add3A_340, %dma_wait3A_359] : memref<10000x128xf32, #tpu.memory_space<vmem_shared>> -> memref<25x128xf32, #tpu.memory_space<vmem_shared>>
      tpu.wait_dma2 semaphore(%run_scoped3A : memref<!tpu.dma_semaphore, #tpu.memory_space<semaphore_mem>>) src(%dma_wait3A_360 : memref<25x128xf32, #tpu.memory_space<vmem_shared>>) dst(%dma_wait3A_358 : memref<25x128xf32, #tpu.memory_space<vmem>>)
      tpu.yield
    }) : () -> ()
    "tpu.region"() ({
      %run_scoped3A = tpu.sem_alloc : memref<!tpu.dma_semaphore, #tpu.memory_space<semaphore_mem>>
      %dma_start3A_341 = arith.constant 0 : i32
      %dma_start3A_342 = arith.constant 0 : i32
      %dma_start3A_343 = tpu.memref_slice %arg17[%dma_start3A_341, %dma_start3A_342] : memref<40x128xf32, #tpu.memory_space<vmem>> -> memref<25x128xf32, #tpu.memory_space<vmem>>
      %dma_start3A_344 = arith.constant 0 : i32
      %dma_start3A_345 = tpu.memref_slice %arg7[%arg0, %add3A_340, %dma_start3A_344] : memref<2x10000x128xf32, #tpu.memory_space<hbm>> -> memref<1x25x128xf32, #tpu.memory_space<hbm>>
      %dma_start3A_346 = tpu.memref_squeeze %dma_start3A_345 : memref<1x25x128xf32, #tpu.memory_space<hbm>> -> memref<25x128xf32, #tpu.memory_space<hbm>>
      %dma_start3A_347 = arith.constant 0 : i32
      %dma_start3A_348 = tpu.memref_slice %arg7[%arg0, %add3A_340, %dma_start3A_347] : memref<2x10000x128xf32, #tpu.memory_space<hbm>> -> memref<1x25x128xf32, #tpu.memory_space<hbm>>
      %dma_start3A_349 = tpu.memref_squeeze %dma_start3A_348 : memref<1x25x128xf32, #tpu.memory_space<hbm>> -> memref<25x128xf32, #tpu.memory_space<hbm>>
      %dma_start3A_350 = arith.constant 0 : i32
      %dma_start3A_351 = arith.constant 0 : i32
      %dma_start3A_352 = tpu.memref_slice %arg17[%dma_start3A_350, %dma_start3A_351] : memref<40x128xf32, #tpu.memory_space<vmem>> -> memref<25x128xf32, #tpu.memory_space<vmem>>
      tpu.enqueue_dma source(%dma_start3A_352 : memref<25x128xf32, #tpu.memory_space<vmem>>) target(%dma_start3A_349 : memref<25x128xf32, #tpu.memory_space<hbm>>) target_semaphore(%run_scoped3A : memref<!tpu.dma_semaphore, #tpu.memory_space<semaphore_mem>>)
      %dma_wait3A_353 = arith.constant 0 : i32
      %dma_wait3A_354 = arith.constant 0 : i32
      %dma_wait3A_355 = tpu.memref_slice %arg17[%dma_wait3A_353, %dma_wait3A_354] : memref<40x128xf32, #tpu.memory_space<vmem>> -> memref<25x128xf32, #tpu.memory_space<vmem>>
      %dma_wait3A_356 = arith.constant 0 : i32
      %dma_wait3A_357 = tpu.memref_slice %arg7[%arg0, %add3A_340, %dma_wait3A_356] : memref<2x10000x128xf32, #tpu.memory_space<hbm>> -> memref<1x25x128xf32, #tpu.memory_space<hbm>>
      %dma_wait3A_358 = tpu.memref_squeeze %dma_wait3A_357 : memref<1x25x128xf32, #tpu.memory_space<hbm>> -> memref<25x128xf32, #tpu.memory_space<hbm>>
      %dma_wait3A_359 = arith.constant 0 : i32
      %dma_wait3A_360 = tpu.memref_slice %arg7[%arg0, %add3A_340, %dma_wait3A_359] : memref<2x10000x128xf32, #tpu.memory_space<hbm>> -> memref<1x25x128xf32, #tpu.memory_space<hbm>>
      %dma_wait3A_361 = tpu.memref_squeeze %dma_wait3A_360 : memref<1x25x128xf32, #tpu.memory_space<hbm>> -> memref<25x128xf32, #tpu.memory_space<hbm>>
      %dma_wait3A_362 = arith.constant 0 : i32
      %dma_wait3A_363 = arith.constant 0 : i32
      %dma_wait3A_364 = tpu.memref_slice %arg17[%dma_wait3A_362, %dma_wait3A_363] : memref<40x128xf32, #tpu.memory_space<vmem>> -> memref<25x128xf32, #tpu.memory_space<vmem>>
      tpu.wait_dma2 semaphore(%run_scoped3A : memref<!tpu.dma_semaphore, #tpu.memory_space<semaphore_mem>>) src(%dma_wait3A_364 : memref<25x128xf32, #tpu.memory_space<vmem>>) dst(%dma_wait3A_361 : memref<25x128xf32, #tpu.memory_space<hbm>>)
      tpu.yield
    }) : () -> ()
    return
  }
}

#map = affine_map<(d0, d1) -> (0)>
#map1 = affine_map<(d0, d1) -> (0, 0)>
#map2 = affine_map<(d0, d1) -> (0, 0, 0)>
module attributes {stable_mosaic.version = 14 : i64} {
  func.func @_sc2_body(%arg0: i32, %arg1: i32, %arg2: memref<320000xf32, #tpu.memory_space<hbm>>, %arg3: memref<320000x16xf32, #tpu.memory_space<hbm>>, %arg4: memref<320000xi32, #tpu.memory_space<hbm>>, %arg5: memref<2x10000x32xf32, #tpu.memory_space<hbm>>, %arg6: memref<4x200xi32, #tpu.memory_space<vmem>>, %arg7: memref<200xf32, #tpu.memory_space<vmem>>, %arg8: memref<200xf32, #tpu.memory_space<vmem>>, %arg9: memref<200x16xf32, #tpu.memory_space<vmem>>, %arg10: memref<200x16xf32, #tpu.memory_space<vmem>>, %arg11: memref<200x32xf32, #tpu.memory_space<vmem>>, %arg12: memref<200x32xf32, #tpu.memory_space<vmem>>, %arg13: memref<10000x32xf32, #tpu.memory_space<vmem_shared>>, %arg14: memref<!tpu.dma_semaphore, #tpu.memory_space<semaphore_mem>>, %arg15: memref<!tpu.dma_semaphore, #tpu.memory_space<semaphore_mem>>, %arg16: memref<!tpu.dma_semaphore, #tpu.memory_space<semaphore_mem>>, %arg17: memref<!tpu.dma_semaphore, #tpu.memory_space<semaphore_mem>>) attributes {dimension_semantics = [#tpu.dimension_semantics<core_parallel>, #tpu.dimension_semantics<subcore_parallel>], iteration_bounds = array<i64: 2, 16>, scalar_prefetch = 0 : i64, scratch_operands = 12 : i64, tpu.core_type = #tpu.core_type<sc_vector_subcore>, window_params = [{transform_indices = #map}, {transform_indices = #map1}, {transform_indices = #map}, {transform_indices = #map2}]} {
    %broadcast_in_dim3A = arith.constant 0.000000e+00 : f32
    %broadcast_in_dim3A_0 = vector.broadcast %broadcast_in_dim3A : f32 to vector<16xf32>
    %iota3A = tpu.iota {dimensions = array<i32: 0>} : vector<16xi32>
    %eq3A = arith.constant 0 : i32
    %eq3A_1 = vector.broadcast %eq3A : i32 to vector<16xi32>
    %eq3A_2 = arith.cmpi eq, %iota3A, %eq3A_1 : vector<16xi32>
    %scan3A = arith.constant 0 : i32
    %scan3A_3 = arith.constant 0 : i32
    %scan3A_4 = arith.constant 200 : i32
    %scan3A_5 = arith.addi %scan3A_3, %scan3A_4 : i32
    %scan3A_6 = arith.constant 1 : i32
    %scan3A_7 = scf.for %scan3A_95 = %scan3A_3 to %scan3A_5 step %scan3A_6 iter_args(%scan3A_96 = %scan3A) -> (i32)  : i32 {
      %swap3A = arith.index_cast %scan3A_95 : i32 to index
      %swap3A_97 = arith.constant 0 : index
      %swap3A_98 = tpu.vector_load %arg11[%swap3A, %swap3A_97] {strides = array<i32>} : memref<200x32xf32, #tpu.memory_space<vmem>>, vector<16xf32>,
      tpu.vector_store %arg11[%swap3A, %swap3A_97], %broadcast_in_dim3A_0 {strides = array<i32>} : memref<200x32xf32, #tpu.memory_space<vmem>>, vector<16xf32>,
      %swap3A_99 = arith.index_cast %scan3A_95 : i32 to index
      %swap3A_100 = arith.constant 16 : index
      %swap3A_101 = tpu.vector_load %arg11[%swap3A_99, %swap3A_100] {strides = array<i32>} : memref<200x32xf32, #tpu.memory_space<vmem>>, vector<16xf32>,
      tpu.vector_store %arg11[%swap3A_99, %swap3A_100], %broadcast_in_dim3A_0 {strides = array<i32>} : memref<200x32xf32, #tpu.memory_space<vmem>>, vector<16xf32>,
      %scan3A_102 = arith.constant 0 : i32
      scf.yield %scan3A_102 : i32
    }
    %scan3A_8 = arith.constant 200 : i32
    %mul3A = arith.constant 625 : i32
    %mul3A_9 = arith.muli %arg1, %mul3A : i32
    %add3A = arith.constant 0 : i32
    %add3A_10 = arith.addi %mul3A_9, %add3A : i32
    "tpu.region"() ({
      %run_scoped3A = tpu.sem_alloc : memref<!tpu.dma_semaphore, #tpu.memory_space<semaphore_mem>>
      %dma_start3A_95 = arith.constant 0 : i32
      %dma_start3A_96 = tpu.memref_slice %arg13[%add3A_10, %dma_start3A_95] : memref<10000x32xf32, #tpu.memory_space<vmem_shared>> -> memref<200x32xf32, #tpu.memory_space<vmem_shared>>
      %dma_start3A_97 = arith.constant 0 : i32
      %dma_start3A_98 = tpu.memref_slice %arg13[%add3A_10, %dma_start3A_97] : memref<10000x32xf32, #tpu.memory_space<vmem_shared>> -> memref<200x32xf32, #tpu.memory_space<vmem_shared>>
      tpu.enqueue_dma source(%arg11 : memref<200x32xf32, #tpu.memory_space<vmem>>) target(%dma_start3A_98 : memref<200x32xf32, #tpu.memory_space<vmem_shared>>) target_semaphore(%run_scoped3A : memref<!tpu.dma_semaphore, #tpu.memory_space<semaphore_mem>>)
      %dma_wait3A_99 = arith.constant 0 : i32
      %dma_wait3A_100 = tpu.memref_slice %arg13[%add3A_10, %dma_wait3A_99] : memref<10000x32xf32, #tpu.memory_space<vmem_shared>> -> memref<200x32xf32, #tpu.memory_space<vmem_shared>>
      %dma_wait3A_101 = arith.constant 0 : i32
      %dma_wait3A_102 = tpu.memref_slice %arg13[%add3A_10, %dma_wait3A_101] : memref<10000x32xf32, #tpu.memory_space<vmem_shared>> -> memref<200x32xf32, #tpu.memory_space<vmem_shared>>
      tpu.wait_dma2 semaphore(%run_scoped3A : memref<!tpu.dma_semaphore, #tpu.memory_space<semaphore_mem>>) src(%arg11 : memref<200x32xf32, #tpu.memory_space<vmem>>) dst(%dma_wait3A_102 : memref<200x32xf32, #tpu.memory_space<vmem_shared>>)
      tpu.yield
    }) : () -> ()
    %add3A_11 = arith.constant 200 : i32
    %add3A_12 = arith.addi %mul3A_9, %add3A_11 : i32
    "tpu.region"() ({
      %run_scoped3A = tpu.sem_alloc : memref<!tpu.dma_semaphore, #tpu.memory_space<semaphore_mem>>
      %dma_start3A_95 = arith.constant 0 : i32
      %dma_start3A_96 = tpu.memref_slice %arg13[%add3A_12, %dma_start3A_95] : memref<10000x32xf32, #tpu.memory_space<vmem_shared>> -> memref<200x32xf32, #tpu.memory_space<vmem_shared>>
      %dma_start3A_97 = arith.constant 0 : i32
      %dma_start3A_98 = tpu.memref_slice %arg13[%add3A_12, %dma_start3A_97] : memref<10000x32xf32, #tpu.memory_space<vmem_shared>> -> memref<200x32xf32, #tpu.memory_space<vmem_shared>>
      tpu.enqueue_dma source(%arg11 : memref<200x32xf32, #tpu.memory_space<vmem>>) target(%dma_start3A_98 : memref<200x32xf32, #tpu.memory_space<vmem_shared>>) target_semaphore(%run_scoped3A : memref<!tpu.dma_semaphore, #tpu.memory_space<semaphore_mem>>)
      %dma_wait3A_99 = arith.constant 0 : i32
      %dma_wait3A_100 = tpu.memref_slice %arg13[%add3A_12, %dma_wait3A_99] : memref<10000x32xf32, #tpu.memory_space<vmem_shared>> -> memref<200x32xf32, #tpu.memory_space<vmem_shared>>
      %dma_wait3A_101 = arith.constant 0 : i32
      %dma_wait3A_102 = tpu.memref_slice %arg13[%add3A_12, %dma_wait3A_101] : memref<10000x32xf32, #tpu.memory_space<vmem_shared>> -> memref<200x32xf32, #tpu.memory_space<vmem_shared>>
      tpu.wait_dma2 semaphore(%run_scoped3A : memref<!tpu.dma_semaphore, #tpu.memory_space<semaphore_mem>>) src(%arg11 : memref<200x32xf32, #tpu.memory_space<vmem>>) dst(%dma_wait3A_102 : memref<200x32xf32, #tpu.memory_space<vmem_shared>>)
      tpu.yield
    }) : () -> ()
    %add3A_13 = arith.constant 400 : i32
    %add3A_14 = arith.addi %mul3A_9, %add3A_13 : i32
    "tpu.region"() ({
      %run_scoped3A = tpu.sem_alloc : memref<!tpu.dma_semaphore, #tpu.memory_space<semaphore_mem>>
      %dma_start3A_95 = arith.constant 0 : i32
      %dma_start3A_96 = tpu.memref_slice %arg13[%add3A_14, %dma_start3A_95] : memref<10000x32xf32, #tpu.memory_space<vmem_shared>> -> memref<200x32xf32, #tpu.memory_space<vmem_shared>>
      %dma_start3A_97 = arith.constant 0 : i32
      %dma_start3A_98 = tpu.memref_slice %arg13[%add3A_14, %dma_start3A_97] : memref<10000x32xf32, #tpu.memory_space<vmem_shared>> -> memref<200x32xf32, #tpu.memory_space<vmem_shared>>
      tpu.enqueue_dma source(%arg11 : memref<200x32xf32, #tpu.memory_space<vmem>>) target(%dma_start3A_98 : memref<200x32xf32, #tpu.memory_space<vmem_shared>>) target_semaphore(%run_scoped3A : memref<!tpu.dma_semaphore, #tpu.memory_space<semaphore_mem>>)
      %dma_wait3A_99 = arith.constant 0 : i32
      %dma_wait3A_100 = tpu.memref_slice %arg13[%add3A_14, %dma_wait3A_99] : memref<10000x32xf32, #tpu.memory_space<vmem_shared>> -> memref<200x32xf32, #tpu.memory_space<vmem_shared>>
      %dma_wait3A_101 = arith.constant 0 : i32
      %dma_wait3A_102 = tpu.memref_slice %arg13[%add3A_14, %dma_wait3A_101] : memref<10000x32xf32, #tpu.memory_space<vmem_shared>> -> memref<200x32xf32, #tpu.memory_space<vmem_shared>>
      tpu.wait_dma2 semaphore(%run_scoped3A : memref<!tpu.dma_semaphore, #tpu.memory_space<semaphore_mem>>) src(%arg11 : memref<200x32xf32, #tpu.memory_space<vmem>>) dst(%dma_wait3A_102 : memref<200x32xf32, #tpu.memory_space<vmem_shared>>)
      tpu.yield
    }) : () -> ()
    %add3A_15 = arith.constant 600 : i32
    %add3A_16 = arith.addi %mul3A_9, %add3A_15 : i32
    "tpu.region"() ({
      %run_scoped3A = tpu.sem_alloc : memref<!tpu.dma_semaphore, #tpu.memory_space<semaphore_mem>>
      %dma_start3A_95 = arith.constant 0 : i32
      %dma_start3A_96 = arith.constant 0 : i32
      %dma_start3A_97 = tpu.memref_slice %arg11[%dma_start3A_95, %dma_start3A_96] : memref<200x32xf32, #tpu.memory_space<vmem>> -> memref<25x32xf32, #tpu.memory_space<vmem>>
      %dma_start3A_98 = arith.constant 0 : i32
      %dma_start3A_99 = tpu.memref_slice %arg13[%add3A_16, %dma_start3A_98] : memref<10000x32xf32, #tpu.memory_space<vmem_shared>> -> memref<25x32xf32, #tpu.memory_space<vmem_shared>>
      %dma_start3A_100 = arith.constant 0 : i32
      %dma_start3A_101 = tpu.memref_slice %arg13[%add3A_16, %dma_start3A_100] : memref<10000x32xf32, #tpu.memory_space<vmem_shared>> -> memref<25x32xf32, #tpu.memory_space<vmem_shared>>
      %dma_start3A_102 = arith.constant 0 : i32
      %dma_start3A_103 = arith.constant 0 : i32
      %dma_start3A_104 = tpu.memref_slice %arg11[%dma_start3A_102, %dma_start3A_103] : memref<200x32xf32, #tpu.memory_space<vmem>> -> memref<25x32xf32, #tpu.memory_space<vmem>>
      tpu.enqueue_dma source(%dma_start3A_104 : memref<25x32xf32, #tpu.memory_space<vmem>>) target(%dma_start3A_101 : memref<25x32xf32, #tpu.memory_space<vmem_shared>>) target_semaphore(%run_scoped3A : memref<!tpu.dma_semaphore, #tpu.memory_space<semaphore_mem>>)
      %dma_wait3A_105 = arith.constant 0 : i32
      %dma_wait3A_106 = arith.constant 0 : i32
      %dma_wait3A_107 = tpu.memref_slice %arg11[%dma_wait3A_105, %dma_wait3A_106] : memref<200x32xf32, #tpu.memory_space<vmem>> -> memref<25x32xf32, #tpu.memory_space<vmem>>
      %dma_wait3A_108 = arith.constant 0 : i32
      %dma_wait3A_109 = tpu.memref_slice %arg13[%add3A_16, %dma_wait3A_108] : memref<10000x32xf32, #tpu.memory_space<vmem_shared>> -> memref<25x32xf32, #tpu.memory_space<vmem_shared>>
      %dma_wait3A_110 = arith.constant 0 : i32
      %dma_wait3A_111 = tpu.memref_slice %arg13[%add3A_16, %dma_wait3A_110] : memref<10000x32xf32, #tpu.memory_space<vmem_shared>> -> memref<25x32xf32, #tpu.memory_space<vmem_shared>>
      %dma_wait3A_112 = arith.constant 0 : i32
      %dma_wait3A_113 = arith.constant 0 : i32
      %dma_wait3A_114 = tpu.memref_slice %arg11[%dma_wait3A_112, %dma_wait3A_113] : memref<200x32xf32, #tpu.memory_space<vmem>> -> memref<25x32xf32, #tpu.memory_space<vmem>>
      tpu.wait_dma2 semaphore(%run_scoped3A : memref<!tpu.dma_semaphore, #tpu.memory_space<semaphore_mem>>) src(%dma_wait3A_114 : memref<25x32xf32, #tpu.memory_space<vmem>>) dst(%dma_wait3A_111 : memref<25x32xf32, #tpu.memory_space<vmem_shared>>)
      tpu.yield
    }) : () -> ()
    %barrier3A = arith.constant 0 : index
    tpu.barrier barrier_id(%barrier3A)
    %mul3A_17 = arith.constant 16 : i32
    %mul3A_18 = arith.muli %arg0, %mul3A_17 : i32
    %add3A_19 = arith.addi %mul3A_18, %arg1 : i32
    %mul3A_20 = arith.constant 10000 : i32
    %mul3A_21 = arith.muli %add3A_19, %mul3A_20 : i32
    %rem3A = arith.constant 0 : i32
    %rem3A_22 = arith.constant 4 : i32
    %rem3A_23 = arith.remsi %rem3A, %rem3A_22 : i32
    %mul3A_24 = arith.constant 0 : i32
    %mul3A_25 = arith.constant 200 : i32
    %mul3A_26 = arith.muli %mul3A_24, %mul3A_25 : i32
    %add3A_27 = arith.addi %mul3A_21, %mul3A_26 : i32
    %dma_start3A = tpu.memref_slice %arg2[%add3A_27] : memref<320000xf32, #tpu.memory_space<hbm>> -> memref<200xf32, #tpu.memory_space<hbm>>
    %dma_start3A_28 = tpu.memref_slice %arg2[%add3A_27] : memref<320000xf32, #tpu.memory_space<hbm>> -> memref<200xf32, #tpu.memory_space<hbm>>
    tpu.enqueue_dma source(%dma_start3A_28 : memref<200xf32, #tpu.memory_space<hbm>>) target(%arg7 : memref<200xf32, #tpu.memory_space<vmem>>) target_semaphore(%arg14 : memref<!tpu.dma_semaphore, #tpu.memory_space<semaphore_mem>>)
    %dma_start3A_29 = arith.constant 0 : i32
    %dma_start3A_30 = tpu.memref_slice %arg3[%add3A_27, %dma_start3A_29] : memref<320000x16xf32, #tpu.memory_space<hbm>> -> memref<200x16xf32, #tpu.memory_space<hbm>>
    %dma_start3A_31 = arith.constant 0 : i32
    %dma_start3A_32 = tpu.memref_slice %arg3[%add3A_27, %dma_start3A_31] : memref<320000x16xf32, #tpu.memory_space<hbm>> -> memref<200x16xf32, #tpu.memory_space<hbm>>
    tpu.enqueue_dma source(%dma_start3A_32 : memref<200x16xf32, #tpu.memory_space<hbm>>) target(%arg9 : memref<200x16xf32, #tpu.memory_space<vmem>>) target_semaphore(%arg14 : memref<!tpu.dma_semaphore, #tpu.memory_space<semaphore_mem>>)
    %dma_start3A_33 = arith.constant 0 : i32
    %dma_start3A_34 = tpu.memref_slice %arg6[%rem3A_23, %dma_start3A_33] : memref<4x200xi32, #tpu.memory_space<vmem>> -> memref<1x200xi32, #tpu.memory_space<vmem>>
    %dma_start3A_35 = tpu.memref_squeeze %dma_start3A_34 : memref<1x200xi32, #tpu.memory_space<vmem>> -> memref<200xi32, #tpu.memory_space<vmem>>
    %dma_start3A_36 = tpu.memref_slice %arg4[%add3A_27] : memref<320000xi32, #tpu.memory_space<hbm>> -> memref<200xi32, #tpu.memory_space<hbm>>
    %dma_start3A_37 = arith.constant 0 : i32
    %dma_start3A_38 = tpu.memref_slice %arg6[%rem3A_23, %dma_start3A_37] : memref<4x200xi32, #tpu.memory_space<vmem>> -> memref<1x200xi32, #tpu.memory_space<vmem>>
    %dma_start3A_39 = tpu.memref_squeeze %dma_start3A_38 : memref<1x200xi32, #tpu.memory_space<vmem>> -> memref<200xi32, #tpu.memory_space<vmem>>
    %dma_start3A_40 = tpu.memref_slice %arg4[%add3A_27] : memref<320000xi32, #tpu.memory_space<hbm>> -> memref<200xi32, #tpu.memory_space<hbm>>
    tpu.enqueue_dma source(%dma_start3A_40 : memref<200xi32, #tpu.memory_space<hbm>>) target(%dma_start3A_39 : memref<200xi32, #tpu.memory_space<vmem>>) target_semaphore(%arg14 : memref<!tpu.dma_semaphore, #tpu.memory_space<semaphore_mem>>)
    %rem3A_41 = arith.constant 1 : i32
    %rem3A_42 = arith.constant 4 : i32
    %rem3A_43 = arith.remsi %rem3A_41, %rem3A_42 : i32
    %mul3A_44 = arith.constant 1 : i32
    %mul3A_45 = arith.constant 200 : i32
    %mul3A_46 = arith.muli %mul3A_44, %mul3A_45 : i32
    %add3A_47 = arith.addi %mul3A_21, %mul3A_46 : i32
    %dma_start3A_48 = tpu.memref_slice %arg2[%add3A_47] : memref<320000xf32, #tpu.memory_space<hbm>> -> memref<200xf32, #tpu.memory_space<hbm>>
    %dma_start3A_49 = tpu.memref_slice %arg2[%add3A_47] : memref<320000xf32, #tpu.memory_space<hbm>> -> memref<200xf32, #tpu.memory_space<hbm>>
    tpu.enqueue_dma source(%dma_start3A_49 : memref<200xf32, #tpu.memory_space<hbm>>) target(%arg8 : memref<200xf32, #tpu.memory_space<vmem>>) target_semaphore(%arg15 : memref<!tpu.dma_semaphore, #tpu.memory_space<semaphore_mem>>)
    %dma_start3A_50 = arith.constant 0 : i32
    %dma_start3A_51 = tpu.memref_slice %arg3[%add3A_47, %dma_start3A_50] : memref<320000x16xf32, #tpu.memory_space<hbm>> -> memref<200x16xf32, #tpu.memory_space<hbm>>
    %dma_start3A_52 = arith.constant 0 : i32
    %dma_start3A_53 = tpu.memref_slice %arg3[%add3A_47, %dma_start3A_52] : memref<320000x16xf32, #tpu.memory_space<hbm>> -> memref<200x16xf32, #tpu.memory_space<hbm>>
    tpu.enqueue_dma source(%dma_start3A_53 : memref<200x16xf32, #tpu.memory_space<hbm>>) target(%arg10 : memref<200x16xf32, #tpu.memory_space<vmem>>) target_semaphore(%arg15 : memref<!tpu.dma_semaphore, #tpu.memory_space<semaphore_mem>>)
    %dma_start3A_54 = arith.constant 0 : i32
    %dma_start3A_55 = tpu.memref_slice %arg6[%rem3A_43, %dma_start3A_54] : memref<4x200xi32, #tpu.memory_space<vmem>> -> memref<1x200xi32, #tpu.memory_space<vmem>>
    %dma_start3A_56 = tpu.memref_squeeze %dma_start3A_55 : memref<1x200xi32, #tpu.memory_space<vmem>> -> memref<200xi32, #tpu.memory_space<vmem>>
    %dma_start3A_57 = tpu.memref_slice %arg4[%add3A_47] : memref<320000xi32, #tpu.memory_space<hbm>> -> memref<200xi32, #tpu.memory_space<hbm>>
    %dma_start3A_58 = arith.constant 0 : i32
    %dma_start3A_59 = tpu.memref_slice %arg6[%rem3A_43, %dma_start3A_58] : memref<4x200xi32, #tpu.memory_space<vmem>> -> memref<1x200xi32, #tpu.memory_space<vmem>>
    %dma_start3A_60 = tpu.memref_squeeze %dma_start3A_59 : memref<1x200xi32, #tpu.memory_space<vmem>> -> memref<200xi32, #tpu.memory_space<vmem>>
    %dma_start3A_61 = tpu.memref_slice %arg4[%add3A_47] : memref<320000xi32, #tpu.memory_space<hbm>> -> memref<200xi32, #tpu.memory_space<hbm>>
    tpu.enqueue_dma source(%dma_start3A_61 : memref<200xi32, #tpu.memory_space<hbm>>) target(%dma_start3A_60 : memref<200xi32, #tpu.memory_space<vmem>>) target_semaphore(%arg15 : memref<!tpu.dma_semaphore, #tpu.memory_space<semaphore_mem>>)
    %scan3A_62 = arith.constant 0 : i32
    %scan3A_63 = arith.constant 0 : i32
    %scan3A_64 = arith.constant 25 : i32
    %scan3A_65 = arith.addi %scan3A_63, %scan3A_64 : i32
    %scan3A_66 = arith.constant 1 : i32
    %scan3A_67 = scf.for %scan3A_95 = %scan3A_63 to %scan3A_65 step %scan3A_66 iter_args(%scan3A_96 = %scan3A_62) -> (i32)  : i32 {
      %mul3A_97 = arith.constant 2 : i32
      %mul3A_98 = arith.muli %mul3A_97, %scan3A_95 : i32
      %add3A_99 = arith.constant 0 : i32
      %add3A_100 = arith.addi %mul3A_98, %add3A_99 : i32
      %rem3A_101 = arith.constant 4 : i32
      %rem3A_102 = arith.remsi %add3A_100, %rem3A_101 : i32
      %mul3A_103 = arith.constant 200 : i32
      %mul3A_104 = arith.muli %add3A_100, %mul3A_103 : i32
      %add3A_105 = arith.addi %mul3A_21, %mul3A_104 : i32
      %dma_wait3A_106 = tpu.memref_slice %arg2[%add3A_105] : memref<320000xf32, #tpu.memory_space<hbm>> -> memref<200xf32, #tpu.memory_space<hbm>>
      %dma_wait3A_107 = tpu.memref_slice %arg2[%add3A_105] : memref<320000xf32, #tpu.memory_space<hbm>> -> memref<200xf32, #tpu.memory_space<hbm>>
      tpu.wait_dma2 semaphore(%arg14 : memref<!tpu.dma_semaphore, #tpu.memory_space<semaphore_mem>>) src(%dma_wait3A_107 : memref<200xf32, #tpu.memory_space<hbm>>) dst(%arg7 : memref<200xf32, #tpu.memory_space<vmem>>)
      %dma_wait3A_108 = arith.constant 0 : i32
      %dma_wait3A_109 = tpu.memref_slice %arg3[%add3A_105, %dma_wait3A_108] : memref<320000x16xf32, #tpu.memory_space<hbm>> -> memref<200x16xf32, #tpu.memory_space<hbm>>
      %dma_wait3A_110 = arith.constant 0 : i32
      %dma_wait3A_111 = tpu.memref_slice %arg3[%add3A_105, %dma_wait3A_110] : memref<320000x16xf32, #tpu.memory_space<hbm>> -> memref<200x16xf32, #tpu.memory_space<hbm>>
      tpu.wait_dma2 semaphore(%arg14 : memref<!tpu.dma_semaphore, #tpu.memory_space<semaphore_mem>>) src(%dma_wait3A_111 : memref<200x16xf32, #tpu.memory_space<hbm>>) dst(%arg9 : memref<200x16xf32, #tpu.memory_space<vmem>>)
      %dma_wait3A_112 = arith.constant 0 : i32
      %dma_wait3A_113 = tpu.memref_slice %arg6[%rem3A_102, %dma_wait3A_112] : memref<4x200xi32, #tpu.memory_space<vmem>> -> memref<1x200xi32, #tpu.memory_space<vmem>>
      %dma_wait3A_114 = tpu.memref_squeeze %dma_wait3A_113 : memref<1x200xi32, #tpu.memory_space<vmem>> -> memref<200xi32, #tpu.memory_space<vmem>>
      %dma_wait3A_115 = tpu.memref_slice %arg4[%add3A_105] : memref<320000xi32, #tpu.memory_space<hbm>> -> memref<200xi32, #tpu.memory_space<hbm>>
      %dma_wait3A_116 = arith.constant 0 : i32
      %dma_wait3A_117 = tpu.memref_slice %arg6[%rem3A_102, %dma_wait3A_116] : memref<4x200xi32, #tpu.memory_space<vmem>> -> memref<1x200xi32, #tpu.memory_space<vmem>>
      %dma_wait3A_118 = tpu.memref_squeeze %dma_wait3A_117 : memref<1x200xi32, #tpu.memory_space<vmem>> -> memref<200xi32, #tpu.memory_space<vmem>>
      %dma_wait3A_119 = tpu.memref_slice %arg4[%add3A_105] : memref<320000xi32, #tpu.memory_space<hbm>> -> memref<200xi32, #tpu.memory_space<hbm>>
      tpu.wait_dma2 semaphore(%arg14 : memref<!tpu.dma_semaphore, #tpu.memory_space<semaphore_mem>>) src(%dma_wait3A_119 : memref<200xi32, #tpu.memory_space<hbm>>) dst(%dma_wait3A_118 : memref<200xi32, #tpu.memory_space<vmem>>)
      %ge3A = arith.constant 2 : i32
      %ge3A_120 = arith.cmpi sge, %add3A_100, %ge3A : i32
      %convert_element_type3A = arith.extui %ge3A_120 : i1 to i32
      %cond3A = arith.constant 0 : i32
      %cond3A_121 = arith.cmpi ne, %convert_element_type3A, %cond3A : i32
      scf.if %cond3A_121 {
        %sub3A = arith.constant 2 : i32
        %sub3A_194 = arith.subi %add3A_100, %sub3A : i32
        %max3A = arith.constant 0 : i32
        %max3A_195 = arith.maxsi %sub3A_194, %max3A : i32
        %rem3A_196 = arith.constant 4 : i32
        %rem3A_197 = arith.remsi %max3A_195, %rem3A_196 : i32
        %dma_wait3A_198 = arith.constant 0 : i32
        %dma_wait3A_199 = tpu.memref_slice %arg6[%rem3A_197, %dma_wait3A_198] : memref<4x200xi32, #tpu.memory_space<vmem>> -> memref<1x200xi32, #tpu.memory_space<vmem>>
        %dma_wait3A_200 = tpu.memref_squeeze %dma_wait3A_199 : memref<1x200xi32, #tpu.memory_space<vmem>> -> memref<200xi32, #tpu.memory_space<vmem>>
        %dma_wait3A_201 = arith.constant 0 : i32
        %dma_wait3A_202 = arith.constant 0 : i32
        %dma_wait3A_203 = tpu.memref_slice %arg13[%dma_wait3A_201, %dma_wait3A_202] : memref<10000x32xf32, #tpu.memory_space<vmem_shared>> -> memref<10000x32xf32, #tpu.memory_space<vmem_shared>>
        tpu.wait_indirect_dma semaphore(%arg16 : memref<!tpu.dma_semaphore, #tpu.memory_space<semaphore_mem>>) src(%arg11 : memref<200x32xf32, #tpu.memory_space<vmem>>) dst(%dma_wait3A_203 : memref<10000x32xf32, #tpu.memory_space<vmem_shared>>)
      } else {
      }
      %scan3A_122 = arith.constant 0 : i32
      %scan3A_123 = arith.constant 0 : i32
      %scan3A_124 = arith.constant 200 : i32
      %scan3A_125 = arith.addi %scan3A_123, %scan3A_124 : i32
      %scan3A_126 = arith.constant 1 : i32
      %scan3A_127 = scf.for %scan3A_194 = %scan3A_123 to %scan3A_125 step %scan3A_126 iter_args(%scan3A_195 = %scan3A_122) -> (i32)  : i32 {
        %broadcast_in_dim3A_196 = vector.broadcast %scan3A_194 : i32 to vector<16xi32>
        %gather3A = tpu.vector_load_idx %arg7[%broadcast_in_dim3A_196] : memref<200xf32, #tpu.memory_space<vmem>>[vector<16xi32>], vector<16xf32>,
        %jit3A = arith.constant 0.000000e+00 : f32
        %broadcast_in_dim3A_197 = vector.broadcast %jit3A : f32 to vector<16xf32>
        %select_n3A = arith.select %eq3A_2, %gather3A, %broadcast_in_dim3A_197 : vector<16xi1>, vector<16xf32>
        %swap3A = arith.index_cast %scan3A_194 : i32 to index
        %swap3A_198 = arith.constant 0 : index
        %swap3A_199 = tpu.vector_load %arg11[%swap3A, %swap3A_198] {strides = array<i32>} : memref<200x32xf32, #tpu.memory_space<vmem>>, vector<16xf32>,
        tpu.vector_store %arg11[%swap3A, %swap3A_198], %select_n3A {strides = array<i32>} : memref<200x32xf32, #tpu.memory_space<vmem>>, vector<16xf32>,
        %get3A = arith.index_cast %scan3A_194 : i32 to index
        %get3A_200 = arith.constant 0 : index
        %get3A_201 = tpu.vector_load %arg9[%get3A, %get3A_200] {strides = array<i32>} : memref<200x16xf32, #tpu.memory_space<vmem>>, vector<16xf32>,
        %mul3A_202 = arith.mulf %gather3A, %get3A_201 : vector<16xf32>
        %swap3A_203 = arith.index_cast %scan3A_194 : i32 to index
        %swap3A_204 = arith.constant 16 : index
        %swap3A_205 = tpu.vector_load %arg11[%swap3A_203, %swap3A_204] {strides = array<i32>} : memref<200x32xf32, #tpu.memory_space<vmem>>, vector<16xf32>,
        tpu.vector_store %arg11[%swap3A_203, %swap3A_204], %mul3A_202 {strides = array<i32>} : memref<200x32xf32, #tpu.memory_space<vmem>>, vector<16xf32>,
        %scan3A_206 = arith.constant 0 : i32
        scf.yield %scan3A_206 : i32
      }
      %scan3A_128 = arith.constant 200 : i32
      %rem3A_129 = arith.constant 4 : i32
      %rem3A_130 = arith.remsi %add3A_100, %rem3A_129 : i32
      %dma_start3A_131 = arith.constant 0 : i32
      %dma_start3A_132 = tpu.memref_slice %arg6[%rem3A_130, %dma_start3A_131] : memref<4x200xi32, #tpu.memory_space<vmem>> -> memref<1x200xi32, #tpu.memory_space<vmem>>
      %dma_start3A_133 = tpu.memref_squeeze %dma_start3A_132 : memref<1x200xi32, #tpu.memory_space<vmem>> -> memref<200xi32, #tpu.memory_space<vmem>>
      %dma_start3A_134 = arith.constant 0 : i32
      %dma_start3A_135 = arith.constant 0 : i32
      %dma_start3A_136 = tpu.memref_slice %arg13[%dma_start3A_134, %dma_start3A_135] : memref<10000x32xf32, #tpu.memory_space<vmem_shared>> -> memref<10000x32xf32, #tpu.memory_space<vmem_shared>>
      tpu.enqueue_indirect_dma source(%arg11 : memref<200x32xf32, #tpu.memory_space<vmem>>) target(%dma_start3A_136 : memref<10000x32xf32, #tpu.memory_space<vmem_shared>>) offsets(%dma_start3A_133 : memref<200xi32, #tpu.memory_space<vmem>>) semaphore(%arg16 : memref<!tpu.dma_semaphore, #tpu.memory_space<semaphore_mem>>) {add = true}
      %add3A_137 = arith.constant 2 : i32
      %add3A_138 = arith.addi %add3A_100, %add3A_137 : i32
      %lt3A = arith.constant 50 : i32
      %lt3A_139 = arith.cmpi slt, %add3A_138, %lt3A : i32
      %convert_element_type3A_140 = arith.extui %lt3A_139 : i1 to i32
      %cond3A_141 = arith.constant 0 : i32
      %cond3A_142 = arith.cmpi ne, %convert_element_type3A_140, %cond3A_141 : i32
      scf.if %cond3A_142 {
        %add3A_194 = arith.constant 2 : i32
        %add3A_195 = arith.addi %add3A_100, %add3A_194 : i32
        %rem3A_196 = arith.constant 4 : i32
        %rem3A_197 = arith.remsi %add3A_195, %rem3A_196 : i32
        %mul3A_198 = arith.constant 200 : i32
        %mul3A_199 = arith.muli %add3A_195, %mul3A_198 : i32
        %add3A_200 = arith.addi %mul3A_21, %mul3A_199 : i32
        %dma_start3A_201 = tpu.memref_slice %arg2[%add3A_200] : memref<320000xf32, #tpu.memory_space<hbm>> -> memref<200xf32, #tpu.memory_space<hbm>>
        %dma_start3A_202 = tpu.memref_slice %arg2[%add3A_200] : memref<320000xf32, #tpu.memory_space<hbm>> -> memref<200xf32, #tpu.memory_space<hbm>>
        tpu.enqueue_dma source(%dma_start3A_202 : memref<200xf32, #tpu.memory_space<hbm>>) target(%arg7 : memref<200xf32, #tpu.memory_space<vmem>>) target_semaphore(%arg14 : memref<!tpu.dma_semaphore, #tpu.memory_space<semaphore_mem>>)
        %dma_start3A_203 = arith.constant 0 : i32
        %dma_start3A_204 = tpu.memref_slice %arg3[%add3A_200, %dma_start3A_203] : memref<320000x16xf32, #tpu.memory_space<hbm>> -> memref<200x16xf32, #tpu.memory_space<hbm>>
        %dma_start3A_205 = arith.constant 0 : i32
        %dma_start3A_206 = tpu.memref_slice %arg3[%add3A_200, %dma_start3A_205] : memref<320000x16xf32, #tpu.memory_space<hbm>> -> memref<200x16xf32, #tpu.memory_space<hbm>>
        tpu.enqueue_dma source(%dma_start3A_206 : memref<200x16xf32, #tpu.memory_space<hbm>>) target(%arg9 : memref<200x16xf32, #tpu.memory_space<vmem>>) target_semaphore(%arg14 : memref<!tpu.dma_semaphore, #tpu.memory_space<semaphore_mem>>)
        %dma_start3A_207 = arith.constant 0 : i32
        %dma_start3A_208 = tpu.memref_slice %arg6[%rem3A_197, %dma_start3A_207] : memref<4x200xi32, #tpu.memory_space<vmem>> -> memref<1x200xi32, #tpu.memory_space<vmem>>
        %dma_start3A_209 = tpu.memref_squeeze %dma_start3A_208 : memref<1x200xi32, #tpu.memory_space<vmem>> -> memref<200xi32, #tpu.memory_space<vmem>>
        %dma_start3A_210 = tpu.memref_slice %arg4[%add3A_200] : memref<320000xi32, #tpu.memory_space<hbm>> -> memref<200xi32, #tpu.memory_space<hbm>>
        %dma_start3A_211 = arith.constant 0 : i32
        %dma_start3A_212 = tpu.memref_slice %arg6[%rem3A_197, %dma_start3A_211] : memref<4x200xi32, #tpu.memory_space<vmem>> -> memref<1x200xi32, #tpu.memory_space<vmem>>
        %dma_start3A_213 = tpu.memref_squeeze %dma_start3A_212 : memref<1x200xi32, #tpu.memory_space<vmem>> -> memref<200xi32, #tpu.memory_space<vmem>>
        %dma_start3A_214 = tpu.memref_slice %arg4[%add3A_200] : memref<320000xi32, #tpu.memory_space<hbm>> -> memref<200xi32, #tpu.memory_space<hbm>>
        tpu.enqueue_dma source(%dma_start3A_214 : memref<200xi32, #tpu.memory_space<hbm>>) target(%dma_start3A_213 : memref<200xi32, #tpu.memory_space<vmem>>) target_semaphore(%arg14 : memref<!tpu.dma_semaphore, #tpu.memory_space<semaphore_mem>>)
      } else {
      }
      %mul3A_143 = arith.constant 2 : i32
      %mul3A_144 = arith.muli %mul3A_143, %scan3A_95 : i32
      %add3A_145 = arith.constant 1 : i32
      %add3A_146 = arith.addi %mul3A_144, %add3A_145 : i32
      %rem3A_147 = arith.constant 4 : i32
      %rem3A_148 = arith.remsi %add3A_146, %rem3A_147 : i32
      %mul3A_149 = arith.constant 200 : i32
      %mul3A_150 = arith.muli %add3A_146, %mul3A_149 : i32
      %add3A_151 = arith.addi %mul3A_21, %mul3A_150 : i32
      %dma_wait3A_152 = tpu.memref_slice %arg2[%add3A_151] : memref<320000xf32, #tpu.memory_space<hbm>> -> memref<200xf32, #tpu.memory_space<hbm>>
      %dma_wait3A_153 = tpu.memref_slice %arg2[%add3A_151] : memref<320000xf32, #tpu.memory_space<hbm>> -> memref<200xf32, #tpu.memory_space<hbm>>
      tpu.wait_dma2 semaphore(%arg15 : memref<!tpu.dma_semaphore, #tpu.memory_space<semaphore_mem>>) src(%dma_wait3A_153 : memref<200xf32, #tpu.memory_space<hbm>>) dst(%arg8 : memref<200xf32, #tpu.memory_space<vmem>>)
      %dma_wait3A_154 = arith.constant 0 : i32
      %dma_wait3A_155 = tpu.memref_slice %arg3[%add3A_151, %dma_wait3A_154] : memref<320000x16xf32, #tpu.memory_space<hbm>> -> memref<200x16xf32, #tpu.memory_space<hbm>>
      %dma_wait3A_156 = arith.constant 0 : i32
      %dma_wait3A_157 = tpu.memref_slice %arg3[%add3A_151, %dma_wait3A_156] : memref<320000x16xf32, #tpu.memory_space<hbm>> -> memref<200x16xf32, #tpu.memory_space<hbm>>
      tpu.wait_dma2 semaphore(%arg15 : memref<!tpu.dma_semaphore, #tpu.memory_space<semaphore_mem>>) src(%dma_wait3A_157 : memref<200x16xf32, #tpu.memory_space<hbm>>) dst(%arg10 : memref<200x16xf32, #tpu.memory_space<vmem>>)
      %dma_wait3A_158 = arith.constant 0 : i32
      %dma_wait3A_159 = tpu.memref_slice %arg6[%rem3A_148, %dma_wait3A_158] : memref<4x200xi32, #tpu.memory_space<vmem>> -> memref<1x200xi32, #tpu.memory_space<vmem>>
      %dma_wait3A_160 = tpu.memref_squeeze %dma_wait3A_159 : memref<1x200xi32, #tpu.memory_space<vmem>> -> memref<200xi32, #tpu.memory_space<vmem>>
      %dma_wait3A_161 = tpu.memref_slice %arg4[%add3A_151] : memref<320000xi32, #tpu.memory_space<hbm>> -> memref<200xi32, #tpu.memory_space<hbm>>
      %dma_wait3A_162 = arith.constant 0 : i32
      %dma_wait3A_163 = tpu.memref_slice %arg6[%rem3A_148, %dma_wait3A_162] : memref<4x200xi32, #tpu.memory_space<vmem>> -> memref<1x200xi32, #tpu.memory_space<vmem>>
      %dma_wait3A_164 = tpu.memref_squeeze %dma_wait3A_163 : memref<1x200xi32, #tpu.memory_space<vmem>> -> memref<200xi32, #tpu.memory_space<vmem>>
      %dma_wait3A_165 = tpu.memref_slice %arg4[%add3A_151] : memref<320000xi32, #tpu.memory_space<hbm>> -> memref<200xi32, #tpu.memory_space<hbm>>
      tpu.wait_dma2 semaphore(%arg15 : memref<!tpu.dma_semaphore, #tpu.memory_space<semaphore_mem>>) src(%dma_wait3A_165 : memref<200xi32, #tpu.memory_space<hbm>>) dst(%dma_wait3A_164 : memref<200xi32, #tpu.memory_space<vmem>>)
      %ge3A_166 = arith.constant 2 : i32
      %ge3A_167 = arith.cmpi sge, %add3A_146, %ge3A_166 : i32
      %convert_element_type3A_168 = arith.extui %ge3A_167 : i1 to i32
      %cond3A_169 = arith.constant 0 : i32
      %cond3A_170 = arith.cmpi ne, %convert_element_type3A_168, %cond3A_169 : i32
      scf.if %cond3A_170 {
        %sub3A = arith.constant 2 : i32
        %sub3A_194 = arith.subi %add3A_146, %sub3A : i32
        %max3A = arith.constant 0 : i32
        %max3A_195 = arith.maxsi %sub3A_194, %max3A : i32
        %rem3A_196 = arith.constant 4 : i32
        %rem3A_197 = arith.remsi %max3A_195, %rem3A_196 : i32
        %dma_wait3A_198 = arith.constant 0 : i32
        %dma_wait3A_199 = tpu.memref_slice %arg6[%rem3A_197, %dma_wait3A_198] : memref<4x200xi32, #tpu.memory_space<vmem>> -> memref<1x200xi32, #tpu.memory_space<vmem>>
        %dma_wait3A_200 = tpu.memref_squeeze %dma_wait3A_199 : memref<1x200xi32, #tpu.memory_space<vmem>> -> memref<200xi32, #tpu.memory_space<vmem>>
        %dma_wait3A_201 = arith.constant 0 : i32
        %dma_wait3A_202 = arith.constant 0 : i32
        %dma_wait3A_203 = tpu.memref_slice %arg13[%dma_wait3A_201, %dma_wait3A_202] : memref<10000x32xf32, #tpu.memory_space<vmem_shared>> -> memref<10000x32xf32, #tpu.memory_space<vmem_shared>>
        tpu.wait_indirect_dma semaphore(%arg17 : memref<!tpu.dma_semaphore, #tpu.memory_space<semaphore_mem>>) src(%arg12 : memref<200x32xf32, #tpu.memory_space<vmem>>) dst(%dma_wait3A_203 : memref<10000x32xf32, #tpu.memory_space<vmem_shared>>)
      } else {
      }
      %scan3A_171 = arith.constant 0 : i32
      %scan3A_172 = arith.constant 0 : i32
      %scan3A_173 = arith.constant 200 : i32
      %scan3A_174 = arith.addi %scan3A_172, %scan3A_173 : i32
      %scan3A_175 = arith.constant 1 : i32
      %scan3A_176 = scf.for %scan3A_194 = %scan3A_172 to %scan3A_174 step %scan3A_175 iter_args(%scan3A_195 = %scan3A_171) -> (i32)  : i32 {
        %broadcast_in_dim3A_196 = vector.broadcast %scan3A_194 : i32 to vector<16xi32>
        %gather3A = tpu.vector_load_idx %arg8[%broadcast_in_dim3A_196] : memref<200xf32, #tpu.memory_space<vmem>>[vector<16xi32>], vector<16xf32>,
        %jit3A = arith.constant 0.000000e+00 : f32
        %broadcast_in_dim3A_197 = vector.broadcast %jit3A : f32 to vector<16xf32>
        %select_n3A = arith.select %eq3A_2, %gather3A, %broadcast_in_dim3A_197 : vector<16xi1>, vector<16xf32>
        %swap3A = arith.index_cast %scan3A_194 : i32 to index
        %swap3A_198 = arith.constant 0 : index
        %swap3A_199 = tpu.vector_load %arg12[%swap3A, %swap3A_198] {strides = array<i32>} : memref<200x32xf32, #tpu.memory_space<vmem>>, vector<16xf32>,
        tpu.vector_store %arg12[%swap3A, %swap3A_198], %select_n3A {strides = array<i32>} : memref<200x32xf32, #tpu.memory_space<vmem>>, vector<16xf32>,
        %get3A = arith.index_cast %scan3A_194 : i32 to index
        %get3A_200 = arith.constant 0 : index
        %get3A_201 = tpu.vector_load %arg10[%get3A, %get3A_200] {strides = array<i32>} : memref<200x16xf32, #tpu.memory_space<vmem>>, vector<16xf32>,
        %mul3A_202 = arith.mulf %gather3A, %get3A_201 : vector<16xf32>
        %swap3A_203 = arith.index_cast %scan3A_194 : i32 to index
        %swap3A_204 = arith.constant 16 : index
        %swap3A_205 = tpu.vector_load %arg12[%swap3A_203, %swap3A_204] {strides = array<i32>} : memref<200x32xf32, #tpu.memory_space<vmem>>, vector<16xf32>,
        tpu.vector_store %arg12[%swap3A_203, %swap3A_204], %mul3A_202 {strides = array<i32>} : memref<200x32xf32, #tpu.memory_space<vmem>>, vector<16xf32>,
        %scan3A_206 = arith.constant 0 : i32
        scf.yield %scan3A_206 : i32
      }
      %scan3A_177 = arith.constant 200 : i32
      %rem3A_178 = arith.constant 4 : i32
      %rem3A_179 = arith.remsi %add3A_146, %rem3A_178 : i32
      %dma_start3A_180 = arith.constant 0 : i32
      %dma_start3A_181 = tpu.memref_slice %arg6[%rem3A_179, %dma_start3A_180] : memref<4x200xi32, #tpu.memory_space<vmem>> -> memref<1x200xi32, #tpu.memory_space<vmem>>
      %dma_start3A_182 = tpu.memref_squeeze %dma_start3A_181 : memref<1x200xi32, #tpu.memory_space<vmem>> -> memref<200xi32, #tpu.memory_space<vmem>>
      %dma_start3A_183 = arith.constant 0 : i32
      %dma_start3A_184 = arith.constant 0 : i32
      %dma_start3A_185 = tpu.memref_slice %arg13[%dma_start3A_183, %dma_start3A_184] : memref<10000x32xf32, #tpu.memory_space<vmem_shared>> -> memref<10000x32xf32, #tpu.memory_space<vmem_shared>>
      tpu.enqueue_indirect_dma source(%arg12 : memref<200x32xf32, #tpu.memory_space<vmem>>) target(%dma_start3A_185 : memref<10000x32xf32, #tpu.memory_space<vmem_shared>>) offsets(%dma_start3A_182 : memref<200xi32, #tpu.memory_space<vmem>>) semaphore(%arg17 : memref<!tpu.dma_semaphore, #tpu.memory_space<semaphore_mem>>) {add = true}
      %add3A_186 = arith.constant 2 : i32
      %add3A_187 = arith.addi %add3A_146, %add3A_186 : i32
      %lt3A_188 = arith.constant 50 : i32
      %lt3A_189 = arith.cmpi slt, %add3A_187, %lt3A_188 : i32
      %convert_element_type3A_190 = arith.extui %lt3A_189 : i1 to i32
      %cond3A_191 = arith.constant 0 : i32
      %cond3A_192 = arith.cmpi ne, %convert_element_type3A_190, %cond3A_191 : i32
      scf.if %cond3A_192 {
        %add3A_194 = arith.constant 2 : i32
        %add3A_195 = arith.addi %add3A_146, %add3A_194 : i32
        %rem3A_196 = arith.constant 4 : i32
        %rem3A_197 = arith.remsi %add3A_195, %rem3A_196 : i32
        %mul3A_198 = arith.constant 200 : i32
        %mul3A_199 = arith.muli %add3A_195, %mul3A_198 : i32
        %add3A_200 = arith.addi %mul3A_21, %mul3A_199 : i32
        %dma_start3A_201 = tpu.memref_slice %arg2[%add3A_200] : memref<320000xf32, #tpu.memory_space<hbm>> -> memref<200xf32, #tpu.memory_space<hbm>>
        %dma_start3A_202 = tpu.memref_slice %arg2[%add3A_200] : memref<320000xf32, #tpu.memory_space<hbm>> -> memref<200xf32, #tpu.memory_space<hbm>>
        tpu.enqueue_dma source(%dma_start3A_202 : memref<200xf32, #tpu.memory_space<hbm>>) target(%arg8 : memref<200xf32, #tpu.memory_space<vmem>>) target_semaphore(%arg15 : memref<!tpu.dma_semaphore, #tpu.memory_space<semaphore_mem>>)
        %dma_start3A_203 = arith.constant 0 : i32
        %dma_start3A_204 = tpu.memref_slice %arg3[%add3A_200, %dma_start3A_203] : memref<320000x16xf32, #tpu.memory_space<hbm>> -> memref<200x16xf32, #tpu.memory_space<hbm>>
        %dma_start3A_205 = arith.constant 0 : i32
        %dma_start3A_206 = tpu.memref_slice %arg3[%add3A_200, %dma_start3A_205] : memref<320000x16xf32, #tpu.memory_space<hbm>> -> memref<200x16xf32, #tpu.memory_space<hbm>>
        tpu.enqueue_dma source(%dma_start3A_206 : memref<200x16xf32, #tpu.memory_space<hbm>>) target(%arg10 : memref<200x16xf32, #tpu.memory_space<vmem>>) target_semaphore(%arg15 : memref<!tpu.dma_semaphore, #tpu.memory_space<semaphore_mem>>)
        %dma_start3A_207 = arith.constant 0 : i32
        %dma_start3A_208 = tpu.memref_slice %arg6[%rem3A_197, %dma_start3A_207] : memref<4x200xi32, #tpu.memory_space<vmem>> -> memref<1x200xi32, #tpu.memory_space<vmem>>
        %dma_start3A_209 = tpu.memref_squeeze %dma_start3A_208 : memref<1x200xi32, #tpu.memory_space<vmem>> -> memref<200xi32, #tpu.memory_space<vmem>>
        %dma_start3A_210 = tpu.memref_slice %arg4[%add3A_200] : memref<320000xi32, #tpu.memory_space<hbm>> -> memref<200xi32, #tpu.memory_space<hbm>>
        %dma_start3A_211 = arith.constant 0 : i32
        %dma_start3A_212 = tpu.memref_slice %arg6[%rem3A_197, %dma_start3A_211] : memref<4x200xi32, #tpu.memory_space<vmem>> -> memref<1x200xi32, #tpu.memory_space<vmem>>
        %dma_start3A_213 = tpu.memref_squeeze %dma_start3A_212 : memref<1x200xi32, #tpu.memory_space<vmem>> -> memref<200xi32, #tpu.memory_space<vmem>>
        %dma_start3A_214 = tpu.memref_slice %arg4[%add3A_200] : memref<320000xi32, #tpu.memory_space<hbm>> -> memref<200xi32, #tpu.memory_space<hbm>>
        tpu.enqueue_dma source(%dma_start3A_214 : memref<200xi32, #tpu.memory_space<hbm>>) target(%dma_start3A_213 : memref<200xi32, #tpu.memory_space<vmem>>) target_semaphore(%arg15 : memref<!tpu.dma_semaphore, #tpu.memory_space<semaphore_mem>>)
      } else {
      }
      %scan3A_193 = arith.constant 0 : i32
      scf.yield %scan3A_193 : i32
    }
    %scan3A_68 = arith.constant 25 : i32
    %rem3A_69 = arith.constant 48 : i32
    %rem3A_70 = arith.constant 4 : i32
    %rem3A_71 = arith.remsi %rem3A_69, %rem3A_70 : i32
    %dma_wait3A = arith.constant 0 : i32
    %dma_wait3A_72 = tpu.memref_slice %arg6[%rem3A_71, %dma_wait3A] : memref<4x200xi32, #tpu.memory_space<vmem>> -> memref<1x200xi32, #tpu.memory_space<vmem>>
    %dma_wait3A_73 = tpu.memref_squeeze %dma_wait3A_72 : memref<1x200xi32, #tpu.memory_space<vmem>> -> memref<200xi32, #tpu.memory_space<vmem>>
    %dma_wait3A_74 = arith.constant 0 : i32
    %dma_wait3A_75 = arith.constant 0 : i32
    %dma_wait3A_76 = tpu.memref_slice %arg13[%dma_wait3A_74, %dma_wait3A_75] : memref<10000x32xf32, #tpu.memory_space<vmem_shared>> -> memref<10000x32xf32, #tpu.memory_space<vmem_shared>>
    tpu.wait_indirect_dma semaphore(%arg16 : memref<!tpu.dma_semaphore, #tpu.memory_space<semaphore_mem>>) src(%arg11 : memref<200x32xf32, #tpu.memory_space<vmem>>) dst(%dma_wait3A_76 : memref<10000x32xf32, #tpu.memory_space<vmem_shared>>)
    %rem3A_77 = arith.constant 49 : i32
    %rem3A_78 = arith.constant 4 : i32
    %rem3A_79 = arith.remsi %rem3A_77, %rem3A_78 : i32
    %dma_wait3A_80 = arith.constant 0 : i32
    %dma_wait3A_81 = tpu.memref_slice %arg6[%rem3A_79, %dma_wait3A_80] : memref<4x200xi32, #tpu.memory_space<vmem>> -> memref<1x200xi32, #tpu.memory_space<vmem>>
    %dma_wait3A_82 = tpu.memref_squeeze %dma_wait3A_81 : memref<1x200xi32, #tpu.memory_space<vmem>> -> memref<200xi32, #tpu.memory_space<vmem>>
    %dma_wait3A_83 = arith.constant 0 : i32
    %dma_wait3A_84 = arith.constant 0 : i32
    %dma_wait3A_85 = tpu.memref_slice %arg13[%dma_wait3A_83, %dma_wait3A_84] : memref<10000x32xf32, #tpu.memory_space<vmem_shared>> -> memref<10000x32xf32, #tpu.memory_space<vmem_shared>>
    tpu.wait_indirect_dma semaphore(%arg17 : memref<!tpu.dma_semaphore, #tpu.memory_space<semaphore_mem>>) src(%arg12 : memref<200x32xf32, #tpu.memory_space<vmem>>) dst(%dma_wait3A_85 : memref<10000x32xf32, #tpu.memory_space<vmem_shared>>)
    %barrier3A_86 = arith.constant 0 : index
    tpu.barrier barrier_id(%barrier3A_86)
    %add3A_87 = arith.constant 0 : i32
    %add3A_88 = arith.addi %mul3A_9, %add3A_87 : i32
    "tpu.region"() ({
      %run_scoped3A = tpu.sem_alloc : memref<!tpu.dma_semaphore, #tpu.memory_space<semaphore_mem>>
      %dma_start3A_95 = arith.constant 0 : i32
      %dma_start3A_96 = tpu.memref_slice %arg13[%add3A_88, %dma_start3A_95] : memref<10000x32xf32, #tpu.memory_space<vmem_shared>> -> memref<200x32xf32, #tpu.memory_space<vmem_shared>>
      %dma_start3A_97 = arith.constant 0 : i32
      %dma_start3A_98 = tpu.memref_slice %arg13[%add3A_88, %dma_start3A_97] : memref<10000x32xf32, #tpu.memory_space<vmem_shared>> -> memref<200x32xf32, #tpu.memory_space<vmem_shared>>
      tpu.enqueue_dma source(%dma_start3A_98 : memref<200x32xf32, #tpu.memory_space<vmem_shared>>) target(%arg11 : memref<200x32xf32, #tpu.memory_space<vmem>>) target_semaphore(%run_scoped3A : memref<!tpu.dma_semaphore, #tpu.memory_space<semaphore_mem>>)
      %dma_wait3A_99 = arith.constant 0 : i32
      %dma_wait3A_100 = tpu.memref_slice %arg13[%add3A_88, %dma_wait3A_99] : memref<10000x32xf32, #tpu.memory_space<vmem_shared>> -> memref<200x32xf32, #tpu.memory_space<vmem_shared>>
      %dma_wait3A_101 = arith.constant 0 : i32
      %dma_wait3A_102 = tpu.memref_slice %arg13[%add3A_88, %dma_wait3A_101] : memref<10000x32xf32, #tpu.memory_space<vmem_shared>> -> memref<200x32xf32, #tpu.memory_space<vmem_shared>>
      tpu.wait_dma2 semaphore(%run_scoped3A : memref<!tpu.dma_semaphore, #tpu.memory_space<semaphore_mem>>) src(%dma_wait3A_102 : memref<200x32xf32, #tpu.memory_space<vmem_shared>>) dst(%arg11 : memref<200x32xf32, #tpu.memory_space<vmem>>)
      tpu.yield
    }) : () -> ()
    "tpu.region"() ({
      %run_scoped3A = tpu.sem_alloc : memref<!tpu.dma_semaphore, #tpu.memory_space<semaphore_mem>>
      %dma_start3A_95 = arith.constant 0 : i32
      %dma_start3A_96 = tpu.memref_slice %arg5[%arg0, %add3A_88, %dma_start3A_95] : memref<2x10000x32xf32, #tpu.memory_space<hbm>> -> memref<1x200x32xf32, #tpu.memory_space<hbm>>
      %dma_start3A_97 = tpu.memref_squeeze %dma_start3A_96 : memref<1x200x32xf32, #tpu.memory_space<hbm>> -> memref<200x32xf32, #tpu.memory_space<hbm>>
      %dma_start3A_98 = arith.constant 0 : i32
      %dma_start3A_99 = tpu.memref_slice %arg5[%arg0, %add3A_88, %dma_start3A_98] : memref<2x10000x32xf32, #tpu.memory_space<hbm>> -> memref<1x200x32xf32, #tpu.memory_space<hbm>>
      %dma_start3A_100 = tpu.memref_squeeze %dma_start3A_99 : memref<1x200x32xf32, #tpu.memory_space<hbm>> -> memref<200x32xf32, #tpu.memory_space<hbm>>
      tpu.enqueue_dma source(%arg11 : memref<200x32xf32, #tpu.memory_space<vmem>>) target(%dma_start3A_100 : memref<200x32xf32, #tpu.memory_space<hbm>>) target_semaphore(%run_scoped3A : memref<!tpu.dma_semaphore, #tpu.memory_space<semaphore_mem>>)
      %dma_wait3A_101 = arith.constant 0 : i32
      %dma_wait3A_102 = tpu.memref_slice %arg5[%arg0, %add3A_88, %dma_wait3A_101] : memref<2x10000x32xf32, #tpu.memory_space<hbm>> -> memref<1x200x32xf32, #tpu.memory_space<hbm>>
      %dma_wait3A_103 = tpu.memref_squeeze %dma_wait3A_102 : memref<1x200x32xf32, #tpu.memory_space<hbm>> -> memref<200x32xf32, #tpu.memory_space<hbm>>
      %dma_wait3A_104 = arith.constant 0 : i32
      %dma_wait3A_105 = tpu.memref_slice %arg5[%arg0, %add3A_88, %dma_wait3A_104] : memref<2x10000x32xf32, #tpu.memory_space<hbm>> -> memref<1x200x32xf32, #tpu.memory_space<hbm>>
      %dma_wait3A_106 = tpu.memref_squeeze %dma_wait3A_105 : memref<1x200x32xf32, #tpu.memory_space<hbm>> -> memref<200x32xf32, #tpu.memory_space<hbm>>
      tpu.wait_dma2 semaphore(%run_scoped3A : memref<!tpu.dma_semaphore, #tpu.memory_space<semaphore_mem>>) src(%arg11 : memref<200x32xf32, #tpu.memory_space<vmem>>) dst(%dma_wait3A_106 : memref<200x32xf32, #tpu.memory_space<hbm>>)
      tpu.yield
    }) : () -> ()
    %add3A_89 = arith.constant 200 : i32
    %add3A_90 = arith.addi %mul3A_9, %add3A_89 : i32
    "tpu.region"() ({
      %run_scoped3A = tpu.sem_alloc : memref<!tpu.dma_semaphore, #tpu.memory_space<semaphore_mem>>
      %dma_start3A_95 = arith.constant 0 : i32
      %dma_start3A_96 = tpu.memref_slice %arg13[%add3A_90, %dma_start3A_95] : memref<10000x32xf32, #tpu.memory_space<vmem_shared>> -> memref<200x32xf32, #tpu.memory_space<vmem_shared>>
      %dma_start3A_97 = arith.constant 0 : i32
      %dma_start3A_98 = tpu.memref_slice %arg13[%add3A_90, %dma_start3A_97] : memref<10000x32xf32, #tpu.memory_space<vmem_shared>> -> memref<200x32xf32, #tpu.memory_space<vmem_shared>>
      tpu.enqueue_dma source(%dma_start3A_98 : memref<200x32xf32, #tpu.memory_space<vmem_shared>>) target(%arg11 : memref<200x32xf32, #tpu.memory_space<vmem>>) target_semaphore(%run_scoped3A : memref<!tpu.dma_semaphore, #tpu.memory_space<semaphore_mem>>)
      %dma_wait3A_99 = arith.constant 0 : i32
      %dma_wait3A_100 = tpu.memref_slice %arg13[%add3A_90, %dma_wait3A_99] : memref<10000x32xf32, #tpu.memory_space<vmem_shared>> -> memref<200x32xf32, #tpu.memory_space<vmem_shared>>
      %dma_wait3A_101 = arith.constant 0 : i32
      %dma_wait3A_102 = tpu.memref_slice %arg13[%add3A_90, %dma_wait3A_101] : memref<10000x32xf32, #tpu.memory_space<vmem_shared>> -> memref<200x32xf32, #tpu.memory_space<vmem_shared>>
      tpu.wait_dma2 semaphore(%run_scoped3A : memref<!tpu.dma_semaphore, #tpu.memory_space<semaphore_mem>>) src(%dma_wait3A_102 : memref<200x32xf32, #tpu.memory_space<vmem_shared>>) dst(%arg11 : memref<200x32xf32, #tpu.memory_space<vmem>>)
      tpu.yield
    }) : () -> ()
    "tpu.region"() ({
      %run_scoped3A = tpu.sem_alloc : memref<!tpu.dma_semaphore, #tpu.memory_space<semaphore_mem>>
      %dma_start3A_95 = arith.constant 0 : i32
      %dma_start3A_96 = tpu.memref_slice %arg5[%arg0, %add3A_90, %dma_start3A_95] : memref<2x10000x32xf32, #tpu.memory_space<hbm>> -> memref<1x200x32xf32, #tpu.memory_space<hbm>>
      %dma_start3A_97 = tpu.memref_squeeze %dma_start3A_96 : memref<1x200x32xf32, #tpu.memory_space<hbm>> -> memref<200x32xf32, #tpu.memory_space<hbm>>
      %dma_start3A_98 = arith.constant 0 : i32
      %dma_start3A_99 = tpu.memref_slice %arg5[%arg0, %add3A_90, %dma_start3A_98] : memref<2x10000x32xf32, #tpu.memory_space<hbm>> -> memref<1x200x32xf32, #tpu.memory_space<hbm>>
      %dma_start3A_100 = tpu.memref_squeeze %dma_start3A_99 : memref<1x200x32xf32, #tpu.memory_space<hbm>> -> memref<200x32xf32, #tpu.memory_space<hbm>>
      tpu.enqueue_dma source(%arg11 : memref<200x32xf32, #tpu.memory_space<vmem>>) target(%dma_start3A_100 : memref<200x32xf32, #tpu.memory_space<hbm>>) target_semaphore(%run_scoped3A : memref<!tpu.dma_semaphore, #tpu.memory_space<semaphore_mem>>)
      %dma_wait3A_101 = arith.constant 0 : i32
      %dma_wait3A_102 = tpu.memref_slice %arg5[%arg0, %add3A_90, %dma_wait3A_101] : memref<2x10000x32xf32, #tpu.memory_space<hbm>> -> memref<1x200x32xf32, #tpu.memory_space<hbm>>
      %dma_wait3A_103 = tpu.memref_squeeze %dma_wait3A_102 : memref<1x200x32xf32, #tpu.memory_space<hbm>> -> memref<200x32xf32, #tpu.memory_space<hbm>>
      %dma_wait3A_104 = arith.constant 0 : i32
      %dma_wait3A_105 = tpu.memref_slice %arg5[%arg0, %add3A_90, %dma_wait3A_104] : memref<2x10000x32xf32, #tpu.memory_space<hbm>> -> memref<1x200x32xf32, #tpu.memory_space<hbm>>
      %dma_wait3A_106 = tpu.memref_squeeze %dma_wait3A_105 : memref<1x200x32xf32, #tpu.memory_space<hbm>> -> memref<200x32xf32, #tpu.memory_space<hbm>>
      tpu.wait_dma2 semaphore(%run_scoped3A : memref<!tpu.dma_semaphore, #tpu.memory_space<semaphore_mem>>) src(%arg11 : memref<200x32xf32, #tpu.memory_space<vmem>>) dst(%dma_wait3A_106 : memref<200x32xf32, #tpu.memory_space<hbm>>)
      tpu.yield
    }) : () -> ()
    %add3A_91 = arith.constant 400 : i32
    %add3A_92 = arith.addi %mul3A_9, %add3A_91 : i32
    "tpu.region"() ({
      %run_scoped3A = tpu.sem_alloc : memref<!tpu.dma_semaphore, #tpu.memory_space<semaphore_mem>>
      %dma_start3A_95 = arith.constant 0 : i32
      %dma_start3A_96 = tpu.memref_slice %arg13[%add3A_92, %dma_start3A_95] : memref<10000x32xf32, #tpu.memory_space<vmem_shared>> -> memref<200x32xf32, #tpu.memory_space<vmem_shared>>
      %dma_start3A_97 = arith.constant 0 : i32
      %dma_start3A_98 = tpu.memref_slice %arg13[%add3A_92, %dma_start3A_97] : memref<10000x32xf32, #tpu.memory_space<vmem_shared>> -> memref<200x32xf32, #tpu.memory_space<vmem_shared>>
      tpu.enqueue_dma source(%dma_start3A_98 : memref<200x32xf32, #tpu.memory_space<vmem_shared>>) target(%arg11 : memref<200x32xf32, #tpu.memory_space<vmem>>) target_semaphore(%run_scoped3A : memref<!tpu.dma_semaphore, #tpu.memory_space<semaphore_mem>>)
      %dma_wait3A_99 = arith.constant 0 : i32
      %dma_wait3A_100 = tpu.memref_slice %arg13[%add3A_92, %dma_wait3A_99] : memref<10000x32xf32, #tpu.memory_space<vmem_shared>> -> memref<200x32xf32, #tpu.memory_space<vmem_shared>>
      %dma_wait3A_101 = arith.constant 0 : i32
      %dma_wait3A_102 = tpu.memref_slice %arg13[%add3A_92, %dma_wait3A_101] : memref<10000x32xf32, #tpu.memory_space<vmem_shared>> -> memref<200x32xf32, #tpu.memory_space<vmem_shared>>
      tpu.wait_dma2 semaphore(%run_scoped3A : memref<!tpu.dma_semaphore, #tpu.memory_space<semaphore_mem>>) src(%dma_wait3A_102 : memref<200x32xf32, #tpu.memory_space<vmem_shared>>) dst(%arg11 : memref<200x32xf32, #tpu.memory_space<vmem>>)
      tpu.yield
    }) : () -> ()
    "tpu.region"() ({
      %run_scoped3A = tpu.sem_alloc : memref<!tpu.dma_semaphore, #tpu.memory_space<semaphore_mem>>
      %dma_start3A_95 = arith.constant 0 : i32
      %dma_start3A_96 = tpu.memref_slice %arg5[%arg0, %add3A_92, %dma_start3A_95] : memref<2x10000x32xf32, #tpu.memory_space<hbm>> -> memref<1x200x32xf32, #tpu.memory_space<hbm>>
      %dma_start3A_97 = tpu.memref_squeeze %dma_start3A_96 : memref<1x200x32xf32, #tpu.memory_space<hbm>> -> memref<200x32xf32, #tpu.memory_space<hbm>>
      %dma_start3A_98 = arith.constant 0 : i32
      %dma_start3A_99 = tpu.memref_slice %arg5[%arg0, %add3A_92, %dma_start3A_98] : memref<2x10000x32xf32, #tpu.memory_space<hbm>> -> memref<1x200x32xf32, #tpu.memory_space<hbm>>
      %dma_start3A_100 = tpu.memref_squeeze %dma_start3A_99 : memref<1x200x32xf32, #tpu.memory_space<hbm>> -> memref<200x32xf32, #tpu.memory_space<hbm>>
      tpu.enqueue_dma source(%arg11 : memref<200x32xf32, #tpu.memory_space<vmem>>) target(%dma_start3A_100 : memref<200x32xf32, #tpu.memory_space<hbm>>) target_semaphore(%run_scoped3A : memref<!tpu.dma_semaphore, #tpu.memory_space<semaphore_mem>>)
      %dma_wait3A_101 = arith.constant 0 : i32
      %dma_wait3A_102 = tpu.memref_slice %arg5[%arg0, %add3A_92, %dma_wait3A_101] : memref<2x10000x32xf32, #tpu.memory_space<hbm>> -> memref<1x200x32xf32, #tpu.memory_space<hbm>>
      %dma_wait3A_103 = tpu.memref_squeeze %dma_wait3A_102 : memref<1x200x32xf32, #tpu.memory_space<hbm>> -> memref<200x32xf32, #tpu.memory_space<hbm>>
      %dma_wait3A_104 = arith.constant 0 : i32
      %dma_wait3A_105 = tpu.memref_slice %arg5[%arg0, %add3A_92, %dma_wait3A_104] : memref<2x10000x32xf32, #tpu.memory_space<hbm>> -> memref<1x200x32xf32, #tpu.memory_space<hbm>>
      %dma_wait3A_106 = tpu.memref_squeeze %dma_wait3A_105 : memref<1x200x32xf32, #tpu.memory_space<hbm>> -> memref<200x32xf32, #tpu.memory_space<hbm>>
      tpu.wait_dma2 semaphore(%run_scoped3A : memref<!tpu.dma_semaphore, #tpu.memory_space<semaphore_mem>>) src(%arg11 : memref<200x32xf32, #tpu.memory_space<vmem>>) dst(%dma_wait3A_106 : memref<200x32xf32, #tpu.memory_space<hbm>>)
      tpu.yield
    }) : () -> ()
    %add3A_93 = arith.constant 600 : i32
    %add3A_94 = arith.addi %mul3A_9, %add3A_93 : i32
    "tpu.region"() ({
      %run_scoped3A = tpu.sem_alloc : memref<!tpu.dma_semaphore, #tpu.memory_space<semaphore_mem>>
      %dma_start3A_95 = arith.constant 0 : i32
      %dma_start3A_96 = arith.constant 0 : i32
      %dma_start3A_97 = tpu.memref_slice %arg11[%dma_start3A_95, %dma_start3A_96] : memref<200x32xf32, #tpu.memory_space<vmem>> -> memref<25x32xf32, #tpu.memory_space<vmem>>
      %dma_start3A_98 = arith.constant 0 : i32
      %dma_start3A_99 = tpu.memref_slice %arg13[%add3A_94, %dma_start3A_98] : memref<10000x32xf32, #tpu.memory_space<vmem_shared>> -> memref<25x32xf32, #tpu.memory_space<vmem_shared>>
      %dma_start3A_100 = arith.constant 0 : i32
      %dma_start3A_101 = arith.constant 0 : i32
      %dma_start3A_102 = tpu.memref_slice %arg11[%dma_start3A_100, %dma_start3A_101] : memref<200x32xf32, #tpu.memory_space<vmem>> -> memref<25x32xf32, #tpu.memory_space<vmem>>
      %dma_start3A_103 = arith.constant 0 : i32
      %dma_start3A_104 = tpu.memref_slice %arg13[%add3A_94, %dma_start3A_103] : memref<10000x32xf32, #tpu.memory_space<vmem_shared>> -> memref<25x32xf32, #tpu.memory_space<vmem_shared>>
      tpu.enqueue_dma source(%dma_start3A_104 : memref<25x32xf32, #tpu.memory_space<vmem_shared>>) target(%dma_start3A_102 : memref<25x32xf32, #tpu.memory_space<vmem>>) target_semaphore(%run_scoped3A : memref<!tpu.dma_semaphore, #tpu.memory_space<semaphore_mem>>)
      %dma_wait3A_105 = arith.constant 0 : i32
      %dma_wait3A_106 = arith.constant 0 : i32
      %dma_wait3A_107 = tpu.memref_slice %arg11[%dma_wait3A_105, %dma_wait3A_106] : memref<200x32xf32, #tpu.memory_space<vmem>> -> memref<25x32xf32, #tpu.memory_space<vmem>>
      %dma_wait3A_108 = arith.constant 0 : i32
      %dma_wait3A_109 = tpu.memref_slice %arg13[%add3A_94, %dma_wait3A_108] : memref<10000x32xf32, #tpu.memory_space<vmem_shared>> -> memref<25x32xf32, #tpu.memory_space<vmem_shared>>
      %dma_wait3A_110 = arith.constant 0 : i32
      %dma_wait3A_111 = arith.constant 0 : i32
      %dma_wait3A_112 = tpu.memref_slice %arg11[%dma_wait3A_110, %dma_wait3A_111] : memref<200x32xf32, #tpu.memory_space<vmem>> -> memref<25x32xf32, #tpu.memory_space<vmem>>
      %dma_wait3A_113 = arith.constant 0 : i32
      %dma_wait3A_114 = tpu.memref_slice %arg13[%add3A_94, %dma_wait3A_113] : memref<10000x32xf32, #tpu.memory_space<vmem_shared>> -> memref<25x32xf32, #tpu.memory_space<vmem_shared>>
      tpu.wait_dma2 semaphore(%run_scoped3A : memref<!tpu.dma_semaphore, #tpu.memory_space<semaphore_mem>>) src(%dma_wait3A_114 : memref<25x32xf32, #tpu.memory_space<vmem_shared>>) dst(%dma_wait3A_112 : memref<25x32xf32, #tpu.memory_space<vmem>>)
      tpu.yield
    }) : () -> ()
    "tpu.region"() ({
      %run_scoped3A = tpu.sem_alloc : memref<!tpu.dma_semaphore, #tpu.memory_space<semaphore_mem>>
      %dma_start3A_95 = arith.constant 0 : i32
      %dma_start3A_96 = arith.constant 0 : i32
      %dma_start3A_97 = tpu.memref_slice %arg11[%dma_start3A_95, %dma_start3A_96] : memref<200x32xf32, #tpu.memory_space<vmem>> -> memref<25x32xf32, #tpu.memory_space<vmem>>
      %dma_start3A_98 = arith.constant 0 : i32
      %dma_start3A_99 = tpu.memref_slice %arg5[%arg0, %add3A_94, %dma_start3A_98] : memref<2x10000x32xf32, #tpu.memory_space<hbm>> -> memref<1x25x32xf32, #tpu.memory_space<hbm>>
      %dma_start3A_100 = tpu.memref_squeeze %dma_start3A_99 : memref<1x25x32xf32, #tpu.memory_space<hbm>> -> memref<25x32xf32, #tpu.memory_space<hbm>>
      %dma_start3A_101 = arith.constant 0 : i32
      %dma_start3A_102 = tpu.memref_slice %arg5[%arg0, %add3A_94, %dma_start3A_101] : memref<2x10000x32xf32, #tpu.memory_space<hbm>> -> memref<1x25x32xf32, #tpu.memory_space<hbm>>
      %dma_start3A_103 = tpu.memref_squeeze %dma_start3A_102 : memref<1x25x32xf32, #tpu.memory_space<hbm>> -> memref<25x32xf32, #tpu.memory_space<hbm>>
      %dma_start3A_104 = arith.constant 0 : i32
      %dma_start3A_105 = arith.constant 0 : i32
      %dma_start3A_106 = tpu.memref_slice %arg11[%dma_start3A_104, %dma_start3A_105] : memref<200x32xf32, #tpu.memory_space<vmem>> -> memref<25x32xf32, #tpu.memory_space<vmem>>
      tpu.enqueue_dma source(%dma_start3A_106 : memref<25x32xf32, #tpu.memory_space<vmem>>) target(%dma_start3A_103 : memref<25x32xf32, #tpu.memory_space<hbm>>) target_semaphore(%run_scoped3A : memref<!tpu.dma_semaphore, #tpu.memory_space<semaphore_mem>>)
      %dma_wait3A_107 = arith.constant 0 : i32
      %dma_wait3A_108 = arith.constant 0 : i32
      %dma_wait3A_109 = tpu.memref_slice %arg11[%dma_wait3A_107, %dma_wait3A_108] : memref<200x32xf32, #tpu.memory_space<vmem>> -> memref<25x32xf32, #tpu.memory_space<vmem>>
      %dma_wait3A_110 = arith.constant 0 : i32
      %dma_wait3A_111 = tpu.memref_slice %arg5[%arg0, %add3A_94, %dma_wait3A_110] : memref<2x10000x32xf32, #tpu.memory_space<hbm>> -> memref<1x25x32xf32, #tpu.memory_space<hbm>>
      %dma_wait3A_112 = tpu.memref_squeeze %dma_wait3A_111 : memref<1x25x32xf32, #tpu.memory_space<hbm>> -> memref<25x32xf32, #tpu.memory_space<hbm>>
      %dma_wait3A_113 = arith.constant 0 : i32
      %dma_wait3A_114 = tpu.memref_slice %arg5[%arg0, %add3A_94, %dma_wait3A_113] : memref<2x10000x32xf32, #tpu.memory_space<hbm>> -> memref<1x25x32xf32, #tpu.memory_space<hbm>>
      %dma_wait3A_115 = tpu.memref_squeeze %dma_wait3A_114 : memref<1x25x32xf32, #tpu.memory_space<hbm>> -> memref<25x32xf32, #tpu.memory_space<hbm>>
      %dma_wait3A_116 = arith.constant 0 : i32
      %dma_wait3A_117 = arith.constant 0 : i32
      %dma_wait3A_118 = tpu.memref_slice %arg11[%dma_wait3A_116, %dma_wait3A_117] : memref<200x32xf32, #tpu.memory_space<vmem>> -> memref<25x32xf32, #tpu.memory_space<vmem>>
      tpu.wait_dma2 semaphore(%run_scoped3A : memref<!tpu.dma_semaphore, #tpu.memory_space<semaphore_mem>>) src(%dma_wait3A_118 : memref<25x32xf32, #tpu.memory_space<vmem>>) dst(%dma_wait3A_115 : memref<25x32xf32, #tpu.memory_space<hbm>>)
      tpu.yield
    }) : () -> ()
    return
  }
}

module attributes {stable_mosaic.version = 14 : i64} {
  func.func @_pre_body(%arg0: i32, %arg1: memref<400x128xf32, #tpu.memory_space<vmem>>, %arg2: memref<128x128xf32, #tpu.memory_space<vmem>>, %arg3: memref<1x128xf32, #tpu.memory_space<vmem>>, %arg4: memref<128x128xf32, #tpu.memory_space<vmem>>, %arg5: memref<1x128xf32, #tpu.memory_space<vmem>>, %arg6: memref<128x128xf32, #tpu.memory_space<vmem>>, %arg7: memref<1x128xf32, #tpu.memory_space<vmem>>, %arg8: memref<128x16xf32, #tpu.memory_space<vmem>>, %arg9: memref<128x128xf32, #tpu.memory_space<vmem>>, %arg10: memref<1x128xf32, #tpu.memory_space<vmem>>, %arg11: memref<400x160xbf16, #tpu.memory_space<vmem>>, %arg12: memref<400x256xbf16, #tpu.memory_space<vmem>>, %arg13: memref<400x128xf32, #tpu.memory_space<vmem>>) attributes {dimension_semantics = [#tpu.dimension_semantics<arbitrary>], iteration_bounds = array<i64: 25>, scalar_prefetch = 0 : i64, scratch_operands = 0 : i64, tpu.core_type = #tpu.core_type<tc>, window_params = [{transform_indices = @transform_0, window_bounds = array<i64: 400, 128>}, {pipeline_mode = #tpu.pipeline_mode<synchronous>, transform_indices = @transform_1, window_bounds = array<i64: 128, 128>}, {pipeline_mode = #tpu.pipeline_mode<synchronous>, transform_indices = @transform_2, window_bounds = array<i64: 1, 128>}, {pipeline_mode = #tpu.pipeline_mode<synchronous>, transform_indices = @transform_3, window_bounds = array<i64: 128, 128>}, {pipeline_mode = #tpu.pipeline_mode<synchronous>, transform_indices = @transform_4, window_bounds = array<i64: 1, 128>}, {pipeline_mode = #tpu.pipeline_mode<synchronous>, transform_indices = @transform_5, window_bounds = array<i64: 128, 128>}, {pipeline_mode = #tpu.pipeline_mode<synchronous>, transform_indices = @transform_6, window_bounds = array<i64: 1, 128>}, {pipeline_mode = #tpu.pipeline_mode<synchronous>, transform_indices = @transform_7, window_bounds = array<i64: 128, 16>}, {pipeline_mode = #tpu.pipeline_mode<synchronous>, transform_indices = @transform_8, window_bounds = array<i64: 128, 128>}, {pipeline_mode = #tpu.pipeline_mode<synchronous>, transform_indices = @transform_9, window_bounds = array<i64: 1, 128>}, {transform_indices = @transform_10, window_bounds = array<i64: 400, 160>}, {transform_indices = @transform_11, window_bounds = array<i64: 400, 256>}, {transform_indices = @transform_12, window_bounds = array<i64: 400, 128>}]} {
    %get3A = arith.constant 0 : index
    %get3A_0 = arith.constant 0 : index
    %get3A_1 = vector.load %arg1[%get3A, %get3A_0] : memref<400x128xf32, #tpu.memory_space<vmem>>, vector<400x128xf32>
    %get3A_2 = arith.constant 0 : index
    %get3A_3 = arith.constant 0 : index
    %get3A_4 = vector.load %arg2[%get3A_2, %get3A_3] : memref<128x128xf32, #tpu.memory_space<vmem>>, vector<128x128xf32>
    %dot_general3A = arith.constant dense<0.000000e+00> : vector<400x128xf32>
    %dot_general3A_5 = tpu.matmul %get3A_1, %get3A_4, %dot_general3A {dimension_numbers = #tpu.dot_dimension_numbers<[1], [0], [0], [1], [0, 0, 1, 1], [], []>, transpose_lhs_hint = false} : vector<400x128xf32>, vector<128x128xf32>, vector<400x128xf32> -> vector<400x128xf32>
    %get3A_6 = arith.constant 0 : index
    %get3A_7 = arith.constant 0 : index
    %get3A_8 = vector.load %arg3[%get3A_6, %get3A_7] : memref<1x128xf32, #tpu.memory_space<vmem>>, vector<1x128xf32>
    %add3A = vector.broadcast %get3A_8 : vector<1x128xf32> to vector<400x128xf32>
    %add3A_9 = arith.addf %dot_general3A_5, %add3A : vector<400x128xf32>
    %convert_element_type3A = arith.truncf %add3A_9 : vector<400x128xf32> to vector<400x128xbf16>
    %swap3A = arith.constant 0 : index
    %swap3A_10 = arith.constant 0 : index
    %swap3A_11 = vector.load %arg11[%swap3A, %swap3A_10] : memref<400x160xbf16, #tpu.memory_space<vmem>>, vector<400x128xbf16>
    tpu.vector_store %arg11[%swap3A, %swap3A_10], %convert_element_type3A {strides = array<i32>} : memref<400x160xbf16, #tpu.memory_space<vmem>>, vector<400x128xbf16>,
    %get3A_12 = arith.constant 0 : index
    %get3A_13 = arith.constant 0 : index
    %get3A_14 = vector.load %arg8[%get3A_12, %get3A_13] : memref<128x16xf32, #tpu.memory_space<vmem>>, vector<128x16xf32>
    %dot_general3A_15 = arith.constant dense<0.000000e+00> : vector<400x16xf32>
    %dot_general3A_16 = tpu.matmul %add3A_9, %get3A_14, %dot_general3A_15 {dimension_numbers = #tpu.dot_dimension_numbers<[1], [0], [0], [1], [0, 0, 1, 1], [], []>, transpose_lhs_hint = false} : vector<400x128xf32>, vector<128x16xf32>, vector<400x16xf32> -> vector<400x16xf32>
    %convert_element_type3A_17 = arith.truncf %dot_general3A_16 : vector<400x16xf32> to vector<400x16xbf16>
    %swap3A_18 = arith.constant 0 : index
    %swap3A_19 = arith.constant 128 : index
    %swap3A_20 = vector.load %arg11[%swap3A_18, %swap3A_19] : memref<400x160xbf16, #tpu.memory_space<vmem>>, vector<400x16xbf16>
    tpu.vector_store %arg11[%swap3A_18, %swap3A_19], %convert_element_type3A_17 {strides = array<i32>} : memref<400x160xbf16, #tpu.memory_space<vmem>>, vector<400x16xbf16>,
    %broadcast_in_dim3A = arith.constant 0.000000e+00 : bf16
    %broadcast_in_dim3A_21 = vector.broadcast %broadcast_in_dim3A : bf16 to vector<400x16xbf16>
    %swap3A_22 = arith.constant 0 : index
    %swap3A_23 = arith.constant 144 : index
    %swap3A_24 = vector.load %arg11[%swap3A_22, %swap3A_23] : memref<400x160xbf16, #tpu.memory_space<vmem>>, vector<400x16xbf16>
    tpu.vector_store %arg11[%swap3A_22, %swap3A_23], %broadcast_in_dim3A_21 {strides = array<i32>} : memref<400x160xbf16, #tpu.memory_space<vmem>>, vector<400x16xbf16>,
    %get3A_25 = arith.constant 0 : index
    %get3A_26 = arith.constant 0 : index
    %get3A_27 = vector.load %arg4[%get3A_25, %get3A_26] : memref<128x128xf32, #tpu.memory_space<vmem>>, vector<128x128xf32>
    %dot_general3A_28 = arith.constant dense<0.000000e+00> : vector<400x128xf32>
    %dot_general3A_29 = tpu.matmul %get3A_1, %get3A_27, %dot_general3A_28 {dimension_numbers = #tpu.dot_dimension_numbers<[1], [0], [0], [1], [0, 0, 1, 1], [], []>, transpose_lhs_hint = false} : vector<400x128xf32>, vector<128x128xf32>, vector<400x128xf32> -> vector<400x128xf32>
    %get3A_30 = arith.constant 0 : index
    %get3A_31 = arith.constant 0 : index
    %get3A_32 = vector.load %arg5[%get3A_30, %get3A_31] : memref<1x128xf32, #tpu.memory_space<vmem>>, vector<1x128xf32>
    %add3A_33 = vector.broadcast %get3A_32 : vector<1x128xf32> to vector<400x128xf32>
    %add3A_34 = arith.addf %dot_general3A_29, %add3A_33 : vector<400x128xf32>
    %convert_element_type3A_35 = arith.truncf %add3A_34 : vector<400x128xf32> to vector<400x128xbf16>
    %swap3A_36 = arith.constant 0 : index
    %swap3A_37 = arith.constant 0 : index
    %swap3A_38 = vector.load %arg12[%swap3A_36, %swap3A_37] : memref<400x256xbf16, #tpu.memory_space<vmem>>, vector<400x128xbf16>
    tpu.vector_store %arg12[%swap3A_36, %swap3A_37], %convert_element_type3A_35 {strides = array<i32>} : memref<400x256xbf16, #tpu.memory_space<vmem>>, vector<400x128xbf16>,
    %get3A_39 = arith.constant 0 : index
    %get3A_40 = arith.constant 0 : index
    %get3A_41 = vector.load %arg6[%get3A_39, %get3A_40] : memref<128x128xf32, #tpu.memory_space<vmem>>, vector<128x128xf32>
    %dot_general3A_42 = arith.constant dense<0.000000e+00> : vector<400x128xf32>
    %dot_general3A_43 = tpu.matmul %get3A_1, %get3A_41, %dot_general3A_42 {dimension_numbers = #tpu.dot_dimension_numbers<[1], [0], [0], [1], [0, 0, 1, 1], [], []>, transpose_lhs_hint = false} : vector<400x128xf32>, vector<128x128xf32>, vector<400x128xf32> -> vector<400x128xf32>
    %get3A_44 = arith.constant 0 : index
    %get3A_45 = arith.constant 0 : index
    %get3A_46 = vector.load %arg7[%get3A_44, %get3A_45] : memref<1x128xf32, #tpu.memory_space<vmem>>, vector<1x128xf32>
    %add3A_47 = vector.broadcast %get3A_46 : vector<1x128xf32> to vector<400x128xf32>
    %add3A_48 = arith.addf %dot_general3A_43, %add3A_47 : vector<400x128xf32>
    %convert_element_type3A_49 = arith.truncf %add3A_48 : vector<400x128xf32> to vector<400x128xbf16>
    %swap3A_50 = arith.constant 0 : index
    %swap3A_51 = arith.constant 128 : index
    %swap3A_52 = vector.load %arg12[%swap3A_50, %swap3A_51] : memref<400x256xbf16, #tpu.memory_space<vmem>>, vector<400x128xbf16>
    tpu.vector_store %arg12[%swap3A_50, %swap3A_51], %convert_element_type3A_49 {strides = array<i32>} : memref<400x256xbf16, #tpu.memory_space<vmem>>, vector<400x128xbf16>,
    %get3A_53 = arith.constant 0 : index
    %get3A_54 = arith.constant 0 : index
    %get3A_55 = vector.load %arg9[%get3A_53, %get3A_54] : memref<128x128xf32, #tpu.memory_space<vmem>>, vector<128x128xf32>
    %dot_general3A_56 = arith.constant dense<0.000000e+00> : vector<400x128xf32>
    %dot_general3A_57 = tpu.matmul %get3A_1, %get3A_55, %dot_general3A_56 {dimension_numbers = #tpu.dot_dimension_numbers<[1], [0], [0], [1], [0, 0, 1, 1], [], []>, transpose_lhs_hint = false} : vector<400x128xf32>, vector<128x128xf32>, vector<400x128xf32> -> vector<400x128xf32>
    %get3A_58 = arith.constant 0 : index
    %get3A_59 = arith.constant 0 : index
    %get3A_60 = vector.load %arg10[%get3A_58, %get3A_59] : memref<1x128xf32, #tpu.memory_space<vmem>>, vector<1x128xf32>
    %add3A_61 = vector.broadcast %get3A_60 : vector<1x128xf32> to vector<400x128xf32>
    %add3A_62 = arith.addf %dot_general3A_57, %add3A_61 : vector<400x128xf32>
    %swap3A_63 = arith.constant 0 : index
    %swap3A_64 = arith.constant 0 : index
    %swap3A_65 = vector.load %arg13[%swap3A_63, %swap3A_64] : memref<400x128xf32, #tpu.memory_space<vmem>>, vector<400x128xf32>
    tpu.vector_store %arg13[%swap3A_63, %swap3A_64], %add3A_62 {strides = array<i32>} : memref<400x128xf32, #tpu.memory_space<vmem>>, vector<400x128xf32>,
    return
  }
  func.func @transform_0(%arg0: i32) -> (i32, i32) {
    %c0_i32 = arith.constant 0 : i32
    %c0_i32_0 = arith.constant 0 : i32
    return %arg0, %c0_i32 : i32, i32
  }
  func.func @transform_1(%arg0: i32) -> (i32, i32) {
    %c0_i32 = arith.constant 0 : i32
    %c0_i32_0 = arith.constant 0 : i32
    %c0_i32_1 = arith.constant 0 : i32
    return %c0_i32, %c0_i32_0 : i32, i32
  }
  func.func @transform_2(%arg0: i32) -> (i32, i32) {
    %c0_i32 = arith.constant 0 : i32
    %c0_i32_0 = arith.constant 0 : i32
    %c0_i32_1 = arith.constant 0 : i32
    return %c0_i32, %c0_i32_0 : i32, i32
  }
  func.func @transform_3(%arg0: i32) -> (i32, i32) {
    %c0_i32 = arith.constant 0 : i32
    %c0_i32_0 = arith.constant 0 : i32
    %c0_i32_1 = arith.constant 0 : i32
    return %c0_i32, %c0_i32_0 : i32, i32
  }
  func.func @transform_4(%arg0: i32) -> (i32, i32) {
    %c0_i32 = arith.constant 0 : i32
    %c0_i32_0 = arith.constant 0 : i32
    %c0_i32_1 = arith.constant 0 : i32
    return %c0_i32, %c0_i32_0 : i32, i32
  }
  func.func @transform_5(%arg0: i32) -> (i32, i32) {
    %c0_i32 = arith.constant 0 : i32
    %c0_i32_0 = arith.constant 0 : i32
    %c0_i32_1 = arith.constant 0 : i32
    return %c0_i32, %c0_i32_0 : i32, i32
  }
  func.func @transform_6(%arg0: i32) -> (i32, i32) {
    %c0_i32 = arith.constant 0 : i32
    %c0_i32_0 = arith.constant 0 : i32
    %c0_i32_1 = arith.constant 0 : i32
    return %c0_i32, %c0_i32_0 : i32, i32
  }
  func.func @transform_7(%arg0: i32) -> (i32, i32) {
    %c0_i32 = arith.constant 0 : i32
    %c0_i32_0 = arith.constant 0 : i32
    %c0_i32_1 = arith.constant 0 : i32
    return %c0_i32, %c0_i32_0 : i32, i32
  }
  func.func @transform_8(%arg0: i32) -> (i32, i32) {
    %c0_i32 = arith.constant 0 : i32
    %c0_i32_0 = arith.constant 0 : i32
    %c0_i32_1 = arith.constant 0 : i32
    return %c0_i32, %c0_i32_0 : i32, i32
  }
  func.func @transform_9(%arg0: i32) -> (i32, i32) {
    %c0_i32 = arith.constant 0 : i32
    %c0_i32_0 = arith.constant 0 : i32
    %c0_i32_1 = arith.constant 0 : i32
    return %c0_i32, %c0_i32_0 : i32, i32
  }
  func.func @transform_10(%arg0: i32) -> (i32, i32) {
    %c0_i32 = arith.constant 0 : i32
    %c0_i32_0 = arith.constant 0 : i32
    return %arg0, %c0_i32 : i32, i32
  }
  func.func @transform_11(%arg0: i32) -> (i32, i32) {
    %c0_i32 = arith.constant 0 : i32
    %c0_i32_0 = arith.constant 0 : i32
    return %arg0, %c0_i32 : i32, i32
  }
  func.func @transform_12(%arg0: i32) -> (i32, i32) {
    %c0_i32 = arith.constant 0 : i32
    %c0_i32_0 = arith.constant 0 : i32
    return %arg0, %c0_i32 : i32, i32
  }
}

module attributes {stable_mosaic.version = 14 : i64} {
  func.func @_post_body(%arg0: i32, %arg1: memref<400x128xf32, #tpu.memory_space<vmem>>, %arg2: memref<400x128xf32, #tpu.memory_space<vmem>>, %arg3: memref<400x32xf32, #tpu.memory_space<vmem>>, %arg4: memref<400x32xf32, #tpu.memory_space<vmem>>, %arg5: memref<400x128xf32, #tpu.memory_space<vmem>>, %arg6: memref<16x128xf32, #tpu.memory_space<vmem>>, %arg7: memref<400x128xf32, #tpu.memory_space<vmem>>) attributes {dimension_semantics = [#tpu.dimension_semantics<arbitrary>], iteration_bounds = array<i64: 25>, scalar_prefetch = 0 : i64, scratch_operands = 0 : i64, tpu.core_type = #tpu.core_type<tc>, window_params = [{transform_indices = @transform_0, window_bounds = array<i64: 400, 128>}, {transform_indices = @transform_1, window_bounds = array<i64: 400, 128>}, {transform_indices = @transform_2, window_bounds = array<i64: 400, 32>}, {transform_indices = @transform_3, window_bounds = array<i64: 400, 32>}, {transform_indices = @transform_4, window_bounds = array<i64: 400, 128>}, {pipeline_mode = #tpu.pipeline_mode<synchronous>, transform_indices = @transform_5, window_bounds = array<i64: 16, 128>}, {transform_indices = @transform_6, window_bounds = array<i64: 400, 128>}]} {
    %get3A = arith.constant 0 : index
    %get3A_0 = arith.constant 0 : index
    %get3A_1 = vector.load %arg1[%get3A, %get3A_0] : memref<400x128xf32, #tpu.memory_space<vmem>>, vector<400x128xf32>
    %get3A_2 = arith.constant 0 : index
    %get3A_3 = arith.constant 0 : index
    %get3A_4 = vector.load %arg2[%get3A_2, %get3A_3] : memref<400x128xf32, #tpu.memory_space<vmem>>, vector<400x128xf32>
    %add3A = arith.addf %get3A_1, %get3A_4 : vector<400x128xf32>
    %get3A_5 = arith.constant 0 : index
    %get3A_6 = arith.constant 0 : index
    %get3A_7 = vector.load %arg3[%get3A_5, %get3A_6] : memref<400x32xf32, #tpu.memory_space<vmem>>, vector<400x32xf32>
    %get3A_8 = arith.constant 0 : index
    %get3A_9 = arith.constant 0 : index
    %get3A_10 = vector.load %arg4[%get3A_8, %get3A_9] : memref<400x32xf32, #tpu.memory_space<vmem>>, vector<400x32xf32>
    %add3A_11 = arith.addf %get3A_7, %get3A_10 : vector<400x32xf32>
    %slice3A = vector.extract_strided_slice %add3A_11 {offsets = [0, 0], sizes = [400, 1], strides = [1, 1]} : vector<400x32xf32> to vector<400x1xf32>
    %add3A_12 = arith.constant 1.000000e-16 : f32
    %add3A_13 = vector.broadcast %add3A_12 : f32 to vector<400x1xf32>
    %add3A_14 = arith.addf %slice3A, %add3A_13 : vector<400x1xf32>
    %slice3A_15 = vector.extract_strided_slice %add3A_11 {offsets = [0, 16], sizes = [400, 16], strides = [1, 1]} : vector<400x32xf32> to vector<400x16xf32>
    %get3A_16 = arith.constant 0 : index
    %get3A_17 = arith.constant 0 : index
    %get3A_18 = vector.load %arg6[%get3A_16, %get3A_17] : memref<16x128xf32, #tpu.memory_space<vmem>>, vector<16x128xf32>
    %dot_general3A = arith.constant dense<0.000000e+00> : vector<400x128xf32>
    %dot_general3A_19 = tpu.matmul %slice3A_15, %get3A_18, %dot_general3A {dimension_numbers = #tpu.dot_dimension_numbers<[1], [0], [0], [1], [0, 0, 1, 1], [], []>, transpose_lhs_hint = false} : vector<400x16xf32>, vector<16x128xf32>, vector<400x128xf32> -> vector<400x128xf32>
    %add3A_20 = arith.addf %add3A, %dot_general3A_19 : vector<400x128xf32>
    %div3A = vector.broadcast %add3A_14 : vector<400x1xf32> to vector<400x128xf32>
    %div3A_21 = arith.divf %add3A_20, %div3A : vector<400x128xf32>
    %get3A_22 = arith.constant 0 : index
    %get3A_23 = arith.constant 0 : index
    %get3A_24 = vector.load %arg5[%get3A_22, %get3A_23] : memref<400x128xf32, #tpu.memory_space<vmem>>, vector<400x128xf32>
    %add3A_25 = arith.addf %div3A_21, %get3A_24 : vector<400x128xf32>
    %max3A = arith.constant 0.000000e+00 : f32
    %max3A_26 = vector.broadcast %max3A : f32 to vector<400x128xf32>
    %max3A_27 = arith.maximumf %add3A_25, %max3A_26 : vector<400x128xf32>
    %swap3A = arith.constant 0 : index
    %swap3A_28 = arith.constant 0 : index
    %swap3A_29 = vector.load %arg7[%swap3A, %swap3A_28] : memref<400x128xf32, #tpu.memory_space<vmem>>, vector<400x128xf32>
    tpu.vector_store %arg7[%swap3A, %swap3A_28], %max3A_27 {strides = array<i32>} : memref<400x128xf32, #tpu.memory_space<vmem>>, vector<400x128xf32>,
    return
  }
  func.func @transform_0(%arg0: i32) -> (i32, i32) {
    %c0_i32 = arith.constant 0 : i32
    %c0_i32_0 = arith.constant 0 : i32
    return %arg0, %c0_i32 : i32, i32
  }
  func.func @transform_1(%arg0: i32) -> (i32, i32) {
    %c0_i32 = arith.constant 0 : i32
    %c0_i32_0 = arith.constant 0 : i32
    return %arg0, %c0_i32 : i32, i32
  }
  func.func @transform_2(%arg0: i32) -> (i32, i32) {
    %c0_i32 = arith.constant 0 : i32
    %c0_i32_0 = arith.constant 0 : i32
    return %arg0, %c0_i32 : i32, i32
  }
  func.func @transform_3(%arg0: i32) -> (i32, i32) {
    %c0_i32 = arith.constant 0 : i32
    %c0_i32_0 = arith.constant 0 : i32
    return %arg0, %c0_i32 : i32, i32
  }
  func.func @transform_4(%arg0: i32) -> (i32, i32) {
    %c0_i32 = arith.constant 0 : i32
    %c0_i32_0 = arith.constant 0 : i32
    return %arg0, %c0_i32 : i32, i32
  }
  func.func @transform_5(%arg0: i32) -> (i32, i32) {
    %c0_i32 = arith.constant 0 : i32
    %c0_i32_0 = arith.constant 0 : i32
    %c0_i32_1 = arith.constant 0 : i32
    return %c0_i32, %c0_i32_0 : i32, i32
  }
  func.func @transform_6(%arg0: i32) -> (i32, i32) {
    %c0_i32 = arith.constant 0 : i32
    %c0_i32_0 = arith.constant 0 : i32
    return %arg0, %c0_i32 : i32, i32
  }
}

</mosaic_0001>

<sc_bundles>
// kernel: kernel.6.cloned.1.call-start
scs
__scs_entry_jumppad:
0x0: {  	(pc) =	sbr.rel $0x88, $3  }
0x1: {  	(tag) =	ssettag $0x0;
	lr =	simm.s32 $0x1  }
0x2: {  	[smem:$0x3F95] =	sst lr;
	_ =	strace $0xD0000000  }
0x3: {  	_ = 	snop  }
0x4: {  	_ = 	snop  }
0x5: {  	_ = 	snop  }
0x6: {  	_ = 	snop  }
0x7: {  	_ = 	snop  }
__scs_overlays_trampoline_lowered:
0x8: {  	[smem:$0x3FA4] =	sst s0  }
0x9: {  	[smem:$0x3FA5] =	sst s1  }
0xa: {  	[smem:$0x3FA6] =	sst s2  }
0xb: {  	[smem:$0x3FA7] =	sst s3  }
0xc: {  	[smem:$0x3FA8] =	sst s4  }
0xd: {  	[smem:$0x3FA9] =	sst s5  }
0xe: {  	[smem:$0x3FAA] =	sst s6  }
0xf: {  	[smem:$0x3FAB] =	sst s7  }
0x10: {  	[smem:$0x3FAC] =	sst s8  }
0x11: {  	[smem:$0x3FAD] =	sst s9;
	s0 =	simm.s32 @!p0 $0x0  }
0x12: {  	s1 =	sld [smem:$0x3F93];
	s0 =	simm.s32 @p0 $0x1  }
0x13: {  	[smem:$0x3FAE] =	sst s0;
	s0 =	simm.s32 @!p1 $0x0  }
0x14: {  	s2 =	sld [smem:$0x3F92];
	s0 =	simm.s32 @p1 $0x1  }
0x15: {  	[smem:$0x3FAF] =	sst s0;
	s0 =	simm.s32 @!p2 $0x0  }
0x16: {  	s3 =	sld [smem:$0x3FDB];
	s0 =	simm.s32 @p2 $0x1  }
0x17: {  	s4 =	simm.s32 $0x1BF5;
	[smem:$0x3FB1] =	sst s0  }
0x18: {  	s0 =	sld [smem:$0x3F94];
	_ =	swait.ge [sflag:s4], $0x0  }
0x19: {  	s7 =	sld [smem:$0x3F95]  }
0x1a: {  	s8 =	sadd.s32 $0xFFFFE003, lr  }
0x1b: {  	s9 =	sadd.s32 $0xFFFFFEF7, lr;
	s5 =	simm.s32 $0xFFFFFFFF;
	p2 =	slt.u32 s8, $0xFFFFF086  }
0x1c: {  	p1 =	slt.u32 s9, $0xF7A;
	s5 =	simm.s32 @!p2 $0x0  }
0x1d: {  	s5 =	simm.s32 @p1 $0x1;
	p0 =	seq.s32 s7, s2  }
0x1e: {  	s7 =	smul.u32 @!p0 $0xF7A, s2;
	p2 =	seq.s32 @!p0 s5, $0x0  }
0x1f: {  	s9 =	smul.u32 $0xF7A, s1;
	s8 =	simm.s32 @!p0 $0x1BF5;
	p2 =	por !p2, p0  }
0x20: {  	[sflag:s8] =	ssyncset.s32 @!p0 $0xFFFFF086;
	s6 =	sadd.s32 @!p0 s3, s7;
	s7 =	simm.s32 @!p0 $0x108  }
0x21: {  	s3 =	sadd.s32 s3, s9;
	s6 =	sadd.s32 @!p0 $0x88, s6;
	s7 =	simm.s32 @p2 $0x1082  }
0x22: {  	[simem:s7], [sflag:s8] =	dma.local @!p0 [hbm:s6], $0xF7A  }
0x23: {  	s9 =	sor.u32 $0xD0000000, s2;
	s6 =	simm.s32 $0x108;
	_ =	swait.ge @!p0 [sflag:s8], $0x0  }
0x24: {  	s3 =	sadd.s32 $0x88, s3;
	s6 =	simm.s32 @!p1 $0x1082;
	[sflag:s4] =	ssyncset.s32 $0xFFFFF086  }
0x25: {  	[simem:s6], [sflag:s4] =	dma.local [hbm:s3], $0xF7A  }
0x26: {  	[smem:$0x3F95] =	sst s1;
	(tag) =	ssettag s2;
	_ =	strace s9  }
0x27: {  	s1 =	sld [smem:$0x3FA5]  }
0x28: {  	s2 =	sld [smem:$0x3FA6]  }
0x29: {  	s4 =	sld [smem:$0x3FA8]  }
0x2a: {  	p0 =	seq.s32 s5, $0x0;
	s5 =	sld [smem:$0x3FA9]  }
0x2b: {  	s6 =	sld [smem:$0x3FAA]  }
0x2c: {  	s7 =	sld [smem:$0x3FAB]  }
0x2d: {  	s3 =	simm.s32 $0x108;
	s8 =	sld [smem:$0x3FAC]  }
0x2e: {  	s3 =	simm.s32 @!p0 $0x1082;
	s9 =	sld [smem:$0x3FAD]  }
0x2f: {  	lr =	sadd.s32 s0, s3;
	s0 =	sld [smem:$0x3FA4]  }
0x30: {  	s3 =	sld [smem:$0x3FA7]  }
0x31: {  	[smem:$0x3FB0] =	sst s10  }
0x32: {  	s10 =	sld [smem:$0x3FAE];
	_ =	sdelay $0x3  }
0x33: {  	p0 =	seq.s32 s10, $0x1;
	s10 =	sld [smem:$0x3FB0];
	_ =	sdelay $0x3  }
0x34: {  	[smem:$0x3FB0] =	sst s10  }
0x35: {  	s10 =	sld [smem:$0x3FAF];
	_ =	sdelay $0x3  }
0x36: {  	p1 =	seq.s32 s10, $0x1;
	s10 =	sld [smem:$0x3FB0];
	_ =	sdelay $0x3  }
0x37: {  	[smem:$0x3FB0] =	sst s10  }
0x38: {  	s10 =	sld [smem:$0x3FB1]  }
0x39: {  	_ = 	snop;
	(pc) =	sbr.ind lr, $3  }
0x3a: {  	_ = 	snop  }
0x3b: {  	_ = 	snop  }
0x3c: {  	p2 =	seq.s32 s10, $0x1;
	s10 =	sld [smem:$0x3FB0]  }
0x3d: {  	_ =	shalt  }
0x3e: {  	_ =	shalt  }
0x3f: {  	_ =	shalt  }
0x40: {  	_ =	shalt  }
0x41: {  	_ =	shalt  }
0x42: {  	_ =	shalt  }
0x43: {  	_ =	shalt  }
0x44: {  	_ =	shalt  }
0x45: {  	_ =	shalt  }
0x46: {  	_ =	shalt  }
0x47: {  	_ =	shalt  }
0x48: {  	_ =	shalt  }
0x49: {  	_ =	shalt  }
0x4a: {  	_ =	shalt  }
0x4b: {  	_ =	shalt  }
0x4c: {  	_ =	shalt  }
0x4d: {  	_ =	shalt  }
0x4e: {  	_ =	shalt  }
0x4f: {  	_ =	shalt  }
0x50: {  	_ =	shalt  }
0x51: {  	_ =	shalt  }
0x52: {  	_ =	shalt  }
0x53: {  	_ =	shalt  }
0x54: {  	_ =	shalt  }
0x55: {  	_ =	shalt  }
0x56: {  	_ =	shalt  }
0x57: {  	_ =	shalt  }
0x58: {  	_ =	shalt  }
0x59: {  	_ =	shalt  }
0x5a: {  	_ =	shalt  }
0x5b: {  	_ =	shalt  }
0x5c: {  	_ =	shalt  }
0x5d: {  	_ =	shalt  }
0x5e: {  	_ =	shalt  }
0x5f: {  	_ =	shalt  }
0x60: {  	_ =	shalt  }
0x61: {  	_ =	shalt  }
0x62: {  	_ =	shalt  }
0x63: {  	_ =	shalt  }
0x64: {  	_ =	shalt  }
0x65: {  	_ =	shalt  }
0x66: {  	_ =	shalt  }
0x67: {  	_ =	shalt  }
0x68: {  	_ =	shalt  }
0x69: {  	_ =	shalt  }
0x6a: {  	_ =	shalt  }
0x6b: {  	_ =	shalt  }
0x6c: {  	_ =	shalt  }
0x6d: {  	_ =	shalt  }
0x6e: {  	_ =	shalt  }
0x6f: {  	_ =	shalt  }
0x70: {  	_ =	shalt  }
0x71: {  	_ =	shalt  }
0x72: {  	_ =	shalt  }
0x73: {  	_ =	shalt  }
0x74: {  	_ =	shalt  }
0x75: {  	_ =	shalt  }
0x76: {  	_ =	shalt  }
0x77: {  	_ =	shalt  }
0x78: {  	_ =	shalt  }
0x79: {  	_ =	shalt  }
0x7a: {  	_ =	shalt  }
0x7b: {  	_ =	shalt  }
0x7c: {  	_ =	shalt  }
0x7d: {  	_ =	shalt  }
0x7e: {  	_ =	shalt  }
0x7f: {  	_ =	shalt  }
0x80: {  	_ =	shalt  }
0x81: {  	_ =	shalt  }
0x82: {  	_ =	shalt  }
0x83: {  	_ =	shalt  }
0x84: {  	_ =	shalt  }
0x85: {  	_ =	shalt  }
0x86: {  	_ =	shalt  }
0x87: {  	_ =	shalt  }
.Lfunc_end0:
.L_simem_size_0:
called_computation_lowered:
.L_overlay_start_0:
0x88: {  	s2 =	sld [smem:$0x3FD9]  }
0x89: {  	s3 =	sld [smem:$0x3FFE];
	_ =	sdelay $0x1  }
0x8a: {  	s1 =	srdreg.scid  }
0x8b: {  	s0 =	sand.u32 $0x1, s1  }
0x8c: {  	s17 =	sshll.u32 s0, $0xA;
	s2 =	sadd.s32 s3, s2  }
0x8d: {  	s2 =	sadd.s32 s2, s17  }
0x8e: {  	[smem:$0x3FBC] =	sst s2  }
0x8f: {  	_ = 	snop  }
0x90: {  	s2 =	sld [smem:$0x3FD0];
	(tm) =	ssettm $0x1  }
0x91: {  	s18 =	sld [smem:$0x3FFB];
	_ =	sdelay $0x3  }
0x92: {  	_ =	strace s18  }
0x93: {  	s3 =	sld [smem:$0x3FFC];
	_ =	sdelay $0x3  }
0x94: {  	_ =	strace s3  }
0x95: {  	s3 =	sld [smem:$0x3FFD];
	_ =	sdelay $0x3  }
0x96: {  	_ =	strace s3  }
0x97: {  	_ =	strace $0x8FFFFFFF  }
0x98: {  	s19 =	sld [smem:$0x3FDB];
	_ =	sdelay $0x1  }
0x99: {  	s4 =	simm.s32 $_scs_section_size  }
0x9a: {  	s5 =	simm.s32 $_size__tile_overlayer_lowered;
	s6 =	simm.s32 $_tile_overlayer_lowered  }
0x9b: {  	s22 =	simm.s32 $0x1BFF;
	s21 =	sshll.u32 s6, $0x1;
	s3 =	sadd.s32 s4, s19  }
0x9c: {  	s7 =	simm.s32 $0x0;
	s20 =	sshll.u32 s5, $0x1;
	s5 =	sadd.s32 s21, s3  }
0x9d: {  	[timem:s7], [sflag:s22] =	dma.local [hbm:s5], s20  }
0x9e: {  	_ =	swait.ge [sflag:s22], s20  }
0x9f: {  	s4 =	ssub.s32 $0x0, s20;
	[sflag:s22] =	ssyncset.done $0x0  }
0xa0: {  	[sflag:s22] =	ssyncadd.s32 s4;
	_ =	sdelay $0x1  }
0xa1: {  	s23 =	simm.s32 $0x1B8B  }
0xa2: {  	_ =	swait.ge [sflag:s23], $0x1  }
0xa3: {  	[sflag:s23] =	ssyncset.done $0x0  }
0xa4: {  	s25 =	simm.s32 $0x1B8E;
	s24 =	sld [smem:$0x3FFE];
	[sflag:s23] =	ssyncadd.s32 $0xFFFFFFFF  }
0xa5: {  	s26 =	simm.s32 $execute0_lowered;
	[smem:$0x3FD2] =	sst s25  }
0xa6: {  	s5 =	sshll.u32 s26, $0x1;
	_ =	strace $0x80000046;
	[dreg:$0x1] =	wrdreg $0xFFFFFFFF  }
0xa7: {  	s28 =	simm.s32 $_size_execute0_lowered;
	s3 =	sadd.s32 s3, s5;
	[dreg:$0x0] =	wrdreg $0x0  }
0xa8: {  	s5 =	sshll.u32 s28, $0x1;
	[dreg:$0x2] =	wrdreg s3  }
0xa9: {  	[dreg:$0x3] =	wrdreg s5  }
0xaa: {  	[dreg:$0x4] =	wrdreg $0xC0  }
0xab: {  	_ =	task [dreg:s7], $0x5FFFF  }
0xac: {  	[dreg:$0x1] =	wrdreg $0xFFFFFFFF  }
0xad: {  	[dreg:$0x0] =	wrdreg $0x60  }
0xae: {  	[dreg:$0x2] =	wrdreg s24  }
0xaf: {  	[dreg:$0x3] =	wrdreg s2  }
0xb0: {  	[dreg:$0x4] =	wrdreg $0x70E00  }
0xb1: {  	[dreg:$0x5] =	wrdreg $0x9  }
0xb2: {  	_ =	task.clear_ibuf [dreg:s7], $0x6FFFF;
	_ =	strace $0x90000046  }
0xb3: {  	s29 =	simm.s32 $0x9;
	_ =	strace $0x80000048  }
0xb4: {  	_ =	swait.ge [sflag:s29], $0x1  }
0xb5: {  	[sflag:s29] =	ssyncadd.s32 $0xFFFFFFFF  }
0xb6: {  	_ =	strace $0x90000048  }
0xb7: {  	_ =	sfence  }
0xb8: {  	s30 =	sld [smem:$0x0];
	_ =	sdelay $0x2  }
0xb9: {  	s31 =	sshll.u32 s1, $0xD;
	s1 =	sshrl.u32 s1, $0x2  }
0xba: {  	s3 =	sand.u32 $0x4000, s31;
	s1 =	sadd.s32 s1, s30  }
0xbb: {  	s0 =	sor.u32 s3, s0;
	s1 =	sshll.u32 s1, $0x11  }
0xbc: {  	s0 =	sor.u32 s1, s0  }
0xbd: {  	s0 =	sadd.s32 $0x8F2B, s0  }
0xbe: {  	[sflag:s0] =	ssyncadd.remote.s32 $0x1  }
0xbf: {  	_ =	sfence.sel $0xFFFF  }
0xc0: {  	[dreg:$0x0] =	wrdreg $0xFFFFFFFF;
	(pc) =	sbr.abs _section_cstart, $3  }
0xc1: {  	[dreg:$0x1] =	wrdreg $0xFFFFFFFF  }
0xc2: {  	_ =	task.clear_ibuf [dreg:s7], $0x2FFFF;
	_ =	strace $0x9FFFFFFF  }
0xc3: {  	(tm) =	ssettm $0x7FFFFFFF  }
tec
execute0_lowered:
.L_overlay_start_1:
0x0: {  	(tag) =	ssettag $0x1  }
0x1: {  	s0 =	srdreg.scid  }
0x2: {  	s3 =	rddreg [dreg:$0x0];
	s30 =	stileid.u32  }
0x3: {  	s1 =	simm.s32 $0x0;
	s2 =	sand.u32 $0x1, s0;
	s4 =	smul.u32 $0x13880, s30  }
0x4: {  	[smem:$0x7FF] =	sst s1;
	s15 =	sadd.s32 $0x56E00, s3;
	s0 =	ssub.s32 $0x2, s2  }
0x5: {  	s17 =	smul.u32 $0x138800, s2;
	s5 =	sshrl.u32 s0, $0x1;
	s6 =	sadd.s32 $0x1400, s4  }
0x6: {  	s7 =	sadd.s32 $0x2800, s4;
	s8 =	sadd.s32 $0x3C00, s4;
	s9 =	sadd.s32 $0x5000, s4  }
0x7: {  	s12 =	sadd.s32 $0x6400, s4;
	s10 =	sadd.s32 $0x7800, s4;
	s11 =	sadd.s32 $0x8C00, s4  }
0x8: {  	s13 =	sadd.s32 $0xB400, s4;
	s28 =	sadd.s32 $0x11800, s4;
	s29 =	sadd.s32 $0x12C00, s4  }
0x9: {  	s0 =	ssub.s32 s0, s5;
	s5 =	sadd.s32 $0xA000, s4;
	s14 =	sadd.s32 s4, s17  }
0xa: {  	s16 =	sadd.s32 s17, s6;
	s20 =	sadd.s32 s17, s7;
	s21 =	sadd.s32 s17, s8  }
0xb: {  	s19 =	sadd.s32 s17, s9;
	s24 =	sadd.s32 s17, s12;
	s25 =	sadd.s32 s17, s10  }
0xc: {  	s26 =	sadd.s32 s17, s11;
	s18 =	sshrl.u32 s14, $0x3;
	s16 =	sshrl.u32 s16, $0x3  }
0xd: {  	s14 =	sadd.s32 $0xC800, s4;
	s19 =	sshrl.u32 s19, $0x3;
	s18 =	sadd.s32 s15, s18  }
0xe: {  	s16 =	sadd.s32 s15, s16;
	s23 =	sadd.s32 s15, s19;
	[dreg:$0x4] =	wrdreg s18  }
0xf: {  	s19 =	sshrl.u32 s26, $0x3;
	[dreg:$0x5] =	wrdreg s16;
	s16 =	sshrl.u32 s20, $0x3  }
0x10: {  	s18 =	sshrl.u32 s21, $0x3;
	[dreg:$0x8] =	wrdreg s23;
	s21 =	sadd.s32 s15, s19  }
0x11: {  	s23 =	sadd.s32 s17, s13;
	s16 =	sadd.s32 s15, s16;
	[dreg:$0xb] =	wrdreg s21  }
0x12: {  	s22 =	sadd.s32 s15, s18;
	s18 =	sshrl.u32 s25, $0x3;
	[dreg:$0x6] =	wrdreg s16  }
0x13: {  	[dreg:$0x7] =	wrdreg s22;
	s16 =	sshrl.u32 s24, $0x3;
	s20 =	sadd.s32 s15, s18  }
0x14: {  	s22 =	sadd.s32 s17, s5;
	s24 =	sadd.s32 s17, s14;
	s18 =	sshrl.u32 s23, $0x3  }
0x15: {  	s16 =	sadd.s32 s15, s16;
	[dreg:$0xa] =	wrdreg s20;
	s19 =	sshrl.u32 s24, $0x3  }
0x16: {  	s25 =	sadd.s32 s15, s18;
	s20 =	sadd.s32 $0xF000, s4;
	[dreg:$0x9] =	wrdreg s16  }
0x17: {  	s16 =	sshrl.u32 s22, $0x3;
	[dreg:$0xd] =	wrdreg s25;
	s26 =	sadd.s32 s15, s19  }
0x18: {  	s19 =	sadd.s32 $0xDC00, s4;
	s22 =	sadd.s32 s17, s20;
	s16 =	sadd.s32 s15, s16  }
0x19: {  	[dreg:$0xe] =	wrdreg s26;
	s26 =	sadd.s32 $0x10400, s4;
	s18 =	sadd.s32 s17, s19  }
0x1a: {  	[dreg:$0xc] =	wrdreg s16;
	s16 =	sshrl.u32 s18, $0x3;
	s18 =	sshrl.u32 s22, $0x3  }
0x1b: {  	s16 =	sadd.s32 s15, s16;
	s23 =	sadd.s32 s15, s18;
	s18 =	rddreg [dreg:$0x2]  }
0x1c: {  	s25 =	sadd.s32 s17, s28;
	s21 =	sadd.s32 s17, s26;
	[dreg:$0xf] =	wrdreg s16  }
0x1d: {  	s17 =	sadd.s32 s17, s29;
	s21 =	sshrl.u32 s21, $0x3;
	[dreg:$0x10] =	wrdreg s23  }
0x1e: {  	s24 =	sadd.s32 s15, s21;
	s16 =	rddreg [dreg:$0x1];
	s21 =	sshrl.u32 s25, $0x3  }
0x1f: {  	s17 =	sshrl.u32 s17, $0x3;
	[dreg:$0x11] =	wrdreg s24;
	s21 =	sadd.s32 s15, s21  }
0x20: {  	s15 =	sadd.s32 s15, s17;
	[dreg:$0x12] =	wrdreg s21  }
0x21: {  	s2 =	sshll.u32 s2, $0x4;
	s12 =	sadd.s32 s12, s18;
	[dreg:$0x13] =	wrdreg s15  }
0x22: {  	s15 =	sadd.s32 s10, s18;
	_ =	strace $0x80000047;
	[dreg:$0x17] =	wrdreg s12  }
0x23: {  	s17 =	sadd.s32 s4, s18;
	s4 =	sadd.s32 s11, s18;
	[dreg:$0x18] =	wrdreg s15  }
0x24: {  	s31 =	sadd.s32 s6, s18;
	s6 =	sadd.s32 s5, s18;
	[dreg:$0x19] =	wrdreg s4  }
0x25: {  	s2 =	sor.u32 s30, s2;
	s10 =	sadd.s32 s13, s18;
	[dreg:$0x1a] =	wrdreg s6  }
0x26: {  	s5 =	smul.u32 $0x2710, s2;
	s11 =	sadd.s32 s14, s18;
	[dreg:$0x1b] =	wrdreg s10  }
0x27: {  	s2 =	smul.u32 $0x4E20, s2;
	s13 =	sadd.s32 s20, s18;
	[dreg:$0x1c] =	wrdreg s11  }
0x28: {  	s22 =	sadd.s32 $0x525200, s3;
	s14 =	sadd.s32 s26, s18;
	[dreg:$0x1e] =	wrdreg s13  }
0x29: {  	s2 =	sadd.s32 s22, s2;
	[dreg:$0x1f] =	wrdreg s14  }
0x2a: {  	s30 =	simm.s32 $0x0;
	s0 =	smax.u32 s0, $0x1;
	[smem:$0x7FB] =	sst s2  }
0x2b: {  	v0 =	vimm.s32 $0xECA86420;
	v2 =	vimm.s32 $0xFEDCBA98;
	s23 =	sadd.s32 $0x43200, s3;
	s7 =	sadd.s32 s7, s18;
	[smem:$0x7FD] =	sst s0  }
0x2c: {  	v3 =	vimm.s32 $0xFDB97531;
	v4 =	vimm.s32 $0x76543210;
	s25 =	sadd.s32 $0xA5000, s3;
	s8 =	sadd.s32 s8, s18;
	[dreg:$0x14] =	wrdreg s7  }
0x2d: {  	vm0 =	vcmask $0x2300;
	v5 =	vimm.s32 $0xBA98FEDC;
	vm15 =	vcmask $0x1F00;
	s9 =	sadd.s32 s9, s18;
	s24 =	sadd.s32 $0x4D000, s3;
	[dreg:$0x15] =	wrdreg s8  }
0x2e: {  	v7 =	vimm.s32 $0xDCFE98BA;
	v8 =	vimm.s32 $0x54761032;
	v2 =	vunpack.c.l.s4.s8 v2;
	s21 =	sadd.s32 $0x2AA00, s3;
	s12 =	sadd.s32 s19, s18;
	[dreg:$0x16] =	wrdreg s9  }
0x2f: {  	v9 =	vimm.s32 $0xEFCDAB89;
	v10 =	vimm.s32 $0x67452301;
	v1 =	vunpack.c.l.s4.s8 v0;
	s3 =	sadd.s32 $0x28, s5;
	s15 =	sadd.s32 s28, s18;
	[dreg:$0x1d] =	wrdreg s12  }
0x30: {  	v0 =	vimm.f32 $0.0e+00;
	v3 =	vunpack.c.l.s4.s8 v3;
	v2 =	vunpack.c.0.s8.s32 v2;
	s20 =	sshrl.u32 s5, $0x3;
	s19 =	sadd.s32 s29, s18;
	[smem:$0x7F1] =	sst s15  }
0x31: {  	v4 =	vunpack.c.l.s4.s8 v4;
	v5 =	vunpack.c.l.s4.s8 v5;
	v7 =	vunpack.c.l.s4.s8 v7;
	s26 =	sshrl.u32 s3, $0x3;
	s13 =	sadd.s32 s24, s20;
	[smem:$0x7F2] =	sst s19  }
0x32: {  	v8 =	vunpack.c.l.s4.s8 v8;
	v6 =	vand.u32 $0xF, v2;
	v2 =	vimm.s32 $0x32107654;
	s4 =	sadd.s32 $0xA, s20;
	s11 =	sadd.s32 s23, s26;
	[smem:$0x7F6] =	sst s13  }
0x33: {  	v1 =	vunpack.c.0.s8.s32 v1;
	v3 =	vunpack.c.0.s8.s32 v3;
	v2 =	vunpack.c.l.s4.s8 v2;
	s14 =	sadd.s32 $0x78, s5;
	s6 =	sadd.s32 s24, s26;
	[smem:$0x7F3] =	sst s11  }
0x34: {  	v4 =	vunpack.c.0.s8.s32 v4;
	v5 =	vunpack.c.0.s8.s32 v5;
	v7 =	vunpack.c.0.s8.s32 v7;
	s3 =	sshll.u32 s3, $0x1;
	s12 =	sadd.s32 s23, s20;
	[smem:$0x7F4] =	sst s6  }
0x35: {  	v11 =	vunpack.c.0.s8.s32 v2;
	v2 =	vunpack.c.l.s4.s8 v9;
	v9 =	vunpack.c.l.s4.s8 v10;
	s28 =	simm.s32 $0x5C80;
	s15 =	sadd.s32 s23, s4;
	[smem:$0x7F5] =	sst s12  }
0x36: {  	v8 =	vunpack.c.0.s8.s32 v8;
	v1 =	vnsel vm0, $0x0, v1;
	v10 =	vlaneseq.u32;
	s29 =	simm.s32 $0x70B0;
	s4 =	sadd.s32 s24, s4;
	[smem:$0x7F7] =	sst s15  }
0x37: {  	v12 =	vunpack.c.0.s8.s32 v2;
	v9 =	vunpack.c.0.s8.s32 v9;
	v2 =	vmul.u32 $0x2, v10;
	s26 =	sadd.s32 s22, s3;
	s13 =	simm.s32 $0x28;
	[smem:$0x7F8] =	sst s4  }
0x38: {  	v3 =	vnsel vm15, $0x0, v3;
	v4 =	vcombine.low v6, v4;
	v6 =	vcombine.low v8, v7;
	s6 =	sshrl.u32 s14, $0x3;
	[smem:$0x7FC] =	sst s26;
	s12 =	simm.s32 $0x8  }
0x39: {  	v5 =	vcombine.low v11, v5;
	v7 =	vcombine.low v9, v12;
	v8 =	vor.u32 $0x1, v2;
	s14 =	simm.s32 $0x7;
	s15 =	simm.s32 $0x1;
	s19 =	sadd.s32 s23, s6  }
0x3a: {  	v9 =	vor.u32 $0x20, v2;
	v10 =	vor.u32 $0x21, v2;
	v11 =	vor.u32 $0x40, v2;
	s26 =	simm.s32 $0x2;
	s20 =	sadd.s32 s24, s6;
	[smem:$0x7F9] =	sst s19  }
0x3b: {  	v12 =	vor.u32 $0x41, v2;
	v13 =	vor.u32 $0x60, v2;
	v14 =	vor.u32 $0x61, v2;
	[smem:$0x7FA] =	sst s20;
	s20 =	simm.s32 $0x4880;
	s19 =	simm.s32 $0x7080  }
.LBB2_1:
0x3c: {  	s0 =	simm.s32 $0x0;
	s2 =	simm.s32 $0x200  }
.LBB2_2:
0x3d: {  	p0 =	sne.s32 s2, $0x4E00;
	[tilespmem:s0+$0x48F0] =	vst v0  }
0x3e: {  	[tilespmem:s0+$0x4880] =	vst v0  }
0x3f: {  	[tilespmem:s0+$0x4890] =	vst v0  }
.Ltmp0:
0x40: {  	[tilespmem:s0+$0x48A0] =	vst v0;
	(pc) =	sbr.rel @p0 .LBB2_2-.Ltmp0, $4  }
0x41: {  	[tilespmem:s0+$0x48B0] =	vst v0  }
0x42: {  	[tilespmem:s0+$0x48C0] =	vst v0  }
0x43: {  	[tilespmem:s0+$0x48D0] =	vst v0  }
0x44: {  	[tilespmem:s0+$0x48E0] =	vst v0;
	s0 =	sshra.s32 s2, $0x2;
	s2 =	sadd.s32 $0x200, s2  }
0x45: {  	[tilespmem:s0+$0x48F0] =	vst v0  }
0x46: {  	[tilespmem:s0+$0x4880] =	vst v0  }
0x47: {  	[tilespmem:s0+$0x4890] =	vst v0  }
0x48: {  	[tilespmem:s0+$0x48A0] =	vst v0  }
0x49: {  	[tilespmem:s0+$0x48B0] =	vst v0  }
0x4a: {  	[tilespmem:s0+$0x48C0] =	vst v0  }
0x4b: {  	[tilespmem:s0+$0x48D0] =	vst v0  }
0x4c: {  	[tilespmem:s0+$0x48E0] =	vst v0  }
0x4d: {  	[spmem:s17] =	stream.linear.scatter [tilespmem:s20], [sflag:$0x8], $0x1400, $0x38;
	[tilespmem:$0x1A960] =	vst v63  }
0x4e: {  	_ =	swait.ge [sflag:s12], $0x1400  }
0x4f: {  	[sflag:s12] =	ssyncset.done $0x0  }
0x50: {  	[sflag:s12] =	ssyncadd.s32 $0xFFFFEC00  }
0x51: {  	[spmem:s31] =	stream.linear.scatter [tilespmem:s20], [sflag:$0x8], $0x1400, $0x38;
	[tilespmem:$0x1A960] =	vst v63  }
0x52: {  	_ =	swait.ge [sflag:s12], $0x1400  }
0x53: {  	[sflag:s12] =	ssyncset.done $0x0  }
0x54: {  	[sflag:s12] =	ssyncadd.s32 $0xFFFFEC00  }
0x55: {  	[spmem:s7] =	stream.linear.scatter [tilespmem:s20], [sflag:$0x8], $0x1400, $0x38;
	[tilespmem:$0x1A960] =	vst v63  }
0x56: {  	_ =	swait.ge [sflag:s12], $0x1400  }
0x57: {  	[sflag:s12] =	ssyncset.done $0x0  }
0x58: {  	[sflag:s12] =	ssyncadd.s32 $0xFFFFEC00  }
0x59: {  	[spmem:s8] =	stream.linear.scatter [tilespmem:s20], [sflag:$0x8], $0x1400, $0x38;
	[tilespmem:$0x1A960] =	vst v63  }
0x5a: {  	_ =	swait.ge [sflag:s12], $0x1400  }
0x5b: {  	[sflag:s12] =	ssyncset.done $0x0  }
0x5c: {  	[sflag:s12] =	ssyncadd.s32 $0xFFFFEC00  }
0x5d: {  	[spmem:s9] =	stream.linear.scatter [tilespmem:s20], [sflag:$0x8], $0x1400, $0x38;
	[tilespmem:$0x1A960] =	vst v63  }
0x5e: {  	_ =	swait.ge [sflag:s12], $0x1400  }
0x5f: {  	[sflag:s12] =	ssyncset.done $0x0  }
0x60: {  	s9 =	rddreg [dreg:$0x17];
	[sflag:s12] =	ssyncadd.s32 $0xFFFFEC00  }
0x61: {  	[spmem:s9] =	stream.linear.scatter [tilespmem:s20], [sflag:$0x8], $0x1400, $0x38;
	[tilespmem:$0x1A960] =	vst v63  }
0x62: {  	_ =	swait.ge [sflag:s12], $0x1400  }
0x63: {  	[sflag:s12] =	ssyncset.done $0x0  }
0x64: {  	s10 =	smov.u32 s17;
	s17 =	rddreg [dreg:$0x18];
	[sflag:s12] =	ssyncadd.s32 $0xFFFFEC00  }
0x65: {  	[spmem:s17] =	stream.linear.scatter [tilespmem:s20], [sflag:$0x8], $0x1400, $0x38;
	[tilespmem:$0x1A960] =	vst v63  }
0x66: {  	_ =	swait.ge [sflag:s12], $0x1400  }
0x67: {  	[sflag:s12] =	ssyncset.done $0x0  }
0x68: {  	s2 =	rddreg [dreg:$0x19];
	[sflag:s12] =	ssyncadd.s32 $0xFFFFEC00  }
0x69: {  	[spmem:s2] =	stream.linear.scatter [tilespmem:s20], [sflag:$0x8], $0x1400, $0x38;
	[tilespmem:$0x1A960] =	vst v63  }
0x6a: {  	_ =	swait.ge [sflag:s12], $0x1400  }
0x6b: {  	[sflag:s12] =	ssyncset.done $0x0  }
0x6c: {  	s3 =	rddreg [dreg:$0x1a];
	[sflag:s12] =	ssyncadd.s32 $0xFFFFEC00  }
0x6d: {  	[spmem:s3] =	stream.linear.scatter [tilespmem:s20], [sflag:$0x8], $0x1400, $0x38;
	[tilespmem:$0x1A960] =	vst v63  }
0x6e: {  	_ =	swait.ge [sflag:s12], $0x1400  }
0x6f: {  	[sflag:s12] =	ssyncset.done $0x0  }
0x70: {  	s4 =	rddreg [dreg:$0x1b];
	[sflag:s12] =	ssyncadd.s32 $0xFFFFEC00  }
0x71: {  	[spmem:s4] =	stream.linear.scatter [tilespmem:s20], [sflag:$0x8], $0x1400, $0x38;
	[tilespmem:$0x1A960] =	vst v63  }
0x72: {  	_ =	swait.ge [sflag:s12], $0x1400  }
0x73: {  	[sflag:s12] =	ssyncset.done $0x0  }
0x74: {  	s6 =	rddreg [dreg:$0x1c];
	[sflag:s12] =	ssyncadd.s32 $0xFFFFEC00  }
0x75: {  	[spmem:s6] =	stream.linear.scatter [tilespmem:s20], [sflag:$0x8], $0x1400, $0x38;
	[tilespmem:$0x1A960] =	vst v63  }
0x76: {  	_ =	swait.ge [sflag:s12], $0x1400  }
0x77: {  	[sflag:s12] =	ssyncset.done $0x0  }
0x78: {  	s7 =	rddreg [dreg:$0x1d];
	[sflag:s12] =	ssyncadd.s32 $0xFFFFEC00  }
0x79: {  	[spmem:s7] =	stream.linear.scatter [tilespmem:s20], [sflag:$0x8], $0x1400, $0x38;
	[tilespmem:$0x1A960] =	vst v63  }
0x7a: {  	_ =	swait.ge [sflag:s12], $0x1400  }
0x7b: {  	[sflag:s12] =	ssyncset.done $0x0  }
0x7c: {  	s8 =	rddreg [dreg:$0x1e];
	[sflag:s12] =	ssyncadd.s32 $0xFFFFEC00  }
0x7d: {  	[spmem:s8] =	stream.linear.scatter [tilespmem:s20], [sflag:$0x8], $0x1400, $0x38;
	[tilespmem:$0x1A960] =	vst v63  }
0x7e: {  	_ =	swait.ge [sflag:s12], $0x1400  }
0x7f: {  	[sflag:s12] =	ssyncset.done $0x0  }
0x80: {  	s9 =	rddreg [dreg:$0x1f];
	[sflag:s12] =	ssyncadd.s32 $0xFFFFEC00  }
0x81: {  	[spmem:s9] =	stream.linear.scatter [tilespmem:s20], [sflag:$0x8], $0x1400, $0x38;
	[tilespmem:$0x1A960] =	vst v63  }
0x82: {  	_ =	swait.ge [sflag:s12], $0x1400  }
0x83: {  	s17 =	sld [smem:$0x7F1]  }
0x84: {  	[sflag:s12] =	ssyncset.done $0x0  }
0x85: {  	[sflag:s12] =	ssyncadd.s32 $0xFFFFEC00  }
0x86: {  	[spmem:s17] =	stream.linear.scatter [tilespmem:s20], [sflag:$0x8], $0x1400, $0x38;
	[tilespmem:$0x1A960] =	vst v63  }
0x87: {  	_ =	swait.ge [sflag:s12], $0x1400  }
0x88: {  	s2 =	sld [smem:$0x7F2]  }
0x89: {  	[sflag:s12] =	ssyncset.done $0x0  }
0x8a: {  	[sflag:s12] =	ssyncadd.s32 $0xFFFFEC00  }
0x8b: {  	[spmem:s2] =	stream.linear.scatter [tilespmem:s20], [sflag:$0x8], $0xC80, $0x38;
	[tilespmem:$0x1A960] =	vst v63  }
0x8c: {  	_ =	swait.ge [sflag:s12], $0xC80  }
0x8d: {  	[sflag:s12] =	ssyncset.done $0x0  }
0x8e: {  	[sflag:s12] =	ssyncadd.s32 $0xFFFFF380  }
0x8f: {  	[bflag:$0x0] =	sbarrier.arrive $0xFFFF  }
0x90: {  	s3 =	sld [smem:$0x7F5];
	_ =	sdelay $0x1  }
0x91: {  	s11 =	smov.u32 s31;
	s31 =	simm.s32 $0x0;
	s4 =	sld [smem:$0x7F6]  }
0x92: {  	[tilespmem:s31], [sflag:$0x7] =	stream.linear.gather [hbm4b:s3+s31], $0x28, $0x38;
	[tilespmem:$0x1A960] =	vst v63  }
0x93: {  	s2 =	simm.s32 $0x140;
	s6 =	sld [smem:$0x7F3]  }
0x94: {  	[tilespmem:s2], [sflag:$0x7] =	stream.linear.gather [hbm4b:s4+s31], $0x28, $0x38;
	[tilespmem:$0x1A960] =	vst v63  }
0x95: {  	s7 =	sld [smem:$0x7F4]  }
0x96: {  	[tilespmem:s13], [sflag:$0x7] =	stream.linear.gather [hbm4b:s6+s31], $0x28, $0x38;
	[tilespmem:$0x1A960] =	vst v63  }
0x97: {  	s8 =	sld [smem:$0x7F7];
	s3 =	simm.s32 $0x168  }
0x98: {  	[tilespmem:s3], [sflag:$0x7] =	stream.linear.gather [hbm4b:s7+s31], $0x28, $0x38;
	[tilespmem:$0x1A960] =	vst v63  }
0x99: {  	s9 =	sld [smem:$0x7F8];
	s4 =	simm.s32 $0x50  }
0x9a: {  	[tilespmem:s4], [sflag:$0x7] =	stream.linear.gather [hbm4b:s8+s31], $0x28, $0x38;
	[tilespmem:$0x1A960] =	vst v63  }
0x9b: {  	s17 =	simm.s32 $0x190;
	s6 =	sld [smem:$0x7F9]  }
0x9c: {  	[tilespmem:s17], [sflag:$0x7] =	stream.linear.gather [hbm4b:s9+s31], $0x28, $0x38;
	[tilespmem:$0x1A960] =	vst v63  }
0x9d: {  	s7 =	simm.s32 $0x78;
	s8 =	sld [smem:$0x7FA]  }
0x9e: {  	[tilespmem:s7], [sflag:$0x7] =	stream.linear.gather [hbm4b:s6+s31], $0x28, $0x38;
	[tilespmem:$0x1A960] =	vst v63  }
0x9f: {  	s9 =	simm.s32 $0x1B8  }
0xa0: {  	[tilespmem:s9], [sflag:$0x7] =	stream.linear.gather [hbm4b:s8+s31], $0x28, $0x38;
	[tilespmem:$0x1A960] =	vst v63  }
0xa1: {  	_ =	swait.ge [sflag:s14], $0x28  }
0xa2: {  	[sflag:s14] =	ssyncset.done $0x0  }
0xa3: {  	[sflag:s14] =	ssyncadd.s32 $0xFFFFFFD8  }
0xa4: {  	_ =	swait.ge [sflag:s14], $0x28  }
0xa5: {  	[sflag:s14] =	ssyncset.done $0x0  }
0xa6: {  	[sflag:s14] =	ssyncadd.s32 $0xFFFFFFD8  }
0xa7: {  	_ =	swait.ge [sflag:s14], $0x28  }
0xa8: {  	[sflag:s14] =	ssyncset.done $0x0  }
0xa9: {  	[sflag:s14] =	ssyncadd.s32 $0xFFFFFFD8  }
0xaa: {  	_ =	swait.ge [sflag:s14], $0x28  }
0xab: {  	[sflag:s14] =	ssyncset.done $0x0  }
0xac: {  	s17 =	simm.s32 $0x280;
	[sflag:s14] =	ssyncadd.s32 $0xFFFFFFD8  }
0xad: {  	[tilespmem:s17], [sflag:$0x1] =	stream.indirect.gather [hbm4b:s21+s13], $0x50, s2, s13, $0xb8;
	[tilespmem:$0x1A960] =	vst v63  }
0xae: {  	s4 =	sld [smem:$0x7FB];
	s2 =	simm.s32 $0x1B80  }
0xaf: {  	[tilespmem:s2], [sflag:$0x1] =	stream.indirect.gather [hbm4b:s16+s13], $0x80, s31, s13, $0xb8;
	[tilespmem:$0x1A960] =	vst v63  }
0xb0: {  	s6 =	simm.s32 $0x4380  }
0xb1: {  	[tilespmem:s6], [sflag:$0x1] =	stream.linear.gather [hbm4b:s4+s31], $0x280, $0x38;
	[tilespmem:$0x1A960] =	vst v63  }
0xb2: {  	s7 =	simm.s32 $0xF00  }
0xb3: {  	[tilespmem:s7], [sflag:$0x2] =	stream.indirect.gather [hbm4b:s21+s13], $0x50, s3, s13, $0xb8;
	[tilespmem:$0x1A960] =	vst v63  }
0xb4: {  	s8 =	simm.s32 $0x2F80;
	s9 =	sld [smem:$0x7FC]  }
0xb5: {  	[tilespmem:s8], [sflag:$0x2] =	stream.indirect.gather [hbm4b:s16+s13], $0x80, s13, s13, $0xb8;
	[tilespmem:$0x1A960] =	vst v63  }
0xb6: {  	s17 =	simm.s32 $0x4600  }
0xb7: {  	[tilespmem:s17], [sflag:$0x2] =	stream.linear.gather [hbm4b:s9+s31], $0x280, $0x38;
	[tilespmem:$0x1A960] =	vst v63  }
0xb8: {  	s17 =	simm.s32 $0x0  }
.LBB2_4:
0xb9: {  	_ =	swait.ge [sflag:s15], $0xC80  }
0xba: {  	[sflag:s15] =	ssyncset.done $0x0  }
0xbb: {  	[sflag:s15] =	ssyncadd.s32 $0xFFFFF380  }
0xbc: {  	_ =	swait.ge [sflag:s15], $0x1400  }
0xbd: {  	[sflag:s15] =	ssyncset.done $0x0  }
0xbe: {  	[sflag:s15] =	ssyncadd.s32 $0xFFFFEC00  }
0xbf: {  	_ =	swait.ge [sflag:s15], $0x280  }
0xc0: {  	p1 =	seq.s32 s17, $0x0;
	[sflag:s15] =	ssyncset.done $0x0  }
0xc1: {  	s0 =	simm.s32 @!p1 $0x5;
	[sflag:s15] =	ssyncadd.s32 $0xFFFFFD80  }
0xc2: {  	_ =	swait.ge @!p1 [sflag:s0], $0x1400  }
0xc3: {  	[sflag:s0] =	ssyncset.done @!p1 $0x0  }
0xc4: {  	[sflag:s0] =	ssyncadd.s32 @!p1 $0xFFFFEC00;
	s0 =	simm.s32 @!p1 $0x3  }
0xc5: {  	_ =	swait.ge @!p1 [sflag:s0], $0x28  }
0xc6: {  	[sflag:s0] =	ssyncset.done @!p1 $0x0  }
0xc7: {  	s2 =	simm.s32 $0x1BC0;
	[sflag:s0] =	ssyncadd.s32 @!p1 $0xFFFFFFD8  }
0xc8: {  	s3 =	simm.s32 $0x2A0;
	v15 =	vld [tilespmem:s2+$0xFFFFFFD0]  }
0xc9: {  	v16 =	vld [tilespmem:s3+$0xFFFFFFF0]  }
0xca: {  	v17 =	vld [tilespmem:s3+$0xFFFFFFE0]  }
0xcb: {  	v18 =	vld [tilespmem:s2+$0xFFFFFFC0];
	_ =	sdelay $0x1  }
0xcc: {  	v19 =	vld [tilespmem:s2+$0xFFFFFFE0]  }
0xcd: {  	v21 =	vld [tilespmem:s3+$0x0];
	v20 =	vunpack.i.u.bf16.f32 v15  }
0xce: {  	v22 =	vunpack.i.u.bf16.f32 v16;
	v16 =	vunpack.i.l.bf16.f32 v16;
	v15 =	vunpack.i.l.bf16.f32 v15  }
0xcf: {  	v23 =	vunpack.i.l.bf16.f32 v17;
	v17 =	vunpack.i.u.bf16.f32 v17;
	v54 =	vunpack.i.u.bf16.f32 v18  }
0xd0: {  	v24 =	vld [tilespmem:s3+$0x10];
	v18 =	vunpack.i.l.bf16.f32 v18;
	v15 =	vmul.f32 v15, v16;
	v16 =	vmul.f32 v20, v22  }
0xd1: {  	v55 =	vunpack.i.u.bf16.f32 v19;
	v20 =	vld [tilespmem:s2+$0xFFFFFFF0];
	v18 =	vmul.f32 v18, v23;
	v17 =	vmul.f32 v54, v17  }
0xd2: {  	v56 =	vunpack.i.u.bf16.f32 v21;
	v21 =	vunpack.i.l.bf16.f32 v21;
	v19 =	vunpack.i.l.bf16.f32 v19  }
0xd3: {  	s4 =	simm.s32 $0x4380;
	v17 =	vadd.f32 v18, v17;
	v18 =	vmul.f32 v19, v21;
	v19 =	vmul.f32 v55, v56  }
0xd4: {  	v57 =	vld [tilespmem:s4+$0x0]  }
0xd5: {  	v58 =	vld [tilespmem:s3+$0x20];
	v59 =	vunpack.i.l.bf16.f32 v24;
	v15 =	vadd.f32 v15, v16;
	v18 =	vadd.f32 v18, v19  }
0xd6: {  	v19 =	vunpack.i.u.bf16.f32 v24;
	v16 =	vunpack.i.u.bf16.f32 v20;
	v20 =	vunpack.i.l.bf16.f32 v20  }
0xd7: {  	v15 =	vadd.f32 v15, v17;
	v17 =	vmul.f32 v20, v59;
	v16 =	vmul.f32 v16, v19;
	_ =	sdelay $0x1  }
0xd8: {  	v15 =	vadd.f32 v18, v15;
	v16 =	vadd.f32 v17, v16;
	v17 =	vperm.xlane v57, v1  }
0xd9: {  	v18 =	vunpack.i.l.bf16.f32 v58  }
0xda: {  	v19 =	vperm.xlane v57, v3;
	v15 =	vadd.f32 v16, v15;
	v16 =	vmul.f32 v17, v18  }
0xdb: {  	v17 =	vunpack.i.u.bf16.f32 v58  }
0xdc: {  	v15 =	vadd.f32 v16, v15;
	v16 =	vmul.f32 v19, v17;
	_ =	sdelay $0x1  }
0xdd: {  	v15 =	vadd.f32 v16, v15;
	_ =	sdelay $0x1  }
0xde: {  	v16 =	vperm.xlane v15, v4;
	_ =	sdelay $0x1  }
0xdf: {  	v15 =	vadd.f32 v15, v16;
	_ =	sdelay $0x1  }
0xe0: {  	v16 =	vperm.xlane v15, v5;
	_ =	sdelay $0x1  }
0xe1: {  	v15 =	vadd.f32 v15, v16;
	_ =	sdelay $0x1  }
0xe2: {  	v16 =	vperm.xlane v15, v6;
	_ =	sdelay $0x1  }
0xe3: {  	v15 =	vadd.f32 v15, v16;
	_ =	sdelay $0x1  }
0xe4: {  	v16 =	vperm.xlane v15, v7;
	_ =	sdelay $0x1  }
0xe5: {  	v15 =	vadd.f32 v15, v16;
	_ =	sdelay $0x1  }
0xe6: {  	v15 =	vmul.f32 $8.838834610e-02, v15;
	_ =	sdelay $0x1  }
0xe7: {  	v15 =	vmul.f32 $1.442695020e+00, v15;
	_ =	sdelay $0x1  }
0xe8: {  	(erf) = vpow2.f32 v15;
	_ =	sdelay $0x3  }
0xe9: {  	v17 =	vld [tilespmem:s2+$0x0]  }
0xea: {  	v15 =	vmov s31  }
0xeb: {  	v18 =	vshll.u32 v15, $0x7  }
0xec: {  	v19 =	vor.u32 v2, v18  }
0xed: {  	v20 =	vor.u32 v8, v18  }
0xee: {  	v60 =	vunpack.i.l.bf16.f32 v17;
	v16 =	vpop (erf)  }
0xef: {  	v17 =	vunpack.i.u.bf16.f32 v17;
	v21 =	vmul.f32 v16, v60  }
0xf0: {  	v17 =	vmul.f32 v16, v17  }
0xf1: {  	[tilespmem:v19+s20+$0x0] =	vst.idx.msk $0xffff, v21  }
0xf2: {  	[tilespmem:v20+s20+$0x0] =	vst.idx.msk $0xffff, v17  }
0xf3: {  	v17 =	vld [tilespmem:s2+$0x10];
	_ =	sdelay $0x2  }
0xf4: {  	v19 =	vor.u32 v9, v18  }
0xf5: {  	v20 =	vor.u32 v10, v18  }
0xf6: {  	v61 =	vunpack.i.l.bf16.f32 v17  }
0xf7: {  	v17 =	vunpack.i.u.bf16.f32 v17;
	v21 =	vmul.f32 v61, v16  }
0xf8: {  	v17 =	vmul.f32 v17, v16  }
0xf9: {  	[tilespmem:v19+s20+$0x0] =	vst.idx.msk $0xffff, v21  }
0xfa: {  	[tilespmem:v20+s20+$0x0] =	vst.idx.msk $0xffff, v17  }
0xfb: {  	v17 =	vld [tilespmem:s2+$0x20];
	_ =	sdelay $0x2  }
0xfc: {  	v19 =	vor.u32 v11, v18  }
0xfd: {  	v20 =	vor.u32 v12, v18  }
0xfe: {  	v62 =	vunpack.i.l.bf16.f32 v17  }
0xff: {  	v17 =	vunpack.i.u.bf16.f32 v17;
	v21 =	vmul.f32 v62, v16  }
0x100: {  	v17 =	vmul.f32 v17, v16  }
0x101: {  	[tilespmem:v19+s20+$0x0] =	vst.idx.msk $0xffff, v21  }
0x102: {  	[tilespmem:v20+s20+$0x0] =	vst.idx.msk $0xffff, v17  }
0x103: {  	v17 =	vld [tilespmem:s2+$0x30];
	_ =	sdelay $0x3  }
0x104: {  	v19 =	vor.u32 v13, v18  }
0x105: {  	v20 =	vunpack.i.l.bf16.f32 v17;
	v63 =	vunpack.i.u.bf16.f32 v17;
	v17 =	vor.u32 v14, v18;
	_ =	sdelay $0x1  }
0x106: {  	s6 =	smul.u32 $0x50, s17;
	v20 =	vmul.f32 v20, v16  }
0x107: {  	v18 =	vmul.f32 v63, v16  }
0x108: {  	s7 =	simm.s32 $0x1;
	s6 =	sadd.s32 s5, s6;
	s0 =	sshll.u32 s17, $0x1;
	[tilespmem:v19+s20+$0x0] =	vst.idx.msk $0xffff, v20  }
.LBB2_5:
0x109: {  	[tilespmem:v17+s20+$0x0] =	vst.idx.msk $0xffff, v18;
	s4 =	sadd.s32 $0x10, s4;
	s2 =	sadd.s32 $0x80, s2;
	s3 =	sadd.s32 $0x50, s3  }
0x10a: {  	p0 =	sne.s32 s7, $0x27;
	s8 =	smov.u32 s7;
	s7 =	sadd.s32 $0x1, s7;
	[tilespmem:v15+s19+$0x0] =	vst.idx.msk $0x1, v16  }
0x10b: {  	v15 =	vld [tilespmem:s2+$0xFFFFFFD0]  }
0x10c: {  	v16 =	vld [tilespmem:s3+$0xFFFFFFF0]  }
0x10d: {  	v17 =	vld [tilespmem:s3+$0xFFFFFFE0]  }
0x10e: {  	v18 =	vld [tilespmem:s2+$0xFFFFFFC0]  }
0x10f: {  	v19 =	vld [tilespmem:s2+$0xFFFFFFE0]  }
0x110: {  	v20 =	vunpack.i.u.bf16.f32 v15;
	v21 =	vld [tilespmem:s3+$0x0]  }
0x111: {  	v15 =	vunpack.i.l.bf16.f32 v15;
	v22 =	vunpack.i.u.bf16.f32 v16;
	v16 =	vunpack.i.l.bf16.f32 v16  }
0x112: {  	v23 =	vunpack.i.l.bf16.f32 v17;
	v15 =	vmul.f32 v15, v16;
	v16 =	vmul.f32 v20, v22;
	v20 =	vld [tilespmem:s2+$0xFFFFFFF0]  }
0x113: {  	v17 =	vunpack.i.u.bf16.f32 v17;
	v22 =	vunpack.i.u.bf16.f32 v18;
	v18 =	vunpack.i.l.bf16.f32 v18;
	v24 =	vld [tilespmem:s3+$0x10]  }
0x114: {  	v18 =	vmul.f32 v18, v23;
	v17 =	vmul.f32 v22, v17;
	v22 =	vunpack.i.u.bf16.f32 v19  }
0x115: {  	v19 =	vunpack.i.l.bf16.f32 v19;
	v23 =	vunpack.i.u.bf16.f32 v21;
	v21 =	vunpack.i.l.bf16.f32 v21  }
0x116: {  	v17 =	vadd.f32 v18, v17;
	v18 =	vmul.f32 v19, v21;
	v19 =	vmul.f32 v22, v23;
	v21 =	vld [tilespmem:s4+$0x0]  }
0x117: {  	v15 =	vadd.f32 v15, v16;
	v16 =	vunpack.i.u.bf16.f32 v20;
	v20 =	vunpack.i.l.bf16.f32 v20;
	v22 =	vld [tilespmem:s3+$0x20]  }
0x118: {  	v18 =	vadd.f32 v18, v19;
	v19 =	vunpack.i.u.bf16.f32 v24;
	v23 =	vunpack.i.l.bf16.f32 v24  }
0x119: {  	v15 =	vadd.f32 v15, v17;
	v17 =	vmul.f32 v20, v23;
	v16 =	vmul.f32 v16, v19;
	_ =	sdelay $0x1  }
0x11a: {  	v15 =	vadd.f32 v18, v15;
	v16 =	vadd.f32 v17, v16;
	v17 =	vperm.xlane v21, v1  }
0x11b: {  	v19 =	vperm.xlane v21, v3;
	v18 =	vunpack.i.l.bf16.f32 v22  }
0x11c: {  	v15 =	vadd.f32 v16, v15;
	v16 =	vmul.f32 v17, v18  }
0x11d: {  	v17 =	vunpack.i.u.bf16.f32 v22  }
0x11e: {  	v15 =	vadd.f32 v16, v15;
	v16 =	vmul.f32 v19, v17;
	_ =	sdelay $0x1  }
0x11f: {  	v15 =	vadd.f32 v16, v15;
	_ =	sdelay $0x1  }
0x120: {  	v16 =	vperm.xlane v15, v4;
	_ =	sdelay $0x1  }
0x121: {  	v15 =	vadd.f32 v15, v16;
	_ =	sdelay $0x1  }
0x122: {  	v16 =	vperm.xlane v15, v5;
	_ =	sdelay $0x1  }
0x123: {  	v15 =	vadd.f32 v15, v16;
	_ =	sdelay $0x1  }
0x124: {  	v16 =	vperm.xlane v15, v6;
	_ =	sdelay $0x1  }
0x125: {  	v15 =	vadd.f32 v15, v16;
	_ =	sdelay $0x1  }
0x126: {  	v16 =	vperm.xlane v15, v7;
	_ =	sdelay $0x1  }
0x127: {  	v15 =	vadd.f32 v15, v16;
	_ =	sdelay $0x1  }
0x128: {  	v15 =	vmul.f32 $8.838834610e-02, v15;
	_ =	sdelay $0x1  }
0x129: {  	v15 =	vmul.f32 $1.442695020e+00, v15;
	_ =	sdelay $0x1  }
0x12a: {  	(erf) = vpow2.f32 v15;
	_ =	sdelay $0x3  }
0x12b: {  	v17 =	vld [tilespmem:s2+$0x0]  }
0x12c: {  	v15 =	vmov s8  }
0x12d: {  	v18 =	vshll.u32 v15, $0x7  }
0x12e: {  	v19 =	vor.u32 v2, v18  }
0x12f: {  	v20 =	vor.u32 v8, v18  }
0x130: {  	v21 =	vunpack.i.l.bf16.f32 v17;
	v16 =	vpop (erf)  }
0x131: {  	v17 =	vunpack.i.u.bf16.f32 v17;
	v21 =	vmul.f32 v16, v21  }
0x132: {  	v17 =	vmul.f32 v16, v17  }
0x133: {  	[tilespmem:v19+s20+$0x0] =	vst.idx.msk $0xffff, v21  }
0x134: {  	[tilespmem:v20+s20+$0x0] =	vst.idx.msk $0xffff, v17  }
0x135: {  	v17 =	vld [tilespmem:s2+$0x10];
	_ =	sdelay $0x2  }
0x136: {  	v19 =	vor.u32 v9, v18  }
0x137: {  	v20 =	vor.u32 v10, v18  }
0x138: {  	v21 =	vunpack.i.u.bf16.f32 v17;
	v17 =	vunpack.i.l.bf16.f32 v17  }
0x139: {  	v17 =	vmul.f32 v17, v16;
	v21 =	vmul.f32 v21, v16;
	_ =	sdelay $0x1  }
0x13a: {  	[tilespmem:v19+s20+$0x0] =	vst.idx.msk $0xffff, v17  }
0x13b: {  	[tilespmem:v20+s20+$0x0] =	vst.idx.msk $0xffff, v21  }
0x13c: {  	v17 =	vld [tilespmem:s2+$0x20];
	_ =	sdelay $0x2  }
0x13d: {  	v19 =	vor.u32 v11, v18  }
0x13e: {  	v20 =	vor.u32 v12, v18  }
0x13f: {  	v21 =	vunpack.i.u.bf16.f32 v17;
	v17 =	vunpack.i.l.bf16.f32 v17  }
0x140: {  	v17 =	vmul.f32 v17, v16;
	v21 =	vmul.f32 v21, v16;
	_ =	sdelay $0x1  }
0x141: {  	[tilespmem:v19+s20+$0x0] =	vst.idx.msk $0xffff, v17  }
0x142: {  	[tilespmem:v20+s20+$0x0] =	vst.idx.msk $0xffff, v21  }
0x143: {  	v19 =	vld [tilespmem:s2+$0x30];
	_ =	sdelay $0x2  }
0x144: {  	v20 =	vor.u32 v13, v18  }
.Ltmp1:
0x145: {  	v17 =	vor.u32 v14, v18;
	(pc) =	sbr.rel @p0 .LBB2_5-.Ltmp1, $3  }
0x146: {  	v18 =	vunpack.i.u.bf16.f32 v19;
	v19 =	vunpack.i.l.bf16.f32 v19  }
0x147: {  	v19 =	vmul.f32 v19, v16;
	v18 =	vmul.f32 v18, v16;
	_ =	sdelay $0x1  }
0x148: {  	[tilespmem:v20+s20+$0x0] =	vst.idx.msk $0xffff, v19  }
0x149: {  	_ = 	snop  }
0x14a: {  	s2 =	sand.u32 $0x6, s0  }
0x14b: {  	s2 =	smul.u32 $0xA0, s2;
	_ =	sdelay $0x1  }
0x14c: {  	[tilespmem:v17+s20+$0x0] =	vst.idx.msk $0xffff, v18;
	s2 =	sshrl.u32 s2, $0x2  }
0x14d: {  	s7 =	sshrl.u32 s6, $0x3;
	[tilespmem:v15+s19+$0x0] =	vst.idx.msk $0x1, v16;
	s2 =	sadd.s32 $0x140, s2  }
0x14e: {  	[spmem:s18] =	stream.indirect.scatter.add.f32 [tilespmem:s20], [sflag:$0x5], $0x80, s2, s13, $0xb8;
	[tilespmem:$0x1A960] =	vst v63  }
0x14f: {  	p0 =	seq.s32 s17, $0x7C;
	s2 =	sadd.s32 s25, s7  }
0x150: {  	[hbm4b:s2+s1] =	stream.linear.scatter [tilespmem:s19], [sflag:$0x3], $0x28, $0x38;
	[tilespmem:$0x1A960] =	vst v63  }
0x151: {  	s2 =	simm.s32 @!p0 $0x7  }
0x152: {  	_ =	swait.ge @!p0 [sflag:s2], $0x28  }
0x153: {  	s3 =	sadd.s32 @!p0 $0x2, s0;
	[sflag:s2] =	ssyncset.done @!p0 $0x0  }
0x154: {  	s4 =	sand.u32 @!p0 $0x6, s3;
	[sflag:s2] =	ssyncadd.s32 @!p0 $0xFFFFFFD8  }
0x155: {  	s4 =	smul.u32 @!p0 $0x28, s4;
	_ =	swait.ge @!p0 [sflag:s2], $0x28  }
0x156: {  	s6 =	simm.s32 @!p0 $0x28;
	[sflag:s2] =	ssyncset.done @!p0 $0x0  }
0x157: {  	s7 =	simm.s32 @!p0 $0x280;
	[sflag:s2] =	ssyncadd.s32 @!p0 $0xFFFFFFD8;
	s2 =	sadd.s32 @!p0 $0x140, s4  }
0x158: {  	[tilespmem:s7], [sflag:$0x1] =	stream.indirect.gather @!p0 [hbm4b:s21+s6], $0x50, s2, s6, $0xb8;
	[tilespmem:$0x1A960] =	vst v63  }
0x159: {  	s3 =	smul.u32 @!p0 $0x28, s3;
	s2 =	simm.s32 @!p0 $0x1B80  }
0x15a: {  	[tilespmem:s2], [sflag:$0x1] =	stream.indirect.gather @!p0 [hbm4b:s16+s6], $0x80, s4, s6, $0xb8;
	[tilespmem:$0x1A960] =	vst v63  }
0x15b: {  	p2 =	sgt.u32 @!p0 s17, $0x7A;
	s2 =	sadd.s32 @!p0 s5, s3  }
0x15c: {  	p3 =	por p2, p0;
	s2 =	sshll.u32 @!p0 s2, $0x1  }
0x15d: {  	s3 =	sadd.s32 @!p3 $0x4, s0;
	s4 =	simm.s32 @!p0 $0x0;
	s2 =	sand.u32 @!p0 $0x1FFFFFE0, s2  }
0x15e: {  	s6 =	simm.s32 @!p0 $0x4380;
	s7 =	smul.u32 @!p3 $0x28, s3;
	s2 =	sadd.s32 @!p0 s22, s2  }
0x15f: {  	[tilespmem:s6], [sflag:$0x1] =	stream.linear.gather @!p0 [hbm4b:s2+s4], $0x280, $0x38;
	[tilespmem:$0x1A960] =	vst v63  }
0x160: {  	s2 =	sand.u32 @!p3 $0x6, s3;
	s3 =	sadd.s32 @!p3 s5, s7  }
0x161: {  	s2 =	smul.u32 @!p3 $0x28, s2;
	s3 =	sshrl.u32 @!p3 s3, $0x3  }
0x162: {  	s6 =	simm.s32 @!p3 $0x0;
	s4 =	sadd.s32 @!p3 s23, s3  }
0x163: {  	[tilespmem:s2], [sflag:$0x7] =	stream.linear.gather @!p3 [hbm4b:s4+s6], $0x28, $0x38;
	[tilespmem:$0x1A960] =	vst v63  }
0x164: {  	s3 =	sadd.s32 @!p3 s24, s3;
	s2 =	sadd.s32 @!p3 $0x140, s2  }
0x165: {  	[tilespmem:s2], [sflag:$0x7] =	stream.linear.gather @!p3 [hbm4b:s3+s6], $0x28, $0x38;
	[tilespmem:$0x1A960] =	vst v63  }
0x166: {  	_ =	swait.ge [sflag:s26], $0xC80  }
0x167: {  	[sflag:s26] =	ssyncset.done $0x0  }
0x168: {  	[sflag:s26] =	ssyncadd.s32 $0xFFFFF380  }
0x169: {  	_ =	swait.ge [sflag:s26], $0x1400  }
0x16a: {  	[sflag:s26] =	ssyncset.done $0x0  }
0x16b: {  	[sflag:s26] =	ssyncadd.s32 $0xFFFFEC00  }
0x16c: {  	_ =	swait.ge [sflag:s26], $0x280  }
0x16d: {  	[sflag:s26] =	ssyncset.done $0x0  }
0x16e: {  	s2 =	simm.s32 @!p1 $0x6;
	[sflag:s26] =	ssyncadd.s32 $0xFFFFFD80  }
0x16f: {  	_ =	swait.ge @!p1 [sflag:s2], $0x1400  }
0x170: {  	[sflag:s2] =	ssyncset.done @!p1 $0x0  }
0x171: {  	[sflag:s2] =	ssyncadd.s32 @!p1 $0xFFFFEC00;
	s2 =	simm.s32 @!p1 $0x4  }
0x172: {  	_ =	swait.ge @!p1 [sflag:s2], $0x28  }
0x173: {  	[sflag:s2] =	ssyncset.done @!p1 $0x0  }
0x174: {  	[sflag:s2] =	ssyncadd.s32 @!p1 $0xFFFFFFD8;
	s2 =	simm.s32 $0x2FC0  }
0x175: {  	s3 =	simm.s32 $0xF20;
	v15 =	vld [tilespmem:s2+$0xFFFFFFD0]  }
0x176: {  	v16 =	vld [tilespmem:s3+$0xFFFFFFF0]  }
0x177: {  	v17 =	vld [tilespmem:s3+$0xFFFFFFE0]  }
0x178: {  	v18 =	vld [tilespmem:s2+$0xFFFFFFC0];
	_ =	sdelay $0x1  }
0x179: {  	v19 =	vld [tilespmem:s2+$0xFFFFFFE0]  }
0x17a: {  	v21 =	vld [tilespmem:s3+$0x0];
	v20 =	vunpack.i.u.bf16.f32 v15  }
0x17b: {  	v22 =	vunpack.i.u.bf16.f32 v16;
	v16 =	vunpack.i.l.bf16.f32 v16;
	v15 =	vunpack.i.l.bf16.f32 v15  }
0x17c: {  	v23 =	vunpack.i.l.bf16.f32 v17;
	v17 =	vunpack.i.u.bf16.f32 v17;
	v54 =	vunpack.i.u.bf16.f32 v18  }
0x17d: {  	v24 =	vld [tilespmem:s3+$0x10];
	v18 =	vunpack.i.l.bf16.f32 v18;
	v15 =	vmul.f32 v15, v16;
	v16 =	vmul.f32 v20, v22  }
0x17e: {  	v55 =	vunpack.i.u.bf16.f32 v19;
	v20 =	vld [tilespmem:s2+$0xFFFFFFF0];
	v18 =	vmul.f32 v18, v23;
	v17 =	vmul.f32 v54, v17  }
0x17f: {  	v56 =	vunpack.i.u.bf16.f32 v21;
	v21 =	vunpack.i.l.bf16.f32 v21;
	v19 =	vunpack.i.l.bf16.f32 v19  }
0x180: {  	s4 =	simm.s32 $0x4600;
	v17 =	vadd.f32 v18, v17;
	v18 =	vmul.f32 v19, v21;
	v19 =	vmul.f32 v55, v56  }
0x181: {  	v57 =	vld [tilespmem:s4+$0x0]  }
0x182: {  	v58 =	vld [tilespmem:s3+$0x20];
	v59 =	vunpack.i.l.bf16.f32 v24;
	v15 =	vadd.f32 v15, v16;
	v18 =	vadd.f32 v18, v19  }
0x183: {  	v19 =	vunpack.i.u.bf16.f32 v24;
	v16 =	vunpack.i.u.bf16.f32 v20;
	v20 =	vunpack.i.l.bf16.f32 v20  }
0x184: {  	v15 =	vadd.f32 v15, v17;
	v17 =	vmul.f32 v20, v59;
	v16 =	vmul.f32 v16, v19;
	_ =	sdelay $0x1  }
0x185: {  	v15 =	vadd.f32 v18, v15;
	v16 =	vadd.f32 v17, v16;
	v17 =	vperm.xlane v57, v1  }
0x186: {  	v18 =	vunpack.i.l.bf16.f32 v58  }
0x187: {  	v19 =	vperm.xlane v57, v3;
	v15 =	vadd.f32 v16, v15;
	v16 =	vmul.f32 v17, v18  }
0x188: {  	v17 =	vunpack.i.u.bf16.f32 v58  }
0x189: {  	v15 =	vadd.f32 v16, v15;
	v16 =	vmul.f32 v19, v17;
	_ =	sdelay $0x1  }
0x18a: {  	v15 =	vadd.f32 v16, v15;
	_ =	sdelay $0x1  }
0x18b: {  	v16 =	vperm.xlane v15, v4;
	_ =	sdelay $0x1  }
0x18c: {  	v15 =	vadd.f32 v15, v16;
	_ =	sdelay $0x1  }
0x18d: {  	v16 =	vperm.xlane v15, v5;
	_ =	sdelay $0x1  }
0x18e: {  	v15 =	vadd.f32 v15, v16;
	_ =	sdelay $0x1  }
0x18f: {  	v16 =	vperm.xlane v15, v6;
	_ =	sdelay $0x1  }
0x190: {  	v15 =	vadd.f32 v15, v16;
	_ =	sdelay $0x1  }
0x191: {  	v16 =	vperm.xlane v15, v7;
	_ =	sdelay $0x1  }
0x192: {  	v15 =	vadd.f32 v15, v16;
	_ =	sdelay $0x1  }
0x193: {  	v15 =	vmul.f32 $8.838834610e-02, v15;
	_ =	sdelay $0x1  }
0x194: {  	v15 =	vmul.f32 $1.442695020e+00, v15;
	_ =	sdelay $0x1  }
0x195: {  	(erf) = vpow2.f32 v15;
	_ =	sdelay $0x3  }
0x196: {  	s8 =	simm.s32 $0x0;
	v17 =	vld [tilespmem:s2+$0x0]  }
0x197: {  	v15 =	vmov s8  }
0x198: {  	v18 =	vshll.u32 v15, $0x7  }
0x199: {  	v19 =	vor.u32 v2, v18  }
0x19a: {  	v20 =	vor.u32 v8, v18  }
0x19b: {  	v60 =	vunpack.i.l.bf16.f32 v17;
	v16 =	vpop (erf)  }
0x19c: {  	v17 =	vunpack.i.u.bf16.f32 v17;
	v21 =	vmul.f32 v16, v60  }
0x19d: {  	v17 =	vmul.f32 v16, v17  }
0x19e: {  	[tilespmem:v19+s28+$0x0] =	vst.idx.msk $0xffff, v21  }
0x19f: {  	[tilespmem:v20+s28+$0x0] =	vst.idx.msk $0xffff, v17  }
0x1a0: {  	v17 =	vld [tilespmem:s2+$0x10];
	_ =	sdelay $0x2  }
0x1a1: {  	v19 =	vor.u32 v9, v18  }
0x1a2: {  	v20 =	vor.u32 v10, v18  }
0x1a3: {  	v61 =	vunpack.i.l.bf16.f32 v17  }
0x1a4: {  	v17 =	vunpack.i.u.bf16.f32 v17;
	v21 =	vmul.f32 v61, v16  }
0x1a5: {  	v17 =	vmul.f32 v17, v16  }
0x1a6: {  	[tilespmem:v19+s28+$0x0] =	vst.idx.msk $0xffff, v21  }
0x1a7: {  	[tilespmem:v20+s28+$0x0] =	vst.idx.msk $0xffff, v17  }
0x1a8: {  	v17 =	vld [tilespmem:s2+$0x20];
	_ =	sdelay $0x2  }
0x1a9: {  	v19 =	vor.u32 v11, v18  }
0x1aa: {  	v20 =	vor.u32 v12, v18  }
0x1ab: {  	v62 =	vunpack.i.l.bf16.f32 v17  }
0x1ac: {  	v17 =	vunpack.i.u.bf16.f32 v17;
	v21 =	vmul.f32 v62, v16  }
0x1ad: {  	v17 =	vmul.f32 v17, v16  }
0x1ae: {  	[tilespmem:v19+s28+$0x0] =	vst.idx.msk $0xffff, v21  }
0x1af: {  	[tilespmem:v20+s28+$0x0] =	vst.idx.msk $0xffff, v17  }
0x1b0: {  	v17 =	vld [tilespmem:s2+$0x30];
	_ =	sdelay $0x3  }
0x1b1: {  	v19 =	vor.u32 v13, v18  }
0x1b2: {  	v20 =	vunpack.i.l.bf16.f32 v17;
	v63 =	vunpack.i.u.bf16.f32 v17;
	v17 =	vor.u32 v14, v18  }
0x1b3: {  	p2 =	por !p2, p0;
	s6 =	sor.u32 $0x1, s0  }
0x1b4: {  	p3 =	por @!p3 $0x1, $0x1;
	s9 =	smul.u32 $0x28, s6;
	p1 =	por @!p0 $0x0, $0x0;
	v20 =	vmul.f32 v20, v16  }
0x1b5: {  	p3 =	por @!p2 p1, p1;
	p1 =	por $0x0, $0x0;
	v18 =	vmul.f32 v63, v16  }
0x1b6: {  	s7 =	sadd.s32 s5, s9;
	p1 =	por @!p0 p3, p3;
	s8 =	simm.s32 $0x1;
	[tilespmem:v19+s28+$0x0] =	vst.idx.msk $0xffff, v20  }
.LBB2_7:
0x1b7: {  	[tilespmem:v17+s28+$0x0] =	vst.idx.msk $0xffff, v18;
	s4 =	sadd.s32 $0x10, s4;
	s2 =	sadd.s32 $0x80, s2;
	s3 =	sadd.s32 $0x50, s3  }
0x1b8: {  	p2 =	sne.s32 s8, $0x27;
	s9 =	smov.u32 s8;
	s8 =	sadd.s32 $0x1, s8;
	[tilespmem:v15+s29+$0x0] =	vst.idx.msk $0x1, v16  }
0x1b9: {  	v15 =	vld [tilespmem:s2+$0xFFFFFFD0]  }
0x1ba: {  	v16 =	vld [tilespmem:s3+$0xFFFFFFF0]  }
0x1bb: {  	v17 =	vld [tilespmem:s3+$0xFFFFFFE0]  }
0x1bc: {  	v18 =	vld [tilespmem:s2+$0xFFFFFFC0]  }
0x1bd: {  	v19 =	vld [tilespmem:s2+$0xFFFFFFE0]  }
0x1be: {  	v20 =	vunpack.i.u.bf16.f32 v15;
	v21 =	vld [tilespmem:s3+$0x0]  }
0x1bf: {  	v15 =	vunpack.i.l.bf16.f32 v15;
	v22 =	vunpack.i.u.bf16.f32 v16;
	v16 =	vunpack.i.l.bf16.f32 v16  }
0x1c0: {  	v23 =	vunpack.i.l.bf16.f32 v17;
	v15 =	vmul.f32 v15, v16;
	v16 =	vmul.f32 v20, v22;
	v20 =	vld [tilespmem:s2+$0xFFFFFFF0]  }
0x1c1: {  	v17 =	vunpack.i.u.bf16.f32 v17;
	v22 =	vunpack.i.u.bf16.f32 v18;
	v18 =	vunpack.i.l.bf16.f32 v18;
	v24 =	vld [tilespmem:s3+$0x10]  }
0x1c2: {  	v18 =	vmul.f32 v18, v23;
	v17 =	vmul.f32 v22, v17;
	v22 =	vunpack.i.u.bf16.f32 v19  }
0x1c3: {  	v19 =	vunpack.i.l.bf16.f32 v19;
	v23 =	vunpack.i.u.bf16.f32 v21;
	v21 =	vunpack.i.l.bf16.f32 v21  }
0x1c4: {  	v17 =	vadd.f32 v18, v17;
	v18 =	vmul.f32 v19, v21;
	v19 =	vmul.f32 v22, v23;
	v21 =	vld [tilespmem:s4+$0x0]  }
0x1c5: {  	v15 =	vadd.f32 v15, v16;
	v16 =	vunpack.i.u.bf16.f32 v20;
	v20 =	vunpack.i.l.bf16.f32 v20;
	v22 =	vld [tilespmem:s3+$0x20]  }
0x1c6: {  	v18 =	vadd.f32 v18, v19;
	v19 =	vunpack.i.u.bf16.f32 v24;
	v23 =	vunpack.i.l.bf16.f32 v24  }
0x1c7: {  	v15 =	vadd.f32 v15, v17;
	v17 =	vmul.f32 v20, v23;
	v16 =	vmul.f32 v16, v19;
	_ =	sdelay $0x1  }
0x1c8: {  	v15 =	vadd.f32 v18, v15;
	v16 =	vadd.f32 v17, v16;
	v17 =	vperm.xlane v21, v1  }
0x1c9: {  	v19 =	vperm.xlane v21, v3;
	v18 =	vunpack.i.l.bf16.f32 v22  }
0x1ca: {  	v15 =	vadd.f32 v16, v15;
	v16 =	vmul.f32 v17, v18  }
0x1cb: {  	v17 =	vunpack.i.u.bf16.f32 v22  }
0x1cc: {  	v15 =	vadd.f32 v16, v15;
	v16 =	vmul.f32 v19, v17;
	_ =	sdelay $0x1  }
0x1cd: {  	v15 =	vadd.f32 v16, v15;
	_ =	sdelay $0x1  }
0x1ce: {  	v16 =	vperm.xlane v15, v4;
	_ =	sdelay $0x1  }
0x1cf: {  	v15 =	vadd.f32 v15, v16;
	_ =	sdelay $0x1  }
0x1d0: {  	v16 =	vperm.xlane v15, v5;
	_ =	sdelay $0x1  }
0x1d1: {  	v15 =	vadd.f32 v15, v16;
	_ =	sdelay $0x1  }
0x1d2: {  	v16 =	vperm.xlane v15, v6;
	_ =	sdelay $0x1  }
0x1d3: {  	v15 =	vadd.f32 v15, v16;
	_ =	sdelay $0x1  }
0x1d4: {  	v16 =	vperm.xlane v15, v7;
	_ =	sdelay $0x1  }
0x1d5: {  	v15 =	vadd.f32 v15, v16;
	_ =	sdelay $0x1  }
0x1d6: {  	v15 =	vmul.f32 $8.838834610e-02, v15;
	_ =	sdelay $0x1  }
0x1d7: {  	v15 =	vmul.f32 $1.442695020e+00, v15;
	_ =	sdelay $0x1  }
0x1d8: {  	(erf) = vpow2.f32 v15;
	_ =	sdelay $0x3  }
0x1d9: {  	v17 =	vld [tilespmem:s2+$0x0]  }
0x1da: {  	v15 =	vmov s9  }
0x1db: {  	v18 =	vshll.u32 v15, $0x7  }
0x1dc: {  	v19 =	vor.u32 v2, v18  }
0x1dd: {  	v20 =	vor.u32 v8, v18  }
0x1de: {  	v21 =	vunpack.i.l.bf16.f32 v17;
	v16 =	vpop (erf)  }
0x1df: {  	v17 =	vunpack.i.u.bf16.f32 v17;
	v21 =	vmul.f32 v16, v21  }
0x1e0: {  	v17 =	vmul.f32 v16, v17  }
0x1e1: {  	[tilespmem:v19+s28+$0x0] =	vst.idx.msk $0xffff, v21  }
0x1e2: {  	[tilespmem:v20+s28+$0x0] =	vst.idx.msk $0xffff, v17  }
0x1e3: {  	v17 =	vld [tilespmem:s2+$0x10];
	_ =	sdelay $0x2  }
0x1e4: {  	v19 =	vor.u32 v9, v18  }
0x1e5: {  	v20 =	vor.u32 v10, v18  }
0x1e6: {  	v21 =	vunpack.i.u.bf16.f32 v17;
	v17 =	vunpack.i.l.bf16.f32 v17  }
0x1e7: {  	v17 =	vmul.f32 v17, v16;
	v21 =	vmul.f32 v21, v16;
	_ =	sdelay $0x1  }
0x1e8: {  	[tilespmem:v19+s28+$0x0] =	vst.idx.msk $0xffff, v17  }
0x1e9: {  	[tilespmem:v20+s28+$0x0] =	vst.idx.msk $0xffff, v21  }
0x1ea: {  	v17 =	vld [tilespmem:s2+$0x20];
	_ =	sdelay $0x2  }
0x1eb: {  	v19 =	vor.u32 v11, v18  }
0x1ec: {  	v20 =	vor.u32 v12, v18  }
0x1ed: {  	v21 =	vunpack.i.u.bf16.f32 v17;
	v17 =	vunpack.i.l.bf16.f32 v17  }
0x1ee: {  	v17 =	vmul.f32 v17, v16;
	v21 =	vmul.f32 v21, v16;
	_ =	sdelay $0x1  }
0x1ef: {  	[tilespmem:v19+s28+$0x0] =	vst.idx.msk $0xffff, v17  }
0x1f0: {  	[tilespmem:v20+s28+$0x0] =	vst.idx.msk $0xffff, v21  }
0x1f1: {  	v19 =	vld [tilespmem:s2+$0x30];
	_ =	sdelay $0x2  }
0x1f2: {  	v20 =	vor.u32 v13, v18  }
.Ltmp2:
0x1f3: {  	v17 =	vor.u32 v14, v18;
	(pc) =	sbr.rel @p2 .LBB2_7-.Ltmp2, $3  }
0x1f4: {  	v18 =	vunpack.i.u.bf16.f32 v19;
	v19 =	vunpack.i.l.bf16.f32 v19  }
0x1f5: {  	v19 =	vmul.f32 v19, v16;
	v18 =	vmul.f32 v18, v16;
	_ =	sdelay $0x1  }
0x1f6: {  	[tilespmem:v20+s28+$0x0] =	vst.idx.msk $0xffff, v19  }
0x1f7: {  	_ = 	snop  }
0x1f8: {  	s2 =	sand.u32 $0x7, s6  }
0x1f9: {  	s2 =	smul.u32 $0xA0, s2;
	_ =	sdelay $0x1  }
0x1fa: {  	[tilespmem:v17+s28+$0x0] =	vst.idx.msk $0xffff, v18;
	s2 =	sshrl.u32 s2, $0x2  }
0x1fb: {  	s9 =	sshrl.u32 s7, $0x3;
	[tilespmem:v15+s29+$0x0] =	vst.idx.msk $0x1, v16;
	s2 =	sadd.s32 $0x140, s2  }
0x1fc: {  	[spmem:s18] =	stream.indirect.scatter.add.f32 [tilespmem:s28], [sflag:$0x6], $0x80, s2, s13, $0xb8;
	[tilespmem:$0x1A960] =	vst v63  }
0x1fd: {  	s2 =	sadd.s32 s25, s9  }
0x1fe: {  	[hbm4b:s2+s1] =	stream.linear.scatter [tilespmem:s29], [sflag:$0x4], $0x28, $0x38;
	[tilespmem:$0x1A960] =	vst v63  }
0x1ff: {  	s2 =	simm.s32 @!p0 $0x7  }
0x200: {  	_ =	swait.ge @!p0 [sflag:s2], $0x28  }
0x201: {  	s3 =	sadd.s32 @!p0 $0x3, s0;
	[sflag:s2] =	ssyncset.done @!p0 $0x0  }
0x202: {  	s4 =	sand.u32 @!p0 $0x7, s3;
	[sflag:s2] =	ssyncadd.s32 @!p0 $0xFFFFFFD8  }
0x203: {  	s4 =	smul.u32 @!p0 $0x28, s4;
	_ =	swait.ge @!p0 [sflag:s2], $0x28  }
0x204: {  	s6 =	simm.s32 @!p0 $0x28;
	[sflag:s2] =	ssyncset.done @!p0 $0x0  }
0x205: {  	s7 =	simm.s32 @!p0 $0xF00;
	[sflag:s2] =	ssyncadd.s32 @!p0 $0xFFFFFFD8;
	s2 =	sadd.s32 @!p0 $0x140, s4  }
0x206: {  	[tilespmem:s7], [sflag:$0x2] =	stream.indirect.gather @!p0 [hbm4b:s21+s6], $0x50, s2, s6, $0xb8;
	[tilespmem:$0x1A960] =	vst v63  }
0x207: {  	s3 =	smul.u32 @!p0 $0x28, s3;
	s2 =	simm.s32 @!p0 $0x2F80  }
0x208: {  	[tilespmem:s2], [sflag:$0x2] =	stream.indirect.gather @!p0 [hbm4b:s16+s6], $0x80, s4, s6, $0xb8;
	[tilespmem:$0x1A960] =	vst v63  }
0x209: {  	s2 =	sadd.s32 @!p0 s5, s3  }
0x20a: {  	s0 =	sadd.s32 @p1 $0x5, s0;
	s17 =	sadd.s32 $0x1, s17;
	s2 =	sshll.u32 @!p0 s2, $0x1  }
0x20b: {  	s3 =	simm.s32 @!p0 $0x0;
	s4 =	simm.s32 @!p0 $0x4600;
	s2 =	sand.u32 @!p0 $0x1FFFFFF0, s2  }
0x20c: {  	s6 =	smul.u32 @p1 $0x28, s0;
	s0 =	sand.u32 @p1 $0x7, s0;
	s2 =	sadd.s32 @!p0 s22, s2  }
0x20d: {  	[tilespmem:s4], [sflag:$0x2] =	stream.linear.gather @!p0 [hbm4b:s2+s3], $0x280, $0x38;
	[tilespmem:$0x1A960] =	vst v63  }
0x20e: {  	s0 =	smul.u32 @p1 $0x28, s0;
	s2 =	sadd.s32 @p1 s5, s6;
	p0 =	sne.s32 s17, $0x7D  }
.Ltmp3:
0x20f: {  	s2 =	sshrl.u32 @p1 s2, $0x3;
	(pc) =	sbr.rel @p0 .LBB2_4-.Ltmp3, $4  }
0x210: {  	s4 =	simm.s32 @p1 $0x0;
	s3 =	sadd.s32 @p1 s23, s2  }
0x211: {  	[tilespmem:s0], [sflag:$0x7] =	stream.linear.gather @p1 [hbm4b:s3+s4], $0x28, $0x38;
	[tilespmem:$0x1A960] =	vst v63  }
0x212: {  	s2 =	sadd.s32 @p1 s24, s2;
	s0 =	sadd.s32 @p1 $0x140, s0  }
0x213: {  	[tilespmem:s0], [sflag:$0x7] =	stream.linear.gather @p1 [hbm4b:s2+s4], $0x28, $0x38;
	[tilespmem:$0x1A960] =	vst v63  }
0x214: {  	s0 =	simm.s32 $0x5  }
0x215: {  	_ =	swait.ge [sflag:s0], $0x1400  }
0x216: {  	[sflag:s0] =	ssyncset.done $0x0  }
0x217: {  	s4 =	simm.s32 $0x3;
	[sflag:s0] =	ssyncadd.s32 $0xFFFFEC00  }
0x218: {  	_ =	swait.ge [sflag:s4], $0x28  }
0x219: {  	[sflag:s4] =	ssyncset.done $0x0  }
0x21a: {  	s6 =	simm.s32 $0x6;
	[sflag:s4] =	ssyncadd.s32 $0xFFFFFFD8  }
0x21b: {  	_ =	swait.ge [sflag:s6], $0x1400  }
0x21c: {  	[sflag:s6] =	ssyncset.done $0x0  }
0x21d: {  	s7 =	simm.s32 $0x4;
	[sflag:s6] =	ssyncadd.s32 $0xFFFFEC00  }
0x21e: {  	_ =	swait.ge [sflag:s7], $0x28  }
0x21f: {  	[sflag:s7] =	ssyncset.done $0x0  }
0x220: {  	[sflag:s7] =	ssyncadd.s32 $0xFFFFFFD8  }
0x221: {  	[bflag:$0x0] =	sbarrier.arrive $0xFFFF  }
0x222: {  	[tilespmem:s20], [sflag:$0x8] =	stream.linear.gather [spmem:s10], $0x1400, $0x38;
	[tilespmem:$0x1A960] =	vst v63  }
0x223: {  	_ =	swait.ge [sflag:s12], $0x1400  }
0x224: {  	[sflag:s12] =	ssyncset.done $0x0  }
0x225: {  	s8 =	rddreg [dreg:$0x4];
	[sflag:s12] =	ssyncadd.s32 $0xFFFFEC00  }
0x226: {  	[hbm4b:s8+s1] =	stream.linear.scatter [tilespmem:s20], [sflag:$0x8], $0x1400, $0x38;
	[tilespmem:$0x1A960] =	vst v63  }
0x227: {  	_ =	swait.ge [sflag:s12], $0x1400  }
0x228: {  	[sflag:s12] =	ssyncset.done $0x0  }
0x229: {  	[sflag:s12] =	ssyncadd.s32 $0xFFFFEC00  }
0x22a: {  	[tilespmem:s20], [sflag:$0x8] =	stream.linear.gather [spmem:s11], $0x1400, $0x38;
	[tilespmem:$0x1A960] =	vst v63  }
0x22b: {  	_ =	swait.ge [sflag:s12], $0x1400  }
0x22c: {  	[sflag:s12] =	ssyncset.done $0x0  }
0x22d: {  	s9 =	rddreg [dreg:$0x5];
	[sflag:s12] =	ssyncadd.s32 $0xFFFFEC00  }
0x22e: {  	[hbm4b:s9+s1] =	stream.linear.scatter [tilespmem:s20], [sflag:$0x8], $0x1400, $0x38;
	[tilespmem:$0x1A960] =	vst v63  }
0x22f: {  	_ =	swait.ge [sflag:s12], $0x1400  }
0x230: {  	[sflag:s12] =	ssyncset.done $0x0  }
0x231: {  	s7 =	rddreg [dreg:$0x14];
	[sflag:s12] =	ssyncadd.s32 $0xFFFFEC00  }
0x232: {  	[tilespmem:s20], [sflag:$0x8] =	stream.linear.gather [spmem:s7], $0x1400, $0x38;
	[tilespmem:$0x1A960] =	vst v63  }
0x233: {  	_ =	swait.ge [sflag:s12], $0x1400  }
0x234: {  	[sflag:s12] =	ssyncset.done $0x0  }
0x235: {  	s17 =	smov.u32 s10;
	s10 =	rddreg [dreg:$0x6];
	[sflag:s12] =	ssyncadd.s32 $0xFFFFEC00  }
0x236: {  	[hbm4b:s10+s1] =	stream.linear.scatter [tilespmem:s20], [sflag:$0x8], $0x1400, $0x38;
	[tilespmem:$0x1A960] =	vst v63  }
0x237: {  	_ =	swait.ge [sflag:s12], $0x1400  }
0x238: {  	[sflag:s12] =	ssyncset.done $0x0  }
0x239: {  	s8 =	rddreg [dreg:$0x15];
	[sflag:s12] =	ssyncadd.s32 $0xFFFFEC00  }
0x23a: {  	[tilespmem:s20], [sflag:$0x8] =	stream.linear.gather [spmem:s8], $0x1400, $0x38;
	[tilespmem:$0x1A960] =	vst v63  }
0x23b: {  	_ =	swait.ge [sflag:s12], $0x1400  }
0x23c: {  	[sflag:s12] =	ssyncset.done $0x0  }
0x23d: {  	s31 =	smov.u32 s11;
	s11 =	rddreg [dreg:$0x7];
	[sflag:s12] =	ssyncadd.s32 $0xFFFFEC00  }
0x23e: {  	[hbm4b:s11+s1] =	stream.linear.scatter [tilespmem:s20], [sflag:$0x8], $0x1400, $0x38;
	[tilespmem:$0x1A960] =	vst v63  }
0x23f: {  	_ =	swait.ge [sflag:s12], $0x1400  }
0x240: {  	[sflag:s12] =	ssyncset.done $0x0  }
0x241: {  	s9 =	rddreg [dreg:$0x16];
	[sflag:s12] =	ssyncadd.s32 $0xFFFFEC00  }
0x242: {  	[tilespmem:s20], [sflag:$0x8] =	stream.linear.gather [spmem:s9], $0x1400, $0x38;
	[tilespmem:$0x1A960] =	vst v63  }
0x243: {  	_ =	swait.ge [sflag:s12], $0x1400  }
0x244: {  	[sflag:s12] =	ssyncset.done $0x0  }
0x245: {  	s2 =	rddreg [dreg:$0x8];
	[sflag:s12] =	ssyncadd.s32 $0xFFFFEC00  }
0x246: {  	[hbm4b:s2+s1] =	stream.linear.scatter [tilespmem:s20], [sflag:$0x8], $0x1400, $0x38;
	[tilespmem:$0x1A960] =	vst v63  }
0x247: {  	_ =	swait.ge [sflag:s12], $0x1400  }
0x248: {  	[sflag:s12] =	ssyncset.done $0x0  }
0x249: {  	s3 =	rddreg [dreg:$0x17];
	[sflag:s12] =	ssyncadd.s32 $0xFFFFEC00  }
0x24a: {  	[tilespmem:s20], [sflag:$0x8] =	stream.linear.gather [spmem:s3], $0x1400, $0x38;
	[tilespmem:$0x1A960] =	vst v63  }
0x24b: {  	_ =	swait.ge [sflag:s12], $0x1400  }
0x24c: {  	[sflag:s12] =	ssyncset.done $0x0  }
0x24d: {  	s4 =	rddreg [dreg:$0x9];
	[sflag:s12] =	ssyncadd.s32 $0xFFFFEC00  }
0x24e: {  	[hbm4b:s4+s1] =	stream.linear.scatter [tilespmem:s20], [sflag:$0x8], $0x1400, $0x38;
	[tilespmem:$0x1A960] =	vst v63  }
0x24f: {  	_ =	swait.ge [sflag:s12], $0x1400  }
0x250: {  	[sflag:s12] =	ssyncset.done $0x0  }
0x251: {  	s6 =	rddreg [dreg:$0x18];
	[sflag:s12] =	ssyncadd.s32 $0xFFFFEC00  }
0x252: {  	[tilespmem:s20], [sflag:$0x8] =	stream.linear.gather [spmem:s6], $0x1400, $0x38;
	[tilespmem:$0x1A960] =	vst v63  }
0x253: {  	_ =	swait.ge [sflag:s12], $0x1400  }
0x254: {  	[sflag:s12] =	ssyncset.done $0x0  }
0x255: {  	s10 =	rddreg [dreg:$0xa];
	[sflag:s12] =	ssyncadd.s32 $0xFFFFEC00  }
0x256: {  	[hbm4b:s10+s1] =	stream.linear.scatter [tilespmem:s20], [sflag:$0x8], $0x1400, $0x38;
	[tilespmem:$0x1A960] =	vst v63  }
0x257: {  	_ =	swait.ge [sflag:s12], $0x1400  }
0x258: {  	[sflag:s12] =	ssyncset.done $0x0  }
0x259: {  	s11 =	rddreg [dreg:$0x19];
	[sflag:s12] =	ssyncadd.s32 $0xFFFFEC00  }
0x25a: {  	[tilespmem:s20], [sflag:$0x8] =	stream.linear.gather [spmem:s11], $0x1400, $0x38;
	[tilespmem:$0x1A960] =	vst v63  }
0x25b: {  	_ =	swait.ge [sflag:s12], $0x1400  }
0x25c: {  	[sflag:s12] =	ssyncset.done $0x0  }
0x25d: {  	s2 =	rddreg [dreg:$0xb];
	[sflag:s12] =	ssyncadd.s32 $0xFFFFEC00  }
0x25e: {  	[hbm4b:s2+s1] =	stream.linear.scatter [tilespmem:s20], [sflag:$0x8], $0x1400, $0x38;
	[tilespmem:$0x1A960] =	vst v63  }
0x25f: {  	_ =	swait.ge [sflag:s12], $0x1400  }
0x260: {  	[sflag:s12] =	ssyncset.done $0x0  }
0x261: {  	s3 =	rddreg [dreg:$0x1a];
	[sflag:s12] =	ssyncadd.s32 $0xFFFFEC00  }
0x262: {  	[tilespmem:s20], [sflag:$0x8] =	stream.linear.gather [spmem:s3], $0x1400, $0x38;
	[tilespmem:$0x1A960] =	vst v63  }
0x263: {  	_ =	swait.ge [sflag:s12], $0x1400  }
0x264: {  	[sflag:s12] =	ssyncset.done $0x0  }
0x265: {  	s4 =	rddreg [dreg:$0xc];
	[sflag:s12] =	ssyncadd.s32 $0xFFFFEC00  }
0x266: {  	[hbm4b:s4+s1] =	stream.linear.scatter [tilespmem:s20], [sflag:$0x8], $0x1400, $0x38;
	[tilespmem:$0x1A960] =	vst v63  }
0x267: {  	_ =	swait.ge [sflag:s12], $0x1400  }
0x268: {  	[sflag:s12] =	ssyncset.done $0x0  }
0x269: {  	s6 =	rddreg [dreg:$0x1b];
	[sflag:s12] =	ssyncadd.s32 $0xFFFFEC00  }
0x26a: {  	[tilespmem:s20], [sflag:$0x8] =	stream.linear.gather [spmem:s6], $0x1400, $0x38;
	[tilespmem:$0x1A960] =	vst v63  }
0x26b: {  	_ =	swait.ge [sflag:s12], $0x1400  }
0x26c: {  	[sflag:s12] =	ssyncset.done $0x0  }
0x26d: {  	s10 =	rddreg [dreg:$0xd];
	[sflag:s12] =	ssyncadd.s32 $0xFFFFEC00  }
0x26e: {  	[hbm4b:s10+s1] =	stream.linear.scatter [tilespmem:s20], [sflag:$0x8], $0x1400, $0x38;
	[tilespmem:$0x1A960] =	vst v63  }
0x26f: {  	_ =	swait.ge [sflag:s12], $0x1400  }
0x270: {  	[sflag:s12] =	ssyncset.done $0x0  }
0x271: {  	s11 =	rddreg [dreg:$0x1c];
	[sflag:s12] =	ssyncadd.s32 $0xFFFFEC00  }
0x272: {  	[tilespmem:s20], [sflag:$0x8] =	stream.linear.gather [spmem:s11], $0x1400, $0x38;
	[tilespmem:$0x1A960] =	vst v63  }
0x273: {  	_ =	swait.ge [sflag:s12], $0x1400  }
0x274: {  	[sflag:s12] =	ssyncset.done $0x0  }
0x275: {  	s2 =	rddreg [dreg:$0xe];
	[sflag:s12] =	ssyncadd.s32 $0xFFFFEC00  }
0x276: {  	[hbm4b:s2+s1] =	stream.linear.scatter [tilespmem:s20], [sflag:$0x8], $0x1400, $0x38;
	[tilespmem:$0x1A960] =	vst v63  }
0x277: {  	_ =	swait.ge [sflag:s12], $0x1400  }
0x278: {  	[sflag:s12] =	ssyncset.done $0x0  }
0x279: {  	s3 =	rddreg [dreg:$0x1d];
	[sflag:s12] =	ssyncadd.s32 $0xFFFFEC00  }
0x27a: {  	[tilespmem:s20], [sflag:$0x8] =	stream.linear.gather [spmem:s3], $0x1400, $0x38;
	[tilespmem:$0x1A960] =	vst v63  }
0x27b: {  	_ =	swait.ge [sflag:s12], $0x1400  }
0x27c: {  	[sflag:s12] =	ssyncset.done $0x0  }
0x27d: {  	s4 =	rddreg [dreg:$0xf];
	[sflag:s12] =	ssyncadd.s32 $0xFFFFEC00  }
0x27e: {  	[hbm4b:s4+s1] =	stream.linear.scatter [tilespmem:s20], [sflag:$0x8], $0x1400, $0x38;
	[tilespmem:$0x1A960] =	vst v63  }
0x27f: {  	_ =	swait.ge [sflag:s12], $0x1400  }
0x280: {  	[sflag:s12] =	ssyncset.done $0x0  }
0x281: {  	s6 =	rddreg [dreg:$0x1e];
	[sflag:s12] =	ssyncadd.s32 $0xFFFFEC00  }
0x282: {  	[tilespmem:s20], [sflag:$0x8] =	stream.linear.gather [spmem:s6], $0x1400, $0x38;
	[tilespmem:$0x1A960] =	vst v63  }
0x283: {  	_ =	swait.ge [sflag:s12], $0x1400  }
0x284: {  	[sflag:s12] =	ssyncset.done $0x0  }
0x285: {  	s10 =	rddreg [dreg:$0x10];
	[sflag:s12] =	ssyncadd.s32 $0xFFFFEC00  }
0x286: {  	[hbm4b:s10+s1] =	stream.linear.scatter [tilespmem:s20], [sflag:$0x8], $0x1400, $0x38;
	[tilespmem:$0x1A960] =	vst v63  }
0x287: {  	_ =	swait.ge [sflag:s12], $0x1400  }
0x288: {  	[sflag:s12] =	ssyncset.done $0x0  }
0x289: {  	s11 =	rddreg [dreg:$0x1f];
	[sflag:s12] =	ssyncadd.s32 $0xFFFFEC00  }
0x28a: {  	[tilespmem:s20], [sflag:$0x8] =	stream.linear.gather [spmem:s11], $0x1400, $0x38;
	[tilespmem:$0x1A960] =	vst v63  }
0x28b: {  	_ =	swait.ge [sflag:s12], $0x1400  }
0x28c: {  	[sflag:s12] =	ssyncset.done $0x0  }
0x28d: {  	s2 =	rddreg [dreg:$0x11];
	[sflag:s12] =	ssyncadd.s32 $0xFFFFEC00  }
0x28e: {  	[hbm4b:s2+s1] =	stream.linear.scatter [tilespmem:s20], [sflag:$0x8], $0x1400, $0x38;
	[tilespmem:$0x1A960] =	vst v63  }
0x28f: {  	_ =	swait.ge [sflag:s12], $0x1400  }
0x290: {  	s3 =	sld [smem:$0x7F1]  }
0x291: {  	[sflag:s12] =	ssyncset.done $0x0  }
0x292: {  	[sflag:s12] =	ssyncadd.s32 $0xFFFFEC00  }
0x293: {  	[tilespmem:s20], [sflag:$0x8] =	stream.linear.gather [spmem:s3], $0x1400, $0x38;
	[tilespmem:$0x1A960] =	vst v63  }
0x294: {  	_ =	swait.ge [sflag:s12], $0x1400  }
0x295: {  	[sflag:s12] =	ssyncset.done $0x0  }
0x296: {  	s4 =	rddreg [dreg:$0x12];
	[sflag:s12] =	ssyncadd.s32 $0xFFFFEC00  }
0x297: {  	[hbm4b:s4+s1] =	stream.linear.scatter [tilespmem:s20], [sflag:$0x8], $0x1400, $0x38;
	[tilespmem:$0x1A960] =	vst v63  }
0x298: {  	_ =	swait.ge [sflag:s12], $0x1400  }
0x299: {  	s6 =	sld [smem:$0x7F2]  }
0x29a: {  	[sflag:s12] =	ssyncset.done $0x0  }
0x29b: {  	[sflag:s12] =	ssyncadd.s32 $0xFFFFEC00  }
0x29c: {  	[tilespmem:s20], [sflag:$0x8] =	stream.linear.gather [spmem:s6], $0xC80, $0x38;
	[tilespmem:$0x1A960] =	vst v63  }
0x29d: {  	_ =	swait.ge [sflag:s12], $0xC80  }
0x29e: {  	[sflag:s12] =	ssyncset.done $0x0  }
0x29f: {  	s10 =	rddreg [dreg:$0x13];
	[sflag:s12] =	ssyncadd.s32 $0xFFFFF380  }
0x2a0: {  	[hbm4b:s10+s1] =	stream.linear.scatter [tilespmem:s20], [sflag:$0x8], $0xC80, $0x38;
	[tilespmem:$0x1A960] =	vst v63  }
0x2a1: {  	_ =	swait.ge [sflag:s12], $0xC80  }
0x2a2: {  	s11 =	sld [smem:$0x7FD];
	_ =	sdelay $0x1  }
0x2a3: {  	s30 =	sadd.s32 $0x1, s30  }
0x2a4: {  	p0 =	sne.s32 s30, s11  }
.Ltmp4:
0x2a5: {  	_ = 	snop;
	(pc) =	sbr.rel @p0 .LBB2_1-.Ltmp4, $3  }
0x2a6: {  	_ =	sdelay $0x1  }
0x2a7: {  	[sflag:s12] =	ssyncset.done $0x0  }
0x2a8: {  	[sflag:s12] =	ssyncadd.s32 $0xFFFFF380  }
0x2a9: {  	_ =	sfence.sel $0x180000  }
0x2aa: {  	[bflag:$0x0] =	sbarrier.arrive $0xFFFF  }
0x2ab: {  	_ =	strace $0x90000047  }
0x2ac: {  	s0 =	stileid.u32;
	[bflag:$0x2] =	sbarrier.arrive $0xFFFF  }
0x2ad: {  	p0 =	sne.s32 s0, $0x0;
	s0 =	rddreg [dreg:$0x3]  }
0x2ae: {  	s0 =	sadd.s32 @!p0 $0x100000, s0  }
0x2af: {  	[sflag:s0] =	ssyncadd.tile.s32 @!p0 $0x1;
	_ =	shalt  }
.Lfunc_end2:
_tile_overlayer_lowered:
.L_overlay_start_2:
0x2b0: {  	(tag) =	ssettag $0x2  }
0x2b1: {  	s0 =	rddreg [dreg:$0x0];
	s2 =	stileid.u32  }
0x2b2: {  	s1 =	rddreg [dreg:$0x1];
	p0 =	sne.s32 s2, $0x0  }
0x2b3: {  	s3 =	rddreg [dreg:$0x2];
	[bflag:$0x3] =	sbarrier.arrive $0xFFFF;
	s2 =	simm.s32 @!p0 $0x1C08  }
0x2b4: {  	[timem:s3], [sflag:s2] =	dma.local @!p0 [hbm:s0], s1  }
0x2b5: {  	s0 =	simm.s32 @!p0 $0x8  }
0x2b6: {  	_ =	swait.ge @!p0 [sflag:s0], s1  }
0x2b7: {  	s1 =	ssub.s32 @!p0 $0x0, s1;
	[sflag:s0] =	ssyncset.done @!p0 $0x0  }
0x2b8: {  	[sflag:s0] =	ssyncadd.s32 @!p0 s1  }
0x2b9: {  	[bflag:$0x3] =	sbarrier.arrive $0xFFFF  }
0x2ba: {  	_ =	shalt  }

// kernel: kernel.9.cloned.1.call-start
scs
__scs_entry_jumppad:
0x0: {  	(pc) =	sbr.rel $0x88, $3  }
0x1: {  	(tag) =	ssettag $0x0;
	lr =	simm.s32 $0x1  }
0x2: {  	[smem:$0x3F95] =	sst lr;
	_ =	strace $0xD0000000  }
0x3: {  	_ = 	snop  }
0x4: {  	_ = 	snop  }
0x5: {  	_ = 	snop  }
0x6: {  	_ = 	snop  }
0x7: {  	_ = 	snop  }
__scs_overlays_trampoline_lowered:
0x8: {  	[smem:$0x3FA4] =	sst s0  }
0x9: {  	[smem:$0x3FA5] =	sst s1  }
0xa: {  	[smem:$0x3FA6] =	sst s2  }
0xb: {  	[smem:$0x3FA7] =	sst s3  }
0xc: {  	[smem:$0x3FA8] =	sst s4  }
0xd: {  	[smem:$0x3FA9] =	sst s5  }
0xe: {  	[smem:$0x3FAA] =	sst s6  }
0xf: {  	[smem:$0x3FAB] =	sst s7  }
0x10: {  	[smem:$0x3FAC] =	sst s8  }
0x11: {  	[smem:$0x3FAD] =	sst s9;
	s0 =	simm.s32 @!p0 $0x0  }
0x12: {  	s1 =	sld [smem:$0x3F93];
	s0 =	simm.s32 @p0 $0x1  }
0x13: {  	[smem:$0x3FAE] =	sst s0;
	s0 =	simm.s32 @!p1 $0x0  }
0x14: {  	s2 =	sld [smem:$0x3F92];
	s0 =	simm.s32 @p1 $0x1  }
0x15: {  	[smem:$0x3FAF] =	sst s0;
	s0 =	simm.s32 @!p2 $0x0  }
0x16: {  	s3 =	sld [smem:$0x3FDB];
	s0 =	simm.s32 @p2 $0x1  }
0x17: {  	s4 =	simm.s32 $0x1BF5;
	[smem:$0x3FB1] =	sst s0  }
0x18: {  	s0 =	sld [smem:$0x3F94];
	_ =	swait.ge [sflag:s4], $0x0  }
0x19: {  	s7 =	sld [smem:$0x3F95]  }
0x1a: {  	s8 =	sadd.s32 $0xFFFFE003, lr  }
0x1b: {  	s9 =	sadd.s32 $0xFFFFFEF7, lr;
	s5 =	simm.s32 $0xFFFFFFFF;
	p2 =	slt.u32 s8, $0xFFFFF086  }
0x1c: {  	p1 =	slt.u32 s9, $0xF7A;
	s5 =	simm.s32 @!p2 $0x0  }
0x1d: {  	s5 =	simm.s32 @p1 $0x1;
	p0 =	seq.s32 s7, s2  }
0x1e: {  	s7 =	smul.u32 @!p0 $0xF7A, s2;
	p2 =	seq.s32 @!p0 s5, $0x0  }
0x1f: {  	s9 =	smul.u32 $0xF7A, s1;
	s8 =	simm.s32 @!p0 $0x1BF5;
	p2 =	por !p2, p0  }
0x20: {  	[sflag:s8] =	ssyncset.s32 @!p0 $0xFFFFF086;
	s6 =	sadd.s32 @!p0 s3, s7;
	s7 =	simm.s32 @!p0 $0x108  }
0x21: {  	s3 =	sadd.s32 s3, s9;
	s6 =	sadd.s32 @!p0 $0x88, s6;
	s7 =	simm.s32 @p2 $0x1082  }
0x22: {  	[simem:s7], [sflag:s8] =	dma.local @!p0 [hbm:s6], $0xF7A  }
0x23: {  	s9 =	sor.u32 $0xD0000000, s2;
	s6 =	simm.s32 $0x108;
	_ =	swait.ge @!p0 [sflag:s8], $0x0  }
0x24: {  	s3 =	sadd.s32 $0x88, s3;
	s6 =	simm.s32 @!p1 $0x1082;
	[sflag:s4] =	ssyncset.s32 $0xFFFFF086  }
0x25: {  	[simem:s6], [sflag:s4] =	dma.local [hbm:s3], $0xF7A  }
0x26: {  	[smem:$0x3F95] =	sst s1;
	(tag) =	ssettag s2;
	_ =	strace s9  }
0x27: {  	s1 =	sld [smem:$0x3FA5]  }
0x28: {  	s2 =	sld [smem:$0x3FA6]  }
0x29: {  	s4 =	sld [smem:$0x3FA8]  }
0x2a: {  	p0 =	seq.s32 s5, $0x0;
	s5 =	sld [smem:$0x3FA9]  }
0x2b: {  	s6 =	sld [smem:$0x3FAA]  }
0x2c: {  	s7 =	sld [smem:$0x3FAB]  }
0x2d: {  	s3 =	simm.s32 $0x108;
	s8 =	sld [smem:$0x3FAC]  }
0x2e: {  	s3 =	simm.s32 @!p0 $0x1082;
	s9 =	sld [smem:$0x3FAD]  }
0x2f: {  	lr =	sadd.s32 s0, s3;
	s0 =	sld [smem:$0x3FA4]  }
0x30: {  	s3 =	sld [smem:$0x3FA7]  }
0x31: {  	[smem:$0x3FB0] =	sst s10  }
0x32: {  	s10 =	sld [smem:$0x3FAE];
	_ =	sdelay $0x3  }
0x33: {  	p0 =	seq.s32 s10, $0x1;
	s10 =	sld [smem:$0x3FB0];
	_ =	sdelay $0x3  }
0x34: {  	[smem:$0x3FB0] =	sst s10  }
0x35: {  	s10 =	sld [smem:$0x3FAF];
	_ =	sdelay $0x3  }
0x36: {  	p1 =	seq.s32 s10, $0x1;
	s10 =	sld [smem:$0x3FB0];
	_ =	sdelay $0x3  }
0x37: {  	[smem:$0x3FB0] =	sst s10  }
0x38: {  	s10 =	sld [smem:$0x3FB1]  }
0x39: {  	_ = 	snop;
	(pc) =	sbr.ind lr, $3  }
0x3a: {  	_ = 	snop  }
0x3b: {  	_ = 	snop  }
0x3c: {  	p2 =	seq.s32 s10, $0x1;
	s10 =	sld [smem:$0x3FB0]  }
0x3d: {  	_ =	shalt  }
0x3e: {  	_ =	shalt  }
0x3f: {  	_ =	shalt  }
0x40: {  	_ =	shalt  }
0x41: {  	_ =	shalt  }
0x42: {  	_ =	shalt  }
0x43: {  	_ =	shalt  }
0x44: {  	_ =	shalt  }
0x45: {  	_ =	shalt  }
0x46: {  	_ =	shalt  }
0x47: {  	_ =	shalt  }
0x48: {  	_ =	shalt  }
0x49: {  	_ =	shalt  }
0x4a: {  	_ =	shalt  }
0x4b: {  	_ =	shalt  }
0x4c: {  	_ =	shalt  }
0x4d: {  	_ =	shalt  }
0x4e: {  	_ =	shalt  }
0x4f: {  	_ =	shalt  }
0x50: {  	_ =	shalt  }
0x51: {  	_ =	shalt  }
0x52: {  	_ =	shalt  }
0x53: {  	_ =	shalt  }
0x54: {  	_ =	shalt  }
0x55: {  	_ =	shalt  }
0x56: {  	_ =	shalt  }
0x57: {  	_ =	shalt  }
0x58: {  	_ =	shalt  }
0x59: {  	_ =	shalt  }
0x5a: {  	_ =	shalt  }
0x5b: {  	_ =	shalt  }
0x5c: {  	_ =	shalt  }
0x5d: {  	_ =	shalt  }
0x5e: {  	_ =	shalt  }
0x5f: {  	_ =	shalt  }
0x60: {  	_ =	shalt  }
0x61: {  	_ =	shalt  }
0x62: {  	_ =	shalt  }
0x63: {  	_ =	shalt  }
0x64: {  	_ =	shalt  }
0x65: {  	_ =	shalt  }
0x66: {  	_ =	shalt  }
0x67: {  	_ =	shalt  }
0x68: {  	_ =	shalt  }
0x69: {  	_ =	shalt  }
0x6a: {  	_ =	shalt  }
0x6b: {  	_ =	shalt  }
0x6c: {  	_ =	shalt  }
0x6d: {  	_ =	shalt  }
0x6e: {  	_ =	shalt  }
0x6f: {  	_ =	shalt  }
0x70: {  	_ =	shalt  }
0x71: {  	_ =	shalt  }
0x72: {  	_ =	shalt  }
0x73: {  	_ =	shalt  }
0x74: {  	_ =	shalt  }
0x75: {  	_ =	shalt  }
0x76: {  	_ =	shalt  }
0x77: {  	_ =	shalt  }
0x78: {  	_ =	shalt  }
0x79: {  	_ =	shalt  }
0x7a: {  	_ =	shalt  }
0x7b: {  	_ =	shalt  }
0x7c: {  	_ =	shalt  }
0x7d: {  	_ =	shalt  }
0x7e: {  	_ =	shalt  }
0x7f: {  	_ =	shalt  }
0x80: {  	_ =	shalt  }
0x81: {  	_ =	shalt  }
0x82: {  	_ =	shalt  }
0x83: {  	_ =	shalt  }
0x84: {  	_ =	shalt  }
0x85: {  	_ =	shalt  }
0x86: {  	_ =	shalt  }
0x87: {  	_ =	shalt  }
.Lfunc_end0:
.L_simem_size_0:
called_computation.1_lowered:
.L_overlay_start_0:
0x88: {  	s2 =	sld [smem:$0x3FD9]  }
0x89: {  	s3 =	sld [smem:$0x3FFE];
	_ =	sdelay $0x1  }
0x8a: {  	s1 =	srdreg.scid  }
0x8b: {  	s0 =	sand.u32 $0x1, s1  }
0x8c: {  	s17 =	sshll.u32 s0, $0xA;
	s2 =	sadd.s32 s3, s2  }
0x8d: {  	s2 =	sadd.s32 s2, s17  }
0x8e: {  	[smem:$0x3FBC] =	sst s2  }
0x8f: {  	_ = 	snop  }
0x90: {  	s2 =	sld [smem:$0x3FD0];
	(tm) =	ssettm $0x1  }
0x91: {  	s18 =	sld [smem:$0x3FFB];
	_ =	sdelay $0x3  }
0x92: {  	_ =	strace s18  }
0x93: {  	s3 =	sld [smem:$0x3FFC];
	_ =	sdelay $0x3  }
0x94: {  	_ =	strace s3  }
0x95: {  	s3 =	sld [smem:$0x3FFD];
	_ =	sdelay $0x3  }
0x96: {  	_ =	strace s3  }
0x97: {  	_ =	strace $0x8FFFFFFF  }
0x98: {  	s19 =	sld [smem:$0x3FDB];
	_ =	sdelay $0x1  }
0x99: {  	s4 =	simm.s32 $_scs_section_size  }
0x9a: {  	s5 =	simm.s32 $_size__tile_overlayer_lowered;
	s6 =	simm.s32 $_tile_overlayer_lowered  }
0x9b: {  	s22 =	simm.s32 $0x1BFF;
	s21 =	sshll.u32 s6, $0x1;
	s3 =	sadd.s32 s4, s19  }
0x9c: {  	s7 =	simm.s32 $0x0;
	s20 =	sshll.u32 s5, $0x1;
	s5 =	sadd.s32 s21, s3  }
0x9d: {  	[timem:s7], [sflag:s22] =	dma.local [hbm:s5], s20  }
0x9e: {  	_ =	swait.ge [sflag:s22], s20  }
0x9f: {  	s4 =	ssub.s32 $0x0, s20;
	[sflag:s22] =	ssyncset.done $0x0  }
0xa0: {  	[sflag:s22] =	ssyncadd.s32 s4;
	_ =	sdelay $0x1  }
0xa1: {  	s23 =	simm.s32 $0x1B8B  }
0xa2: {  	_ =	swait.ge [sflag:s23], $0x1  }
0xa3: {  	[sflag:s23] =	ssyncset.done $0x0  }
0xa4: {  	s25 =	simm.s32 $0x1B8E;
	s24 =	sld [smem:$0x3FFE];
	[sflag:s23] =	ssyncadd.s32 $0xFFFFFFFF  }
0xa5: {  	s26 =	simm.s32 $execute0_lowered;
	[smem:$0x3FD2] =	sst s25  }
0xa6: {  	s5 =	sshll.u32 s26, $0x1;
	_ =	strace $0x80000049;
	[dreg:$0x1] =	wrdreg $0xFFFFFFFF  }
0xa7: {  	s28 =	simm.s32 $_size_execute0_lowered;
	s3 =	sadd.s32 s3, s5;
	[dreg:$0x0] =	wrdreg $0x0  }
0xa8: {  	s5 =	sshll.u32 s28, $0x1;
	[dreg:$0x2] =	wrdreg s3  }
0xa9: {  	[dreg:$0x3] =	wrdreg s5  }
0xaa: {  	[dreg:$0x4] =	wrdreg $0xC0  }
0xab: {  	_ =	task [dreg:s7], $0x5FFFF  }
0xac: {  	[dreg:$0x1] =	wrdreg $0xFFFFFFFF  }
0xad: {  	[dreg:$0x0] =	wrdreg $0x60  }
0xae: {  	[dreg:$0x2] =	wrdreg s24  }
0xaf: {  	[dreg:$0x3] =	wrdreg s2  }
0xb0: {  	[dreg:$0x4] =	wrdreg $0x4FB00  }
0xb1: {  	[dreg:$0x5] =	wrdreg $0x9  }
0xb2: {  	_ =	task.clear_ibuf [dreg:s7], $0x6FFFF;
	_ =	strace $0x90000049  }
0xb3: {  	s29 =	simm.s32 $0x9;
	_ =	strace $0x8000004B  }
0xb4: {  	_ =	swait.ge [sflag:s29], $0x1  }
0xb5: {  	[sflag:s29] =	ssyncadd.s32 $0xFFFFFFFF  }
0xb6: {  	_ =	strace $0x9000004B  }
0xb7: {  	_ =	sfence  }
0xb8: {  	s30 =	sld [smem:$0x0];
	_ =	sdelay $0x2  }
0xb9: {  	s31 =	sshll.u32 s1, $0xD;
	s1 =	sshrl.u32 s1, $0x2  }
0xba: {  	s3 =	sand.u32 $0x4000, s31;
	s1 =	sadd.s32 s1, s30  }
0xbb: {  	s0 =	sor.u32 s3, s0;
	s1 =	sshll.u32 s1, $0x11  }
0xbc: {  	s0 =	sor.u32 s1, s0  }
0xbd: {  	s0 =	sadd.s32 $0x8F2B, s0  }
0xbe: {  	[sflag:s0] =	ssyncadd.remote.s32 $0x1  }
0xbf: {  	_ =	sfence.sel $0xFFFF  }
0xc0: {  	[dreg:$0x0] =	wrdreg $0xFFFFFFFF;
	(pc) =	sbr.abs _section_cstart, $3  }
0xc1: {  	[dreg:$0x1] =	wrdreg $0xFFFFFFFF  }
0xc2: {  	_ =	task.clear_ibuf [dreg:s7], $0x2FFFF;
	_ =	strace $0x9FFFFFFF  }
0xc3: {  	(tm) =	ssettm $0x7FFFFFFF  }
tec
execute0_lowered:
.L_overlay_start_1:
0x0: {  	(tag) =	ssettag $0x1  }
0x1: {  	s0 =	rddreg [dreg:$0x0]  }
0x2: {  	s3 =	rddreg [dreg:$0x1]  }
0x3: {  	s1 =	rddreg [dreg:$0x2];
	s2 =	simm.s32 $0x0;
	s5 =	srdreg.scid  }
0x4: {  	s9 =	stileid.u32;
	s28 =	simm.s32 $0x3E8;
	s29 =	simm.s32 $0x1130  }
0x5: {  	s30 =	simm.s32 $0xC8;
	s31 =	simm.s32 $0x1;
	[smem:$0x7FF] =	sst s2  }
0x6: {  	s4 =	sadd.s32 $0xA5000, s0;
	s12 =	sand.u32 $0x1, s5;
	s5 =	sadd.s32 $0x525200, s0  }
0x7: {  	s13 =	smul.u32 $0x4E20, s9;
	s6 =	sadd.s32 $0x4D000, s0;
	_ =	strace $0x8000004A  }
0x8: {  	s7 =	ssub.s32 $0x2, s12;
	s8 =	sshll.u32 s12, $0x4;
	s12 =	smul.u32 $0x4E200, s12  }
0x9: {  	s25 =	sshrl.u32 s7, $0x1;
	s14 =	sor.u32 s9, s8;
	s15 =	sadd.s32 $0x1900, s13  }
0xa: {  	s16 =	sadd.s32 $0x3200, s13;
	s17 =	sadd.s32 $0x4B00, s13;
	s0 =	ssub.s32 s7, s25  }
0xb: {  	s7 =	sadd.s32 s13, s1;
	s8 =	smul.u32 $0x2710, s14;
	s9 =	sadd.s32 s15, s1  }
0xc: {  	s10 =	sadd.s32 s16, s1;
	s11 =	sadd.s32 s17, s1;
	s13 =	sadd.s32 s13, s12  }
0xd: {  	s24 =	sadd.s32 s12, s15;
	s25 =	sadd.s32 s12, s16;
	s12 =	sadd.s32 s12, s17  }
0xe: {  	s14 =	smul.u32 $0x4E20, s14;
	s13 =	sshrl.u32 s13, $0x3;
	s12 =	sshrl.u32 s12, $0x3  }
0xf: {  	s0 =	smax.u32 s0, $0x1;
	s18 =	sshrl.u32 s8, $0x3;
	s26 =	sadd.s32 $0xC8, s8  }
0x10: {  	s14 =	sadd.s32 s5, s14;
	s13 =	sadd.s32 s3, s13;
	[dreg:$0xe] =	wrdreg s0  }
0x11: {  	s0 =	simm.s32 $0x2;
	s19 =	sadd.s32 s4, s18;
	[dreg:$0x5] =	wrdreg s14  }
0x12: {  	s20 =	sadd.s32 s6, s18;
	s21 =	sshrl.u32 s26, $0x3;
	[dreg:$0xa] =	wrdreg s13  }
0x13: {  	s23 =	sshll.u32 s26, $0x1;
	s13 =	sshrl.u32 s24, $0x3;
	[dreg:$0x4] =	wrdreg s19  }
0x14: {  	s24 =	simm.s32 $0x5;
	[dreg:$0x6] =	wrdreg s20;
	s22 =	sadd.s32 s4, s21  }
0x15: {  	s18 =	sadd.s32 s5, s23;
	s14 =	sadd.s32 s6, s21;
	[dreg:$0x7] =	wrdreg s22  }
.Ltmp0:
0x16: {  	s13 =	sadd.s32 s3, s13;
	[dreg:$0x8] =	wrdreg s18;
	(pc) =	sbr.rel .LBB2_1-.Ltmp0, $4  }
0x17: {  	s23 =	simm.s32 $0x1DB0;
	[dreg:$0x9] =	wrdreg s14;
	s14 =	sshrl.u32 s25, $0x3  }
0x18: {  	[dreg:$0xb] =	wrdreg s13;
	s25 =	simm.s32 $0x320;
	s26 =	sadd.s32 s3, s14  }
0x19: {  	s13 =	simm.s32 $0x0;
	s3 =	sadd.s32 s3, s12;
	[dreg:$0xc] =	wrdreg s26  }
0x1a: {  	v0 =	vimm.f32 $0.0e+00;
	vm0 =	vmmov $0x1;
	s12 =	simm.s32 $0x4;
	[dreg:$0xd] =	wrdreg s3;
	s3 =	simm.s32 $0x36B0  }
.LBB2_10:
0x1b: {  	s14 =	simm.s32 $0x3  }
0x1c: {  	_ =	swait.ge [sflag:s14], $0x1900  }
0x1d: {  	[sflag:s14] =	ssyncset.done $0x0  }
0x1e: {  	[sflag:s14] =	ssyncadd.s32 $0xFFFFE700  }
0x1f: {  	_ =	swait.ge [sflag:s12], $0x1900  }
0x20: {  	[sflag:s12] =	ssyncset.done $0x0  }
0x21: {  	[sflag:s12] =	ssyncadd.s32 $0xFFFFE700  }
0x22: {  	[bflag:$0x0] =	sbarrier.arrive $0xFFFF  }
0x23: {  	[tilespmem:s23], [sflag:$0x5] =	stream.linear.gather [spmem:s7], $0x1900, $0x38;
	[tilespmem:$0x9DD0] =	vst v63  }
0x24: {  	_ =	swait.ge [sflag:s24], $0x1900  }
0x25: {  	[sflag:s24] =	ssyncset.done $0x0  }
0x26: {  	s19 =	rddreg [dreg:$0xa];
	[sflag:s24] =	ssyncadd.s32 $0xFFFFE700  }
0x27: {  	[hbm4b:s19+s2] =	stream.linear.scatter [tilespmem:s23], [sflag:$0x5], $0x1900, $0x38;
	[tilespmem:$0x9DD0] =	vst v63  }
0x28: {  	_ =	swait.ge [sflag:s24], $0x1900  }
0x29: {  	[sflag:s24] =	ssyncset.done $0x0  }
0x2a: {  	[sflag:s24] =	ssyncadd.s32 $0xFFFFE700  }
0x2b: {  	[tilespmem:s23], [sflag:$0x5] =	stream.linear.gather [spmem:s9], $0x1900, $0x38;
	[tilespmem:$0x9DD0] =	vst v63  }
0x2c: {  	_ =	swait.ge [sflag:s24], $0x1900  }
0x2d: {  	[sflag:s24] =	ssyncset.done $0x0  }
0x2e: {  	s20 =	rddreg [dreg:$0xb];
	[sflag:s24] =	ssyncadd.s32 $0xFFFFE700  }
0x2f: {  	[hbm4b:s20+s2] =	stream.linear.scatter [tilespmem:s23], [sflag:$0x5], $0x1900, $0x38;
	[tilespmem:$0x9DD0] =	vst v63  }
0x30: {  	_ =	swait.ge [sflag:s24], $0x1900  }
0x31: {  	[sflag:s24] =	ssyncset.done $0x0  }
0x32: {  	[sflag:s24] =	ssyncadd.s32 $0xFFFFE700  }
0x33: {  	[tilespmem:s23], [sflag:$0x5] =	stream.linear.gather [spmem:s10], $0x1900, $0x38;
	[tilespmem:$0x9DD0] =	vst v63  }
0x34: {  	_ =	swait.ge [sflag:s24], $0x1900  }
0x35: {  	[sflag:s24] =	ssyncset.done $0x0  }
0x36: {  	s21 =	rddreg [dreg:$0xc];
	[sflag:s24] =	ssyncadd.s32 $0xFFFFE700  }
0x37: {  	[hbm4b:s21+s2] =	stream.linear.scatter [tilespmem:s23], [sflag:$0x5], $0x1900, $0x38;
	[tilespmem:$0x9DD0] =	vst v63  }
0x38: {  	_ =	swait.ge [sflag:s24], $0x1900  }
0x39: {  	[sflag:s24] =	ssyncset.done $0x0  }
0x3a: {  	[sflag:s24] =	ssyncadd.s32 $0xFFFFE700  }
0x3b: {  	[tilespmem:s23], [sflag:$0x5] =	stream.linear.gather [spmem:s11], $0x320, $0x38;
	[tilespmem:$0x9DD0] =	vst v63  }
0x3c: {  	_ =	swait.ge [sflag:s24], $0x320  }
0x3d: {  	[sflag:s24] =	ssyncset.done $0x0  }
0x3e: {  	s22 =	rddreg [dreg:$0xd];
	[sflag:s24] =	ssyncadd.s32 $0xFFFFFCE0  }
0x3f: {  	[hbm4b:s22+s2] =	stream.linear.scatter [tilespmem:s23], [sflag:$0x5], $0x320, $0x38;
	[tilespmem:$0x9DD0] =	vst v63  }
0x40: {  	_ =	swait.ge [sflag:s24], $0x320  }
0x41: {  	s13 =	sadd.s32 $0x1, s13;
	s26 =	rddreg [dreg:$0xe]  }
0x42: {  	p0 =	sne.s32 s13, s26  }
.Ltmp1:
0x43: {  	_ = 	snop;
	(pc) =	sbr.rel @!p0 .LBB2_11-.Ltmp1, $3  }
0x44: {  	_ =	sdelay $0x1  }
0x45: {  	[sflag:s24] =	ssyncset.done $0x0  }
0x46: {  	[sflag:s24] =	ssyncadd.s32 $0xFFFFFCE0  }
.LBB2_1:
0x47: {  	s14 =	simm.s32 $0x80;
	s15 =	simm.s32 $0x0  }
.LBB2_2:
0x48: {  	p0 =	sne.s32 s14, $0x6380;
	[tilespmem:s15+$0x1DB0] =	vst v0;
	s16 =	smov.u32 s14;
	s14 =	sadd.s32 $0x80, s14  }
.Ltmp2:
0x49: {  	[tilespmem:s15+$0x1DC0] =	vst v0;
	(pc) =	sbr.rel @p0 .LBB2_2-.Ltmp2, $2  }
0x4a: {  	_ =	sdelay $0x2  }
0x4b: {  	s15 =	sshra.s32 s16, $0x2  }
0x4c: {  	[tilespmem:s15+$0x1DB0] =	vst v0  }
0x4d: {  	[tilespmem:s15+$0x1DC0] =	vst v0  }
0x4e: {  	[spmem:s7] =	stream.linear.scatter [tilespmem:s23], [sflag:$0x5], $0x1900, $0x38;
	[tilespmem:$0x9DD0] =	vst v63  }
0x4f: {  	_ =	swait.ge [sflag:s24], $0x1900  }
0x50: {  	[sflag:s24] =	ssyncset.done $0x0  }
0x51: {  	[sflag:s24] =	ssyncadd.s32 $0xFFFFE700  }
0x52: {  	[spmem:s9] =	stream.linear.scatter [tilespmem:s23], [sflag:$0x5], $0x1900, $0x38;
	[tilespmem:$0x9DD0] =	vst v63  }
0x53: {  	_ =	swait.ge [sflag:s24], $0x1900  }
0x54: {  	[sflag:s24] =	ssyncset.done $0x0  }
0x55: {  	[sflag:s24] =	ssyncadd.s32 $0xFFFFE700  }
0x56: {  	[spmem:s10] =	stream.linear.scatter [tilespmem:s23], [sflag:$0x5], $0x1900, $0x38;
	[tilespmem:$0x9DD0] =	vst v63  }
0x57: {  	_ =	swait.ge [sflag:s24], $0x1900  }
0x58: {  	[sflag:s24] =	ssyncset.done $0x0  }
0x59: {  	[sflag:s24] =	ssyncadd.s32 $0xFFFFE700  }
0x5a: {  	[spmem:s11] =	stream.linear.scatter [tilespmem:s23], [sflag:$0x5], $0x320, $0x38;
	[tilespmem:$0x9DD0] =	vst v63  }
0x5b: {  	_ =	swait.ge [sflag:s24], $0x320  }
0x5c: {  	[sflag:s24] =	ssyncset.done $0x0  }
0x5d: {  	[sflag:s24] =	ssyncadd.s32 $0xFFFFFCE0  }
0x5e: {  	[bflag:$0x0] =	sbarrier.arrive $0xFFFF  }
0x5f: {  	s14 =	simm.s32 $0x0;
	s18 =	rddreg [dreg:$0x4]  }
0x60: {  	[tilespmem:s25], [sflag:$0x1] =	stream.linear.gather [hbm4b:s18+s14], $0xC8, $0x38;
	[tilespmem:$0x9DD0] =	vst v63  }
0x61: {  	s16 =	simm.s32 $0x4B0;
	s19 =	rddreg [dreg:$0x5]  }
0x62: {  	[tilespmem:s16], [sflag:$0x1] =	stream.linear.gather [hbm4b:s19+s14], $0xC80, $0x38;
	[tilespmem:$0x9DD0] =	vst v63  }
0x63: {  	s20 =	rddreg [dreg:$0x6]  }
0x64: {  	[tilespmem:s14], [sflag:$0x1] =	stream.linear.gather [hbm4b:s20+s14], $0xC8, $0x38;
	[tilespmem:$0x9DD0] =	vst v63  }
0x65: {  	s21 =	rddreg [dreg:$0x7]  }
0x66: {  	[tilespmem:s28], [sflag:$0x2] =	stream.linear.gather [hbm4b:s21+s14], $0xC8, $0x38;
	[tilespmem:$0x9DD0] =	vst v63  }
0x67: {  	s22 =	rddreg [dreg:$0x8]  }
0x68: {  	[tilespmem:s29], [sflag:$0x2] =	stream.linear.gather [hbm4b:s22+s14], $0xC80, $0x38;
	[tilespmem:$0x9DD0] =	vst v63  }
0x69: {  	s15 =	simm.s32 $0x0;
	s26 =	rddreg [dreg:$0x9]  }
0x6a: {  	[tilespmem:s30], [sflag:$0x2] =	stream.linear.gather [hbm4b:s26+s14], $0xC8, $0x38;
	[tilespmem:$0x9DD0] =	vst v63  }
.LBB2_4:
0x6b: {  	_ =	swait.ge [sflag:s31], $0xC8  }
0x6c: {  	[sflag:s31] =	ssyncset.done $0x0  }
0x6d: {  	[sflag:s31] =	ssyncadd.s32 $0xFFFFFF38  }
0x6e: {  	_ =	swait.ge [sflag:s31], $0xC80  }
0x6f: {  	[sflag:s31] =	ssyncset.done $0x0  }
0x70: {  	[sflag:s31] =	ssyncadd.s32 $0xFFFFF380  }
0x71: {  	_ =	swait.ge [sflag:s31], $0xC8  }
0x72: {  	p0 =	seq.s32 s15, $0x0;
	v1 =	vmov s14;
	[sflag:s31] =	ssyncset.done $0x0  }
0x73: {  	s16 =	simm.s32 @!p0 $0x3;
	[sflag:s31] =	ssyncadd.s32 $0xFFFFFF38  }
0x74: {  	_ =	swait.ge @!p0 [sflag:s16], $0x1900  }
0x75: {  	[sflag:s16] =	ssyncset.done @!p0 $0x0  }
0x76: {  	[sflag:s16] =	ssyncadd.s32 @!p0 $0xFFFFE700  }
0x77: {  	v1 =	vld.idx.msk [tilespmem:v1+s25+$0x0], $0xffff;
	_ =	sdelay $0x4  }
0x78: {  	s18 =	simm.s32 $0x1DC0;
	v2 =	vnsel vm0, $0x0, v1  }
0x79: {  	s19 =	simm.s32 $0x4B0;
	s16 =	sshll.u32 s15, $0x1;
	[tilespmem:s18+$0xFFFFFFF0] =	vst v2  }
0x7a: {  	s17 =	sand.u32 $0x2, s16;
	v3 =	vld [tilespmem:s19+$0x0]  }
0x7b: {  	s17 =	smul.u32 $0x320, s17  }
0x7c: {  	s20 =	simm.s32 $0x1  }
0x7d: {  	s17 =	sshrl.u32 s17, $0x2;
	v2 =	vmov s20;
	s20 =	simm.s32 $0x2  }
.LBB2_5:
0x7e: {  	p1 =	sne.s32 s20, $0xC7  }
0x7f: {  	v1 =	vmul.f32 v3, v1;
	_ =	sdelay $0x1  }
0x80: {  	[tilespmem:s18+$0x0] =	vst v1  }
0x81: {  	v1 =	vld.idx.msk [tilespmem:v2+s25+$0x0], $0xffff;
	_ =	sdelay $0x5  }
0x82: {  	s18 =	sadd.s32 $0x20, s18;
	v2 =	vnsel vm0, $0x0, v1  }
.Ltmp3:
0x83: {  	s19 =	sadd.s32 $0x10, s19;
	[tilespmem:s18+$0xFFFFFFF0] =	vst v2;
	(pc) =	sbr.rel @p1 .LBB2_5-.Ltmp3, $2  }
0x84: {  	v3 =	vld [tilespmem:s19+$0x0];
	_ =	sdelay $0x2  }
0x85: {  	v2 =	vmov s20;
	s20 =	sadd.s32 $0x1, s20  }
0x86: {  	_ = 	snop  }
0x87: {  	v1 =	vmul.f32 v3, v1;
	_ =	sdelay $0x1  }
0x88: {  	[tilespmem:s18+$0x0] =	vst v1  }
0x89: {  	v1 =	vld.idx.msk [tilespmem:v2+s25+$0x0], $0xffff;
	_ =	sdelay $0x4  }
0x8a: {  	s21 =	sadd.s32 $0x20, s18;
	v2 =	vnsel vm0, $0x0, v1  }
0x8b: {  	s19 =	sadd.s32 $0x10, s19;
	[tilespmem:s21+$0xFFFFFFF0] =	vst v2  }
0x8c: {  	v2 =	vld [tilespmem:s19+$0x0];
	_ =	sdelay $0x1  }
0x8d: {  	p1 =	seq.s32 s15, $0x18  }
0x8e: {  	s19 =	sadd.s32 @!p1 $0x2, s16  }
0x8f: {  	s18 =	smul.u32 @!p1 $0xC8, s19  }
0x90: {  	v1 =	vmul.f32 v2, v1  }
0x91: {  	s22 =	simm.s32 @!p1 $0x0;
	s18 =	sadd.s32 @!p1 s8, s18  }
0x92: {  	s26 =	simm.s32 @!p1 $0x320;
	s20 =	sshrl.u32 @!p1 s18, $0x3;
	s18 =	sshll.u32 @!p1 s18, $0x1;
	[tilespmem:s21+$0x0] =	vst v1  }
0x93: {  	[spmem:s1] =	stream.indirect.scatter.add.f32 [tilespmem:s23], [sflag:$0x3], $0x20, s17, s30, $0xb8;
	[tilespmem:$0x9DD0] =	vst v63  }
0x94: {  	s19 =	sand.u32 @!p1 $0x2, s19;
	s18 =	sand.u32 @!p1 $0x1FFFFFE0, s18;
	s21 =	sadd.s32 @!p1 s4, s20  }
0x95: {  	[tilespmem:s26], [sflag:$0x1] =	stream.linear.gather @!p1 [hbm4b:s21+s22], $0xC8, $0x38;
	[tilespmem:$0x9DD0] =	vst v63  }
0x96: {  	s19 =	smul.u32 @!p1 $0x320, s19;
	s18 =	sadd.s32 @!p1 s5, s18;
	s21 =	simm.s32 @!p1 $0x4B0  }
0x97: {  	[tilespmem:s21], [sflag:$0x1] =	stream.linear.gather @!p1 [hbm4b:s18+s22], $0xC80, $0x38;
	[tilespmem:$0x9DD0] =	vst v63  }
0x98: {  	s18 =	sshrl.u32 @!p1 s19, $0x2;
	s19 =	sadd.s32 @!p1 s6, s20  }
0x99: {  	[tilespmem:s18], [sflag:$0x1] =	stream.linear.gather @!p1 [hbm4b:s19+s22], $0xC8, $0x38;
	[tilespmem:$0x9DD0] =	vst v63  }
0x9a: {  	_ =	swait.ge [sflag:s0], $0xC8  }
0x9b: {  	[sflag:s0] =	ssyncset.done $0x0  }
0x9c: {  	[sflag:s0] =	ssyncadd.s32 $0xFFFFFF38  }
0x9d: {  	_ =	swait.ge [sflag:s0], $0xC80  }
0x9e: {  	[sflag:s0] =	ssyncset.done $0x0  }
0x9f: {  	[sflag:s0] =	ssyncadd.s32 $0xFFFFF380  }
0xa0: {  	s22 =	simm.s32 $0x0;
	_ =	swait.ge [sflag:s0], $0xC8  }
0xa1: {  	v1 =	vmov s22;
	[sflag:s0] =	ssyncset.done $0x0  }
0xa2: {  	s18 =	simm.s32 @!p0 $0x4;
	[sflag:s0] =	ssyncadd.s32 $0xFFFFFF38  }
0xa3: {  	_ =	swait.ge @!p0 [sflag:s18], $0x1900  }
0xa4: {  	[sflag:s18] =	ssyncset.done @!p0 $0x0  }
0xa5: {  	[sflag:s18] =	ssyncadd.s32 @!p0 $0xFFFFE700  }
0xa6: {  	v1 =	vld.idx.msk [tilespmem:v1+s28+$0x0], $0xffff;
	_ =	sdelay $0x4  }
0xa7: {  	s18 =	simm.s32 $0x36C0;
	v2 =	vnsel vm0, $0x0, v1  }
0xa8: {  	s19 =	simm.s32 $0x1130;
	[tilespmem:s18+$0xFFFFFFF0] =	vst v2  }
0xa9: {  	v3 =	vld [tilespmem:s19+$0x0];
	_ =	sdelay $0x1  }
0xaa: {  	s26 =	simm.s32 $0x1  }
0xab: {  	s17 =	sadd.s32 $0xC8, s17;
	s20 =	simm.s32 $0x2;
	v2 =	vmov s26  }
.LBB2_7:
0xac: {  	p0 =	sne.s32 s20, $0xC7  }
0xad: {  	v1 =	vmul.f32 v3, v1;
	_ =	sdelay $0x1  }
0xae: {  	[tilespmem:s18+$0x0] =	vst v1  }
0xaf: {  	v1 =	vld.idx.msk [tilespmem:v2+s28+$0x0], $0xffff;
	_ =	sdelay $0x5  }
0xb0: {  	s18 =	sadd.s32 $0x20, s18;
	v2 =	vnsel vm0, $0x0, v1  }
.Ltmp4:
0xb1: {  	s19 =	sadd.s32 $0x10, s19;
	[tilespmem:s18+$0xFFFFFFF0] =	vst v2;
	(pc) =	sbr.rel @p0 .LBB2_7-.Ltmp4, $2  }
0xb2: {  	v3 =	vld [tilespmem:s19+$0x0];
	_ =	sdelay $0x2  }
0xb3: {  	v2 =	vmov s20;
	s20 =	sadd.s32 $0x1, s20  }
0xb4: {  	_ = 	snop  }
0xb5: {  	v1 =	vmul.f32 v3, v1;
	_ =	sdelay $0x1  }
0xb6: {  	[tilespmem:s18+$0x0] =	vst v1  }
0xb7: {  	v1 =	vld.idx.msk [tilespmem:v2+s28+$0x0], $0xffff;
	_ =	sdelay $0x4  }
0xb8: {  	s26 =	sadd.s32 $0x20, s18;
	v2 =	vnsel vm0, $0x0, v1  }
0xb9: {  	s19 =	sadd.s32 $0x10, s19;
	[tilespmem:s26+$0xFFFFFFF0] =	vst v2  }
0xba: {  	v2 =	vld [tilespmem:s19+$0x0];
	_ =	sdelay $0x3  }
.Ltmp5:
0xbb: {  	_ = 	snop;
	(pc) =	sbr.rel @p1 .LBB2_10-.Ltmp5, $3  }
0xbc: {  	v1 =	vmul.f32 v2, v1;
	_ =	sdelay $0x1  }
0xbd: {  	[tilespmem:s26+$0x0] =	vst v1  }
0xbe: {  	[spmem:s1] =	stream.indirect.scatter.add.f32 [tilespmem:s3], [sflag:$0x4], $0x20, s17, s30, $0xb8;
	[tilespmem:$0x9DD0] =	vst v63  }
0xbf: {  	s16 =	sadd.s32 $0x3, s16  }
0xc0: {  	s17 =	smul.u32 $0xC8, s16;
	_ =	sdelay $0x1  }
0xc1: {  	s17 =	sadd.s32 s8, s17  }
0xc2: {  	s18 =	sshrl.u32 s17, $0x3  }
0xc3: {  	s17 =	sshll.u32 s17, $0x1;
	s19 =	sadd.s32 s4, s18  }
0xc4: {  	[tilespmem:s28], [sflag:$0x2] =	stream.linear.gather [hbm4b:s19+s2], $0xC8, $0x38;
	[tilespmem:$0x9DD0] =	vst v63  }
.Ltmp6:
0xc5: {  	s16 =	sand.u32 $0x3, s16;
	s17 =	sand.u32 $0x1FFFFFF0, s17;
	(pc) =	sbr.rel .LBB2_4-.Ltmp6, $4  }
0xc6: {  	s16 =	smul.u32 $0x320, s16;
	s17 =	sadd.s32 s5, s17  }
0xc7: {  	[tilespmem:s29], [sflag:$0x2] =	stream.linear.gather [hbm4b:s17+s2], $0xC80, $0x38;
	[tilespmem:$0x9DD0] =	vst v63  }
0xc8: {  	s15 =	sadd.s32 $0x1, s15;
	s16 =	sshrl.u32 s16, $0x2;
	s26 =	sadd.s32 s6, s18  }
0xc9: {  	[tilespmem:s16], [sflag:$0x2] =	stream.linear.gather [hbm4b:s26+s2], $0xC8, $0x38;
	[tilespmem:$0x9DD0] =	vst v63  }
.LBB2_11:
0xca: {  	_ =	sfence.sel $0x180000  }
0xcb: {  	[bflag:$0x0] =	sbarrier.arrive $0xFFFF  }
0xcc: {  	_ =	strace $0x9000004A  }
0xcd: {  	s0 =	stileid.u32;
	[bflag:$0x2] =	sbarrier.arrive $0xFFFF  }
0xce: {  	p0 =	sne.s32 s0, $0x0;
	s0 =	rddreg [dreg:$0x3]  }
0xcf: {  	s0 =	sadd.s32 @!p0 $0x100000, s0  }
0xd0: {  	[sflag:s0] =	ssyncadd.tile.s32 @!p0 $0x1;
	_ =	shalt  }
.Lfunc_end2:
_tile_overlayer_lowered:
.L_overlay_start_2:
0xd1: {  	(tag) =	ssettag $0x2  }
0xd2: {  	s0 =	rddreg [dreg:$0x0];
	s2 =	stileid.u32  }
0xd3: {  	s1 =	rddreg [dreg:$0x1];
	p0 =	sne.s32 s2, $0x0  }
0xd4: {  	s3 =	rddreg [dreg:$0x2];
	[bflag:$0x3] =	sbarrier.arrive $0xFFFF;
	s2 =	simm.s32 @!p0 $0x1C05  }
0xd5: {  	[timem:s3], [sflag:s2] =	dma.local @!p0 [hbm:s0], s1  }
0xd6: {  	s0 =	simm.s32 @!p0 $0x5  }
0xd7: {  	_ =	swait.ge @!p0 [sflag:s0], s1  }
0xd8: {  	s1 =	ssub.s32 @!p0 $0x0, s1;
	[sflag:s0] =	ssyncset.done @!p0 $0x0  }
0xd9: {  	[sflag:s0] =	ssyncadd.s32 @!p0 s1  }
0xda: {  	[bflag:$0x3] =	sbarrier.arrive $0xFFFF  }
0xdb: {  	_ =	shalt  }

</sc_bundles>
